<compile_context>
chip_gen: v7x
topology: tpu7x:2x2x1
jax: 0.10.2.dev20260603
libtpu: 0.0.44.dev20260713+nightly
codegen_flags: <defaults>
</compile_context>

<pallas_src>
import dataclasses

import jax
import jax.numpy as jnp
from jax import lax
from jax.experimental import pallas as pl
from jax.experimental.pallas import tpu as pltpu
from jax.experimental.pallas import tpu_sc as plsc

N_ENTITIES = 10000
CHANNEL = 128
N_EDGES = 320000
N_USERS = 4096
N_REL = 32

NUM_TILES = 32
ENT_PAD = 10112
ROWS_PER_TILE = ENT_PAD // 16
EDGES_PER_TILE = 10240
EDGES_PAD = EDGES_PER_TILE * NUM_TILES
ECHUNK = 128
CHUNKS_PER_TILE = EDGES_PER_TILE // ECHUNK
TOTAL_CHUNKS = EDGES_PAD // ECHUNK
RFULL = (ROWS_PER_TILE // ECHUNK) * ECHUNK
RTAIL = ROWS_PER_TILE - RFULL


def _edge_body(ent_hbm, w_hbm, edata_hbm, psum_hbm, pcnt_hbm,
               edata_v0, edata_v1, head_s0, head_s1, rows_v0, rows_v1,
               w_local, hist_v, acc, es0, es1, gs0, gs1, ss0, ss1):
    c = lax.axis_index("c")
    s = lax.axis_index("s")
    wid = s * 2 + c
    ones16 = jnp.ones((16,), jnp.float32)
    zeros16 = jnp.zeros((16,), jnp.float32)
    edata_v = (edata_v0, edata_v1)
    head_s = (head_s0, head_s1)
    rows_v = (rows_v0, rows_v1)
    esem = (es0, es1)
    gsem = (gs0, gs1)
    ssem = (ss0, ss1)

    pltpu.sync_copy(w_hbm, w_local)

    @pl.loop(0, ECHUNK)
    def _(i):
        for j in range(8):
            rows_v0[i, pl.ds(j * 16, 16)] = zeros16

    @pl.loop(0, ENT_PAD, step=16)
    def _(i):
        hist_v[pl.ds(i, 16)] = zeros16

    rbase = s * ROWS_PER_TILE

    @pl.loop(0, RFULL, step=ECHUNK)
    def _(k):
        pltpu.sync_copy(rows_v0, acc.at[pl.ds(rbase + k, ECHUNK)])

    pltpu.sync_copy(rows_v0.at[pl.ds(0, RTAIL)],
                    acc.at[pl.ds(rbase + RFULL, RTAIL)])

    cbase = wid * CHUNKS_PER_TILE
    last = CHUNKS_PER_TILE - 1

    pltpu.sync_copy(edata_hbm.at[cbase], edata_v0)
    pltpu.async_copy(edata_hbm.at[cbase + 1], edata_v1, es1)
    pltpu.async_copy(ent_hbm.at[edata_v0.at[0]], rows_v0, gs0)

    plsc.subcore_barrier()

    def _stage(g, b):
        o = 1 - b
        pltpu.make_async_copy(ent_hbm.at[edata_v[b].at[0]], rows_v[b],
                              gsem[b]).wait()
        pltpu.make_async_copy(edata_hbm.at[cbase], edata_v[o], esem[o]).wait()

        @pl.when(g > 0)
        def _():
            pltpu.make_async_copy(rows_v[o], acc.at[head_s[o]],
                                  ssem[o]).wait()

        pltpu.async_copy(ent_hbm.at[edata_v[o].at[0]], rows_v[o], gsem[o])

        @pl.loop(0, ECHUNK, step=16)
        def _(e):
            r16 = edata_v[b][1, pl.ds(e, 16)]
            h16 = edata_v[b][2, pl.ds(e, 16)]
            plsc.addupdate_scatter(hist_v, [h16], ones16)
            for k in range(16):
                r = r16[k]
                row = [rows_v[b][e + k, pl.ds(j * 16, 16)] for j in range(8)]
                wrow = [w_local[r, pl.ds(j * 16, 16)] for j in range(8)]
                for j in range(8):
                    rows_v[b][e + k, pl.ds(j * 16, 16)] = row[j] * wrow[j]

        for j in range(8):
            sl = pl.ds(j * 16, 16)
            head_s[b][sl] = edata_v[b][2, sl]

        pltpu.async_copy(rows_v[b], acc.at[head_s[b]], ssem[b], add=True)
        nxt = cbase + jnp.minimum(g + 2, last)
        pltpu.async_copy(edata_hbm.at[nxt], edata_v[b], esem[b])

    @pl.loop(0, CHUNKS_PER_TILE, step=2)
    def _(gg):
        _stage(gg, 0)
        _stage(gg + 1, 1)

    pltpu.make_async_copy(rows_v1, acc.at[head_s1], ss1).wait()
    pltpu.make_async_copy(ent_hbm.at[edata_v0.at[0]], rows_v0, gs0).wait()
    pltpu.make_async_copy(edata_hbm.at[cbase], edata_v1, es1).wait()

    plsc.subcore_barrier()

    @pl.loop(0, RFULL, step=ECHUNK)
    def _(k):
        pltpu.sync_copy(acc.at[pl.ds(rbase + k, ECHUNK)], rows_v0)
        pltpu.sync_copy(rows_v0, psum_hbm.at[c, pl.ds(rbase + k, ECHUNK)])

    pltpu.sync_copy(acc.at[pl.ds(rbase + RFULL, RTAIL)],
                    rows_v1.at[pl.ds(0, RTAIL)])
    pltpu.sync_copy(rows_v1.at[pl.ds(0, RTAIL)],
                    psum_hbm.at[c, pl.ds(rbase + RFULL, RTAIL)])

    pltpu.sync_copy(hist_v, pcnt_hbm.at[wid])


def _edge_aggregate(entity_emb, weight, edata):
    mesh = plsc.VectorSubcoreMesh(core_axis_name="c", subcore_axis_name="s")
    cp = pltpu.CompilerParams()
    if "needs_layout_passes" in pltpu.CompilerParams.__dataclass_fields__:
        cp = dataclasses.replace(cp, needs_layout_passes=False)
    kern = pl.kernel(
        _edge_body,
        compiler_params=cp,
        out_type=(
            jax.ShapeDtypeStruct((2, ENT_PAD, CHANNEL), jnp.float32),
            jax.ShapeDtypeStruct((NUM_TILES, ENT_PAD), jnp.float32),
        ),
        mesh=mesh,
        scratch_types=[
            pltpu.VMEM((3, ECHUNK), jnp.int32),
            pltpu.VMEM((3, ECHUNK), jnp.int32),
            pltpu.VMEM((ECHUNK,), jnp.int32),
            pltpu.VMEM((ECHUNK,), jnp.int32),
            pltpu.VMEM((ECHUNK, CHANNEL), jnp.float32),
            pltpu.VMEM((ECHUNK, CHANNEL), jnp.float32),
            pltpu.VMEM((N_REL, CHANNEL), jnp.float32),
            pltpu.VMEM((ENT_PAD,), jnp.float32),
            pltpu.VMEM_SHARED((ENT_PAD, CHANNEL), jnp.float32),
            pltpu.SemaphoreType.DMA,
            pltpu.SemaphoreType.DMA,
            pltpu.SemaphoreType.DMA,
            pltpu.SemaphoreType.DMA,
            pltpu.SemaphoreType.DMA,
            pltpu.SemaphoreType.DMA,
        ],
    )
    return kern(entity_emb, weight, edata)


def _combine_body(psum_ref, pcnt_ref, out_ref):
    ssum = psum_ref[0] + psum_ref[1]
    cnt_t = jnp.transpose(pcnt_ref[...])
    cnt = jnp.sum(cnt_t, axis=1, keepdims=True)
    out_ref[...] = ssum / jnp.clip(cnt, 1.0, None)


def _combine(psum, pcnt):
    return pl.pallas_call(
        _combine_body,
        out_shape=jax.ShapeDtypeStruct((ENT_PAD, CHANNEL), jnp.float32),
    )(psum, pcnt)


def _user_body(im_ref, ent_ref, ue_ref, lat_ref, dwa_ref, w_ref, out_ref):
    mm = jnp.dot(im_ref[...], ent_ref[...], preferred_element_type=jnp.float32)
    score_ = lax.dot_general(ue_ref[...], lat_ref[...],
                             (((1,), (1,)), ((), ())),
                             preferred_element_type=jnp.float32)
    score = jax.nn.softmax(score_, axis=-1)
    dw = jnp.dot(jax.nn.softmax(dwa_ref[...], axis=-1), w_ref[...],
                 preferred_element_type=jnp.float32)
    gate = jnp.dot(score, dw, preferred_element_type=jnp.float32)
    out_ref[...] = mm * (1.0 + gate)


def _user_aggregate(interact_mat, entity_emb, user_emb, latent_emb,
                    disen_weight_att, weight):
    ub = 256
    grid = (N_USERS // ub,)
    return pl.pallas_call(
        _user_body,
        grid=grid,
        in_specs=[
            pl.BlockSpec((ub, N_ENTITIES), lambda i: (i, 0)),
            pl.BlockSpec((N_ENTITIES, CHANNEL), lambda i: (0, 0)),
            pl.BlockSpec((ub, CHANNEL), lambda i: (i, 0)),
            pl.BlockSpec((4, CHANNEL), lambda i: (0, 0)),
            pl.BlockSpec((4, N_REL), lambda i: (0, 0)),
            pl.BlockSpec((N_REL, CHANNEL), lambda i: (0, 0)),
        ],
        out_specs=pl.BlockSpec((ub, CHANNEL), lambda i: (i, 0)),
        out_shape=jax.ShapeDtypeStruct((N_USERS, CHANNEL), jnp.float32),
    )(interact_mat, entity_emb, user_emb, latent_emb, disen_weight_att, weight)


def kernel(entity_emb, user_emb, latent_emb, edge_index, edge_type,
           interact_mat, weight, disen_weight_att):
    head = edge_index[0].astype(jnp.int32)
    tail = edge_index[1].astype(jnp.int32)
    rel = (edge_type - 1).astype(jnp.int32)

    pad = EDGES_PAD - N_EDGES
    head_p = jnp.concatenate([head, jnp.full((pad,), N_ENTITIES, jnp.int32)])
    tail_p = jnp.concatenate([tail, jnp.zeros((pad,), jnp.int32)])
    rel_p = jnp.concatenate([rel, jnp.zeros((pad,), jnp.int32)])
    edata = jnp.stack([tail_p, rel_p, head_p]).reshape(3, TOTAL_CHUNKS, ECHUNK)
    edata = jnp.transpose(edata, (1, 0, 2))

    psum, pcnt = _edge_aggregate(entity_emb, weight, edata)
    entity_agg = _combine(psum, pcnt)[:N_ENTITIES]
    user_agg = _user_aggregate(interact_mat, entity_emb, user_emb, latent_emb,
                               disen_weight_att, weight)
    return (entity_agg, user_agg)

# --- scband reference (transcript-rebuilt; emitter-appended) ---
"""Pipeline reference for scband-aggregator-13048110645350 (READ-ONLY COPY).

The authoritative reference and input builder live on the scoring server;
editing this copy changes nothing except your own understanding.
"""

import jax, jax.numpy as jnp
import numpy as np

N_ENTITIES = 10000
CHANNEL = 128
N_EDGES = 320000
N_USERS = 4096
N_FACTORS = 4
N_REL = 32


def setup_inputs(seed: int = 0) -> dict:
    key = jax.random.key(seed)
    ks = jax.random.split(key, 8)
    entity_emb = jax.random.normal(ks[0], (N_ENTITIES, CHANNEL), dtype=jnp.float32)
    user_emb = jax.random.normal(ks[1], (N_USERS, CHANNEL), dtype=jnp.float32)
    latent_emb = jax.random.normal(ks[2], (N_FACTORS, CHANNEL), dtype=jnp.float32)
    edge_index = jax.random.randint(ks[3], (2, N_EDGES), 0, N_ENTITIES, dtype=jnp.int64 if jax.config.read('jax_enable_x64') else jnp.int32)
    # edge_type in [1, N_REL] because forward indexes weight[edge_type - 1]
    edge_type = jax.random.randint(ks[4], (N_EDGES,), 1, N_REL + 1, dtype=jnp.int64 if jax.config.read('jax_enable_x64') else jnp.int32)
    interact_mat = jax.random.uniform(ks[5], (N_USERS, N_ENTITIES), dtype=jnp.float32)
    weight = jax.random.normal(ks[6], (N_REL, CHANNEL), dtype=jnp.float32)
    disen_weight_att = jax.random.normal(ks[7], (N_FACTORS, N_REL), dtype=jnp.float32)
    return {
        'entity_emb': entity_emb,
        'user_emb': user_emb,
        'latent_emb': latent_emb,
        'edge_index': edge_index,
        'edge_type': edge_type,
        'interact_mat': interact_mat,
        'weight': weight,
        'disen_weight_att': disen_weight_att,
    }


def reference(entity_emb, user_emb, latent_emb, edge_index, edge_type, interact_mat, weight, disen_weight_att):
    n_entities = entity_emb.shape[0]
    channel = entity_emb.shape[1]
    n_users = user_emb.shape[0]
    n_factors = latent_emb.shape[0]
    # --- KG aggregate (agg_mode == 'mean') ---
    head = edge_index[0]
    tail = edge_index[1]
    edge_relation_emb = jnp.take(weight, edge_type - 1, axis=0)
    neigh_relation_emb = jnp.take(entity_emb, tail, axis=0) * edge_relation_emb
    seg_sum = jax.ops.segment_sum(neigh_relation_emb, head, num_segments=n_entities)
    seg_cnt = jax.ops.segment_sum(jnp.ones((head.shape[0],), dtype=jnp.float32), head, num_segments=n_entities)
    entity_agg = seg_sum / jnp.clip(seg_cnt, 1.0, None)[:, None]  # scatter_mean semantics
    # --- user -> latent factor attention ---
    score_ = user_emb @ latent_emb.T
    score = jax.nn.softmax(score_, axis=1)[..., None]  # [n_users, n_factors, 1]
    # --- user aggregate (sparse mm done densely, same math) ---
    user_agg = interact_mat @ entity_emb  # [n_users, channel]
    disen_weight = jax.nn.softmax(disen_weight_att, axis=-1) @ weight  # [n_factors, channel]
    disen_weight_b = jnp.broadcast_to(disen_weight[None, :, :], (n_users, n_factors, channel))
    user_agg = user_agg * jnp.sum(disen_weight_b * score, axis=1) + user_agg
    return (entity_agg, user_agg)


if False:  # reference __main__ guard neutralized (emitter)
    inp = setup_inputs()
    ea, ua = reference(**inp)
    print(ea.shape, ua.shape)

if __name__ == "__main__":
    import jax
    _d = setup_inputs()
    print(jax.jit(kernel)(*tuple(_d.values())))

</pallas_src>

<mosaic_0001>
#map = affine_map<(d0, d1) -> (0, 0)>
#map1 = affine_map<(d0, d1) -> (0, 0, 0)>
module attributes {stable_mosaic.version = 14 : i64} {
  func.func @_edge_body(%arg0: i32, %arg1: i32, %arg2: memref<10000x128xf32, #tpu.memory_space<hbm>>, %arg3: memref<32x128xf32, #tpu.memory_space<hbm>>, %arg4: memref<2560x3x128xi32, #tpu.memory_space<hbm>>, %arg5: memref<2x10112x128xf32, #tpu.memory_space<hbm>>, %arg6: memref<32x10112xf32, #tpu.memory_space<hbm>>, %arg7: memref<3x128xi32, #tpu.memory_space<vmem>>, %arg8: memref<3x128xi32, #tpu.memory_space<vmem>>, %arg9: memref<128xi32, #tpu.memory_space<vmem>>, %arg10: memref<128xi32, #tpu.memory_space<vmem>>, %arg11: memref<128x128xf32, #tpu.memory_space<vmem>>, %arg12: memref<128x128xf32, #tpu.memory_space<vmem>>, %arg13: memref<32x128xf32, #tpu.memory_space<vmem>>, %arg14: memref<10112xf32, #tpu.memory_space<vmem>>, %arg15: memref<10112x128xf32, #tpu.memory_space<vmem_shared>>, %arg16: memref<!tpu.dma_semaphore, #tpu.memory_space<semaphore_mem>>, %arg17: memref<!tpu.dma_semaphore, #tpu.memory_space<semaphore_mem>>, %arg18: memref<!tpu.dma_semaphore, #tpu.memory_space<semaphore_mem>>, %arg19: memref<!tpu.dma_semaphore, #tpu.memory_space<semaphore_mem>>, %arg20: memref<!tpu.dma_semaphore, #tpu.memory_space<semaphore_mem>>, %arg21: memref<!tpu.dma_semaphore, #tpu.memory_space<semaphore_mem>>) attributes {dimension_semantics = [#tpu.dimension_semantics<core_parallel>, #tpu.dimension_semantics<subcore_parallel>], iteration_bounds = array<i64: 2, 16>, scalar_prefetch = 0 : i64, scratch_operands = 15 : i64, tpu.core_type = #tpu.core_type<sc_vector_subcore>, window_params = [{transform_indices = #map}, {transform_indices = #map}, {transform_indices = #map1}, {transform_indices = #map1}, {transform_indices = #map}]} {
    %mul3A = arith.constant 2 : i32
    %mul3A_0 = arith.muli %arg1, %mul3A : i32
    %add3A = arith.addi %mul3A_0, %arg0 : i32
    %broadcast_in_dim3A = arith.constant 1.000000e+00 : f32
    %broadcast_in_dim3A_1 = vector.broadcast %broadcast_in_dim3A : f32 to vector<16xf32>
    %broadcast_in_dim3A_2 = arith.constant 0.000000e+00 : f32
    %broadcast_in_dim3A_3 = vector.broadcast %broadcast_in_dim3A_2 : f32 to vector<16xf32>
    "tpu.region"() ({
      %run_scoped3A = tpu.sem_alloc : memref<!tpu.dma_semaphore, #tpu.memory_space<semaphore_mem>>
      tpu.enqueue_dma source(%arg3 : memref<32x128xf32, #tpu.memory_space<hbm>>) target(%arg13 : memref<32x128xf32, #tpu.memory_space<vmem>>) target_semaphore(%run_scoped3A : memref<!tpu.dma_semaphore, #tpu.memory_space<semaphore_mem>>)
      tpu.wait_dma2 semaphore(%run_scoped3A : memref<!tpu.dma_semaphore, #tpu.memory_space<semaphore_mem>>) src(%arg3 : memref<32x128xf32, #tpu.memory_space<hbm>>) dst(%arg13 : memref<32x128xf32, #tpu.memory_space<vmem>>)
      tpu.yield
    }) : () -> ()
    %scan3A = arith.constant 0 : i32
    %scan3A_4 = arith.constant 128 : i32
    %scan3A_5 = arith.addi %scan3A, %scan3A_4 : i32
    %scan3A_6 = arith.constant 1 : i32
    scf.for %scan3A_72 = %scan3A to %scan3A_5 step %scan3A_6  : i32 {
      %mul3A_73 = arith.constant 1 : i32
      %mul3A_74 = arith.muli %scan3A_72, %mul3A_73 : i32
      %add3A_75 = arith.constant 0 : i32
      %add3A_76 = arith.addi %add3A_75, %mul3A_74 : i32
      %swap3A = arith.index_cast %add3A_76 : i32 to index
      %swap3A_77 = arith.constant 0 : index
      %swap3A_78 = tpu.vector_load %arg11[%swap3A, %swap3A_77] {strides = array<i32>} : memref<128x128xf32, #tpu.memory_space<vmem>>, vector<16xf32>,
      tpu.vector_store %arg11[%swap3A, %swap3A_77], %broadcast_in_dim3A_3 {strides = array<i32>} : memref<128x128xf32, #tpu.memory_space<vmem>>, vector<16xf32>,
      %swap3A_79 = arith.index_cast %add3A_76 : i32 to index
      %swap3A_80 = arith.constant 16 : index
      %swap3A_81 = tpu.vector_load %arg11[%swap3A_79, %swap3A_80] {strides = array<i32>} : memref<128x128xf32, #tpu.memory_space<vmem>>, vector<16xf32>,
      tpu.vector_store %arg11[%swap3A_79, %swap3A_80], %broadcast_in_dim3A_3 {strides = array<i32>} : memref<128x128xf32, #tpu.memory_space<vmem>>, vector<16xf32>,
      %swap3A_82 = arith.index_cast %add3A_76 : i32 to index
      %swap3A_83 = arith.constant 32 : index
      %swap3A_84 = tpu.vector_load %arg11[%swap3A_82, %swap3A_83] {strides = array<i32>} : memref<128x128xf32, #tpu.memory_space<vmem>>, vector<16xf32>,
      tpu.vector_store %arg11[%swap3A_82, %swap3A_83], %broadcast_in_dim3A_3 {strides = array<i32>} : memref<128x128xf32, #tpu.memory_space<vmem>>, vector<16xf32>,
      %swap3A_85 = arith.index_cast %add3A_76 : i32 to index
      %swap3A_86 = arith.constant 48 : index
      %swap3A_87 = tpu.vector_load %arg11[%swap3A_85, %swap3A_86] {strides = array<i32>} : memref<128x128xf32, #tpu.memory_space<vmem>>, vector<16xf32>,
      tpu.vector_store %arg11[%swap3A_85, %swap3A_86], %broadcast_in_dim3A_3 {strides = array<i32>} : memref<128x128xf32, #tpu.memory_space<vmem>>, vector<16xf32>,
      %swap3A_88 = arith.index_cast %add3A_76 : i32 to index
      %swap3A_89 = arith.constant 64 : index
      %swap3A_90 = tpu.vector_load %arg11[%swap3A_88, %swap3A_89] {strides = array<i32>} : memref<128x128xf32, #tpu.memory_space<vmem>>, vector<16xf32>,
      tpu.vector_store %arg11[%swap3A_88, %swap3A_89], %broadcast_in_dim3A_3 {strides = array<i32>} : memref<128x128xf32, #tpu.memory_space<vmem>>, vector<16xf32>,
      %swap3A_91 = arith.index_cast %add3A_76 : i32 to index
      %swap3A_92 = arith.constant 80 : index
      %swap3A_93 = tpu.vector_load %arg11[%swap3A_91, %swap3A_92] {strides = array<i32>} : memref<128x128xf32, #tpu.memory_space<vmem>>, vector<16xf32>,
      tpu.vector_store %arg11[%swap3A_91, %swap3A_92], %broadcast_in_dim3A_3 {strides = array<i32>} : memref<128x128xf32, #tpu.memory_space<vmem>>, vector<16xf32>,
      %swap3A_94 = arith.index_cast %add3A_76 : i32 to index
      %swap3A_95 = arith.constant 96 : index
      %swap3A_96 = tpu.vector_load %arg11[%swap3A_94, %swap3A_95] {strides = array<i32>} : memref<128x128xf32, #tpu.memory_space<vmem>>, vector<16xf32>,
      tpu.vector_store %arg11[%swap3A_94, %swap3A_95], %broadcast_in_dim3A_3 {strides = array<i32>} : memref<128x128xf32, #tpu.memory_space<vmem>>, vector<16xf32>,
      %swap3A_97 = arith.index_cast %add3A_76 : i32 to index
      %swap3A_98 = arith.constant 112 : index
      %swap3A_99 = tpu.vector_load %arg11[%swap3A_97, %swap3A_98] {strides = array<i32>} : memref<128x128xf32, #tpu.memory_space<vmem>>, vector<16xf32>,
      tpu.vector_store %arg11[%swap3A_97, %swap3A_98], %broadcast_in_dim3A_3 {strides = array<i32>} : memref<128x128xf32, #tpu.memory_space<vmem>>, vector<16xf32>,
    }
    %scan3A_7 = arith.constant 128 : i32
    %scan3A_8 = arith.constant 0 : i32
    %scan3A_9 = arith.constant 632 : i32
    %scan3A_10 = arith.addi %scan3A_8, %scan3A_9 : i32
    %scan3A_11 = arith.constant 1 : i32
    scf.for %scan3A_72 = %scan3A_8 to %scan3A_10 step %scan3A_11  : i32 {
      %mul3A_73 = arith.constant 16 : i32
      %mul3A_74 = arith.muli %scan3A_72, %mul3A_73 : i32
      %add3A_75 = arith.constant 0 : i32
      %add3A_76 = arith.addi %add3A_75, %mul3A_74 : i32
      %swap3A = arith.index_cast %add3A_76 : i32 to index
      %swap3A_77 = tpu.vector_load %arg14[%swap3A] {strides = array<i32>} : memref<10112xf32, #tpu.memory_space<vmem>>, vector<16xf32>,
      tpu.vector_store %arg14[%swap3A], %broadcast_in_dim3A_3 {strides = array<i32>} : memref<10112xf32, #tpu.memory_space<vmem>>, vector<16xf32>,
    }
    %scan3A_12 = arith.constant 632 : i32
    %mul3A_13 = arith.constant 632 : i32
    %mul3A_14 = arith.muli %arg1, %mul3A_13 : i32
    %scan3A_15 = arith.constant 0 : i32
    %scan3A_16 = arith.constant 4 : i32
    %scan3A_17 = arith.addi %scan3A_15, %scan3A_16 : i32
    %scan3A_18 = arith.constant 1 : i32
    scf.for %scan3A_72 = %scan3A_15 to %scan3A_17 step %scan3A_18  : i32 {
      %mul3A_73 = arith.constant 128 : i32
      %mul3A_74 = arith.muli %scan3A_72, %mul3A_73 : i32
      %add3A_75 = arith.constant 0 : i32
      %add3A_76 = arith.addi %add3A_75, %mul3A_74 : i32
      %add3A_77 = arith.addi %mul3A_14, %add3A_76 : i32
      "tpu.region"() ({
        %run_scoped3A = tpu.sem_alloc : memref<!tpu.dma_semaphore, #tpu.memory_space<semaphore_mem>>
        %dma_start3A_78 = arith.constant 0 : i32
        %dma_start3A_79 = tpu.memref_slice %arg15[%add3A_77, %dma_start3A_78] : memref<10112x128xf32, #tpu.memory_space<vmem_shared>> -> memref<128x128xf32, #tpu.memory_space<vmem_shared>>
        %dma_start3A_80 = arith.constant 0 : i32
        %dma_start3A_81 = tpu.memref_slice %arg15[%add3A_77, %dma_start3A_80] : memref<10112x128xf32, #tpu.memory_space<vmem_shared>> -> memref<128x128xf32, #tpu.memory_space<vmem_shared>>
        tpu.enqueue_dma source(%arg11 : memref<128x128xf32, #tpu.memory_space<vmem>>) target(%dma_start3A_81 : memref<128x128xf32, #tpu.memory_space<vmem_shared>>) target_semaphore(%run_scoped3A : memref<!tpu.dma_semaphore, #tpu.memory_space<semaphore_mem>>)
        %dma_wait3A_82 = arith.constant 0 : i32
        %dma_wait3A_83 = tpu.memref_slice %arg15[%add3A_77, %dma_wait3A_82] : memref<10112x128xf32, #tpu.memory_space<vmem_shared>> -> memref<128x128xf32, #tpu.memory_space<vmem_shared>>
        %dma_wait3A_84 = arith.constant 0 : i32
        %dma_wait3A_85 = tpu.memref_slice %arg15[%add3A_77, %dma_wait3A_84] : memref<10112x128xf32, #tpu.memory_space<vmem_shared>> -> memref<128x128xf32, #tpu.memory_space<vmem_shared>>
        tpu.wait_dma2 semaphore(%run_scoped3A : memref<!tpu.dma_semaphore, #tpu.memory_space<semaphore_mem>>) src(%arg11 : memref<128x128xf32, #tpu.memory_space<vmem>>) dst(%dma_wait3A_85 : memref<128x128xf32, #tpu.memory_space<vmem_shared>>)
        tpu.yield
      }) : () -> ()
    }
    %scan3A_19 = arith.constant 4 : i32
    %add3A_20 = arith.constant 512 : i32
    %add3A_21 = arith.addi %mul3A_14, %add3A_20 : i32
    "tpu.region"() ({
      %run_scoped3A = tpu.sem_alloc : memref<!tpu.dma_semaphore, #tpu.memory_space<semaphore_mem>>
      %dma_start3A_72 = arith.constant 0 : i32
      %dma_start3A_73 = arith.constant 0 : i32
      %dma_start3A_74 = tpu.memref_slice %arg11[%dma_start3A_72, %dma_start3A_73] : memref<128x128xf32, #tpu.memory_space<vmem>> -> memref<120x128xf32, #tpu.memory_space<vmem>>
      %dma_start3A_75 = arith.constant 0 : i32
      %dma_start3A_76 = tpu.memref_slice %arg15[%add3A_21, %dma_start3A_75] : memref<10112x128xf32, #tpu.memory_space<vmem_shared>> -> memref<120x128xf32, #tpu.memory_space<vmem_shared>>
      %dma_start3A_77 = arith.constant 0 : i32
      %dma_start3A_78 = tpu.memref_slice %arg15[%add3A_21, %dma_start3A_77] : memref<10112x128xf32, #tpu.memory_space<vmem_shared>> -> memref<120x128xf32, #tpu.memory_space<vmem_shared>>
      %dma_start3A_79 = arith.constant 0 : i32
      %dma_start3A_80 = arith.constant 0 : i32
      %dma_start3A_81 = tpu.memref_slice %arg11[%dma_start3A_79, %dma_start3A_80] : memref<128x128xf32, #tpu.memory_space<vmem>> -> memref<120x128xf32, #tpu.memory_space<vmem>>
      tpu.enqueue_dma source(%dma_start3A_81 : memref<120x128xf32, #tpu.memory_space<vmem>>) target(%dma_start3A_78 : memref<120x128xf32, #tpu.memory_space<vmem_shared>>) target_semaphore(%run_scoped3A : memref<!tpu.dma_semaphore, #tpu.memory_space<semaphore_mem>>)
      %dma_wait3A_82 = arith.constant 0 : i32
      %dma_wait3A_83 = arith.constant 0 : i32
      %dma_wait3A_84 = tpu.memref_slice %arg11[%dma_wait3A_82, %dma_wait3A_83] : memref<128x128xf32, #tpu.memory_space<vmem>> -> memref<120x128xf32, #tpu.memory_space<vmem>>
      %dma_wait3A_85 = arith.constant 0 : i32
      %dma_wait3A_86 = tpu.memref_slice %arg15[%add3A_21, %dma_wait3A_85] : memref<10112x128xf32, #tpu.memory_space<vmem_shared>> -> memref<120x128xf32, #tpu.memory_space<vmem_shared>>
      %dma_wait3A_87 = arith.constant 0 : i32
      %dma_wait3A_88 = tpu.memref_slice %arg15[%add3A_21, %dma_wait3A_87] : memref<10112x128xf32, #tpu.memory_space<vmem_shared>> -> memref<120x128xf32, #tpu.memory_space<vmem_shared>>
      %dma_wait3A_89 = arith.constant 0 : i32
      %dma_wait3A_90 = arith.constant 0 : i32
      %dma_wait3A_91 = tpu.memref_slice %arg11[%dma_wait3A_89, %dma_wait3A_90] : memref<128x128xf32, #tpu.memory_space<vmem>> -> memref<120x128xf32, #tpu.memory_space<vmem>>
      tpu.wait_dma2 semaphore(%run_scoped3A : memref<!tpu.dma_semaphore, #tpu.memory_space<semaphore_mem>>) src(%dma_wait3A_91 : memref<120x128xf32, #tpu.memory_space<vmem>>) dst(%dma_wait3A_88 : memref<120x128xf32, #tpu.memory_space<vmem_shared>>)
      tpu.yield
    }) : () -> ()
    %mul3A_22 = arith.constant 80 : i32
    %mul3A_23 = arith.muli %add3A, %mul3A_22 : i32
    "tpu.region"() ({
      %run_scoped3A = tpu.sem_alloc : memref<!tpu.dma_semaphore, #tpu.memory_space<semaphore_mem>>
      %dma_start3A_72 = arith.constant 0 : i32
      %dma_start3A_73 = arith.constant 0 : i32
      %dma_start3A_74 = tpu.memref_slice %arg4[%mul3A_23, %dma_start3A_72, %dma_start3A_73] : memref<2560x3x128xi32, #tpu.memory_space<hbm>> -> memref<1x3x128xi32, #tpu.memory_space<hbm>>
      %dma_start3A_75 = tpu.memref_squeeze %dma_start3A_74 : memref<1x3x128xi32, #tpu.memory_space<hbm>> -> memref<3x128xi32, #tpu.memory_space<hbm>>
      %dma_start3A_76 = arith.constant 0 : i32
      %dma_start3A_77 = arith.constant 0 : i32
      %dma_start3A_78 = tpu.memref_slice %arg4[%mul3A_23, %dma_start3A_76, %dma_start3A_77] : memref<2560x3x128xi32, #tpu.memory_space<hbm>> -> memref<1x3x128xi32, #tpu.memory_space<hbm>>
      %dma_start3A_79 = tpu.memref_squeeze %dma_start3A_78 : memref<1x3x128xi32, #tpu.memory_space<hbm>> -> memref<3x128xi32, #tpu.memory_space<hbm>>
      tpu.enqueue_dma source(%dma_start3A_79 : memref<3x128xi32, #tpu.memory_space<hbm>>) target(%arg7 : memref<3x128xi32, #tpu.memory_space<vmem>>) target_semaphore(%run_scoped3A : memref<!tpu.dma_semaphore, #tpu.memory_space<semaphore_mem>>)
      %dma_wait3A_80 = arith.constant 0 : i32
      %dma_wait3A_81 = arith.constant 0 : i32
      %dma_wait3A_82 = tpu.memref_slice %arg4[%mul3A_23, %dma_wait3A_80, %dma_wait3A_81] : memref<2560x3x128xi32, #tpu.memory_space<hbm>> -> memref<1x3x128xi32, #tpu.memory_space<hbm>>
      %dma_wait3A_83 = tpu.memref_squeeze %dma_wait3A_82 : memref<1x3x128xi32, #tpu.memory_space<hbm>> -> memref<3x128xi32, #tpu.memory_space<hbm>>
      %dma_wait3A_84 = arith.constant 0 : i32
      %dma_wait3A_85 = arith.constant 0 : i32
      %dma_wait3A_86 = tpu.memref_slice %arg4[%mul3A_23, %dma_wait3A_84, %dma_wait3A_85] : memref<2560x3x128xi32, #tpu.memory_space<hbm>> -> memref<1x3x128xi32, #tpu.memory_space<hbm>>
      %dma_wait3A_87 = tpu.memref_squeeze %dma_wait3A_86 : memref<1x3x128xi32, #tpu.memory_space<hbm>> -> memref<3x128xi32, #tpu.memory_space<hbm>>
      tpu.wait_dma2 semaphore(%run_scoped3A : memref<!tpu.dma_semaphore, #tpu.memory_space<semaphore_mem>>) src(%dma_wait3A_87 : memref<3x128xi32, #tpu.memory_space<hbm>>) dst(%arg7 : memref<3x128xi32, #tpu.memory_space<vmem>>)
      tpu.yield
    }) : () -> ()
    %add3A_24 = arith.constant 1 : i32
    %add3A_25 = arith.addi %mul3A_23, %add3A_24 : i32
    %dma_start3A = arith.constant 0 : i32
    %dma_start3A_26 = arith.constant 0 : i32
    %dma_start3A_27 = tpu.memref_slice %arg4[%add3A_25, %dma_start3A, %dma_start3A_26] : memref<2560x3x128xi32, #tpu.memory_space<hbm>> -> memref<1x3x128xi32, #tpu.memory_space<hbm>>
    %dma_start3A_28 = tpu.memref_squeeze %dma_start3A_27 : memref<1x3x128xi32, #tpu.memory_space<hbm>> -> memref<3x128xi32, #tpu.memory_space<hbm>>
    %dma_start3A_29 = arith.constant 0 : i32
    %dma_start3A_30 = arith.constant 0 : i32
    %dma_start3A_31 = tpu.memref_slice %arg4[%add3A_25, %dma_start3A_29, %dma_start3A_30] : memref<2560x3x128xi32, #tpu.memory_space<hbm>> -> memref<1x3x128xi32, #tpu.memory_space<hbm>>
    %dma_start3A_32 = tpu.memref_squeeze %dma_start3A_31 : memref<1x3x128xi32, #tpu.memory_space<hbm>> -> memref<3x128xi32, #tpu.memory_space<hbm>>
    tpu.enqueue_dma source(%dma_start3A_32 : memref<3x128xi32, #tpu.memory_space<hbm>>) target(%arg8 : memref<3x128xi32, #tpu.memory_space<vmem>>) target_semaphore(%arg17 : memref<!tpu.dma_semaphore, #tpu.memory_space<semaphore_mem>>)
    %dma_start3A_33 = arith.constant 0 : i32
    %dma_start3A_34 = arith.constant 0 : i32
    %dma_start3A_35 = tpu.memref_slice %arg7[%dma_start3A_33, %dma_start3A_34] : memref<3x128xi32, #tpu.memory_space<vmem>> -> memref<1x128xi32, #tpu.memory_space<vmem>>
    %dma_start3A_36 = tpu.memref_squeeze %dma_start3A_35 : memref<1x128xi32, #tpu.memory_space<vmem>> -> memref<128xi32, #tpu.memory_space<vmem>>
    %dma_start3A_37 = arith.constant 0 : i32
    %dma_start3A_38 = arith.constant 0 : i32
    %dma_start3A_39 = tpu.memref_slice %arg2[%dma_start3A_37, %dma_start3A_38] : memref<10000x128xf32, #tpu.memory_space<hbm>> -> memref<10000x128xf32, #tpu.memory_space<hbm>>
    tpu.enqueue_indirect_dma source(%dma_start3A_39 : memref<10000x128xf32, #tpu.memory_space<hbm>>) target(%arg11 : memref<128x128xf32, #tpu.memory_space<vmem>>) offsets(%dma_start3A_36 : memref<128xi32, #tpu.memory_space<vmem>>) semaphore(%arg18 : memref<!tpu.dma_semaphore, #tpu.memory_space<semaphore_mem>>)
    %barrier3A = arith.constant 0 : index
    tpu.barrier barrier_id(%barrier3A)
    %scan3A_40 = arith.constant 0 : i32
    %scan3A_41 = arith.constant 40 : i32
    %scan3A_42 = arith.addi %scan3A_40, %scan3A_41 : i32
    %scan3A_43 = arith.constant 1 : i32
    scf.for %scan3A_72 = %scan3A_40 to %scan3A_42 step %scan3A_43  : i32 {
      %mul3A_73 = arith.constant 2 : i32
      %mul3A_74 = arith.muli %scan3A_72, %mul3A_73 : i32
      %add3A_75 = arith.constant 0 : i32
      %add3A_76 = arith.addi %add3A_75, %mul3A_74 : i32
      %dma_wait3A_77 = arith.constant 0 : i32
      %dma_wait3A_78 = arith.constant 0 : i32
      %dma_wait3A_79 = tpu.memref_slice %arg7[%dma_wait3A_77, %dma_wait3A_78] : memref<3x128xi32, #tpu.memory_space<vmem>> -> memref<1x128xi32, #tpu.memory_space<vmem>>
      %dma_wait3A_80 = tpu.memref_squeeze %dma_wait3A_79 : memref<1x128xi32, #tpu.memory_space<vmem>> -> memref<128xi32, #tpu.memory_space<vmem>>
      %dma_wait3A_81 = arith.constant 0 : i32
      %dma_wait3A_82 = arith.constant 0 : i32
      %dma_wait3A_83 = tpu.memref_slice %arg2[%dma_wait3A_81, %dma_wait3A_82] : memref<10000x128xf32, #tpu.memory_space<hbm>> -> memref<10000x128xf32, #tpu.memory_space<hbm>>
      tpu.wait_indirect_dma semaphore(%arg18 : memref<!tpu.dma_semaphore, #tpu.memory_space<semaphore_mem>>) src(%dma_wait3A_83 : memref<10000x128xf32, #tpu.memory_space<hbm>>) dst(%arg11 : memref<128x128xf32, #tpu.memory_space<vmem>>)
      %dma_wait3A_84 = arith.constant 0 : i32
      %dma_wait3A_85 = arith.constant 0 : i32
      %dma_wait3A_86 = tpu.memref_slice %arg4[%mul3A_23, %dma_wait3A_84, %dma_wait3A_85] : memref<2560x3x128xi32, #tpu.memory_space<hbm>> -> memref<1x3x128xi32, #tpu.memory_space<hbm>>
      %dma_wait3A_87 = tpu.memref_squeeze %dma_wait3A_86 : memref<1x3x128xi32, #tpu.memory_space<hbm>> -> memref<3x128xi32, #tpu.memory_space<hbm>>
      %dma_wait3A_88 = arith.constant 0 : i32
      %dma_wait3A_89 = arith.constant 0 : i32
      %dma_wait3A_90 = tpu.memref_slice %arg4[%mul3A_23, %dma_wait3A_88, %dma_wait3A_89] : memref<2560x3x128xi32, #tpu.memory_space<hbm>> -> memref<1x3x128xi32, #tpu.memory_space<hbm>>
      %dma_wait3A_91 = tpu.memref_squeeze %dma_wait3A_90 : memref<1x3x128xi32, #tpu.memory_space<hbm>> -> memref<3x128xi32, #tpu.memory_space<hbm>>
      tpu.wait_dma2 semaphore(%arg17 : memref<!tpu.dma_semaphore, #tpu.memory_space<semaphore_mem>>) src(%dma_wait3A_91 : memref<3x128xi32, #tpu.memory_space<hbm>>) dst(%arg8 : memref<3x128xi32, #tpu.memory_space<vmem>>)
      %gt3A = arith.constant 0 : i32
      %gt3A_92 = arith.cmpi sgt, %add3A_76, %gt3A : i32
      %convert_element_type3A = arith.extui %gt3A_92 : i1 to i32
      %cond3A = arith.constant 0 : i32
      %cond3A_93 = arith.cmpi ne, %convert_element_type3A, %cond3A : i32
      scf.if %cond3A_93 {
        %dma_wait3A_265 = arith.constant 0 : i32
        %dma_wait3A_266 = arith.constant 0 : i32
        %dma_wait3A_267 = tpu.memref_slice %arg15[%dma_wait3A_265, %dma_wait3A_266] : memref<10112x128xf32, #tpu.memory_space<vmem_shared>> -> memref<10112x128xf32, #tpu.memory_space<vmem_shared>>
        tpu.wait_indirect_dma semaphore(%arg21 : memref<!tpu.dma_semaphore, #tpu.memory_space<semaphore_mem>>) src(%arg12 : memref<128x128xf32, #tpu.memory_space<vmem>>) dst(%dma_wait3A_267 : memref<10112x128xf32, #tpu.memory_space<vmem_shared>>)
      } else {
      }
      %dma_start3A_94 = arith.constant 0 : i32
      %dma_start3A_95 = arith.constant 0 : i32
      %dma_start3A_96 = tpu.memref_slice %arg8[%dma_start3A_94, %dma_start3A_95] : memref<3x128xi32, #tpu.memory_space<vmem>> -> memref<1x128xi32, #tpu.memory_space<vmem>>
      %dma_start3A_97 = tpu.memref_squeeze %dma_start3A_96 : memref<1x128xi32, #tpu.memory_space<vmem>> -> memref<128xi32, #tpu.memory_space<vmem>>
      %dma_start3A_98 = arith.constant 0 : i32
      %dma_start3A_99 = arith.constant 0 : i32
      %dma_start3A_100 = tpu.memref_slice %arg2[%dma_start3A_98, %dma_start3A_99] : memref<10000x128xf32, #tpu.memory_space<hbm>> -> memref<10000x128xf32, #tpu.memory_space<hbm>>
      tpu.enqueue_indirect_dma source(%dma_start3A_100 : memref<10000x128xf32, #tpu.memory_space<hbm>>) target(%arg12 : memref<128x128xf32, #tpu.memory_space<vmem>>) offsets(%dma_start3A_97 : memref<128xi32, #tpu.memory_space<vmem>>) semaphore(%arg19 : memref<!tpu.dma_semaphore, #tpu.memory_space<semaphore_mem>>)
      %scan3A_101 = arith.constant 0 : i32
      %scan3A_102 = arith.constant 8 : i32
      %scan3A_103 = arith.addi %scan3A_101, %scan3A_102 : i32
      %scan3A_104 = arith.constant 1 : i32
      scf.for %scan3A_265 = %scan3A_101 to %scan3A_103 step %scan3A_104  : i32 {
        %mul3A_266 = arith.constant 16 : i32
        %mul3A_267 = arith.muli %scan3A_265, %mul3A_266 : i32
        %add3A_268 = arith.constant 0 : i32
        %add3A_269 = arith.addi %add3A_268, %mul3A_267 : i32
        %get3A_270 = arith.constant 1 : i32
        %get3A_271 = arith.index_cast %get3A_270 : i32 to index
        %get3A_272 = arith.index_cast %add3A_269 : i32 to index
        %get3A_273 = tpu.vector_load %arg7[%get3A_271, %get3A_272] {strides = array<i32>} : memref<3x128xi32, #tpu.memory_space<vmem>>, vector<16xi32>,
        %get3A_274 = arith.constant 2 : i32
        %get3A_275 = arith.index_cast %get3A_274 : i32 to index
        %get3A_276 = arith.index_cast %add3A_269 : i32 to index
        %get3A_277 = tpu.vector_load %arg7[%get3A_275, %get3A_276] {strides = array<i32>} : memref<3x128xi32, #tpu.memory_space<vmem>>, vector<16xi32>,
        tpu.vector_store_idx %arg14[%get3A_277], %broadcast_in_dim3A_1 {add = true} : memref<10112xf32, #tpu.memory_space<vmem>>[vector<16xi32>], vector<16xf32>,
        %slice3A = vector.extract_strided_slice %get3A_273 {offsets = [0], sizes = [1], strides = [1]} : vector<16xi32> to vector<1xi32>
        %squeeze3A = vector.extract %slice3A[0] : i32 from vector<1xi32>
        %add3A_278 = arith.constant 0 : i32
        %add3A_279 = arith.addi %add3A_269, %add3A_278 : i32
        %get3A_280 = arith.index_cast %add3A_279 : i32 to index
        %get3A_281 = arith.constant 0 : index
        %get3A_282 = tpu.vector_load %arg11[%get3A_280, %get3A_281] {strides = array<i32>} : memref<128x128xf32, #tpu.memory_space<vmem>>, vector<16xf32>,
        %add3A_283 = arith.constant 0 : i32
        %add3A_284 = arith.addi %add3A_269, %add3A_283 : i32
        %get3A_285 = arith.index_cast %add3A_284 : i32 to index
        %get3A_286 = arith.constant 16 : index
        %get3A_287 = tpu.vector_load %arg11[%get3A_285, %get3A_286] {strides = array<i32>} : memref<128x128xf32, #tpu.memory_space<vmem>>, vector<16xf32>,
        %add3A_288 = arith.constant 0 : i32
        %add3A_289 = arith.addi %add3A_269, %add3A_288 : i32
        %get3A_290 = arith.index_cast %add3A_289 : i32 to index
        %get3A_291 = arith.constant 32 : index
        %get3A_292 = tpu.vector_load %arg11[%get3A_290, %get3A_291] {strides = array<i32>} : memref<128x128xf32, #tpu.memory_space<vmem>>, vector<16xf32>,
        %add3A_293 = arith.constant 0 : i32
        %add3A_294 = arith.addi %add3A_269, %add3A_293 : i32
        %get3A_295 = arith.index_cast %add3A_294 : i32 to index
        %get3A_296 = arith.constant 48 : index
        %get3A_297 = tpu.vector_load %arg11[%get3A_295, %get3A_296] {strides = array<i32>} : memref<128x128xf32, #tpu.memory_space<vmem>>, vector<16xf32>,
        %add3A_298 = arith.constant 0 : i32
        %add3A_299 = arith.addi %add3A_269, %add3A_298 : i32
        %get3A_300 = arith.index_cast %add3A_299 : i32 to index
        %get3A_301 = arith.constant 64 : index
        %get3A_302 = tpu.vector_load %arg11[%get3A_300, %get3A_301] {strides = array<i32>} : memref<128x128xf32, #tpu.memory_space<vmem>>, vector<16xf32>,
        %add3A_303 = arith.constant 0 : i32
        %add3A_304 = arith.addi %add3A_269, %add3A_303 : i32
        %get3A_305 = arith.index_cast %add3A_304 : i32 to index
        %get3A_306 = arith.constant 80 : index
        %get3A_307 = tpu.vector_load %arg11[%get3A_305, %get3A_306] {strides = array<i32>} : memref<128x128xf32, #tpu.memory_space<vmem>>, vector<16xf32>,
        %add3A_308 = arith.constant 0 : i32
        %add3A_309 = arith.addi %add3A_269, %add3A_308 : i32
        %get3A_310 = arith.index_cast %add3A_309 : i32 to index
        %get3A_311 = arith.constant 96 : index
        %get3A_312 = tpu.vector_load %arg11[%get3A_310, %get3A_311] {strides = array<i32>} : memref<128x128xf32, #tpu.memory_space<vmem>>, vector<16xf32>,
        %add3A_313 = arith.constant 0 : i32
        %add3A_314 = arith.addi %add3A_269, %add3A_313 : i32
        %get3A_315 = arith.index_cast %add3A_314 : i32 to index
        %get3A_316 = arith.constant 112 : index
        %get3A_317 = tpu.vector_load %arg11[%get3A_315, %get3A_316] {strides = array<i32>} : memref<128x128xf32, #tpu.memory_space<vmem>>, vector<16xf32>,
        %get3A_318 = arith.index_cast %squeeze3A : i32 to index
        %get3A_319 = arith.constant 0 : index
        %get3A_320 = tpu.vector_load %arg13[%get3A_318, %get3A_319] {strides = array<i32>} : memref<32x128xf32, #tpu.memory_space<vmem>>, vector<16xf32>,
        %get3A_321 = arith.index_cast %squeeze3A : i32 to index
        %get3A_322 = arith.constant 16 : index
        %get3A_323 = tpu.vector_load %arg13[%get3A_321, %get3A_322] {strides = array<i32>} : memref<32x128xf32, #tpu.memory_space<vmem>>, vector<16xf32>,
        %get3A_324 = arith.index_cast %squeeze3A : i32 to index
        %get3A_325 = arith.constant 32 : index
        %get3A_326 = tpu.vector_load %arg13[%get3A_324, %get3A_325] {strides = array<i32>} : memref<32x128xf32, #tpu.memory_space<vmem>>, vector<16xf32>,
        %get3A_327 = arith.index_cast %squeeze3A : i32 to index
        %get3A_328 = arith.constant 48 : index
        %get3A_329 = tpu.vector_load %arg13[%get3A_327, %get3A_328] {strides = array<i32>} : memref<32x128xf32, #tpu.memory_space<vmem>>, vector<16xf32>,
        %get3A_330 = arith.index_cast %squeeze3A : i32 to index
        %get3A_331 = arith.constant 64 : index
        %get3A_332 = tpu.vector_load %arg13[%get3A_330, %get3A_331] {strides = array<i32>} : memref<32x128xf32, #tpu.memory_space<vmem>>, vector<16xf32>,
        %get3A_333 = arith.index_cast %squeeze3A : i32 to index
        %get3A_334 = arith.constant 80 : index
        %get3A_335 = tpu.vector_load %arg13[%get3A_333, %get3A_334] {strides = array<i32>} : memref<32x128xf32, #tpu.memory_space<vmem>>, vector<16xf32>,
        %get3A_336 = arith.index_cast %squeeze3A : i32 to index
        %get3A_337 = arith.constant 96 : index
        %get3A_338 = tpu.vector_load %arg13[%get3A_336, %get3A_337] {strides = array<i32>} : memref<32x128xf32, #tpu.memory_space<vmem>>, vector<16xf32>,
        %get3A_339 = arith.index_cast %squeeze3A : i32 to index
        %get3A_340 = arith.constant 112 : index
        %get3A_341 = tpu.vector_load %arg13[%get3A_339, %get3A_340] {strides = array<i32>} : memref<32x128xf32, #tpu.memory_space<vmem>>, vector<16xf32>,
        %mul3A_342 = arith.mulf %get3A_282, %get3A_320 : vector<16xf32>
        %add3A_343 = arith.constant 0 : i32
        %add3A_344 = arith.addi %add3A_269, %add3A_343 : i32
        %swap3A_345 = arith.index_cast %add3A_344 : i32 to index
        %swap3A_346 = arith.constant 0 : index
        %swap3A_347 = tpu.vector_load %arg11[%swap3A_345, %swap3A_346] {strides = array<i32>} : memref<128x128xf32, #tpu.memory_space<vmem>>, vector<16xf32>,
        tpu.vector_store %arg11[%swap3A_345, %swap3A_346], %mul3A_342 {strides = array<i32>} : memref<128x128xf32, #tpu.memory_space<vmem>>, vector<16xf32>,
        %mul3A_348 = arith.mulf %get3A_287, %get3A_323 : vector<16xf32>
        %add3A_349 = arith.constant 0 : i32
        %add3A_350 = arith.addi %add3A_269, %add3A_349 : i32
        %swap3A_351 = arith.index_cast %add3A_350 : i32 to index
        %swap3A_352 = arith.constant 16 : index
        %swap3A_353 = tpu.vector_load %arg11[%swap3A_351, %swap3A_352] {strides = array<i32>} : memref<128x128xf32, #tpu.memory_space<vmem>>, vector<16xf32>,
        tpu.vector_store %arg11[%swap3A_351, %swap3A_352], %mul3A_348 {strides = array<i32>} : memref<128x128xf32, #tpu.memory_space<vmem>>, vector<16xf32>,
        %mul3A_354 = arith.mulf %get3A_292, %get3A_326 : vector<16xf32>
        %add3A_355 = arith.constant 0 : i32
        %add3A_356 = arith.addi %add3A_269, %add3A_355 : i32
        %swap3A_357 = arith.index_cast %add3A_356 : i32 to index
        %swap3A_358 = arith.constant 32 : index
        %swap3A_359 = tpu.vector_load %arg11[%swap3A_357, %swap3A_358] {strides = array<i32>} : memref<128x128xf32, #tpu.memory_space<vmem>>, vector<16xf32>,
        tpu.vector_store %arg11[%swap3A_357, %swap3A_358], %mul3A_354 {strides = array<i32>} : memref<128x128xf32, #tpu.memory_space<vmem>>, vector<16xf32>,
        %mul3A_360 = arith.mulf %get3A_297, %get3A_329 : vector<16xf32>
        %add3A_361 = arith.constant 0 : i32
        %add3A_362 = arith.addi %add3A_269, %add3A_361 : i32
        %swap3A_363 = arith.index_cast %add3A_362 : i32 to index
        %swap3A_364 = arith.constant 48 : index
        %swap3A_365 = tpu.vector_load %arg11[%swap3A_363, %swap3A_364] {strides = array<i32>} : memref<128x128xf32, #tpu.memory_space<vmem>>, vector<16xf32>,
        tpu.vector_store %arg11[%swap3A_363, %swap3A_364], %mul3A_360 {strides = array<i32>} : memref<128x128xf32, #tpu.memory_space<vmem>>, vector<16xf32>,
        %mul3A_366 = arith.mulf %get3A_302, %get3A_332 : vector<16xf32>
        %add3A_367 = arith.constant 0 : i32
        %add3A_368 = arith.addi %add3A_269, %add3A_367 : i32
        %swap3A_369 = arith.index_cast %add3A_368 : i32 to index
        %swap3A_370 = arith.constant 64 : index
        %swap3A_371 = tpu.vector_load %arg11[%swap3A_369, %swap3A_370] {strides = array<i32>} : memref<128x128xf32, #tpu.memory_space<vmem>>, vector<16xf32>,
        tpu.vector_store %arg11[%swap3A_369, %swap3A_370], %mul3A_366 {strides = array<i32>} : memref<128x128xf32, #tpu.memory_space<vmem>>, vector<16xf32>,
        %mul3A_372 = arith.mulf %get3A_307, %get3A_335 : vector<16xf32>
        %add3A_373 = arith.constant 0 : i32
        %add3A_374 = arith.addi %add3A_269, %add3A_373 : i32
        %swap3A_375 = arith.index_cast %add3A_374 : i32 to index
        %swap3A_376 = arith.constant 80 : index
        %swap3A_377 = tpu.vector_load %arg11[%swap3A_375, %swap3A_376] {strides = array<i32>} : memref<128x128xf32, #tpu.memory_space<vmem>>, vector<16xf32>,
        tpu.vector_store %arg11[%swap3A_375, %swap3A_376], %mul3A_372 {strides = array<i32>} : memref<128x128xf32, #tpu.memory_space<vmem>>, vector<16xf32>,
        %mul3A_378 = arith.mulf %get3A_312, %get3A_338 : vector<16xf32>
        %add3A_379 = arith.constant 0 : i32
        %add3A_380 = arith.addi %add3A_269, %add3A_379 : i32
        %swap3A_381 = arith.index_cast %add3A_380 : i32 to index
        %swap3A_382 = arith.constant 96 : index
        %swap3A_383 = tpu.vector_load %arg11[%swap3A_381, %swap3A_382] {strides = array<i32>} : memref<128x128xf32, #tpu.memory_space<vmem>>, vector<16xf32>,
        tpu.vector_store %arg11[%swap3A_381, %swap3A_382], %mul3A_378 {strides = array<i32>} : memref<128x128xf32, #tpu.memory_space<vmem>>, vector<16xf32>,
        %mul3A_384 = arith.mulf %get3A_317, %get3A_341 : vector<16xf32>
        %add3A_385 = arith.constant 0 : i32
        %add3A_386 = arith.addi %add3A_269, %add3A_385 : i32
        %swap3A_387 = arith.index_cast %add3A_386 : i32 to index
        %swap3A_388 = arith.constant 112 : index
        %swap3A_389 = tpu.vector_load %arg11[%swap3A_387, %swap3A_388] {strides = array<i32>} : memref<128x128xf32, #tpu.memory_space<vmem>>, vector<16xf32>,
        tpu.vector_store %arg11[%swap3A_387, %swap3A_388], %mul3A_384 {strides = array<i32>} : memref<128x128xf32, #tpu.memory_space<vmem>>, vector<16xf32>,
        %slice3A_390 = vector.extract_strided_slice %get3A_273 {offsets = [1], sizes = [1], strides = [1]} : vector<16xi32> to vector<1xi32>
        %squeeze3A_391 = vector.extract %slice3A_390[0] : i32 from vector<1xi32>
        %add3A_392 = arith.constant 1 : i32
        %add3A_393 = arith.addi %add3A_269, %add3A_392 : i32
        %get3A_394 = arith.index_cast %add3A_393 : i32 to index
        %get3A_395 = arith.constant 0 : index
        %get3A_396 = tpu.vector_load %arg11[%get3A_394, %get3A_395] {strides = array<i32>} : memref<128x128xf32, #tpu.memory_space<vmem>>, vector<16xf32>,
        %add3A_397 = arith.constant 1 : i32
        %add3A_398 = arith.addi %add3A_269, %add3A_397 : i32
        %get3A_399 = arith.index_cast %add3A_398 : i32 to index
        %get3A_400 = arith.constant 16 : index
        %get3A_401 = tpu.vector_load %arg11[%get3A_399, %get3A_400] {strides = array<i32>} : memref<128x128xf32, #tpu.memory_space<vmem>>, vector<16xf32>,
        %add3A_402 = arith.constant 1 : i32
        %add3A_403 = arith.addi %add3A_269, %add3A_402 : i32
        %get3A_404 = arith.index_cast %add3A_403 : i32 to index
        %get3A_405 = arith.constant 32 : index
        %get3A_406 = tpu.vector_load %arg11[%get3A_404, %get3A_405] {strides = array<i32>} : memref<128x128xf32, #tpu.memory_space<vmem>>, vector<16xf32>,
        %add3A_407 = arith.constant 1 : i32
        %add3A_408 = arith.addi %add3A_269, %add3A_407 : i32
        %get3A_409 = arith.index_cast %add3A_408 : i32 to index
        %get3A_410 = arith.constant 48 : index
        %get3A_411 = tpu.vector_load %arg11[%get3A_409, %get3A_410] {strides = array<i32>} : memref<128x128xf32, #tpu.memory_space<vmem>>, vector<16xf32>,
        %add3A_412 = arith.constant 1 : i32
        %add3A_413 = arith.addi %add3A_269, %add3A_412 : i32
        %get3A_414 = arith.index_cast %add3A_413 : i32 to index
        %get3A_415 = arith.constant 64 : index
        %get3A_416 = tpu.vector_load %arg11[%get3A_414, %get3A_415] {strides = array<i32>} : memref<128x128xf32, #tpu.memory_space<vmem>>, vector<16xf32>,
        %add3A_417 = arith.constant 1 : i32
        %add3A_418 = arith.addi %add3A_269, %add3A_417 : i32
        %get3A_419 = arith.index_cast %add3A_418 : i32 to index
        %get3A_420 = arith.constant 80 : index
        %get3A_421 = tpu.vector_load %arg11[%get3A_419, %get3A_420] {strides = array<i32>} : memref<128x128xf32, #tpu.memory_space<vmem>>, vector<16xf32>,
        %add3A_422 = arith.constant 1 : i32
        %add3A_423 = arith.addi %add3A_269, %add3A_422 : i32
        %get3A_424 = arith.index_cast %add3A_423 : i32 to index
        %get3A_425 = arith.constant 96 : index
        %get3A_426 = tpu.vector_load %arg11[%get3A_424, %get3A_425] {strides = array<i32>} : memref<128x128xf32, #tpu.memory_space<vmem>>, vector<16xf32>,
        %add3A_427 = arith.constant 1 : i32
        %add3A_428 = arith.addi %add3A_269, %add3A_427 : i32
        %get3A_429 = arith.index_cast %add3A_428 : i32 to index
        %get3A_430 = arith.constant 112 : index
        %get3A_431 = tpu.vector_load %arg11[%get3A_429, %get3A_430] {strides = array<i32>} : memref<128x128xf32, #tpu.memory_space<vmem>>, vector<16xf32>,
        %get3A_432 = arith.index_cast %squeeze3A_391 : i32 to index
        %get3A_433 = arith.constant 0 : index
        %get3A_434 = tpu.vector_load %arg13[%get3A_432, %get3A_433] {strides = array<i32>} : memref<32x128xf32, #tpu.memory_space<vmem>>, vector<16xf32>,
        %get3A_435 = arith.index_cast %squeeze3A_391 : i32 to index
        %get3A_436 = arith.constant 16 : index
        %get3A_437 = tpu.vector_load %arg13[%get3A_435, %get3A_436] {strides = array<i32>} : memref<32x128xf32, #tpu.memory_space<vmem>>, vector<16xf32>,
        %get3A_438 = arith.index_cast %squeeze3A_391 : i32 to index
        %get3A_439 = arith.constant 32 : index
        %get3A_440 = tpu.vector_load %arg13[%get3A_438, %get3A_439] {strides = array<i32>} : memref<32x128xf32, #tpu.memory_space<vmem>>, vector<16xf32>,
        %get3A_441 = arith.index_cast %squeeze3A_391 : i32 to index
        %get3A_442 = arith.constant 48 : index
        %get3A_443 = tpu.vector_load %arg13[%get3A_441, %get3A_442] {strides = array<i32>} : memref<32x128xf32, #tpu.memory_space<vmem>>, vector<16xf32>,
        %get3A_444 = arith.index_cast %squeeze3A_391 : i32 to index
        %get3A_445 = arith.constant 64 : index
        %get3A_446 = tpu.vector_load %arg13[%get3A_444, %get3A_445] {strides = array<i32>} : memref<32x128xf32, #tpu.memory_space<vmem>>, vector<16xf32>,
        %get3A_447 = arith.index_cast %squeeze3A_391 : i32 to index
        %get3A_448 = arith.constant 80 : index
        %get3A_449 = tpu.vector_load %arg13[%get3A_447, %get3A_448] {strides = array<i32>} : memref<32x128xf32, #tpu.memory_space<vmem>>, vector<16xf32>,
        %get3A_450 = arith.index_cast %squeeze3A_391 : i32 to index
        %get3A_451 = arith.constant 96 : index
        %get3A_452 = tpu.vector_load %arg13[%get3A_450, %get3A_451] {strides = array<i32>} : memref<32x128xf32, #tpu.memory_space<vmem>>, vector<16xf32>,
        %get3A_453 = arith.index_cast %squeeze3A_391 : i32 to index
        %get3A_454 = arith.constant 112 : index
        %get3A_455 = tpu.vector_load %arg13[%get3A_453, %get3A_454] {strides = array<i32>} : memref<32x128xf32, #tpu.memory_space<vmem>>, vector<16xf32>,
        %mul3A_456 = arith.mulf %get3A_396, %get3A_434 : vector<16xf32>
        %add3A_457 = arith.constant 1 : i32
        %add3A_458 = arith.addi %add3A_269, %add3A_457 : i32
        %swap3A_459 = arith.index_cast %add3A_458 : i32 to index
        %swap3A_460 = arith.constant 0 : index
        %swap3A_461 = tpu.vector_load %arg11[%swap3A_459, %swap3A_460] {strides = array<i32>} : memref<128x128xf32, #tpu.memory_space<vmem>>, vector<16xf32>,
        tpu.vector_store %arg11[%swap3A_459, %swap3A_460], %mul3A_456 {strides = array<i32>} : memref<128x128xf32, #tpu.memory_space<vmem>>, vector<16xf32>,
        %mul3A_462 = arith.mulf %get3A_401, %get3A_437 : vector<16xf32>
        %add3A_463 = arith.constant 1 : i32
        %add3A_464 = arith.addi %add3A_269, %add3A_463 : i32
        %swap3A_465 = arith.index_cast %add3A_464 : i32 to index
        %swap3A_466 = arith.constant 16 : index
        %swap3A_467 = tpu.vector_load %arg11[%swap3A_465, %swap3A_466] {strides = array<i32>} : memref<128x128xf32, #tpu.memory_space<vmem>>, vector<16xf32>,
        tpu.vector_store %arg11[%swap3A_465, %swap3A_466], %mul3A_462 {strides = array<i32>} : memref<128x128xf32, #tpu.memory_space<vmem>>, vector<16xf32>,
        %mul3A_468 = arith.mulf %get3A_406, %get3A_440 : vector<16xf32>
        %add3A_469 = arith.constant 1 : i32
        %add3A_470 = arith.addi %add3A_269, %add3A_469 : i32
        %swap3A_471 = arith.index_cast %add3A_470 : i32 to index
        %swap3A_472 = arith.constant 32 : index
        %swap3A_473 = tpu.vector_load %arg11[%swap3A_471, %swap3A_472] {strides = array<i32>} : memref<128x128xf32, #tpu.memory_space<vmem>>, vector<16xf32>,
        tpu.vector_store %arg11[%swap3A_471, %swap3A_472], %mul3A_468 {strides = array<i32>} : memref<128x128xf32, #tpu.memory_space<vmem>>, vector<16xf32>,
        %mul3A_474 = arith.mulf %get3A_411, %get3A_443 : vector<16xf32>
        %add3A_475 = arith.constant 1 : i32
        %add3A_476 = arith.addi %add3A_269, %add3A_475 : i32
        %swap3A_477 = arith.index_cast %add3A_476 : i32 to index
        %swap3A_478 = arith.constant 48 : index
        %swap3A_479 = tpu.vector_load %arg11[%swap3A_477, %swap3A_478] {strides = array<i32>} : memref<128x128xf32, #tpu.memory_space<vmem>>, vector<16xf32>,
        tpu.vector_store %arg11[%swap3A_477, %swap3A_478], %mul3A_474 {strides = array<i32>} : memref<128x128xf32, #tpu.memory_space<vmem>>, vector<16xf32>,
        %mul3A_480 = arith.mulf %get3A_416, %get3A_446 : vector<16xf32>
        %add3A_481 = arith.constant 1 : i32
        %add3A_482 = arith.addi %add3A_269, %add3A_481 : i32
        %swap3A_483 = arith.index_cast %add3A_482 : i32 to index
        %swap3A_484 = arith.constant 64 : index
        %swap3A_485 = tpu.vector_load %arg11[%swap3A_483, %swap3A_484] {strides = array<i32>} : memref<128x128xf32, #tpu.memory_space<vmem>>, vector<16xf32>,
        tpu.vector_store %arg11[%swap3A_483, %swap3A_484], %mul3A_480 {strides = array<i32>} : memref<128x128xf32, #tpu.memory_space<vmem>>, vector<16xf32>,
        %mul3A_486 = arith.mulf %get3A_421, %get3A_449 : vector<16xf32>
        %add3A_487 = arith.constant 1 : i32
        %add3A_488 = arith.addi %add3A_269, %add3A_487 : i32
        %swap3A_489 = arith.index_cast %add3A_488 : i32 to index
        %swap3A_490 = arith.constant 80 : index
        %swap3A_491 = tpu.vector_load %arg11[%swap3A_489, %swap3A_490] {strides = array<i32>} : memref<128x128xf32, #tpu.memory_space<vmem>>, vector<16xf32>,
        tpu.vector_store %arg11[%swap3A_489, %swap3A_490], %mul3A_486 {strides = array<i32>} : memref<128x128xf32, #tpu.memory_space<vmem>>, vector<16xf32>,
        %mul3A_492 = arith.mulf %get3A_426, %get3A_452 : vector<16xf32>
        %add3A_493 = arith.constant 1 : i32
        %add3A_494 = arith.addi %add3A_269, %add3A_493 : i32
        %swap3A_495 = arith.index_cast %add3A_494 : i32 to index
        %swap3A_496 = arith.constant 96 : index
        %swap3A_497 = tpu.vector_load %arg11[%swap3A_495, %swap3A_496] {strides = array<i32>} : memref<128x128xf32, #tpu.memory_space<vmem>>, vector<16xf32>,
        tpu.vector_store %arg11[%swap3A_495, %swap3A_496], %mul3A_492 {strides = array<i32>} : memref<128x128xf32, #tpu.memory_space<vmem>>, vector<16xf32>,
        %mul3A_498 = arith.mulf %get3A_431, %get3A_455 : vector<16xf32>
        %add3A_499 = arith.constant 1 : i32
        %add3A_500 = arith.addi %add3A_269, %add3A_499 : i32
        %swap3A_501 = arith.index_cast %add3A_500 : i32 to index
        %swap3A_502 = arith.constant 112 : index
        %swap3A_503 = tpu.vector_load %arg11[%swap3A_501, %swap3A_502] {strides = array<i32>} : memref<128x128xf32, #tpu.memory_space<vmem>>, vector<16xf32>,
        tpu.vector_store %arg11[%swap3A_501, %swap3A_502], %mul3A_498 {strides = array<i32>} : memref<128x128xf32, #tpu.memory_space<vmem>>, vector<16xf32>,
        %slice3A_504 = vector.extract_strided_slice %get3A_273 {offsets = [2], sizes = [1], strides = [1]} : vector<16xi32> to vector<1xi32>
        %squeeze3A_505 = vector.extract %slice3A_504[0] : i32 from vector<1xi32>
        %add3A_506 = arith.constant 2 : i32
        %add3A_507 = arith.addi %add3A_269, %add3A_506 : i32
        %get3A_508 = arith.index_cast %add3A_507 : i32 to index
        %get3A_509 = arith.constant 0 : index
        %get3A_510 = tpu.vector_load %arg11[%get3A_508, %get3A_509] {strides = array<i32>} : memref<128x128xf32, #tpu.memory_space<vmem>>, vector<16xf32>,
        %add3A_511 = arith.constant 2 : i32
        %add3A_512 = arith.addi %add3A_269, %add3A_511 : i32
        %get3A_513 = arith.index_cast %add3A_512 : i32 to index
        %get3A_514 = arith.constant 16 : index
        %get3A_515 = tpu.vector_load %arg11[%get3A_513, %get3A_514] {strides = array<i32>} : memref<128x128xf32, #tpu.memory_space<vmem>>, vector<16xf32>,
        %add3A_516 = arith.constant 2 : i32
        %add3A_517 = arith.addi %add3A_269, %add3A_516 : i32
        %get3A_518 = arith.index_cast %add3A_517 : i32 to index
        %get3A_519 = arith.constant 32 : index
        %get3A_520 = tpu.vector_load %arg11[%get3A_518, %get3A_519] {strides = array<i32>} : memref<128x128xf32, #tpu.memory_space<vmem>>, vector<16xf32>,
        %add3A_521 = arith.constant 2 : i32
        %add3A_522 = arith.addi %add3A_269, %add3A_521 : i32
        %get3A_523 = arith.index_cast %add3A_522 : i32 to index
        %get3A_524 = arith.constant 48 : index
        %get3A_525 = tpu.vector_load %arg11[%get3A_523, %get3A_524] {strides = array<i32>} : memref<128x128xf32, #tpu.memory_space<vmem>>, vector<16xf32>,
        %add3A_526 = arith.constant 2 : i32
        %add3A_527 = arith.addi %add3A_269, %add3A_526 : i32
        %get3A_528 = arith.index_cast %add3A_527 : i32 to index
        %get3A_529 = arith.constant 64 : index
        %get3A_530 = tpu.vector_load %arg11[%get3A_528, %get3A_529] {strides = array<i32>} : memref<128x128xf32, #tpu.memory_space<vmem>>, vector<16xf32>,
        %add3A_531 = arith.constant 2 : i32
        %add3A_532 = arith.addi %add3A_269, %add3A_531 : i32
        %get3A_533 = arith.index_cast %add3A_532 : i32 to index
        %get3A_534 = arith.constant 80 : index
        %get3A_535 = tpu.vector_load %arg11[%get3A_533, %get3A_534] {strides = array<i32>} : memref<128x128xf32, #tpu.memory_space<vmem>>, vector<16xf32>,
        %add3A_536 = arith.constant 2 : i32
        %add3A_537 = arith.addi %add3A_269, %add3A_536 : i32
        %get3A_538 = arith.index_cast %add3A_537 : i32 to index
        %get3A_539 = arith.constant 96 : index
        %get3A_540 = tpu.vector_load %arg11[%get3A_538, %get3A_539] {strides = array<i32>} : memref<128x128xf32, #tpu.memory_space<vmem>>, vector<16xf32>,
        %add3A_541 = arith.constant 2 : i32
        %add3A_542 = arith.addi %add3A_269, %add3A_541 : i32
        %get3A_543 = arith.index_cast %add3A_542 : i32 to index
        %get3A_544 = arith.constant 112 : index
        %get3A_545 = tpu.vector_load %arg11[%get3A_543, %get3A_544] {strides = array<i32>} : memref<128x128xf32, #tpu.memory_space<vmem>>, vector<16xf32>,
        %get3A_546 = arith.index_cast %squeeze3A_505 : i32 to index
        %get3A_547 = arith.constant 0 : index
        %get3A_548 = tpu.vector_load %arg13[%get3A_546, %get3A_547] {strides = array<i32>} : memref<32x128xf32, #tpu.memory_space<vmem>>, vector<16xf32>,
        %get3A_549 = arith.index_cast %squeeze3A_505 : i32 to index
        %get3A_550 = arith.constant 16 : index
        %get3A_551 = tpu.vector_load %arg13[%get3A_549, %get3A_550] {strides = array<i32>} : memref<32x128xf32, #tpu.memory_space<vmem>>, vector<16xf32>,
        %get3A_552 = arith.index_cast %squeeze3A_505 : i32 to index
        %get3A_553 = arith.constant 32 : index
        %get3A_554 = tpu.vector_load %arg13[%get3A_552, %get3A_553] {strides = array<i32>} : memref<32x128xf32, #tpu.memory_space<vmem>>, vector<16xf32>,
        %get3A_555 = arith.index_cast %squeeze3A_505 : i32 to index
        %get3A_556 = arith.constant 48 : index
        %get3A_557 = tpu.vector_load %arg13[%get3A_555, %get3A_556] {strides = array<i32>} : memref<32x128xf32, #tpu.memory_space<vmem>>, vector<16xf32>,
        %get3A_558 = arith.index_cast %squeeze3A_505 : i32 to index
        %get3A_559 = arith.constant 64 : index
        %get3A_560 = tpu.vector_load %arg13[%get3A_558, %get3A_559] {strides = array<i32>} : memref<32x128xf32, #tpu.memory_space<vmem>>, vector<16xf32>,
        %get3A_561 = arith.index_cast %squeeze3A_505 : i32 to index
        %get3A_562 = arith.constant 80 : index
        %get3A_563 = tpu.vector_load %arg13[%get3A_561, %get3A_562] {strides = array<i32>} : memref<32x128xf32, #tpu.memory_space<vmem>>, vector<16xf32>,
        %get3A_564 = arith.index_cast %squeeze3A_505 : i32 to index
        %get3A_565 = arith.constant 96 : index
        %get3A_566 = tpu.vector_load %arg13[%get3A_564, %get3A_565] {strides = array<i32>} : memref<32x128xf32, #tpu.memory_space<vmem>>, vector<16xf32>,
        %get3A_567 = arith.index_cast %squeeze3A_505 : i32 to index
        %get3A_568 = arith.constant 112 : index
        %get3A_569 = tpu.vector_load %arg13[%get3A_567, %get3A_568] {strides = array<i32>} : memref<32x128xf32, #tpu.memory_space<vmem>>, vector<16xf32>,
        %mul3A_570 = arith.mulf %get3A_510, %get3A_548 : vector<16xf32>
        %add3A_571 = arith.constant 2 : i32
        %add3A_572 = arith.addi %add3A_269, %add3A_571 : i32
        %swap3A_573 = arith.index_cast %add3A_572 : i32 to index
        %swap3A_574 = arith.constant 0 : index
        %swap3A_575 = tpu.vector_load %arg11[%swap3A_573, %swap3A_574] {strides = array<i32>} : memref<128x128xf32, #tpu.memory_space<vmem>>, vector<16xf32>,
        tpu.vector_store %arg11[%swap3A_573, %swap3A_574], %mul3A_570 {strides = array<i32>} : memref<128x128xf32, #tpu.memory_space<vmem>>, vector<16xf32>,
        %mul3A_576 = arith.mulf %get3A_515, %get3A_551 : vector<16xf32>
        %add3A_577 = arith.constant 2 : i32
        %add3A_578 = arith.addi %add3A_269, %add3A_577 : i32
        %swap3A_579 = arith.index_cast %add3A_578 : i32 to index
        %swap3A_580 = arith.constant 16 : index
        %swap3A_581 = tpu.vector_load %arg11[%swap3A_579, %swap3A_580] {strides = array<i32>} : memref<128x128xf32, #tpu.memory_space<vmem>>, vector<16xf32>,
        tpu.vector_store %arg11[%swap3A_579, %swap3A_580], %mul3A_576 {strides = array<i32>} : memref<128x128xf32, #tpu.memory_space<vmem>>, vector<16xf32>,
        %mul3A_582 = arith.mulf %get3A_520, %get3A_554 : vector<16xf32>
        %add3A_583 = arith.constant 2 : i32
        %add3A_584 = arith.addi %add3A_269, %add3A_583 : i32
        %swap3A_585 = arith.index_cast %add3A_584 : i32 to index
        %swap3A_586 = arith.constant 32 : index
        %swap3A_587 = tpu.vector_load %arg11[%swap3A_585, %swap3A_586] {strides = array<i32>} : memref<128x128xf32, #tpu.memory_space<vmem>>, vector<16xf32>,
        tpu.vector_store %arg11[%swap3A_585, %swap3A_586], %mul3A_582 {strides = array<i32>} : memref<128x128xf32, #tpu.memory_space<vmem>>, vector<16xf32>,
        %mul3A_588 = arith.mulf %get3A_525, %get3A_557 : vector<16xf32>
        %add3A_589 = arith.constant 2 : i32
        %add3A_590 = arith.addi %add3A_269, %add3A_589 : i32
        %swap3A_591 = arith.index_cast %add3A_590 : i32 to index
        %swap3A_592 = arith.constant 48 : index
        %swap3A_593 = tpu.vector_load %arg11[%swap3A_591, %swap3A_592] {strides = array<i32>} : memref<128x128xf32, #tpu.memory_space<vmem>>, vector<16xf32>,
        tpu.vector_store %arg11[%swap3A_591, %swap3A_592], %mul3A_588 {strides = array<i32>} : memref<128x128xf32, #tpu.memory_space<vmem>>, vector<16xf32>,
        %mul3A_594 = arith.mulf %get3A_530, %get3A_560 : vector<16xf32>
        %add3A_595 = arith.constant 2 : i32
        %add3A_596 = arith.addi %add3A_269, %add3A_595 : i32
        %swap3A_597 = arith.index_cast %add3A_596 : i32 to index
        %swap3A_598 = arith.constant 64 : index
        %swap3A_599 = tpu.vector_load %arg11[%swap3A_597, %swap3A_598] {strides = array<i32>} : memref<128x128xf32, #tpu.memory_space<vmem>>, vector<16xf32>,
        tpu.vector_store %arg11[%swap3A_597, %swap3A_598], %mul3A_594 {strides = array<i32>} : memref<128x128xf32, #tpu.memory_space<vmem>>, vector<16xf32>,
        %mul3A_600 = arith.mulf %get3A_535, %get3A_563 : vector<16xf32>
        %add3A_601 = arith.constant 2 : i32
        %add3A_602 = arith.addi %add3A_269, %add3A_601 : i32
        %swap3A_603 = arith.index_cast %add3A_602 : i32 to index
        %swap3A_604 = arith.constant 80 : index
        %swap3A_605 = tpu.vector_load %arg11[%swap3A_603, %swap3A_604] {strides = array<i32>} : memref<128x128xf32, #tpu.memory_space<vmem>>, vector<16xf32>,
        tpu.vector_store %arg11[%swap3A_603, %swap3A_604], %mul3A_600 {strides = array<i32>} : memref<128x128xf32, #tpu.memory_space<vmem>>, vector<16xf32>,
        %mul3A_606 = arith.mulf %get3A_540, %get3A_566 : vector<16xf32>
        %add3A_607 = arith.constant 2 : i32
        %add3A_608 = arith.addi %add3A_269, %add3A_607 : i32
        %swap3A_609 = arith.index_cast %add3A_608 : i32 to index
        %swap3A_610 = arith.constant 96 : index
        %swap3A_611 = tpu.vector_load %arg11[%swap3A_609, %swap3A_610] {strides = array<i32>} : memref<128x128xf32, #tpu.memory_space<vmem>>, vector<16xf32>,
        tpu.vector_store %arg11[%swap3A_609, %swap3A_610], %mul3A_606 {strides = array<i32>} : memref<128x128xf32, #tpu.memory_space<vmem>>, vector<16xf32>,
        %mul3A_612 = arith.mulf %get3A_545, %get3A_569 : vector<16xf32>
        %add3A_613 = arith.constant 2 : i32
        %add3A_614 = arith.addi %add3A_269, %add3A_613 : i32
        %swap3A_615 = arith.index_cast %add3A_614 : i32 to index
        %swap3A_616 = arith.constant 112 : index
        %swap3A_617 = tpu.vector_load %arg11[%swap3A_615, %swap3A_616] {strides = array<i32>} : memref<128x128xf32, #tpu.memory_space<vmem>>, vector<16xf32>,
        tpu.vector_store %arg11[%swap3A_615, %swap3A_616], %mul3A_612 {strides = array<i32>} : memref<128x128xf32, #tpu.memory_space<vmem>>, vector<16xf32>,
        %slice3A_618 = vector.extract_strided_slice %get3A_273 {offsets = [3], sizes = [1], strides = [1]} : vector<16xi32> to vector<1xi32>
        %squeeze3A_619 = vector.extract %slice3A_618[0] : i32 from vector<1xi32>
        %add3A_620 = arith.constant 3 : i32
        %add3A_621 = arith.addi %add3A_269, %add3A_620 : i32
        %get3A_622 = arith.index_cast %add3A_621 : i32 to index
        %get3A_623 = arith.constant 0 : index
        %get3A_624 = tpu.vector_load %arg11[%get3A_622, %get3A_623] {strides = array<i32>} : memref<128x128xf32, #tpu.memory_space<vmem>>, vector<16xf32>,
        %add3A_625 = arith.constant 3 : i32
        %add3A_626 = arith.addi %add3A_269, %add3A_625 : i32
        %get3A_627 = arith.index_cast %add3A_626 : i32 to index
        %get3A_628 = arith.constant 16 : index
        %get3A_629 = tpu.vector_load %arg11[%get3A_627, %get3A_628] {strides = array<i32>} : memref<128x128xf32, #tpu.memory_space<vmem>>, vector<16xf32>,
        %add3A_630 = arith.constant 3 : i32
        %add3A_631 = arith.addi %add3A_269, %add3A_630 : i32
        %get3A_632 = arith.index_cast %add3A_631 : i32 to index
        %get3A_633 = arith.constant 32 : index
        %get3A_634 = tpu.vector_load %arg11[%get3A_632, %get3A_633] {strides = array<i32>} : memref<128x128xf32, #tpu.memory_space<vmem>>, vector<16xf32>,
        %add3A_635 = arith.constant 3 : i32
        %add3A_636 = arith.addi %add3A_269, %add3A_635 : i32
        %get3A_637 = arith.index_cast %add3A_636 : i32 to index
        %get3A_638 = arith.constant 48 : index
        %get3A_639 = tpu.vector_load %arg11[%get3A_637, %get3A_638] {strides = array<i32>} : memref<128x128xf32, #tpu.memory_space<vmem>>, vector<16xf32>,
        %add3A_640 = arith.constant 3 : i32
        %add3A_641 = arith.addi %add3A_269, %add3A_640 : i32
        %get3A_642 = arith.index_cast %add3A_641 : i32 to index
        %get3A_643 = arith.constant 64 : index
        %get3A_644 = tpu.vector_load %arg11[%get3A_642, %get3A_643] {strides = array<i32>} : memref<128x128xf32, #tpu.memory_space<vmem>>, vector<16xf32>,
        %add3A_645 = arith.constant 3 : i32
        %add3A_646 = arith.addi %add3A_269, %add3A_645 : i32
        %get3A_647 = arith.index_cast %add3A_646 : i32 to index
        %get3A_648 = arith.constant 80 : index
        %get3A_649 = tpu.vector_load %arg11[%get3A_647, %get3A_648] {strides = array<i32>} : memref<128x128xf32, #tpu.memory_space<vmem>>, vector<16xf32>,
        %add3A_650 = arith.constant 3 : i32
        %add3A_651 = arith.addi %add3A_269, %add3A_650 : i32
        %get3A_652 = arith.index_cast %add3A_651 : i32 to index
        %get3A_653 = arith.constant 96 : index
        %get3A_654 = tpu.vector_load %arg11[%get3A_652, %get3A_653] {strides = array<i32>} : memref<128x128xf32, #tpu.memory_space<vmem>>, vector<16xf32>,
        %add3A_655 = arith.constant 3 : i32
        %add3A_656 = arith.addi %add3A_269, %add3A_655 : i32
        %get3A_657 = arith.index_cast %add3A_656 : i32 to index
        %get3A_658 = arith.constant 112 : index
        %get3A_659 = tpu.vector_load %arg11[%get3A_657, %get3A_658] {strides = array<i32>} : memref<128x128xf32, #tpu.memory_space<vmem>>, vector<16xf32>,
        %get3A_660 = arith.index_cast %squeeze3A_619 : i32 to index
        %get3A_661 = arith.constant 0 : index
        %get3A_662 = tpu.vector_load %arg13[%get3A_660, %get3A_661] {strides = array<i32>} : memref<32x128xf32, #tpu.memory_space<vmem>>, vector<16xf32>,
        %get3A_663 = arith.index_cast %squeeze3A_619 : i32 to index
        %get3A_664 = arith.constant 16 : index
        %get3A_665 = tpu.vector_load %arg13[%get3A_663, %get3A_664] {strides = array<i32>} : memref<32x128xf32, #tpu.memory_space<vmem>>, vector<16xf32>,
        %get3A_666 = arith.index_cast %squeeze3A_619 : i32 to index
        %get3A_667 = arith.constant 32 : index
        %get3A_668 = tpu.vector_load %arg13[%get3A_666, %get3A_667] {strides = array<i32>} : memref<32x128xf32, #tpu.memory_space<vmem>>, vector<16xf32>,
        %get3A_669 = arith.index_cast %squeeze3A_619 : i32 to index
        %get3A_670 = arith.constant 48 : index
        %get3A_671 = tpu.vector_load %arg13[%get3A_669, %get3A_670] {strides = array<i32>} : memref<32x128xf32, #tpu.memory_space<vmem>>, vector<16xf32>,
        %get3A_672 = arith.index_cast %squeeze3A_619 : i32 to index
        %get3A_673 = arith.constant 64 : index
        %get3A_674 = tpu.vector_load %arg13[%get3A_672, %get3A_673] {strides = array<i32>} : memref<32x128xf32, #tpu.memory_space<vmem>>, vector<16xf32>,
        %get3A_675 = arith.index_cast %squeeze3A_619 : i32 to index
        %get3A_676 = arith.constant 80 : index
        %get3A_677 = tpu.vector_load %arg13[%get3A_675, %get3A_676] {strides = array<i32>} : memref<32x128xf32, #tpu.memory_space<vmem>>, vector<16xf32>,
        %get3A_678 = arith.index_cast %squeeze3A_619 : i32 to index
        %get3A_679 = arith.constant 96 : index
        %get3A_680 = tpu.vector_load %arg13[%get3A_678, %get3A_679] {strides = array<i32>} : memref<32x128xf32, #tpu.memory_space<vmem>>, vector<16xf32>,
        %get3A_681 = arith.index_cast %squeeze3A_619 : i32 to index
        %get3A_682 = arith.constant 112 : index
        %get3A_683 = tpu.vector_load %arg13[%get3A_681, %get3A_682] {strides = array<i32>} : memref<32x128xf32, #tpu.memory_space<vmem>>, vector<16xf32>,
        %mul3A_684 = arith.mulf %get3A_624, %get3A_662 : vector<16xf32>
        %add3A_685 = arith.constant 3 : i32
        %add3A_686 = arith.addi %add3A_269, %add3A_685 : i32
        %swap3A_687 = arith.index_cast %add3A_686 : i32 to index
        %swap3A_688 = arith.constant 0 : index
        %swap3A_689 = tpu.vector_load %arg11[%swap3A_687, %swap3A_688] {strides = array<i32>} : memref<128x128xf32, #tpu.memory_space<vmem>>, vector<16xf32>,
        tpu.vector_store %arg11[%swap3A_687, %swap3A_688], %mul3A_684 {strides = array<i32>} : memref<128x128xf32, #tpu.memory_space<vmem>>, vector<16xf32>,
        %mul3A_690 = arith.mulf %get3A_629, %get3A_665 : vector<16xf32>
        %add3A_691 = arith.constant 3 : i32
        %add3A_692 = arith.addi %add3A_269, %add3A_691 : i32
        %swap3A_693 = arith.index_cast %add3A_692 : i32 to index
        %swap3A_694 = arith.constant 16 : index
        %swap3A_695 = tpu.vector_load %arg11[%swap3A_693, %swap3A_694] {strides = array<i32>} : memref<128x128xf32, #tpu.memory_space<vmem>>, vector<16xf32>,
        tpu.vector_store %arg11[%swap3A_693, %swap3A_694], %mul3A_690 {strides = array<i32>} : memref<128x128xf32, #tpu.memory_space<vmem>>, vector<16xf32>,
        %mul3A_696 = arith.mulf %get3A_634, %get3A_668 : vector<16xf32>
        %add3A_697 = arith.constant 3 : i32
        %add3A_698 = arith.addi %add3A_269, %add3A_697 : i32
        %swap3A_699 = arith.index_cast %add3A_698 : i32 to index
        %swap3A_700 = arith.constant 32 : index
        %swap3A_701 = tpu.vector_load %arg11[%swap3A_699, %swap3A_700] {strides = array<i32>} : memref<128x128xf32, #tpu.memory_space<vmem>>, vector<16xf32>,
        tpu.vector_store %arg11[%swap3A_699, %swap3A_700], %mul3A_696 {strides = array<i32>} : memref<128x128xf32, #tpu.memory_space<vmem>>, vector<16xf32>,
        %mul3A_702 = arith.mulf %get3A_639, %get3A_671 : vector<16xf32>
        %add3A_703 = arith.constant 3 : i32
        %add3A_704 = arith.addi %add3A_269, %add3A_703 : i32
        %swap3A_705 = arith.index_cast %add3A_704 : i32 to index
        %swap3A_706 = arith.constant 48 : index
        %swap3A_707 = tpu.vector_load %arg11[%swap3A_705, %swap3A_706] {strides = array<i32>} : memref<128x128xf32, #tpu.memory_space<vmem>>, vector<16xf32>,
        tpu.vector_store %arg11[%swap3A_705, %swap3A_706], %mul3A_702 {strides = array<i32>} : memref<128x128xf32, #tpu.memory_space<vmem>>, vector<16xf32>,
        %mul3A_708 = arith.mulf %get3A_644, %get3A_674 : vector<16xf32>
        %add3A_709 = arith.constant 3 : i32
        %add3A_710 = arith.addi %add3A_269, %add3A_709 : i32
        %swap3A_711 = arith.index_cast %add3A_710 : i32 to index
        %swap3A_712 = arith.constant 64 : index
        %swap3A_713 = tpu.vector_load %arg11[%swap3A_711, %swap3A_712] {strides = array<i32>} : memref<128x128xf32, #tpu.memory_space<vmem>>, vector<16xf32>,
        tpu.vector_store %arg11[%swap3A_711, %swap3A_712], %mul3A_708 {strides = array<i32>} : memref<128x128xf32, #tpu.memory_space<vmem>>, vector<16xf32>,
        %mul3A_714 = arith.mulf %get3A_649, %get3A_677 : vector<16xf32>
        %add3A_715 = arith.constant 3 : i32
        %add3A_716 = arith.addi %add3A_269, %add3A_715 : i32
        %swap3A_717 = arith.index_cast %add3A_716 : i32 to index
        %swap3A_718 = arith.constant 80 : index
        %swap3A_719 = tpu.vector_load %arg11[%swap3A_717, %swap3A_718] {strides = array<i32>} : memref<128x128xf32, #tpu.memory_space<vmem>>, vector<16xf32>,
        tpu.vector_store %arg11[%swap3A_717, %swap3A_718], %mul3A_714 {strides = array<i32>} : memref<128x128xf32, #tpu.memory_space<vmem>>, vector<16xf32>,
        %mul3A_720 = arith.mulf %get3A_654, %get3A_680 : vector<16xf32>
        %add3A_721 = arith.constant 3 : i32
        %add3A_722 = arith.addi %add3A_269, %add3A_721 : i32
        %swap3A_723 = arith.index_cast %add3A_722 : i32 to index
        %swap3A_724 = arith.constant 96 : index
        %swap3A_725 = tpu.vector_load %arg11[%swap3A_723, %swap3A_724] {strides = array<i32>} : memref<128x128xf32, #tpu.memory_space<vmem>>, vector<16xf32>,
        tpu.vector_store %arg11[%swap3A_723, %swap3A_724], %mul3A_720 {strides = array<i32>} : memref<128x128xf32, #tpu.memory_space<vmem>>, vector<16xf32>,
        %mul3A_726 = arith.mulf %get3A_659, %get3A_683 : vector<16xf32>
        %add3A_727 = arith.constant 3 : i32
        %add3A_728 = arith.addi %add3A_269, %add3A_727 : i32
        %swap3A_729 = arith.index_cast %add3A_728 : i32 to index
        %swap3A_730 = arith.constant 112 : index
        %swap3A_731 = tpu.vector_load %arg11[%swap3A_729, %swap3A_730] {strides = array<i32>} : memref<128x128xf32, #tpu.memory_space<vmem>>, vector<16xf32>,
        tpu.vector_store %arg11[%swap3A_729, %swap3A_730], %mul3A_726 {strides = array<i32>} : memref<128x128xf32, #tpu.memory_space<vmem>>, vector<16xf32>,
        %slice3A_732 = vector.extract_strided_slice %get3A_273 {offsets = [4], sizes = [1], strides = [1]} : vector<16xi32> to vector<1xi32>
        %squeeze3A_733 = vector.extract %slice3A_732[0] : i32 from vector<1xi32>
        %add3A_734 = arith.constant 4 : i32
        %add3A_735 = arith.addi %add3A_269, %add3A_734 : i32
        %get3A_736 = arith.index_cast %add3A_735 : i32 to index
        %get3A_737 = arith.constant 0 : index
        %get3A_738 = tpu.vector_load %arg11[%get3A_736, %get3A_737] {strides = array<i32>} : memref<128x128xf32, #tpu.memory_space<vmem>>, vector<16xf32>,
        %add3A_739 = arith.constant 4 : i32
        %add3A_740 = arith.addi %add3A_269, %add3A_739 : i32
        %get3A_741 = arith.index_cast %add3A_740 : i32 to index
        %get3A_742 = arith.constant 16 : index
        %get3A_743 = tpu.vector_load %arg11[%get3A_741, %get3A_742] {strides = array<i32>} : memref<128x128xf32, #tpu.memory_space<vmem>>, vector<16xf32>,
        %add3A_744 = arith.constant 4 : i32
        %add3A_745 = arith.addi %add3A_269, %add3A_744 : i32
        %get3A_746 = arith.index_cast %add3A_745 : i32 to index
        %get3A_747 = arith.constant 32 : index
        %get3A_748 = tpu.vector_load %arg11[%get3A_746, %get3A_747] {strides = array<i32>} : memref<128x128xf32, #tpu.memory_space<vmem>>, vector<16xf32>,
        %add3A_749 = arith.constant 4 : i32
        %add3A_750 = arith.addi %add3A_269, %add3A_749 : i32
        %get3A_751 = arith.index_cast %add3A_750 : i32 to index
        %get3A_752 = arith.constant 48 : index
        %get3A_753 = tpu.vector_load %arg11[%get3A_751, %get3A_752] {strides = array<i32>} : memref<128x128xf32, #tpu.memory_space<vmem>>, vector<16xf32>,
        %add3A_754 = arith.constant 4 : i32
        %add3A_755 = arith.addi %add3A_269, %add3A_754 : i32
        %get3A_756 = arith.index_cast %add3A_755 : i32 to index
        %get3A_757 = arith.constant 64 : index
        %get3A_758 = tpu.vector_load %arg11[%get3A_756, %get3A_757] {strides = array<i32>} : memref<128x128xf32, #tpu.memory_space<vmem>>, vector<16xf32>,
        %add3A_759 = arith.constant 4 : i32
        %add3A_760 = arith.addi %add3A_269, %add3A_759 : i32
        %get3A_761 = arith.index_cast %add3A_760 : i32 to index
        %get3A_762 = arith.constant 80 : index
        %get3A_763 = tpu.vector_load %arg11[%get3A_761, %get3A_762] {strides = array<i32>} : memref<128x128xf32, #tpu.memory_space<vmem>>, vector<16xf32>,
        %add3A_764 = arith.constant 4 : i32
        %add3A_765 = arith.addi %add3A_269, %add3A_764 : i32
        %get3A_766 = arith.index_cast %add3A_765 : i32 to index
        %get3A_767 = arith.constant 96 : index
        %get3A_768 = tpu.vector_load %arg11[%get3A_766, %get3A_767] {strides = array<i32>} : memref<128x128xf32, #tpu.memory_space<vmem>>, vector<16xf32>,
        %add3A_769 = arith.constant 4 : i32
        %add3A_770 = arith.addi %add3A_269, %add3A_769 : i32
        %get3A_771 = arith.index_cast %add3A_770 : i32 to index
        %get3A_772 = arith.constant 112 : index
        %get3A_773 = tpu.vector_load %arg11[%get3A_771, %get3A_772] {strides = array<i32>} : memref<128x128xf32, #tpu.memory_space<vmem>>, vector<16xf32>,
        %get3A_774 = arith.index_cast %squeeze3A_733 : i32 to index
        %get3A_775 = arith.constant 0 : index
        %get3A_776 = tpu.vector_load %arg13[%get3A_774, %get3A_775] {strides = array<i32>} : memref<32x128xf32, #tpu.memory_space<vmem>>, vector<16xf32>,
        %get3A_777 = arith.index_cast %squeeze3A_733 : i32 to index
        %get3A_778 = arith.constant 16 : index
        %get3A_779 = tpu.vector_load %arg13[%get3A_777, %get3A_778] {strides = array<i32>} : memref<32x128xf32, #tpu.memory_space<vmem>>, vector<16xf32>,
        %get3A_780 = arith.index_cast %squeeze3A_733 : i32 to index
        %get3A_781 = arith.constant 32 : index
        %get3A_782 = tpu.vector_load %arg13[%get3A_780, %get3A_781] {strides = array<i32>} : memref<32x128xf32, #tpu.memory_space<vmem>>, vector<16xf32>,
        %get3A_783 = arith.index_cast %squeeze3A_733 : i32 to index
        %get3A_784 = arith.constant 48 : index
        %get3A_785 = tpu.vector_load %arg13[%get3A_783, %get3A_784] {strides = array<i32>} : memref<32x128xf32, #tpu.memory_space<vmem>>, vector<16xf32>,
        %get3A_786 = arith.index_cast %squeeze3A_733 : i32 to index
        %get3A_787 = arith.constant 64 : index
        %get3A_788 = tpu.vector_load %arg13[%get3A_786, %get3A_787] {strides = array<i32>} : memref<32x128xf32, #tpu.memory_space<vmem>>, vector<16xf32>,
        %get3A_789 = arith.index_cast %squeeze3A_733 : i32 to index
        %get3A_790 = arith.constant 80 : index
        %get3A_791 = tpu.vector_load %arg13[%get3A_789, %get3A_790] {strides = array<i32>} : memref<32x128xf32, #tpu.memory_space<vmem>>, vector<16xf32>,
        %get3A_792 = arith.index_cast %squeeze3A_733 : i32 to index
        %get3A_793 = arith.constant 96 : index
        %get3A_794 = tpu.vector_load %arg13[%get3A_792, %get3A_793] {strides = array<i32>} : memref<32x128xf32, #tpu.memory_space<vmem>>, vector<16xf32>,
        %get3A_795 = arith.index_cast %squeeze3A_733 : i32 to index
        %get3A_796 = arith.constant 112 : index
        %get3A_797 = tpu.vector_load %arg13[%get3A_795, %get3A_796] {strides = array<i32>} : memref<32x128xf32, #tpu.memory_space<vmem>>, vector<16xf32>,
        %mul3A_798 = arith.mulf %get3A_738, %get3A_776 : vector<16xf32>
        %add3A_799 = arith.constant 4 : i32
        %add3A_800 = arith.addi %add3A_269, %add3A_799 : i32
        %swap3A_801 = arith.index_cast %add3A_800 : i32 to index
        %swap3A_802 = arith.constant 0 : index
        %swap3A_803 = tpu.vector_load %arg11[%swap3A_801, %swap3A_802] {strides = array<i32>} : memref<128x128xf32, #tpu.memory_space<vmem>>, vector<16xf32>,
        tpu.vector_store %arg11[%swap3A_801, %swap3A_802], %mul3A_798 {strides = array<i32>} : memref<128x128xf32, #tpu.memory_space<vmem>>, vector<16xf32>,
        %mul3A_804 = arith.mulf %get3A_743, %get3A_779 : vector<16xf32>
        %add3A_805 = arith.constant 4 : i32
        %add3A_806 = arith.addi %add3A_269, %add3A_805 : i32
        %swap3A_807 = arith.index_cast %add3A_806 : i32 to index
        %swap3A_808 = arith.constant 16 : index
        %swap3A_809 = tpu.vector_load %arg11[%swap3A_807, %swap3A_808] {strides = array<i32>} : memref<128x128xf32, #tpu.memory_space<vmem>>, vector<16xf32>,
        tpu.vector_store %arg11[%swap3A_807, %swap3A_808], %mul3A_804 {strides = array<i32>} : memref<128x128xf32, #tpu.memory_space<vmem>>, vector<16xf32>,
        %mul3A_810 = arith.mulf %get3A_748, %get3A_782 : vector<16xf32>
        %add3A_811 = arith.constant 4 : i32
        %add3A_812 = arith.addi %add3A_269, %add3A_811 : i32
        %swap3A_813 = arith.index_cast %add3A_812 : i32 to index
        %swap3A_814 = arith.constant 32 : index
        %swap3A_815 = tpu.vector_load %arg11[%swap3A_813, %swap3A_814] {strides = array<i32>} : memref<128x128xf32, #tpu.memory_space<vmem>>, vector<16xf32>,
        tpu.vector_store %arg11[%swap3A_813, %swap3A_814], %mul3A_810 {strides = array<i32>} : memref<128x128xf32, #tpu.memory_space<vmem>>, vector<16xf32>,
        %mul3A_816 = arith.mulf %get3A_753, %get3A_785 : vector<16xf32>
        %add3A_817 = arith.constant 4 : i32
        %add3A_818 = arith.addi %add3A_269, %add3A_817 : i32
        %swap3A_819 = arith.index_cast %add3A_818 : i32 to index
        %swap3A_820 = arith.constant 48 : index
        %swap3A_821 = tpu.vector_load %arg11[%swap3A_819, %swap3A_820] {strides = array<i32>} : memref<128x128xf32, #tpu.memory_space<vmem>>, vector<16xf32>,
        tpu.vector_store %arg11[%swap3A_819, %swap3A_820], %mul3A_816 {strides = array<i32>} : memref<128x128xf32, #tpu.memory_space<vmem>>, vector<16xf32>,
        %mul3A_822 = arith.mulf %get3A_758, %get3A_788 : vector<16xf32>
        %add3A_823 = arith.constant 4 : i32
        %add3A_824 = arith.addi %add3A_269, %add3A_823 : i32
        %swap3A_825 = arith.index_cast %add3A_824 : i32 to index
        %swap3A_826 = arith.constant 64 : index
        %swap3A_827 = tpu.vector_load %arg11[%swap3A_825, %swap3A_826] {strides = array<i32>} : memref<128x128xf32, #tpu.memory_space<vmem>>, vector<16xf32>,
        tpu.vector_store %arg11[%swap3A_825, %swap3A_826], %mul3A_822 {strides = array<i32>} : memref<128x128xf32, #tpu.memory_space<vmem>>, vector<16xf32>,
        %mul3A_828 = arith.mulf %get3A_763, %get3A_791 : vector<16xf32>
        %add3A_829 = arith.constant 4 : i32
        %add3A_830 = arith.addi %add3A_269, %add3A_829 : i32
        %swap3A_831 = arith.index_cast %add3A_830 : i32 to index
        %swap3A_832 = arith.constant 80 : index
        %swap3A_833 = tpu.vector_load %arg11[%swap3A_831, %swap3A_832] {strides = array<i32>} : memref<128x128xf32, #tpu.memory_space<vmem>>, vector<16xf32>,
        tpu.vector_store %arg11[%swap3A_831, %swap3A_832], %mul3A_828 {strides = array<i32>} : memref<128x128xf32, #tpu.memory_space<vmem>>, vector<16xf32>,
        %mul3A_834 = arith.mulf %get3A_768, %get3A_794 : vector<16xf32>
        %add3A_835 = arith.constant 4 : i32
        %add3A_836 = arith.addi %add3A_269, %add3A_835 : i32
        %swap3A_837 = arith.index_cast %add3A_836 : i32 to index
        %swap3A_838 = arith.constant 96 : index
        %swap3A_839 = tpu.vector_load %arg11[%swap3A_837, %swap3A_838] {strides = array<i32>} : memref<128x128xf32, #tpu.memory_space<vmem>>, vector<16xf32>,
        tpu.vector_store %arg11[%swap3A_837, %swap3A_838], %mul3A_834 {strides = array<i32>} : memref<128x128xf32, #tpu.memory_space<vmem>>, vector<16xf32>,
        %mul3A_840 = arith.mulf %get3A_773, %get3A_797 : vector<16xf32>
        %add3A_841 = arith.constant 4 : i32
        %add3A_842 = arith.addi %add3A_269, %add3A_841 : i32
        %swap3A_843 = arith.index_cast %add3A_842 : i32 to index
        %swap3A_844 = arith.constant 112 : index
        %swap3A_845 = tpu.vector_load %arg11[%swap3A_843, %swap3A_844] {strides = array<i32>} : memref<128x128xf32, #tpu.memory_space<vmem>>, vector<16xf32>,
        tpu.vector_store %arg11[%swap3A_843, %swap3A_844], %mul3A_840 {strides = array<i32>} : memref<128x128xf32, #tpu.memory_space<vmem>>, vector<16xf32>,
        %slice3A_846 = vector.extract_strided_slice %get3A_273 {offsets = [5], sizes = [1], strides = [1]} : vector<16xi32> to vector<1xi32>
        %squeeze3A_847 = vector.extract %slice3A_846[0] : i32 from vector<1xi32>
        %add3A_848 = arith.constant 5 : i32
        %add3A_849 = arith.addi %add3A_269, %add3A_848 : i32
        %get3A_850 = arith.index_cast %add3A_849 : i32 to index
        %get3A_851 = arith.constant 0 : index
        %get3A_852 = tpu.vector_load %arg11[%get3A_850, %get3A_851] {strides = array<i32>} : memref<128x128xf32, #tpu.memory_space<vmem>>, vector<16xf32>,
        %add3A_853 = arith.constant 5 : i32
        %add3A_854 = arith.addi %add3A_269, %add3A_853 : i32
        %get3A_855 = arith.index_cast %add3A_854 : i32 to index
        %get3A_856 = arith.constant 16 : index
        %get3A_857 = tpu.vector_load %arg11[%get3A_855, %get3A_856] {strides = array<i32>} : memref<128x128xf32, #tpu.memory_space<vmem>>, vector<16xf32>,
        %add3A_858 = arith.constant 5 : i32
        %add3A_859 = arith.addi %add3A_269, %add3A_858 : i32
        %get3A_860 = arith.index_cast %add3A_859 : i32 to index
        %get3A_861 = arith.constant 32 : index
        %get3A_862 = tpu.vector_load %arg11[%get3A_860, %get3A_861] {strides = array<i32>} : memref<128x128xf32, #tpu.memory_space<vmem>>, vector<16xf32>,
        %add3A_863 = arith.constant 5 : i32
        %add3A_864 = arith.addi %add3A_269, %add3A_863 : i32
        %get3A_865 = arith.index_cast %add3A_864 : i32 to index
        %get3A_866 = arith.constant 48 : index
        %get3A_867 = tpu.vector_load %arg11[%get3A_865, %get3A_866] {strides = array<i32>} : memref<128x128xf32, #tpu.memory_space<vmem>>, vector<16xf32>,
        %add3A_868 = arith.constant 5 : i32
        %add3A_869 = arith.addi %add3A_269, %add3A_868 : i32
        %get3A_870 = arith.index_cast %add3A_869 : i32 to index
        %get3A_871 = arith.constant 64 : index
        %get3A_872 = tpu.vector_load %arg11[%get3A_870, %get3A_871] {strides = array<i32>} : memref<128x128xf32, #tpu.memory_space<vmem>>, vector<16xf32>,
        %add3A_873 = arith.constant 5 : i32
        %add3A_874 = arith.addi %add3A_269, %add3A_873 : i32
        %get3A_875 = arith.index_cast %add3A_874 : i32 to index
        %get3A_876 = arith.constant 80 : index
        %get3A_877 = tpu.vector_load %arg11[%get3A_875, %get3A_876] {strides = array<i32>} : memref<128x128xf32, #tpu.memory_space<vmem>>, vector<16xf32>,
        %add3A_878 = arith.constant 5 : i32
        %add3A_879 = arith.addi %add3A_269, %add3A_878 : i32
        %get3A_880 = arith.index_cast %add3A_879 : i32 to index
        %get3A_881 = arith.constant 96 : index
        %get3A_882 = tpu.vector_load %arg11[%get3A_880, %get3A_881] {strides = array<i32>} : memref<128x128xf32, #tpu.memory_space<vmem>>, vector<16xf32>,
        %add3A_883 = arith.constant 5 : i32
        %add3A_884 = arith.addi %add3A_269, %add3A_883 : i32
        %get3A_885 = arith.index_cast %add3A_884 : i32 to index
        %get3A_886 = arith.constant 112 : index
        %get3A_887 = tpu.vector_load %arg11[%get3A_885, %get3A_886] {strides = array<i32>} : memref<128x128xf32, #tpu.memory_space<vmem>>, vector<16xf32>,
        %get3A_888 = arith.index_cast %squeeze3A_847 : i32 to index
        %get3A_889 = arith.constant 0 : index
        %get3A_890 = tpu.vector_load %arg13[%get3A_888, %get3A_889] {strides = array<i32>} : memref<32x128xf32, #tpu.memory_space<vmem>>, vector<16xf32>,
        %get3A_891 = arith.index_cast %squeeze3A_847 : i32 to index
        %get3A_892 = arith.constant 16 : index
        %get3A_893 = tpu.vector_load %arg13[%get3A_891, %get3A_892] {strides = array<i32>} : memref<32x128xf32, #tpu.memory_space<vmem>>, vector<16xf32>,
        %get3A_894 = arith.index_cast %squeeze3A_847 : i32 to index
        %get3A_895 = arith.constant 32 : index
        %get3A_896 = tpu.vector_load %arg13[%get3A_894, %get3A_895] {strides = array<i32>} : memref<32x128xf32, #tpu.memory_space<vmem>>, vector<16xf32>,
        %get3A_897 = arith.index_cast %squeeze3A_847 : i32 to index
        %get3A_898 = arith.constant 48 : index
        %get3A_899 = tpu.vector_load %arg13[%get3A_897, %get3A_898] {strides = array<i32>} : memref<32x128xf32, #tpu.memory_space<vmem>>, vector<16xf32>,
        %get3A_900 = arith.index_cast %squeeze3A_847 : i32 to index
        %get3A_901 = arith.constant 64 : index
        %get3A_902 = tpu.vector_load %arg13[%get3A_900, %get3A_901] {strides = array<i32>} : memref<32x128xf32, #tpu.memory_space<vmem>>, vector<16xf32>,
        %get3A_903 = arith.index_cast %squeeze3A_847 : i32 to index
        %get3A_904 = arith.constant 80 : index
        %get3A_905 = tpu.vector_load %arg13[%get3A_903, %get3A_904] {strides = array<i32>} : memref<32x128xf32, #tpu.memory_space<vmem>>, vector<16xf32>,
        %get3A_906 = arith.index_cast %squeeze3A_847 : i32 to index
        %get3A_907 = arith.constant 96 : index
        %get3A_908 = tpu.vector_load %arg13[%get3A_906, %get3A_907] {strides = array<i32>} : memref<32x128xf32, #tpu.memory_space<vmem>>, vector<16xf32>,
        %get3A_909 = arith.index_cast %squeeze3A_847 : i32 to index
        %get3A_910 = arith.constant 112 : index
        %get3A_911 = tpu.vector_load %arg13[%get3A_909, %get3A_910] {strides = array<i32>} : memref<32x128xf32, #tpu.memory_space<vmem>>, vector<16xf32>,
        %mul3A_912 = arith.mulf %get3A_852, %get3A_890 : vector<16xf32>
        %add3A_913 = arith.constant 5 : i32
        %add3A_914 = arith.addi %add3A_269, %add3A_913 : i32
        %swap3A_915 = arith.index_cast %add3A_914 : i32 to index
        %swap3A_916 = arith.constant 0 : index
        %swap3A_917 = tpu.vector_load %arg11[%swap3A_915, %swap3A_916] {strides = array<i32>} : memref<128x128xf32, #tpu.memory_space<vmem>>, vector<16xf32>,
        tpu.vector_store %arg11[%swap3A_915, %swap3A_916], %mul3A_912 {strides = array<i32>} : memref<128x128xf32, #tpu.memory_space<vmem>>, vector<16xf32>,
        %mul3A_918 = arith.mulf %get3A_857, %get3A_893 : vector<16xf32>
        %add3A_919 = arith.constant 5 : i32
        %add3A_920 = arith.addi %add3A_269, %add3A_919 : i32
        %swap3A_921 = arith.index_cast %add3A_920 : i32 to index
        %swap3A_922 = arith.constant 16 : index
        %swap3A_923 = tpu.vector_load %arg11[%swap3A_921, %swap3A_922] {strides = array<i32>} : memref<128x128xf32, #tpu.memory_space<vmem>>, vector<16xf32>,
        tpu.vector_store %arg11[%swap3A_921, %swap3A_922], %mul3A_918 {strides = array<i32>} : memref<128x128xf32, #tpu.memory_space<vmem>>, vector<16xf32>,
        %mul3A_924 = arith.mulf %get3A_862, %get3A_896 : vector<16xf32>
        %add3A_925 = arith.constant 5 : i32
        %add3A_926 = arith.addi %add3A_269, %add3A_925 : i32
        %swap3A_927 = arith.index_cast %add3A_926 : i32 to index
        %swap3A_928 = arith.constant 32 : index
        %swap3A_929 = tpu.vector_load %arg11[%swap3A_927, %swap3A_928] {strides = array<i32>} : memref<128x128xf32, #tpu.memory_space<vmem>>, vector<16xf32>,
        tpu.vector_store %arg11[%swap3A_927, %swap3A_928], %mul3A_924 {strides = array<i32>} : memref<128x128xf32, #tpu.memory_space<vmem>>, vector<16xf32>,
        %mul3A_930 = arith.mulf %get3A_867, %get3A_899 : vector<16xf32>
        %add3A_931 = arith.constant 5 : i32
        %add3A_932 = arith.addi %add3A_269, %add3A_931 : i32
        %swap3A_933 = arith.index_cast %add3A_932 : i32 to index
        %swap3A_934 = arith.constant 48 : index
        %swap3A_935 = tpu.vector_load %arg11[%swap3A_933, %swap3A_934] {strides = array<i32>} : memref<128x128xf32, #tpu.memory_space<vmem>>, vector<16xf32>,
        tpu.vector_store %arg11[%swap3A_933, %swap3A_934], %mul3A_930 {strides = array<i32>} : memref<128x128xf32, #tpu.memory_space<vmem>>, vector<16xf32>,
        %mul3A_936 = arith.mulf %get3A_872, %get3A_902 : vector<16xf32>
        %add3A_937 = arith.constant 5 : i32
        %add3A_938 = arith.addi %add3A_269, %add3A_937 : i32
        %swap3A_939 = arith.index_cast %add3A_938 : i32 to index
        %swap3A_940 = arith.constant 64 : index
        %swap3A_941 = tpu.vector_load %arg11[%swap3A_939, %swap3A_940] {strides = array<i32>} : memref<128x128xf32, #tpu.memory_space<vmem>>, vector<16xf32>,
        tpu.vector_store %arg11[%swap3A_939, %swap3A_940], %mul3A_936 {strides = array<i32>} : memref<128x128xf32, #tpu.memory_space<vmem>>, vector<16xf32>,
        %mul3A_942 = arith.mulf %get3A_877, %get3A_905 : vector<16xf32>
        %add3A_943 = arith.constant 5 : i32
        %add3A_944 = arith.addi %add3A_269, %add3A_943 : i32
        %swap3A_945 = arith.index_cast %add3A_944 : i32 to index
        %swap3A_946 = arith.constant 80 : index
        %swap3A_947 = tpu.vector_load %arg11[%swap3A_945, %swap3A_946] {strides = array<i32>} : memref<128x128xf32, #tpu.memory_space<vmem>>, vector<16xf32>,
        tpu.vector_store %arg11[%swap3A_945, %swap3A_946], %mul3A_942 {strides = array<i32>} : memref<128x128xf32, #tpu.memory_space<vmem>>, vector<16xf32>,
        %mul3A_948 = arith.mulf %get3A_882, %get3A_908 : vector<16xf32>
        %add3A_949 = arith.constant 5 : i32
        %add3A_950 = arith.addi %add3A_269, %add3A_949 : i32
        %swap3A_951 = arith.index_cast %add3A_950 : i32 to index
        %swap3A_952 = arith.constant 96 : index
        %swap3A_953 = tpu.vector_load %arg11[%swap3A_951, %swap3A_952] {strides = array<i32>} : memref<128x128xf32, #tpu.memory_space<vmem>>, vector<16xf32>,
        tpu.vector_store %arg11[%swap3A_951, %swap3A_952], %mul3A_948 {strides = array<i32>} : memref<128x128xf32, #tpu.memory_space<vmem>>, vector<16xf32>,
        %mul3A_954 = arith.mulf %get3A_887, %get3A_911 : vector<16xf32>
        %add3A_955 = arith.constant 5 : i32
        %add3A_956 = arith.addi %add3A_269, %add3A_955 : i32
        %swap3A_957 = arith.index_cast %add3A_956 : i32 to index
        %swap3A_958 = arith.constant 112 : index
        %swap3A_959 = tpu.vector_load %arg11[%swap3A_957, %swap3A_958] {strides = array<i32>} : memref<128x128xf32, #tpu.memory_space<vmem>>, vector<16xf32>,
        tpu.vector_store %arg11[%swap3A_957, %swap3A_958], %mul3A_954 {strides = array<i32>} : memref<128x128xf32, #tpu.memory_space<vmem>>, vector<16xf32>,
        %slice3A_960 = vector.extract_strided_slice %get3A_273 {offsets = [6], sizes = [1], strides = [1]} : vector<16xi32> to vector<1xi32>
        %squeeze3A_961 = vector.extract %slice3A_960[0] : i32 from vector<1xi32>
        %add3A_962 = arith.constant 6 : i32
        %add3A_963 = arith.addi %add3A_269, %add3A_962 : i32
        %get3A_964 = arith.index_cast %add3A_963 : i32 to index
        %get3A_965 = arith.constant 0 : index
        %get3A_966 = tpu.vector_load %arg11[%get3A_964, %get3A_965] {strides = array<i32>} : memref<128x128xf32, #tpu.memory_space<vmem>>, vector<16xf32>,
        %add3A_967 = arith.constant 6 : i32
        %add3A_968 = arith.addi %add3A_269, %add3A_967 : i32
        %get3A_969 = arith.index_cast %add3A_968 : i32 to index
        %get3A_970 = arith.constant 16 : index
        %get3A_971 = tpu.vector_load %arg11[%get3A_969, %get3A_970] {strides = array<i32>} : memref<128x128xf32, #tpu.memory_space<vmem>>, vector<16xf32>,
        %add3A_972 = arith.constant 6 : i32
        %add3A_973 = arith.addi %add3A_269, %add3A_972 : i32
        %get3A_974 = arith.index_cast %add3A_973 : i32 to index
        %get3A_975 = arith.constant 32 : index
        %get3A_976 = tpu.vector_load %arg11[%get3A_974, %get3A_975] {strides = array<i32>} : memref<128x128xf32, #tpu.memory_space<vmem>>, vector<16xf32>,
        %add3A_977 = arith.constant 6 : i32
        %add3A_978 = arith.addi %add3A_269, %add3A_977 : i32
        %get3A_979 = arith.index_cast %add3A_978 : i32 to index
        %get3A_980 = arith.constant 48 : index
        %get3A_981 = tpu.vector_load %arg11[%get3A_979, %get3A_980] {strides = array<i32>} : memref<128x128xf32, #tpu.memory_space<vmem>>, vector<16xf32>,
        %add3A_982 = arith.constant 6 : i32
        %add3A_983 = arith.addi %add3A_269, %add3A_982 : i32
        %get3A_984 = arith.index_cast %add3A_983 : i32 to index
        %get3A_985 = arith.constant 64 : index
        %get3A_986 = tpu.vector_load %arg11[%get3A_984, %get3A_985] {strides = array<i32>} : memref<128x128xf32, #tpu.memory_space<vmem>>, vector<16xf32>,
        %add3A_987 = arith.constant 6 : i32
        %add3A_988 = arith.addi %add3A_269, %add3A_987 : i32
        %get3A_989 = arith.index_cast %add3A_988 : i32 to index
        %get3A_990 = arith.constant 80 : index
        %get3A_991 = tpu.vector_load %arg11[%get3A_989, %get3A_990] {strides = array<i32>} : memref<128x128xf32, #tpu.memory_space<vmem>>, vector<16xf32>,
        %add3A_992 = arith.constant 6 : i32
        %add3A_993 = arith.addi %add3A_269, %add3A_992 : i32
        %get3A_994 = arith.index_cast %add3A_993 : i32 to index
        %get3A_995 = arith.constant 96 : index
        %get3A_996 = tpu.vector_load %arg11[%get3A_994, %get3A_995] {strides = array<i32>} : memref<128x128xf32, #tpu.memory_space<vmem>>, vector<16xf32>,
        %add3A_997 = arith.constant 6 : i32
        %add3A_998 = arith.addi %add3A_269, %add3A_997 : i32
        %get3A_999 = arith.index_cast %add3A_998 : i32 to index
        %get3A_1000 = arith.constant 112 : index
        %get3A_1001 = tpu.vector_load %arg11[%get3A_999, %get3A_1000] {strides = array<i32>} : memref<128x128xf32, #tpu.memory_space<vmem>>, vector<16xf32>,
        %get3A_1002 = arith.index_cast %squeeze3A_961 : i32 to index
        %get3A_1003 = arith.constant 0 : index
        %get3A_1004 = tpu.vector_load %arg13[%get3A_1002, %get3A_1003] {strides = array<i32>} : memref<32x128xf32, #tpu.memory_space<vmem>>, vector<16xf32>,
        %get3A_1005 = arith.index_cast %squeeze3A_961 : i32 to index
        %get3A_1006 = arith.constant 16 : index
        %get3A_1007 = tpu.vector_load %arg13[%get3A_1005, %get3A_1006] {strides = array<i32>} : memref<32x128xf32, #tpu.memory_space<vmem>>, vector<16xf32>,
        %get3A_1008 = arith.index_cast %squeeze3A_961 : i32 to index
        %get3A_1009 = arith.constant 32 : index
        %get3A_1010 = tpu.vector_load %arg13[%get3A_1008, %get3A_1009] {strides = array<i32>} : memref<32x128xf32, #tpu.memory_space<vmem>>, vector<16xf32>,
        %get3A_1011 = arith.index_cast %squeeze3A_961 : i32 to index
        %get3A_1012 = arith.constant 48 : index
        %get3A_1013 = tpu.vector_load %arg13[%get3A_1011, %get3A_1012] {strides = array<i32>} : memref<32x128xf32, #tpu.memory_space<vmem>>, vector<16xf32>,
        %get3A_1014 = arith.index_cast %squeeze3A_961 : i32 to index
        %get3A_1015 = arith.constant 64 : index
        %get3A_1016 = tpu.vector_load %arg13[%get3A_1014, %get3A_1015] {strides = array<i32>} : memref<32x128xf32, #tpu.memory_space<vmem>>, vector<16xf32>,
        %get3A_1017 = arith.index_cast %squeeze3A_961 : i32 to index
        %get3A_1018 = arith.constant 80 : index
        %get3A_1019 = tpu.vector_load %arg13[%get3A_1017, %get3A_1018] {strides = array<i32>} : memref<32x128xf32, #tpu.memory_space<vmem>>, vector<16xf32>,
        %get3A_1020 = arith.index_cast %squeeze3A_961 : i32 to index
        %get3A_1021 = arith.constant 96 : index
        %get3A_1022 = tpu.vector_load %arg13[%get3A_1020, %get3A_1021] {strides = array<i32>} : memref<32x128xf32, #tpu.memory_space<vmem>>, vector<16xf32>,
        %get3A_1023 = arith.index_cast %squeeze3A_961 : i32 to index
        %get3A_1024 = arith.constant 112 : index
        %get3A_1025 = tpu.vector_load %arg13[%get3A_1023, %get3A_1024] {strides = array<i32>} : memref<32x128xf32, #tpu.memory_space<vmem>>, vector<16xf32>,
        %mul3A_1026 = arith.mulf %get3A_966, %get3A_1004 : vector<16xf32>
        %add3A_1027 = arith.constant 6 : i32
        %add3A_1028 = arith.addi %add3A_269, %add3A_1027 : i32
        %swap3A_1029 = arith.index_cast %add3A_1028 : i32 to index
        %swap3A_1030 = arith.constant 0 : index
        %swap3A_1031 = tpu.vector_load %arg11[%swap3A_1029, %swap3A_1030] {strides = array<i32>} : memref<128x128xf32, #tpu.memory_space<vmem>>, vector<16xf32>,
        tpu.vector_store %arg11[%swap3A_1029, %swap3A_1030], %mul3A_1026 {strides = array<i32>} : memref<128x128xf32, #tpu.memory_space<vmem>>, vector<16xf32>,
        %mul3A_1032 = arith.mulf %get3A_971, %get3A_1007 : vector<16xf32>
        %add3A_1033 = arith.constant 6 : i32
        %add3A_1034 = arith.addi %add3A_269, %add3A_1033 : i32
        %swap3A_1035 = arith.index_cast %add3A_1034 : i32 to index
        %swap3A_1036 = arith.constant 16 : index
        %swap3A_1037 = tpu.vector_load %arg11[%swap3A_1035, %swap3A_1036] {strides = array<i32>} : memref<128x128xf32, #tpu.memory_space<vmem>>, vector<16xf32>,
        tpu.vector_store %arg11[%swap3A_1035, %swap3A_1036], %mul3A_1032 {strides = array<i32>} : memref<128x128xf32, #tpu.memory_space<vmem>>, vector<16xf32>,
        %mul3A_1038 = arith.mulf %get3A_976, %get3A_1010 : vector<16xf32>
        %add3A_1039 = arith.constant 6 : i32
        %add3A_1040 = arith.addi %add3A_269, %add3A_1039 : i32
        %swap3A_1041 = arith.index_cast %add3A_1040 : i32 to index
        %swap3A_1042 = arith.constant 32 : index
        %swap3A_1043 = tpu.vector_load %arg11[%swap3A_1041, %swap3A_1042] {strides = array<i32>} : memref<128x128xf32, #tpu.memory_space<vmem>>, vector<16xf32>,
        tpu.vector_store %arg11[%swap3A_1041, %swap3A_1042], %mul3A_1038 {strides = array<i32>} : memref<128x128xf32, #tpu.memory_space<vmem>>, vector<16xf32>,
        %mul3A_1044 = arith.mulf %get3A_981, %get3A_1013 : vector<16xf32>
        %add3A_1045 = arith.constant 6 : i32
        %add3A_1046 = arith.addi %add3A_269, %add3A_1045 : i32
        %swap3A_1047 = arith.index_cast %add3A_1046 : i32 to index
        %swap3A_1048 = arith.constant 48 : index
        %swap3A_1049 = tpu.vector_load %arg11[%swap3A_1047, %swap3A_1048] {strides = array<i32>} : memref<128x128xf32, #tpu.memory_space<vmem>>, vector<16xf32>,
        tpu.vector_store %arg11[%swap3A_1047, %swap3A_1048], %mul3A_1044 {strides = array<i32>} : memref<128x128xf32, #tpu.memory_space<vmem>>, vector<16xf32>,
        %mul3A_1050 = arith.mulf %get3A_986, %get3A_1016 : vector<16xf32>
        %add3A_1051 = arith.constant 6 : i32
        %add3A_1052 = arith.addi %add3A_269, %add3A_1051 : i32
        %swap3A_1053 = arith.index_cast %add3A_1052 : i32 to index
        %swap3A_1054 = arith.constant 64 : index
        %swap3A_1055 = tpu.vector_load %arg11[%swap3A_1053, %swap3A_1054] {strides = array<i32>} : memref<128x128xf32, #tpu.memory_space<vmem>>, vector<16xf32>,
        tpu.vector_store %arg11[%swap3A_1053, %swap3A_1054], %mul3A_1050 {strides = array<i32>} : memref<128x128xf32, #tpu.memory_space<vmem>>, vector<16xf32>,
        %mul3A_1056 = arith.mulf %get3A_991, %get3A_1019 : vector<16xf32>
        %add3A_1057 = arith.constant 6 : i32
        %add3A_1058 = arith.addi %add3A_269, %add3A_1057 : i32
        %swap3A_1059 = arith.index_cast %add3A_1058 : i32 to index
        %swap3A_1060 = arith.constant 80 : index
        %swap3A_1061 = tpu.vector_load %arg11[%swap3A_1059, %swap3A_1060] {strides = array<i32>} : memref<128x128xf32, #tpu.memory_space<vmem>>, vector<16xf32>,
        tpu.vector_store %arg11[%swap3A_1059, %swap3A_1060], %mul3A_1056 {strides = array<i32>} : memref<128x128xf32, #tpu.memory_space<vmem>>, vector<16xf32>,
        %mul3A_1062 = arith.mulf %get3A_996, %get3A_1022 : vector<16xf32>
        %add3A_1063 = arith.constant 6 : i32
        %add3A_1064 = arith.addi %add3A_269, %add3A_1063 : i32
        %swap3A_1065 = arith.index_cast %add3A_1064 : i32 to index
        %swap3A_1066 = arith.constant 96 : index
        %swap3A_1067 = tpu.vector_load %arg11[%swap3A_1065, %swap3A_1066] {strides = array<i32>} : memref<128x128xf32, #tpu.memory_space<vmem>>, vector<16xf32>,
        tpu.vector_store %arg11[%swap3A_1065, %swap3A_1066], %mul3A_1062 {strides = array<i32>} : memref<128x128xf32, #tpu.memory_space<vmem>>, vector<16xf32>,
        %mul3A_1068 = arith.mulf %get3A_1001, %get3A_1025 : vector<16xf32>
        %add3A_1069 = arith.constant 6 : i32
        %add3A_1070 = arith.addi %add3A_269, %add3A_1069 : i32
        %swap3A_1071 = arith.index_cast %add3A_1070 : i32 to index
        %swap3A_1072 = arith.constant 112 : index
        %swap3A_1073 = tpu.vector_load %arg11[%swap3A_1071, %swap3A_1072] {strides = array<i32>} : memref<128x128xf32, #tpu.memory_space<vmem>>, vector<16xf32>,
        tpu.vector_store %arg11[%swap3A_1071, %swap3A_1072], %mul3A_1068 {strides = array<i32>} : memref<128x128xf32, #tpu.memory_space<vmem>>, vector<16xf32>,
        %slice3A_1074 = vector.extract_strided_slice %get3A_273 {offsets = [7], sizes = [1], strides = [1]} : vector<16xi32> to vector<1xi32>
        %squeeze3A_1075 = vector.extract %slice3A_1074[0] : i32 from vector<1xi32>
        %add3A_1076 = arith.constant 7 : i32
        %add3A_1077 = arith.addi %add3A_269, %add3A_1076 : i32
        %get3A_1078 = arith.index_cast %add3A_1077 : i32 to index
        %get3A_1079 = arith.constant 0 : index
        %get3A_1080 = tpu.vector_load %arg11[%get3A_1078, %get3A_1079] {strides = array<i32>} : memref<128x128xf32, #tpu.memory_space<vmem>>, vector<16xf32>,
        %add3A_1081 = arith.constant 7 : i32
        %add3A_1082 = arith.addi %add3A_269, %add3A_1081 : i32
        %get3A_1083 = arith.index_cast %add3A_1082 : i32 to index
        %get3A_1084 = arith.constant 16 : index
        %get3A_1085 = tpu.vector_load %arg11[%get3A_1083, %get3A_1084] {strides = array<i32>} : memref<128x128xf32, #tpu.memory_space<vmem>>, vector<16xf32>,
        %add3A_1086 = arith.constant 7 : i32
        %add3A_1087 = arith.addi %add3A_269, %add3A_1086 : i32
        %get3A_1088 = arith.index_cast %add3A_1087 : i32 to index
        %get3A_1089 = arith.constant 32 : index
        %get3A_1090 = tpu.vector_load %arg11[%get3A_1088, %get3A_1089] {strides = array<i32>} : memref<128x128xf32, #tpu.memory_space<vmem>>, vector<16xf32>,
        %add3A_1091 = arith.constant 7 : i32
        %add3A_1092 = arith.addi %add3A_269, %add3A_1091 : i32
        %get3A_1093 = arith.index_cast %add3A_1092 : i32 to index
        %get3A_1094 = arith.constant 48 : index
        %get3A_1095 = tpu.vector_load %arg11[%get3A_1093, %get3A_1094] {strides = array<i32>} : memref<128x128xf32, #tpu.memory_space<vmem>>, vector<16xf32>,
        %add3A_1096 = arith.constant 7 : i32
        %add3A_1097 = arith.addi %add3A_269, %add3A_1096 : i32
        %get3A_1098 = arith.index_cast %add3A_1097 : i32 to index
        %get3A_1099 = arith.constant 64 : index
        %get3A_1100 = tpu.vector_load %arg11[%get3A_1098, %get3A_1099] {strides = array<i32>} : memref<128x128xf32, #tpu.memory_space<vmem>>, vector<16xf32>,
        %add3A_1101 = arith.constant 7 : i32
        %add3A_1102 = arith.addi %add3A_269, %add3A_1101 : i32
        %get3A_1103 = arith.index_cast %add3A_1102 : i32 to index
        %get3A_1104 = arith.constant 80 : index
        %get3A_1105 = tpu.vector_load %arg11[%get3A_1103, %get3A_1104] {strides = array<i32>} : memref<128x128xf32, #tpu.memory_space<vmem>>, vector<16xf32>,
        %add3A_1106 = arith.constant 7 : i32
        %add3A_1107 = arith.addi %add3A_269, %add3A_1106 : i32
        %get3A_1108 = arith.index_cast %add3A_1107 : i32 to index
        %get3A_1109 = arith.constant 96 : index
        %get3A_1110 = tpu.vector_load %arg11[%get3A_1108, %get3A_1109] {strides = array<i32>} : memref<128x128xf32, #tpu.memory_space<vmem>>, vector<16xf32>,
        %add3A_1111 = arith.constant 7 : i32
        %add3A_1112 = arith.addi %add3A_269, %add3A_1111 : i32
        %get3A_1113 = arith.index_cast %add3A_1112 : i32 to index
        %get3A_1114 = arith.constant 112 : index
        %get3A_1115 = tpu.vector_load %arg11[%get3A_1113, %get3A_1114] {strides = array<i32>} : memref<128x128xf32, #tpu.memory_space<vmem>>, vector<16xf32>,
        %get3A_1116 = arith.index_cast %squeeze3A_1075 : i32 to index
        %get3A_1117 = arith.constant 0 : index
        %get3A_1118 = tpu.vector_load %arg13[%get3A_1116, %get3A_1117] {strides = array<i32>} : memref<32x128xf32, #tpu.memory_space<vmem>>, vector<16xf32>,
        %get3A_1119 = arith.index_cast %squeeze3A_1075 : i32 to index
        %get3A_1120 = arith.constant 16 : index
        %get3A_1121 = tpu.vector_load %arg13[%get3A_1119, %get3A_1120] {strides = array<i32>} : memref<32x128xf32, #tpu.memory_space<vmem>>, vector<16xf32>,
        %get3A_1122 = arith.index_cast %squeeze3A_1075 : i32 to index
        %get3A_1123 = arith.constant 32 : index
        %get3A_1124 = tpu.vector_load %arg13[%get3A_1122, %get3A_1123] {strides = array<i32>} : memref<32x128xf32, #tpu.memory_space<vmem>>, vector<16xf32>,
        %get3A_1125 = arith.index_cast %squeeze3A_1075 : i32 to index
        %get3A_1126 = arith.constant 48 : index
        %get3A_1127 = tpu.vector_load %arg13[%get3A_1125, %get3A_1126] {strides = array<i32>} : memref<32x128xf32, #tpu.memory_space<vmem>>, vector<16xf32>,
        %get3A_1128 = arith.index_cast %squeeze3A_1075 : i32 to index
        %get3A_1129 = arith.constant 64 : index
        %get3A_1130 = tpu.vector_load %arg13[%get3A_1128, %get3A_1129] {strides = array<i32>} : memref<32x128xf32, #tpu.memory_space<vmem>>, vector<16xf32>,
        %get3A_1131 = arith.index_cast %squeeze3A_1075 : i32 to index
        %get3A_1132 = arith.constant 80 : index
        %get3A_1133 = tpu.vector_load %arg13[%get3A_1131, %get3A_1132] {strides = array<i32>} : memref<32x128xf32, #tpu.memory_space<vmem>>, vector<16xf32>,
        %get3A_1134 = arith.index_cast %squeeze3A_1075 : i32 to index
        %get3A_1135 = arith.constant 96 : index
        %get3A_1136 = tpu.vector_load %arg13[%get3A_1134, %get3A_1135] {strides = array<i32>} : memref<32x128xf32, #tpu.memory_space<vmem>>, vector<16xf32>,
        %get3A_1137 = arith.index_cast %squeeze3A_1075 : i32 to index
        %get3A_1138 = arith.constant 112 : index
        %get3A_1139 = tpu.vector_load %arg13[%get3A_1137, %get3A_1138] {strides = array<i32>} : memref<32x128xf32, #tpu.memory_space<vmem>>, vector<16xf32>,
        %mul3A_1140 = arith.mulf %get3A_1080, %get3A_1118 : vector<16xf32>
        %add3A_1141 = arith.constant 7 : i32
        %add3A_1142 = arith.addi %add3A_269, %add3A_1141 : i32
        %swap3A_1143 = arith.index_cast %add3A_1142 : i32 to index
        %swap3A_1144 = arith.constant 0 : index
        %swap3A_1145 = tpu.vector_load %arg11[%swap3A_1143, %swap3A_1144] {strides = array<i32>} : memref<128x128xf32, #tpu.memory_space<vmem>>, vector<16xf32>,
        tpu.vector_store %arg11[%swap3A_1143, %swap3A_1144], %mul3A_1140 {strides = array<i32>} : memref<128x128xf32, #tpu.memory_space<vmem>>, vector<16xf32>,
        %mul3A_1146 = arith.mulf %get3A_1085, %get3A_1121 : vector<16xf32>
        %add3A_1147 = arith.constant 7 : i32
        %add3A_1148 = arith.addi %add3A_269, %add3A_1147 : i32
        %swap3A_1149 = arith.index_cast %add3A_1148 : i32 to index
        %swap3A_1150 = arith.constant 16 : index
        %swap3A_1151 = tpu.vector_load %arg11[%swap3A_1149, %swap3A_1150] {strides = array<i32>} : memref<128x128xf32, #tpu.memory_space<vmem>>, vector<16xf32>,
        tpu.vector_store %arg11[%swap3A_1149, %swap3A_1150], %mul3A_1146 {strides = array<i32>} : memref<128x128xf32, #tpu.memory_space<vmem>>, vector<16xf32>,
        %mul3A_1152 = arith.mulf %get3A_1090, %get3A_1124 : vector<16xf32>
        %add3A_1153 = arith.constant 7 : i32
        %add3A_1154 = arith.addi %add3A_269, %add3A_1153 : i32
        %swap3A_1155 = arith.index_cast %add3A_1154 : i32 to index
        %swap3A_1156 = arith.constant 32 : index
        %swap3A_1157 = tpu.vector_load %arg11[%swap3A_1155, %swap3A_1156] {strides = array<i32>} : memref<128x128xf32, #tpu.memory_space<vmem>>, vector<16xf32>,
        tpu.vector_store %arg11[%swap3A_1155, %swap3A_1156], %mul3A_1152 {strides = array<i32>} : memref<128x128xf32, #tpu.memory_space<vmem>>, vector<16xf32>,
        %mul3A_1158 = arith.mulf %get3A_1095, %get3A_1127 : vector<16xf32>
        %add3A_1159 = arith.constant 7 : i32
        %add3A_1160 = arith.addi %add3A_269, %add3A_1159 : i32
        %swap3A_1161 = arith.index_cast %add3A_1160 : i32 to index
        %swap3A_1162 = arith.constant 48 : index
        %swap3A_1163 = tpu.vector_load %arg11[%swap3A_1161, %swap3A_1162] {strides = array<i32>} : memref<128x128xf32, #tpu.memory_space<vmem>>, vector<16xf32>,
        tpu.vector_store %arg11[%swap3A_1161, %swap3A_1162], %mul3A_1158 {strides = array<i32>} : memref<128x128xf32, #tpu.memory_space<vmem>>, vector<16xf32>,
        %mul3A_1164 = arith.mulf %get3A_1100, %get3A_1130 : vector<16xf32>
        %add3A_1165 = arith.constant 7 : i32
        %add3A_1166 = arith.addi %add3A_269, %add3A_1165 : i32
        %swap3A_1167 = arith.index_cast %add3A_1166 : i32 to index
        %swap3A_1168 = arith.constant 64 : index
        %swap3A_1169 = tpu.vector_load %arg11[%swap3A_1167, %swap3A_1168] {strides = array<i32>} : memref<128x128xf32, #tpu.memory_space<vmem>>, vector<16xf32>,
        tpu.vector_store %arg11[%swap3A_1167, %swap3A_1168], %mul3A_1164 {strides = array<i32>} : memref<128x128xf32, #tpu.memory_space<vmem>>, vector<16xf32>,
        %mul3A_1170 = arith.mulf %get3A_1105, %get3A_1133 : vector<16xf32>
        %add3A_1171 = arith.constant 7 : i32
        %add3A_1172 = arith.addi %add3A_269, %add3A_1171 : i32
        %swap3A_1173 = arith.index_cast %add3A_1172 : i32 to index
        %swap3A_1174 = arith.constant 80 : index
        %swap3A_1175 = tpu.vector_load %arg11[%swap3A_1173, %swap3A_1174] {strides = array<i32>} : memref<128x128xf32, #tpu.memory_space<vmem>>, vector<16xf32>,
        tpu.vector_store %arg11[%swap3A_1173, %swap3A_1174], %mul3A_1170 {strides = array<i32>} : memref<128x128xf32, #tpu.memory_space<vmem>>, vector<16xf32>,
        %mul3A_1176 = arith.mulf %get3A_1110, %get3A_1136 : vector<16xf32>
        %add3A_1177 = arith.constant 7 : i32
        %add3A_1178 = arith.addi %add3A_269, %add3A_1177 : i32
        %swap3A_1179 = arith.index_cast %add3A_1178 : i32 to index
        %swap3A_1180 = arith.constant 96 : index
        %swap3A_1181 = tpu.vector_load %arg11[%swap3A_1179, %swap3A_1180] {strides = array<i32>} : memref<128x128xf32, #tpu.memory_space<vmem>>, vector<16xf32>,
        tpu.vector_store %arg11[%swap3A_1179, %swap3A_1180], %mul3A_1176 {strides = array<i32>} : memref<128x128xf32, #tpu.memory_space<vmem>>, vector<16xf32>,
        %mul3A_1182 = arith.mulf %get3A_1115, %get3A_1139 : vector<16xf32>
        %add3A_1183 = arith.constant 7 : i32
        %add3A_1184 = arith.addi %add3A_269, %add3A_1183 : i32
        %swap3A_1185 = arith.index_cast %add3A_1184 : i32 to index
        %swap3A_1186 = arith.constant 112 : index
        %swap3A_1187 = tpu.vector_load %arg11[%swap3A_1185, %swap3A_1186] {strides = array<i32>} : memref<128x128xf32, #tpu.memory_space<vmem>>, vector<16xf32>,
        tpu.vector_store %arg11[%swap3A_1185, %swap3A_1186], %mul3A_1182 {strides = array<i32>} : memref<128x128xf32, #tpu.memory_space<vmem>>, vector<16xf32>,
        %slice3A_1188 = vector.extract_strided_slice %get3A_273 {offsets = [8], sizes = [1], strides = [1]} : vector<16xi32> to vector<1xi32>
        %squeeze3A_1189 = vector.extract %slice3A_1188[0] : i32 from vector<1xi32>
        %add3A_1190 = arith.constant 8 : i32
        %add3A_1191 = arith.addi %add3A_269, %add3A_1190 : i32
        %get3A_1192 = arith.index_cast %add3A_1191 : i32 to index
        %get3A_1193 = arith.constant 0 : index
        %get3A_1194 = tpu.vector_load %arg11[%get3A_1192, %get3A_1193] {strides = array<i32>} : memref<128x128xf32, #tpu.memory_space<vmem>>, vector<16xf32>,
        %add3A_1195 = arith.constant 8 : i32
        %add3A_1196 = arith.addi %add3A_269, %add3A_1195 : i32
        %get3A_1197 = arith.index_cast %add3A_1196 : i32 to index
        %get3A_1198 = arith.constant 16 : index
        %get3A_1199 = tpu.vector_load %arg11[%get3A_1197, %get3A_1198] {strides = array<i32>} : memref<128x128xf32, #tpu.memory_space<vmem>>, vector<16xf32>,
        %add3A_1200 = arith.constant 8 : i32
        %add3A_1201 = arith.addi %add3A_269, %add3A_1200 : i32
        %get3A_1202 = arith.index_cast %add3A_1201 : i32 to index
        %get3A_1203 = arith.constant 32 : index
        %get3A_1204 = tpu.vector_load %arg11[%get3A_1202, %get3A_1203] {strides = array<i32>} : memref<128x128xf32, #tpu.memory_space<vmem>>, vector<16xf32>,
        %add3A_1205 = arith.constant 8 : i32
        %add3A_1206 = arith.addi %add3A_269, %add3A_1205 : i32
        %get3A_1207 = arith.index_cast %add3A_1206 : i32 to index
        %get3A_1208 = arith.constant 48 : index
        %get3A_1209 = tpu.vector_load %arg11[%get3A_1207, %get3A_1208] {strides = array<i32>} : memref<128x128xf32, #tpu.memory_space<vmem>>, vector<16xf32>,
        %add3A_1210 = arith.constant 8 : i32
        %add3A_1211 = arith.addi %add3A_269, %add3A_1210 : i32
        %get3A_1212 = arith.index_cast %add3A_1211 : i32 to index
        %get3A_1213 = arith.constant 64 : index
        %get3A_1214 = tpu.vector_load %arg11[%get3A_1212, %get3A_1213] {strides = array<i32>} : memref<128x128xf32, #tpu.memory_space<vmem>>, vector<16xf32>,
        %add3A_1215 = arith.constant 8 : i32
        %add3A_1216 = arith.addi %add3A_269, %add3A_1215 : i32
        %get3A_1217 = arith.index_cast %add3A_1216 : i32 to index
        %get3A_1218 = arith.constant 80 : index
        %get3A_1219 = tpu.vector_load %arg11[%get3A_1217, %get3A_1218] {strides = array<i32>} : memref<128x128xf32, #tpu.memory_space<vmem>>, vector<16xf32>,
        %add3A_1220 = arith.constant 8 : i32
        %add3A_1221 = arith.addi %add3A_269, %add3A_1220 : i32
        %get3A_1222 = arith.index_cast %add3A_1221 : i32 to index
        %get3A_1223 = arith.constant 96 : index
        %get3A_1224 = tpu.vector_load %arg11[%get3A_1222, %get3A_1223] {strides = array<i32>} : memref<128x128xf32, #tpu.memory_space<vmem>>, vector<16xf32>,
        %add3A_1225 = arith.constant 8 : i32
        %add3A_1226 = arith.addi %add3A_269, %add3A_1225 : i32
        %get3A_1227 = arith.index_cast %add3A_1226 : i32 to index
        %get3A_1228 = arith.constant 112 : index
        %get3A_1229 = tpu.vector_load %arg11[%get3A_1227, %get3A_1228] {strides = array<i32>} : memref<128x128xf32, #tpu.memory_space<vmem>>, vector<16xf32>,
        %get3A_1230 = arith.index_cast %squeeze3A_1189 : i32 to index
        %get3A_1231 = arith.constant 0 : index
        %get3A_1232 = tpu.vector_load %arg13[%get3A_1230, %get3A_1231] {strides = array<i32>} : memref<32x128xf32, #tpu.memory_space<vmem>>, vector<16xf32>,
        %get3A_1233 = arith.index_cast %squeeze3A_1189 : i32 to index
        %get3A_1234 = arith.constant 16 : index
        %get3A_1235 = tpu.vector_load %arg13[%get3A_1233, %get3A_1234] {strides = array<i32>} : memref<32x128xf32, #tpu.memory_space<vmem>>, vector<16xf32>,
        %get3A_1236 = arith.index_cast %squeeze3A_1189 : i32 to index
        %get3A_1237 = arith.constant 32 : index
        %get3A_1238 = tpu.vector_load %arg13[%get3A_1236, %get3A_1237] {strides = array<i32>} : memref<32x128xf32, #tpu.memory_space<vmem>>, vector<16xf32>,
        %get3A_1239 = arith.index_cast %squeeze3A_1189 : i32 to index
        %get3A_1240 = arith.constant 48 : index
        %get3A_1241 = tpu.vector_load %arg13[%get3A_1239, %get3A_1240] {strides = array<i32>} : memref<32x128xf32, #tpu.memory_space<vmem>>, vector<16xf32>,
        %get3A_1242 = arith.index_cast %squeeze3A_1189 : i32 to index
        %get3A_1243 = arith.constant 64 : index
        %get3A_1244 = tpu.vector_load %arg13[%get3A_1242, %get3A_1243] {strides = array<i32>} : memref<32x128xf32, #tpu.memory_space<vmem>>, vector<16xf32>,
        %get3A_1245 = arith.index_cast %squeeze3A_1189 : i32 to index
        %get3A_1246 = arith.constant 80 : index
        %get3A_1247 = tpu.vector_load %arg13[%get3A_1245, %get3A_1246] {strides = array<i32>} : memref<32x128xf32, #tpu.memory_space<vmem>>, vector<16xf32>,
        %get3A_1248 = arith.index_cast %squeeze3A_1189 : i32 to index
        %get3A_1249 = arith.constant 96 : index
        %get3A_1250 = tpu.vector_load %arg13[%get3A_1248, %get3A_1249] {strides = array<i32>} : memref<32x128xf32, #tpu.memory_space<vmem>>, vector<16xf32>,
        %get3A_1251 = arith.index_cast %squeeze3A_1189 : i32 to index
        %get3A_1252 = arith.constant 112 : index
        %get3A_1253 = tpu.vector_load %arg13[%get3A_1251, %get3A_1252] {strides = array<i32>} : memref<32x128xf32, #tpu.memory_space<vmem>>, vector<16xf32>,
        %mul3A_1254 = arith.mulf %get3A_1194, %get3A_1232 : vector<16xf32>
        %add3A_1255 = arith.constant 8 : i32
        %add3A_1256 = arith.addi %add3A_269, %add3A_1255 : i32
        %swap3A_1257 = arith.index_cast %add3A_1256 : i32 to index
        %swap3A_1258 = arith.constant 0 : index
        %swap3A_1259 = tpu.vector_load %arg11[%swap3A_1257, %swap3A_1258] {strides = array<i32>} : memref<128x128xf32, #tpu.memory_space<vmem>>, vector<16xf32>,
        tpu.vector_store %arg11[%swap3A_1257, %swap3A_1258], %mul3A_1254 {strides = array<i32>} : memref<128x128xf32, #tpu.memory_space<vmem>>, vector<16xf32>,
        %mul3A_1260 = arith.mulf %get3A_1199, %get3A_1235 : vector<16xf32>
        %add3A_1261 = arith.constant 8 : i32
        %add3A_1262 = arith.addi %add3A_269, %add3A_1261 : i32
        %swap3A_1263 = arith.index_cast %add3A_1262 : i32 to index
        %swap3A_1264 = arith.constant 16 : index
        %swap3A_1265 = tpu.vector_load %arg11[%swap3A_1263, %swap3A_1264] {strides = array<i32>} : memref<128x128xf32, #tpu.memory_space<vmem>>, vector<16xf32>,
        tpu.vector_store %arg11[%swap3A_1263, %swap3A_1264], %mul3A_1260 {strides = array<i32>} : memref<128x128xf32, #tpu.memory_space<vmem>>, vector<16xf32>,
        %mul3A_1266 = arith.mulf %get3A_1204, %get3A_1238 : vector<16xf32>
        %add3A_1267 = arith.constant 8 : i32
        %add3A_1268 = arith.addi %add3A_269, %add3A_1267 : i32
        %swap3A_1269 = arith.index_cast %add3A_1268 : i32 to index
        %swap3A_1270 = arith.constant 32 : index
        %swap3A_1271 = tpu.vector_load %arg11[%swap3A_1269, %swap3A_1270] {strides = array<i32>} : memref<128x128xf32, #tpu.memory_space<vmem>>, vector<16xf32>,
        tpu.vector_store %arg11[%swap3A_1269, %swap3A_1270], %mul3A_1266 {strides = array<i32>} : memref<128x128xf32, #tpu.memory_space<vmem>>, vector<16xf32>,
        %mul3A_1272 = arith.mulf %get3A_1209, %get3A_1241 : vector<16xf32>
        %add3A_1273 = arith.constant 8 : i32
        %add3A_1274 = arith.addi %add3A_269, %add3A_1273 : i32
        %swap3A_1275 = arith.index_cast %add3A_1274 : i32 to index
        %swap3A_1276 = arith.constant 48 : index
        %swap3A_1277 = tpu.vector_load %arg11[%swap3A_1275, %swap3A_1276] {strides = array<i32>} : memref<128x128xf32, #tpu.memory_space<vmem>>, vector<16xf32>,
        tpu.vector_store %arg11[%swap3A_1275, %swap3A_1276], %mul3A_1272 {strides = array<i32>} : memref<128x128xf32, #tpu.memory_space<vmem>>, vector<16xf32>,
        %mul3A_1278 = arith.mulf %get3A_1214, %get3A_1244 : vector<16xf32>
        %add3A_1279 = arith.constant 8 : i32
        %add3A_1280 = arith.addi %add3A_269, %add3A_1279 : i32
        %swap3A_1281 = arith.index_cast %add3A_1280 : i32 to index
        %swap3A_1282 = arith.constant 64 : index
        %swap3A_1283 = tpu.vector_load %arg11[%swap3A_1281, %swap3A_1282] {strides = array<i32>} : memref<128x128xf32, #tpu.memory_space<vmem>>, vector<16xf32>,
        tpu.vector_store %arg11[%swap3A_1281, %swap3A_1282], %mul3A_1278 {strides = array<i32>} : memref<128x128xf32, #tpu.memory_space<vmem>>, vector<16xf32>,
        %mul3A_1284 = arith.mulf %get3A_1219, %get3A_1247 : vector<16xf32>
        %add3A_1285 = arith.constant 8 : i32
        %add3A_1286 = arith.addi %add3A_269, %add3A_1285 : i32
        %swap3A_1287 = arith.index_cast %add3A_1286 : i32 to index
        %swap3A_1288 = arith.constant 80 : index
        %swap3A_1289 = tpu.vector_load %arg11[%swap3A_1287, %swap3A_1288] {strides = array<i32>} : memref<128x128xf32, #tpu.memory_space<vmem>>, vector<16xf32>,
        tpu.vector_store %arg11[%swap3A_1287, %swap3A_1288], %mul3A_1284 {strides = array<i32>} : memref<128x128xf32, #tpu.memory_space<vmem>>, vector<16xf32>,
        %mul3A_1290 = arith.mulf %get3A_1224, %get3A_1250 : vector<16xf32>
        %add3A_1291 = arith.constant 8 : i32
        %add3A_1292 = arith.addi %add3A_269, %add3A_1291 : i32
        %swap3A_1293 = arith.index_cast %add3A_1292 : i32 to index
        %swap3A_1294 = arith.constant 96 : index
        %swap3A_1295 = tpu.vector_load %arg11[%swap3A_1293, %swap3A_1294] {strides = array<i32>} : memref<128x128xf32, #tpu.memory_space<vmem>>, vector<16xf32>,
        tpu.vector_store %arg11[%swap3A_1293, %swap3A_1294], %mul3A_1290 {strides = array<i32>} : memref<128x128xf32, #tpu.memory_space<vmem>>, vector<16xf32>,
        %mul3A_1296 = arith.mulf %get3A_1229, %get3A_1253 : vector<16xf32>
        %add3A_1297 = arith.constant 8 : i32
        %add3A_1298 = arith.addi %add3A_269, %add3A_1297 : i32
        %swap3A_1299 = arith.index_cast %add3A_1298 : i32 to index
        %swap3A_1300 = arith.constant 112 : index
        %swap3A_1301 = tpu.vector_load %arg11[%swap3A_1299, %swap3A_1300] {strides = array<i32>} : memref<128x128xf32, #tpu.memory_space<vmem>>, vector<16xf32>,
        tpu.vector_store %arg11[%swap3A_1299, %swap3A_1300], %mul3A_1296 {strides = array<i32>} : memref<128x128xf32, #tpu.memory_space<vmem>>, vector<16xf32>,
        %slice3A_1302 = vector.extract_strided_slice %get3A_273 {offsets = [9], sizes = [1], strides = [1]} : vector<16xi32> to vector<1xi32>
        %squeeze3A_1303 = vector.extract %slice3A_1302[0] : i32 from vector<1xi32>
        %add3A_1304 = arith.constant 9 : i32
        %add3A_1305 = arith.addi %add3A_269, %add3A_1304 : i32
        %get3A_1306 = arith.index_cast %add3A_1305 : i32 to index
        %get3A_1307 = arith.constant 0 : index
        %get3A_1308 = tpu.vector_load %arg11[%get3A_1306, %get3A_1307] {strides = array<i32>} : memref<128x128xf32, #tpu.memory_space<vmem>>, vector<16xf32>,
        %add3A_1309 = arith.constant 9 : i32
        %add3A_1310 = arith.addi %add3A_269, %add3A_1309 : i32
        %get3A_1311 = arith.index_cast %add3A_1310 : i32 to index
        %get3A_1312 = arith.constant 16 : index
        %get3A_1313 = tpu.vector_load %arg11[%get3A_1311, %get3A_1312] {strides = array<i32>} : memref<128x128xf32, #tpu.memory_space<vmem>>, vector<16xf32>,
        %add3A_1314 = arith.constant 9 : i32
        %add3A_1315 = arith.addi %add3A_269, %add3A_1314 : i32
        %get3A_1316 = arith.index_cast %add3A_1315 : i32 to index
        %get3A_1317 = arith.constant 32 : index
        %get3A_1318 = tpu.vector_load %arg11[%get3A_1316, %get3A_1317] {strides = array<i32>} : memref<128x128xf32, #tpu.memory_space<vmem>>, vector<16xf32>,
        %add3A_1319 = arith.constant 9 : i32
        %add3A_1320 = arith.addi %add3A_269, %add3A_1319 : i32
        %get3A_1321 = arith.index_cast %add3A_1320 : i32 to index
        %get3A_1322 = arith.constant 48 : index
        %get3A_1323 = tpu.vector_load %arg11[%get3A_1321, %get3A_1322] {strides = array<i32>} : memref<128x128xf32, #tpu.memory_space<vmem>>, vector<16xf32>,
        %add3A_1324 = arith.constant 9 : i32
        %add3A_1325 = arith.addi %add3A_269, %add3A_1324 : i32
        %get3A_1326 = arith.index_cast %add3A_1325 : i32 to index
        %get3A_1327 = arith.constant 64 : index
        %get3A_1328 = tpu.vector_load %arg11[%get3A_1326, %get3A_1327] {strides = array<i32>} : memref<128x128xf32, #tpu.memory_space<vmem>>, vector<16xf32>,
        %add3A_1329 = arith.constant 9 : i32
        %add3A_1330 = arith.addi %add3A_269, %add3A_1329 : i32
        %get3A_1331 = arith.index_cast %add3A_1330 : i32 to index
        %get3A_1332 = arith.constant 80 : index
        %get3A_1333 = tpu.vector_load %arg11[%get3A_1331, %get3A_1332] {strides = array<i32>} : memref<128x128xf32, #tpu.memory_space<vmem>>, vector<16xf32>,
        %add3A_1334 = arith.constant 9 : i32
        %add3A_1335 = arith.addi %add3A_269, %add3A_1334 : i32
        %get3A_1336 = arith.index_cast %add3A_1335 : i32 to index
        %get3A_1337 = arith.constant 96 : index
        %get3A_1338 = tpu.vector_load %arg11[%get3A_1336, %get3A_1337] {strides = array<i32>} : memref<128x128xf32, #tpu.memory_space<vmem>>, vector<16xf32>,
        %add3A_1339 = arith.constant 9 : i32
        %add3A_1340 = arith.addi %add3A_269, %add3A_1339 : i32
        %get3A_1341 = arith.index_cast %add3A_1340 : i32 to index
        %get3A_1342 = arith.constant 112 : index
        %get3A_1343 = tpu.vector_load %arg11[%get3A_1341, %get3A_1342] {strides = array<i32>} : memref<128x128xf32, #tpu.memory_space<vmem>>, vector<16xf32>,
        %get3A_1344 = arith.index_cast %squeeze3A_1303 : i32 to index
        %get3A_1345 = arith.constant 0 : index
        %get3A_1346 = tpu.vector_load %arg13[%get3A_1344, %get3A_1345] {strides = array<i32>} : memref<32x128xf32, #tpu.memory_space<vmem>>, vector<16xf32>,
        %get3A_1347 = arith.index_cast %squeeze3A_1303 : i32 to index
        %get3A_1348 = arith.constant 16 : index
        %get3A_1349 = tpu.vector_load %arg13[%get3A_1347, %get3A_1348] {strides = array<i32>} : memref<32x128xf32, #tpu.memory_space<vmem>>, vector<16xf32>,
        %get3A_1350 = arith.index_cast %squeeze3A_1303 : i32 to index
        %get3A_1351 = arith.constant 32 : index
        %get3A_1352 = tpu.vector_load %arg13[%get3A_1350, %get3A_1351] {strides = array<i32>} : memref<32x128xf32, #tpu.memory_space<vmem>>, vector<16xf32>,
        %get3A_1353 = arith.index_cast %squeeze3A_1303 : i32 to index
        %get3A_1354 = arith.constant 48 : index
        %get3A_1355 = tpu.vector_load %arg13[%get3A_1353, %get3A_1354] {strides = array<i32>} : memref<32x128xf32, #tpu.memory_space<vmem>>, vector<16xf32>,
        %get3A_1356 = arith.index_cast %squeeze3A_1303 : i32 to index
        %get3A_1357 = arith.constant 64 : index
        %get3A_1358 = tpu.vector_load %arg13[%get3A_1356, %get3A_1357] {strides = array<i32>} : memref<32x128xf32, #tpu.memory_space<vmem>>, vector<16xf32>,
        %get3A_1359 = arith.index_cast %squeeze3A_1303 : i32 to index
        %get3A_1360 = arith.constant 80 : index
        %get3A_1361 = tpu.vector_load %arg13[%get3A_1359, %get3A_1360] {strides = array<i32>} : memref<32x128xf32, #tpu.memory_space<vmem>>, vector<16xf32>,
        %get3A_1362 = arith.index_cast %squeeze3A_1303 : i32 to index
        %get3A_1363 = arith.constant 96 : index
        %get3A_1364 = tpu.vector_load %arg13[%get3A_1362, %get3A_1363] {strides = array<i32>} : memref<32x128xf32, #tpu.memory_space<vmem>>, vector<16xf32>,
        %get3A_1365 = arith.index_cast %squeeze3A_1303 : i32 to index
        %get3A_1366 = arith.constant 112 : index
        %get3A_1367 = tpu.vector_load %arg13[%get3A_1365, %get3A_1366] {strides = array<i32>} : memref<32x128xf32, #tpu.memory_space<vmem>>, vector<16xf32>,
        %mul3A_1368 = arith.mulf %get3A_1308, %get3A_1346 : vector<16xf32>
        %add3A_1369 = arith.constant 9 : i32
        %add3A_1370 = arith.addi %add3A_269, %add3A_1369 : i32
        %swap3A_1371 = arith.index_cast %add3A_1370 : i32 to index
        %swap3A_1372 = arith.constant 0 : index
        %swap3A_1373 = tpu.vector_load %arg11[%swap3A_1371, %swap3A_1372] {strides = array<i32>} : memref<128x128xf32, #tpu.memory_space<vmem>>, vector<16xf32>,
        tpu.vector_store %arg11[%swap3A_1371, %swap3A_1372], %mul3A_1368 {strides = array<i32>} : memref<128x128xf32, #tpu.memory_space<vmem>>, vector<16xf32>,
        %mul3A_1374 = arith.mulf %get3A_1313, %get3A_1349 : vector<16xf32>
        %add3A_1375 = arith.constant 9 : i32
        %add3A_1376 = arith.addi %add3A_269, %add3A_1375 : i32
        %swap3A_1377 = arith.index_cast %add3A_1376 : i32 to index
        %swap3A_1378 = arith.constant 16 : index
        %swap3A_1379 = tpu.vector_load %arg11[%swap3A_1377, %swap3A_1378] {strides = array<i32>} : memref<128x128xf32, #tpu.memory_space<vmem>>, vector<16xf32>,
        tpu.vector_store %arg11[%swap3A_1377, %swap3A_1378], %mul3A_1374 {strides = array<i32>} : memref<128x128xf32, #tpu.memory_space<vmem>>, vector<16xf32>,
        %mul3A_1380 = arith.mulf %get3A_1318, %get3A_1352 : vector<16xf32>
        %add3A_1381 = arith.constant 9 : i32
        %add3A_1382 = arith.addi %add3A_269, %add3A_1381 : i32
        %swap3A_1383 = arith.index_cast %add3A_1382 : i32 to index
        %swap3A_1384 = arith.constant 32 : index
        %swap3A_1385 = tpu.vector_load %arg11[%swap3A_1383, %swap3A_1384] {strides = array<i32>} : memref<128x128xf32, #tpu.memory_space<vmem>>, vector<16xf32>,
        tpu.vector_store %arg11[%swap3A_1383, %swap3A_1384], %mul3A_1380 {strides = array<i32>} : memref<128x128xf32, #tpu.memory_space<vmem>>, vector<16xf32>,
        %mul3A_1386 = arith.mulf %get3A_1323, %get3A_1355 : vector<16xf32>
        %add3A_1387 = arith.constant 9 : i32
        %add3A_1388 = arith.addi %add3A_269, %add3A_1387 : i32
        %swap3A_1389 = arith.index_cast %add3A_1388 : i32 to index
        %swap3A_1390 = arith.constant 48 : index
        %swap3A_1391 = tpu.vector_load %arg11[%swap3A_1389, %swap3A_1390] {strides = array<i32>} : memref<128x128xf32, #tpu.memory_space<vmem>>, vector<16xf32>,
        tpu.vector_store %arg11[%swap3A_1389, %swap3A_1390], %mul3A_1386 {strides = array<i32>} : memref<128x128xf32, #tpu.memory_space<vmem>>, vector<16xf32>,
        %mul3A_1392 = arith.mulf %get3A_1328, %get3A_1358 : vector<16xf32>
        %add3A_1393 = arith.constant 9 : i32
        %add3A_1394 = arith.addi %add3A_269, %add3A_1393 : i32
        %swap3A_1395 = arith.index_cast %add3A_1394 : i32 to index
        %swap3A_1396 = arith.constant 64 : index
        %swap3A_1397 = tpu.vector_load %arg11[%swap3A_1395, %swap3A_1396] {strides = array<i32>} : memref<128x128xf32, #tpu.memory_space<vmem>>, vector<16xf32>,
        tpu.vector_store %arg11[%swap3A_1395, %swap3A_1396], %mul3A_1392 {strides = array<i32>} : memref<128x128xf32, #tpu.memory_space<vmem>>, vector<16xf32>,
        %mul3A_1398 = arith.mulf %get3A_1333, %get3A_1361 : vector<16xf32>
        %add3A_1399 = arith.constant 9 : i32
        %add3A_1400 = arith.addi %add3A_269, %add3A_1399 : i32
        %swap3A_1401 = arith.index_cast %add3A_1400 : i32 to index
        %swap3A_1402 = arith.constant 80 : index
        %swap3A_1403 = tpu.vector_load %arg11[%swap3A_1401, %swap3A_1402] {strides = array<i32>} : memref<128x128xf32, #tpu.memory_space<vmem>>, vector<16xf32>,
        tpu.vector_store %arg11[%swap3A_1401, %swap3A_1402], %mul3A_1398 {strides = array<i32>} : memref<128x128xf32, #tpu.memory_space<vmem>>, vector<16xf32>,
        %mul3A_1404 = arith.mulf %get3A_1338, %get3A_1364 : vector<16xf32>
        %add3A_1405 = arith.constant 9 : i32
        %add3A_1406 = arith.addi %add3A_269, %add3A_1405 : i32
        %swap3A_1407 = arith.index_cast %add3A_1406 : i32 to index
        %swap3A_1408 = arith.constant 96 : index
        %swap3A_1409 = tpu.vector_load %arg11[%swap3A_1407, %swap3A_1408] {strides = array<i32>} : memref<128x128xf32, #tpu.memory_space<vmem>>, vector<16xf32>,
        tpu.vector_store %arg11[%swap3A_1407, %swap3A_1408], %mul3A_1404 {strides = array<i32>} : memref<128x128xf32, #tpu.memory_space<vmem>>, vector<16xf32>,
        %mul3A_1410 = arith.mulf %get3A_1343, %get3A_1367 : vector<16xf32>
        %add3A_1411 = arith.constant 9 : i32
        %add3A_1412 = arith.addi %add3A_269, %add3A_1411 : i32
        %swap3A_1413 = arith.index_cast %add3A_1412 : i32 to index
        %swap3A_1414 = arith.constant 112 : index
        %swap3A_1415 = tpu.vector_load %arg11[%swap3A_1413, %swap3A_1414] {strides = array<i32>} : memref<128x128xf32, #tpu.memory_space<vmem>>, vector<16xf32>,
        tpu.vector_store %arg11[%swap3A_1413, %swap3A_1414], %mul3A_1410 {strides = array<i32>} : memref<128x128xf32, #tpu.memory_space<vmem>>, vector<16xf32>,
        %slice3A_1416 = vector.extract_strided_slice %get3A_273 {offsets = [10], sizes = [1], strides = [1]} : vector<16xi32> to vector<1xi32>
        %squeeze3A_1417 = vector.extract %slice3A_1416[0] : i32 from vector<1xi32>
        %add3A_1418 = arith.constant 10 : i32
        %add3A_1419 = arith.addi %add3A_269, %add3A_1418 : i32
        %get3A_1420 = arith.index_cast %add3A_1419 : i32 to index
        %get3A_1421 = arith.constant 0 : index
        %get3A_1422 = tpu.vector_load %arg11[%get3A_1420, %get3A_1421] {strides = array<i32>} : memref<128x128xf32, #tpu.memory_space<vmem>>, vector<16xf32>,
        %add3A_1423 = arith.constant 10 : i32
        %add3A_1424 = arith.addi %add3A_269, %add3A_1423 : i32
        %get3A_1425 = arith.index_cast %add3A_1424 : i32 to index
        %get3A_1426 = arith.constant 16 : index
        %get3A_1427 = tpu.vector_load %arg11[%get3A_1425, %get3A_1426] {strides = array<i32>} : memref<128x128xf32, #tpu.memory_space<vmem>>, vector<16xf32>,
        %add3A_1428 = arith.constant 10 : i32
        %add3A_1429 = arith.addi %add3A_269, %add3A_1428 : i32
        %get3A_1430 = arith.index_cast %add3A_1429 : i32 to index
        %get3A_1431 = arith.constant 32 : index
        %get3A_1432 = tpu.vector_load %arg11[%get3A_1430, %get3A_1431] {strides = array<i32>} : memref<128x128xf32, #tpu.memory_space<vmem>>, vector<16xf32>,
        %add3A_1433 = arith.constant 10 : i32
        %add3A_1434 = arith.addi %add3A_269, %add3A_1433 : i32
        %get3A_1435 = arith.index_cast %add3A_1434 : i32 to index
        %get3A_1436 = arith.constant 48 : index
        %get3A_1437 = tpu.vector_load %arg11[%get3A_1435, %get3A_1436] {strides = array<i32>} : memref<128x128xf32, #tpu.memory_space<vmem>>, vector<16xf32>,
        %add3A_1438 = arith.constant 10 : i32
        %add3A_1439 = arith.addi %add3A_269, %add3A_1438 : i32
        %get3A_1440 = arith.index_cast %add3A_1439 : i32 to index
        %get3A_1441 = arith.constant 64 : index
        %get3A_1442 = tpu.vector_load %arg11[%get3A_1440, %get3A_1441] {strides = array<i32>} : memref<128x128xf32, #tpu.memory_space<vmem>>, vector<16xf32>,
        %add3A_1443 = arith.constant 10 : i32
        %add3A_1444 = arith.addi %add3A_269, %add3A_1443 : i32
        %get3A_1445 = arith.index_cast %add3A_1444 : i32 to index
        %get3A_1446 = arith.constant 80 : index
        %get3A_1447 = tpu.vector_load %arg11[%get3A_1445, %get3A_1446] {strides = array<i32>} : memref<128x128xf32, #tpu.memory_space<vmem>>, vector<16xf32>,
        %add3A_1448 = arith.constant 10 : i32
        %add3A_1449 = arith.addi %add3A_269, %add3A_1448 : i32
        %get3A_1450 = arith.index_cast %add3A_1449 : i32 to index
        %get3A_1451 = arith.constant 96 : index
        %get3A_1452 = tpu.vector_load %arg11[%get3A_1450, %get3A_1451] {strides = array<i32>} : memref<128x128xf32, #tpu.memory_space<vmem>>, vector<16xf32>,
        %add3A_1453 = arith.constant 10 : i32
        %add3A_1454 = arith.addi %add3A_269, %add3A_1453 : i32
        %get3A_1455 = arith.index_cast %add3A_1454 : i32 to index
        %get3A_1456 = arith.constant 112 : index
        %get3A_1457 = tpu.vector_load %arg11[%get3A_1455, %get3A_1456] {strides = array<i32>} : memref<128x128xf32, #tpu.memory_space<vmem>>, vector<16xf32>,
        %get3A_1458 = arith.index_cast %squeeze3A_1417 : i32 to index
        %get3A_1459 = arith.constant 0 : index
        %get3A_1460 = tpu.vector_load %arg13[%get3A_1458, %get3A_1459] {strides = array<i32>} : memref<32x128xf32, #tpu.memory_space<vmem>>, vector<16xf32>,
        %get3A_1461 = arith.index_cast %squeeze3A_1417 : i32 to index
        %get3A_1462 = arith.constant 16 : index
        %get3A_1463 = tpu.vector_load %arg13[%get3A_1461, %get3A_1462] {strides = array<i32>} : memref<32x128xf32, #tpu.memory_space<vmem>>, vector<16xf32>,
        %get3A_1464 = arith.index_cast %squeeze3A_1417 : i32 to index
        %get3A_1465 = arith.constant 32 : index
        %get3A_1466 = tpu.vector_load %arg13[%get3A_1464, %get3A_1465] {strides = array<i32>} : memref<32x128xf32, #tpu.memory_space<vmem>>, vector<16xf32>,
        %get3A_1467 = arith.index_cast %squeeze3A_1417 : i32 to index
        %get3A_1468 = arith.constant 48 : index
        %get3A_1469 = tpu.vector_load %arg13[%get3A_1467, %get3A_1468] {strides = array<i32>} : memref<32x128xf32, #tpu.memory_space<vmem>>, vector<16xf32>,
        %get3A_1470 = arith.index_cast %squeeze3A_1417 : i32 to index
        %get3A_1471 = arith.constant 64 : index
        %get3A_1472 = tpu.vector_load %arg13[%get3A_1470, %get3A_1471] {strides = array<i32>} : memref<32x128xf32, #tpu.memory_space<vmem>>, vector<16xf32>,
        %get3A_1473 = arith.index_cast %squeeze3A_1417 : i32 to index
        %get3A_1474 = arith.constant 80 : index
        %get3A_1475 = tpu.vector_load %arg13[%get3A_1473, %get3A_1474] {strides = array<i32>} : memref<32x128xf32, #tpu.memory_space<vmem>>, vector<16xf32>,
        %get3A_1476 = arith.index_cast %squeeze3A_1417 : i32 to index
        %get3A_1477 = arith.constant 96 : index
        %get3A_1478 = tpu.vector_load %arg13[%get3A_1476, %get3A_1477] {strides = array<i32>} : memref<32x128xf32, #tpu.memory_space<vmem>>, vector<16xf32>,
        %get3A_1479 = arith.index_cast %squeeze3A_1417 : i32 to index
        %get3A_1480 = arith.constant 112 : index
        %get3A_1481 = tpu.vector_load %arg13[%get3A_1479, %get3A_1480] {strides = array<i32>} : memref<32x128xf32, #tpu.memory_space<vmem>>, vector<16xf32>,
        %mul3A_1482 = arith.mulf %get3A_1422, %get3A_1460 : vector<16xf32>
        %add3A_1483 = arith.constant 10 : i32
        %add3A_1484 = arith.addi %add3A_269, %add3A_1483 : i32
        %swap3A_1485 = arith.index_cast %add3A_1484 : i32 to index
        %swap3A_1486 = arith.constant 0 : index
        %swap3A_1487 = tpu.vector_load %arg11[%swap3A_1485, %swap3A_1486] {strides = array<i32>} : memref<128x128xf32, #tpu.memory_space<vmem>>, vector<16xf32>,
        tpu.vector_store %arg11[%swap3A_1485, %swap3A_1486], %mul3A_1482 {strides = array<i32>} : memref<128x128xf32, #tpu.memory_space<vmem>>, vector<16xf32>,
        %mul3A_1488 = arith.mulf %get3A_1427, %get3A_1463 : vector<16xf32>
        %add3A_1489 = arith.constant 10 : i32
        %add3A_1490 = arith.addi %add3A_269, %add3A_1489 : i32
        %swap3A_1491 = arith.index_cast %add3A_1490 : i32 to index
        %swap3A_1492 = arith.constant 16 : index
        %swap3A_1493 = tpu.vector_load %arg11[%swap3A_1491, %swap3A_1492] {strides = array<i32>} : memref<128x128xf32, #tpu.memory_space<vmem>>, vector<16xf32>,
        tpu.vector_store %arg11[%swap3A_1491, %swap3A_1492], %mul3A_1488 {strides = array<i32>} : memref<128x128xf32, #tpu.memory_space<vmem>>, vector<16xf32>,
        %mul3A_1494 = arith.mulf %get3A_1432, %get3A_1466 : vector<16xf32>
        %add3A_1495 = arith.constant 10 : i32
        %add3A_1496 = arith.addi %add3A_269, %add3A_1495 : i32
        %swap3A_1497 = arith.index_cast %add3A_1496 : i32 to index
        %swap3A_1498 = arith.constant 32 : index
        %swap3A_1499 = tpu.vector_load %arg11[%swap3A_1497, %swap3A_1498] {strides = array<i32>} : memref<128x128xf32, #tpu.memory_space<vmem>>, vector<16xf32>,
        tpu.vector_store %arg11[%swap3A_1497, %swap3A_1498], %mul3A_1494 {strides = array<i32>} : memref<128x128xf32, #tpu.memory_space<vmem>>, vector<16xf32>,
        %mul3A_1500 = arith.mulf %get3A_1437, %get3A_1469 : vector<16xf32>
        %add3A_1501 = arith.constant 10 : i32
        %add3A_1502 = arith.addi %add3A_269, %add3A_1501 : i32
        %swap3A_1503 = arith.index_cast %add3A_1502 : i32 to index
        %swap3A_1504 = arith.constant 48 : index
        %swap3A_1505 = tpu.vector_load %arg11[%swap3A_1503, %swap3A_1504] {strides = array<i32>} : memref<128x128xf32, #tpu.memory_space<vmem>>, vector<16xf32>,
        tpu.vector_store %arg11[%swap3A_1503, %swap3A_1504], %mul3A_1500 {strides = array<i32>} : memref<128x128xf32, #tpu.memory_space<vmem>>, vector<16xf32>,
        %mul3A_1506 = arith.mulf %get3A_1442, %get3A_1472 : vector<16xf32>
        %add3A_1507 = arith.constant 10 : i32
        %add3A_1508 = arith.addi %add3A_269, %add3A_1507 : i32
        %swap3A_1509 = arith.index_cast %add3A_1508 : i32 to index
        %swap3A_1510 = arith.constant 64 : index
        %swap3A_1511 = tpu.vector_load %arg11[%swap3A_1509, %swap3A_1510] {strides = array<i32>} : memref<128x128xf32, #tpu.memory_space<vmem>>, vector<16xf32>,
        tpu.vector_store %arg11[%swap3A_1509, %swap3A_1510], %mul3A_1506 {strides = array<i32>} : memref<128x128xf32, #tpu.memory_space<vmem>>, vector<16xf32>,
        %mul3A_1512 = arith.mulf %get3A_1447, %get3A_1475 : vector<16xf32>
        %add3A_1513 = arith.constant 10 : i32
        %add3A_1514 = arith.addi %add3A_269, %add3A_1513 : i32
        %swap3A_1515 = arith.index_cast %add3A_1514 : i32 to index
        %swap3A_1516 = arith.constant 80 : index
        %swap3A_1517 = tpu.vector_load %arg11[%swap3A_1515, %swap3A_1516] {strides = array<i32>} : memref<128x128xf32, #tpu.memory_space<vmem>>, vector<16xf32>,
        tpu.vector_store %arg11[%swap3A_1515, %swap3A_1516], %mul3A_1512 {strides = array<i32>} : memref<128x128xf32, #tpu.memory_space<vmem>>, vector<16xf32>,
        %mul3A_1518 = arith.mulf %get3A_1452, %get3A_1478 : vector<16xf32>
        %add3A_1519 = arith.constant 10 : i32
        %add3A_1520 = arith.addi %add3A_269, %add3A_1519 : i32
        %swap3A_1521 = arith.index_cast %add3A_1520 : i32 to index
        %swap3A_1522 = arith.constant 96 : index
        %swap3A_1523 = tpu.vector_load %arg11[%swap3A_1521, %swap3A_1522] {strides = array<i32>} : memref<128x128xf32, #tpu.memory_space<vmem>>, vector<16xf32>,
        tpu.vector_store %arg11[%swap3A_1521, %swap3A_1522], %mul3A_1518 {strides = array<i32>} : memref<128x128xf32, #tpu.memory_space<vmem>>, vector<16xf32>,
        %mul3A_1524 = arith.mulf %get3A_1457, %get3A_1481 : vector<16xf32>
        %add3A_1525 = arith.constant 10 : i32
        %add3A_1526 = arith.addi %add3A_269, %add3A_1525 : i32
        %swap3A_1527 = arith.index_cast %add3A_1526 : i32 to index
        %swap3A_1528 = arith.constant 112 : index
        %swap3A_1529 = tpu.vector_load %arg11[%swap3A_1527, %swap3A_1528] {strides = array<i32>} : memref<128x128xf32, #tpu.memory_space<vmem>>, vector<16xf32>,
        tpu.vector_store %arg11[%swap3A_1527, %swap3A_1528], %mul3A_1524 {strides = array<i32>} : memref<128x128xf32, #tpu.memory_space<vmem>>, vector<16xf32>,
        %slice3A_1530 = vector.extract_strided_slice %get3A_273 {offsets = [11], sizes = [1], strides = [1]} : vector<16xi32> to vector<1xi32>
        %squeeze3A_1531 = vector.extract %slice3A_1530[0] : i32 from vector<1xi32>
        %add3A_1532 = arith.constant 11 : i32
        %add3A_1533 = arith.addi %add3A_269, %add3A_1532 : i32
        %get3A_1534 = arith.index_cast %add3A_1533 : i32 to index
        %get3A_1535 = arith.constant 0 : index
        %get3A_1536 = tpu.vector_load %arg11[%get3A_1534, %get3A_1535] {strides = array<i32>} : memref<128x128xf32, #tpu.memory_space<vmem>>, vector<16xf32>,
        %add3A_1537 = arith.constant 11 : i32
        %add3A_1538 = arith.addi %add3A_269, %add3A_1537 : i32
        %get3A_1539 = arith.index_cast %add3A_1538 : i32 to index
        %get3A_1540 = arith.constant 16 : index
        %get3A_1541 = tpu.vector_load %arg11[%get3A_1539, %get3A_1540] {strides = array<i32>} : memref<128x128xf32, #tpu.memory_space<vmem>>, vector<16xf32>,
        %add3A_1542 = arith.constant 11 : i32
        %add3A_1543 = arith.addi %add3A_269, %add3A_1542 : i32
        %get3A_1544 = arith.index_cast %add3A_1543 : i32 to index
        %get3A_1545 = arith.constant 32 : index
        %get3A_1546 = tpu.vector_load %arg11[%get3A_1544, %get3A_1545] {strides = array<i32>} : memref<128x128xf32, #tpu.memory_space<vmem>>, vector<16xf32>,
        %add3A_1547 = arith.constant 11 : i32
        %add3A_1548 = arith.addi %add3A_269, %add3A_1547 : i32
        %get3A_1549 = arith.index_cast %add3A_1548 : i32 to index
        %get3A_1550 = arith.constant 48 : index
        %get3A_1551 = tpu.vector_load %arg11[%get3A_1549, %get3A_1550] {strides = array<i32>} : memref<128x128xf32, #tpu.memory_space<vmem>>, vector<16xf32>,
        %add3A_1552 = arith.constant 11 : i32
        %add3A_1553 = arith.addi %add3A_269, %add3A_1552 : i32
        %get3A_1554 = arith.index_cast %add3A_1553 : i32 to index
        %get3A_1555 = arith.constant 64 : index
        %get3A_1556 = tpu.vector_load %arg11[%get3A_1554, %get3A_1555] {strides = array<i32>} : memref<128x128xf32, #tpu.memory_space<vmem>>, vector<16xf32>,
        %add3A_1557 = arith.constant 11 : i32
        %add3A_1558 = arith.addi %add3A_269, %add3A_1557 : i32
        %get3A_1559 = arith.index_cast %add3A_1558 : i32 to index
        %get3A_1560 = arith.constant 80 : index
        %get3A_1561 = tpu.vector_load %arg11[%get3A_1559, %get3A_1560] {strides = array<i32>} : memref<128x128xf32, #tpu.memory_space<vmem>>, vector<16xf32>,
        %add3A_1562 = arith.constant 11 : i32
        %add3A_1563 = arith.addi %add3A_269, %add3A_1562 : i32
        %get3A_1564 = arith.index_cast %add3A_1563 : i32 to index
        %get3A_1565 = arith.constant 96 : index
        %get3A_1566 = tpu.vector_load %arg11[%get3A_1564, %get3A_1565] {strides = array<i32>} : memref<128x128xf32, #tpu.memory_space<vmem>>, vector<16xf32>,
        %add3A_1567 = arith.constant 11 : i32
        %add3A_1568 = arith.addi %add3A_269, %add3A_1567 : i32
        %get3A_1569 = arith.index_cast %add3A_1568 : i32 to index
        %get3A_1570 = arith.constant 112 : index
        %get3A_1571 = tpu.vector_load %arg11[%get3A_1569, %get3A_1570] {strides = array<i32>} : memref<128x128xf32, #tpu.memory_space<vmem>>, vector<16xf32>,
        %get3A_1572 = arith.index_cast %squeeze3A_1531 : i32 to index
        %get3A_1573 = arith.constant 0 : index
        %get3A_1574 = tpu.vector_load %arg13[%get3A_1572, %get3A_1573] {strides = array<i32>} : memref<32x128xf32, #tpu.memory_space<vmem>>, vector<16xf32>,
        %get3A_1575 = arith.index_cast %squeeze3A_1531 : i32 to index
        %get3A_1576 = arith.constant 16 : index
        %get3A_1577 = tpu.vector_load %arg13[%get3A_1575, %get3A_1576] {strides = array<i32>} : memref<32x128xf32, #tpu.memory_space<vmem>>, vector<16xf32>,
        %get3A_1578 = arith.index_cast %squeeze3A_1531 : i32 to index
        %get3A_1579 = arith.constant 32 : index
        %get3A_1580 = tpu.vector_load %arg13[%get3A_1578, %get3A_1579] {strides = array<i32>} : memref<32x128xf32, #tpu.memory_space<vmem>>, vector<16xf32>,
        %get3A_1581 = arith.index_cast %squeeze3A_1531 : i32 to index
        %get3A_1582 = arith.constant 48 : index
        %get3A_1583 = tpu.vector_load %arg13[%get3A_1581, %get3A_1582] {strides = array<i32>} : memref<32x128xf32, #tpu.memory_space<vmem>>, vector<16xf32>,
        %get3A_1584 = arith.index_cast %squeeze3A_1531 : i32 to index
        %get3A_1585 = arith.constant 64 : index
        %get3A_1586 = tpu.vector_load %arg13[%get3A_1584, %get3A_1585] {strides = array<i32>} : memref<32x128xf32, #tpu.memory_space<vmem>>, vector<16xf32>,
        %get3A_1587 = arith.index_cast %squeeze3A_1531 : i32 to index
        %get3A_1588 = arith.constant 80 : index
        %get3A_1589 = tpu.vector_load %arg13[%get3A_1587, %get3A_1588] {strides = array<i32>} : memref<32x128xf32, #tpu.memory_space<vmem>>, vector<16xf32>,
        %get3A_1590 = arith.index_cast %squeeze3A_1531 : i32 to index
        %get3A_1591 = arith.constant 96 : index
        %get3A_1592 = tpu.vector_load %arg13[%get3A_1590, %get3A_1591] {strides = array<i32>} : memref<32x128xf32, #tpu.memory_space<vmem>>, vector<16xf32>,
        %get3A_1593 = arith.index_cast %squeeze3A_1531 : i32 to index
        %get3A_1594 = arith.constant 112 : index
        %get3A_1595 = tpu.vector_load %arg13[%get3A_1593, %get3A_1594] {strides = array<i32>} : memref<32x128xf32, #tpu.memory_space<vmem>>, vector<16xf32>,
        %mul3A_1596 = arith.mulf %get3A_1536, %get3A_1574 : vector<16xf32>
        %add3A_1597 = arith.constant 11 : i32
        %add3A_1598 = arith.addi %add3A_269, %add3A_1597 : i32
        %swap3A_1599 = arith.index_cast %add3A_1598 : i32 to index
        %swap3A_1600 = arith.constant 0 : index
        %swap3A_1601 = tpu.vector_load %arg11[%swap3A_1599, %swap3A_1600] {strides = array<i32>} : memref<128x128xf32, #tpu.memory_space<vmem>>, vector<16xf32>,
        tpu.vector_store %arg11[%swap3A_1599, %swap3A_1600], %mul3A_1596 {strides = array<i32>} : memref<128x128xf32, #tpu.memory_space<vmem>>, vector<16xf32>,
        %mul3A_1602 = arith.mulf %get3A_1541, %get3A_1577 : vector<16xf32>
        %add3A_1603 = arith.constant 11 : i32
        %add3A_1604 = arith.addi %add3A_269, %add3A_1603 : i32
        %swap3A_1605 = arith.index_cast %add3A_1604 : i32 to index
        %swap3A_1606 = arith.constant 16 : index
        %swap3A_1607 = tpu.vector_load %arg11[%swap3A_1605, %swap3A_1606] {strides = array<i32>} : memref<128x128xf32, #tpu.memory_space<vmem>>, vector<16xf32>,
        tpu.vector_store %arg11[%swap3A_1605, %swap3A_1606], %mul3A_1602 {strides = array<i32>} : memref<128x128xf32, #tpu.memory_space<vmem>>, vector<16xf32>,
        %mul3A_1608 = arith.mulf %get3A_1546, %get3A_1580 : vector<16xf32>
        %add3A_1609 = arith.constant 11 : i32
        %add3A_1610 = arith.addi %add3A_269, %add3A_1609 : i32
        %swap3A_1611 = arith.index_cast %add3A_1610 : i32 to index
        %swap3A_1612 = arith.constant 32 : index
        %swap3A_1613 = tpu.vector_load %arg11[%swap3A_1611, %swap3A_1612] {strides = array<i32>} : memref<128x128xf32, #tpu.memory_space<vmem>>, vector<16xf32>,
        tpu.vector_store %arg11[%swap3A_1611, %swap3A_1612], %mul3A_1608 {strides = array<i32>} : memref<128x128xf32, #tpu.memory_space<vmem>>, vector<16xf32>,
        %mul3A_1614 = arith.mulf %get3A_1551, %get3A_1583 : vector<16xf32>
        %add3A_1615 = arith.constant 11 : i32
        %add3A_1616 = arith.addi %add3A_269, %add3A_1615 : i32
        %swap3A_1617 = arith.index_cast %add3A_1616 : i32 to index
        %swap3A_1618 = arith.constant 48 : index
        %swap3A_1619 = tpu.vector_load %arg11[%swap3A_1617, %swap3A_1618] {strides = array<i32>} : memref<128x128xf32, #tpu.memory_space<vmem>>, vector<16xf32>,
        tpu.vector_store %arg11[%swap3A_1617, %swap3A_1618], %mul3A_1614 {strides = array<i32>} : memref<128x128xf32, #tpu.memory_space<vmem>>, vector<16xf32>,
        %mul3A_1620 = arith.mulf %get3A_1556, %get3A_1586 : vector<16xf32>
        %add3A_1621 = arith.constant 11 : i32
        %add3A_1622 = arith.addi %add3A_269, %add3A_1621 : i32
        %swap3A_1623 = arith.index_cast %add3A_1622 : i32 to index
        %swap3A_1624 = arith.constant 64 : index
        %swap3A_1625 = tpu.vector_load %arg11[%swap3A_1623, %swap3A_1624] {strides = array<i32>} : memref<128x128xf32, #tpu.memory_space<vmem>>, vector<16xf32>,
        tpu.vector_store %arg11[%swap3A_1623, %swap3A_1624], %mul3A_1620 {strides = array<i32>} : memref<128x128xf32, #tpu.memory_space<vmem>>, vector<16xf32>,
        %mul3A_1626 = arith.mulf %get3A_1561, %get3A_1589 : vector<16xf32>
        %add3A_1627 = arith.constant 11 : i32
        %add3A_1628 = arith.addi %add3A_269, %add3A_1627 : i32
        %swap3A_1629 = arith.index_cast %add3A_1628 : i32 to index
        %swap3A_1630 = arith.constant 80 : index
        %swap3A_1631 = tpu.vector_load %arg11[%swap3A_1629, %swap3A_1630] {strides = array<i32>} : memref<128x128xf32, #tpu.memory_space<vmem>>, vector<16xf32>,
        tpu.vector_store %arg11[%swap3A_1629, %swap3A_1630], %mul3A_1626 {strides = array<i32>} : memref<128x128xf32, #tpu.memory_space<vmem>>, vector<16xf32>,
        %mul3A_1632 = arith.mulf %get3A_1566, %get3A_1592 : vector<16xf32>
        %add3A_1633 = arith.constant 11 : i32
        %add3A_1634 = arith.addi %add3A_269, %add3A_1633 : i32
        %swap3A_1635 = arith.index_cast %add3A_1634 : i32 to index
        %swap3A_1636 = arith.constant 96 : index
        %swap3A_1637 = tpu.vector_load %arg11[%swap3A_1635, %swap3A_1636] {strides = array<i32>} : memref<128x128xf32, #tpu.memory_space<vmem>>, vector<16xf32>,
        tpu.vector_store %arg11[%swap3A_1635, %swap3A_1636], %mul3A_1632 {strides = array<i32>} : memref<128x128xf32, #tpu.memory_space<vmem>>, vector<16xf32>,
        %mul3A_1638 = arith.mulf %get3A_1571, %get3A_1595 : vector<16xf32>
        %add3A_1639 = arith.constant 11 : i32
        %add3A_1640 = arith.addi %add3A_269, %add3A_1639 : i32
        %swap3A_1641 = arith.index_cast %add3A_1640 : i32 to index
        %swap3A_1642 = arith.constant 112 : index
        %swap3A_1643 = tpu.vector_load %arg11[%swap3A_1641, %swap3A_1642] {strides = array<i32>} : memref<128x128xf32, #tpu.memory_space<vmem>>, vector<16xf32>,
        tpu.vector_store %arg11[%swap3A_1641, %swap3A_1642], %mul3A_1638 {strides = array<i32>} : memref<128x128xf32, #tpu.memory_space<vmem>>, vector<16xf32>,
        %slice3A_1644 = vector.extract_strided_slice %get3A_273 {offsets = [12], sizes = [1], strides = [1]} : vector<16xi32> to vector<1xi32>
        %squeeze3A_1645 = vector.extract %slice3A_1644[0] : i32 from vector<1xi32>
        %add3A_1646 = arith.constant 12 : i32
        %add3A_1647 = arith.addi %add3A_269, %add3A_1646 : i32
        %get3A_1648 = arith.index_cast %add3A_1647 : i32 to index
        %get3A_1649 = arith.constant 0 : index
        %get3A_1650 = tpu.vector_load %arg11[%get3A_1648, %get3A_1649] {strides = array<i32>} : memref<128x128xf32, #tpu.memory_space<vmem>>, vector<16xf32>,
        %add3A_1651 = arith.constant 12 : i32
        %add3A_1652 = arith.addi %add3A_269, %add3A_1651 : i32
        %get3A_1653 = arith.index_cast %add3A_1652 : i32 to index
        %get3A_1654 = arith.constant 16 : index
        %get3A_1655 = tpu.vector_load %arg11[%get3A_1653, %get3A_1654] {strides = array<i32>} : memref<128x128xf32, #tpu.memory_space<vmem>>, vector<16xf32>,
        %add3A_1656 = arith.constant 12 : i32
        %add3A_1657 = arith.addi %add3A_269, %add3A_1656 : i32
        %get3A_1658 = arith.index_cast %add3A_1657 : i32 to index
        %get3A_1659 = arith.constant 32 : index
        %get3A_1660 = tpu.vector_load %arg11[%get3A_1658, %get3A_1659] {strides = array<i32>} : memref<128x128xf32, #tpu.memory_space<vmem>>, vector<16xf32>,
        %add3A_1661 = arith.constant 12 : i32
        %add3A_1662 = arith.addi %add3A_269, %add3A_1661 : i32
        %get3A_1663 = arith.index_cast %add3A_1662 : i32 to index
        %get3A_1664 = arith.constant 48 : index
        %get3A_1665 = tpu.vector_load %arg11[%get3A_1663, %get3A_1664] {strides = array<i32>} : memref<128x128xf32, #tpu.memory_space<vmem>>, vector<16xf32>,
        %add3A_1666 = arith.constant 12 : i32
        %add3A_1667 = arith.addi %add3A_269, %add3A_1666 : i32
        %get3A_1668 = arith.index_cast %add3A_1667 : i32 to index
        %get3A_1669 = arith.constant 64 : index
        %get3A_1670 = tpu.vector_load %arg11[%get3A_1668, %get3A_1669] {strides = array<i32>} : memref<128x128xf32, #tpu.memory_space<vmem>>, vector<16xf32>,
        %add3A_1671 = arith.constant 12 : i32
        %add3A_1672 = arith.addi %add3A_269, %add3A_1671 : i32
        %get3A_1673 = arith.index_cast %add3A_1672 : i32 to index
        %get3A_1674 = arith.constant 80 : index
        %get3A_1675 = tpu.vector_load %arg11[%get3A_1673, %get3A_1674] {strides = array<i32>} : memref<128x128xf32, #tpu.memory_space<vmem>>, vector<16xf32>,
        %add3A_1676 = arith.constant 12 : i32
        %add3A_1677 = arith.addi %add3A_269, %add3A_1676 : i32
        %get3A_1678 = arith.index_cast %add3A_1677 : i32 to index
        %get3A_1679 = arith.constant 96 : index
        %get3A_1680 = tpu.vector_load %arg11[%get3A_1678, %get3A_1679] {strides = array<i32>} : memref<128x128xf32, #tpu.memory_space<vmem>>, vector<16xf32>,
        %add3A_1681 = arith.constant 12 : i32
        %add3A_1682 = arith.addi %add3A_269, %add3A_1681 : i32
        %get3A_1683 = arith.index_cast %add3A_1682 : i32 to index
        %get3A_1684 = arith.constant 112 : index
        %get3A_1685 = tpu.vector_load %arg11[%get3A_1683, %get3A_1684] {strides = array<i32>} : memref<128x128xf32, #tpu.memory_space<vmem>>, vector<16xf32>,
        %get3A_1686 = arith.index_cast %squeeze3A_1645 : i32 to index
        %get3A_1687 = arith.constant 0 : index
        %get3A_1688 = tpu.vector_load %arg13[%get3A_1686, %get3A_1687] {strides = array<i32>} : memref<32x128xf32, #tpu.memory_space<vmem>>, vector<16xf32>,
        %get3A_1689 = arith.index_cast %squeeze3A_1645 : i32 to index
        %get3A_1690 = arith.constant 16 : index
        %get3A_1691 = tpu.vector_load %arg13[%get3A_1689, %get3A_1690] {strides = array<i32>} : memref<32x128xf32, #tpu.memory_space<vmem>>, vector<16xf32>,
        %get3A_1692 = arith.index_cast %squeeze3A_1645 : i32 to index
        %get3A_1693 = arith.constant 32 : index
        %get3A_1694 = tpu.vector_load %arg13[%get3A_1692, %get3A_1693] {strides = array<i32>} : memref<32x128xf32, #tpu.memory_space<vmem>>, vector<16xf32>,
        %get3A_1695 = arith.index_cast %squeeze3A_1645 : i32 to index
        %get3A_1696 = arith.constant 48 : index
        %get3A_1697 = tpu.vector_load %arg13[%get3A_1695, %get3A_1696] {strides = array<i32>} : memref<32x128xf32, #tpu.memory_space<vmem>>, vector<16xf32>,
        %get3A_1698 = arith.index_cast %squeeze3A_1645 : i32 to index
        %get3A_1699 = arith.constant 64 : index
        %get3A_1700 = tpu.vector_load %arg13[%get3A_1698, %get3A_1699] {strides = array<i32>} : memref<32x128xf32, #tpu.memory_space<vmem>>, vector<16xf32>,
        %get3A_1701 = arith.index_cast %squeeze3A_1645 : i32 to index
        %get3A_1702 = arith.constant 80 : index
        %get3A_1703 = tpu.vector_load %arg13[%get3A_1701, %get3A_1702] {strides = array<i32>} : memref<32x128xf32, #tpu.memory_space<vmem>>, vector<16xf32>,
        %get3A_1704 = arith.index_cast %squeeze3A_1645 : i32 to index
        %get3A_1705 = arith.constant 96 : index
        %get3A_1706 = tpu.vector_load %arg13[%get3A_1704, %get3A_1705] {strides = array<i32>} : memref<32x128xf32, #tpu.memory_space<vmem>>, vector<16xf32>,
        %get3A_1707 = arith.index_cast %squeeze3A_1645 : i32 to index
        %get3A_1708 = arith.constant 112 : index
        %get3A_1709 = tpu.vector_load %arg13[%get3A_1707, %get3A_1708] {strides = array<i32>} : memref<32x128xf32, #tpu.memory_space<vmem>>, vector<16xf32>,
        %mul3A_1710 = arith.mulf %get3A_1650, %get3A_1688 : vector<16xf32>
        %add3A_1711 = arith.constant 12 : i32
        %add3A_1712 = arith.addi %add3A_269, %add3A_1711 : i32
        %swap3A_1713 = arith.index_cast %add3A_1712 : i32 to index
        %swap3A_1714 = arith.constant 0 : index
        %swap3A_1715 = tpu.vector_load %arg11[%swap3A_1713, %swap3A_1714] {strides = array<i32>} : memref<128x128xf32, #tpu.memory_space<vmem>>, vector<16xf32>,
        tpu.vector_store %arg11[%swap3A_1713, %swap3A_1714], %mul3A_1710 {strides = array<i32>} : memref<128x128xf32, #tpu.memory_space<vmem>>, vector<16xf32>,
        %mul3A_1716 = arith.mulf %get3A_1655, %get3A_1691 : vector<16xf32>
        %add3A_1717 = arith.constant 12 : i32
        %add3A_1718 = arith.addi %add3A_269, %add3A_1717 : i32
        %swap3A_1719 = arith.index_cast %add3A_1718 : i32 to index
        %swap3A_1720 = arith.constant 16 : index
        %swap3A_1721 = tpu.vector_load %arg11[%swap3A_1719, %swap3A_1720] {strides = array<i32>} : memref<128x128xf32, #tpu.memory_space<vmem>>, vector<16xf32>,
        tpu.vector_store %arg11[%swap3A_1719, %swap3A_1720], %mul3A_1716 {strides = array<i32>} : memref<128x128xf32, #tpu.memory_space<vmem>>, vector<16xf32>,
        %mul3A_1722 = arith.mulf %get3A_1660, %get3A_1694 : vector<16xf32>
        %add3A_1723 = arith.constant 12 : i32
        %add3A_1724 = arith.addi %add3A_269, %add3A_1723 : i32
        %swap3A_1725 = arith.index_cast %add3A_1724 : i32 to index
        %swap3A_1726 = arith.constant 32 : index
        %swap3A_1727 = tpu.vector_load %arg11[%swap3A_1725, %swap3A_1726] {strides = array<i32>} : memref<128x128xf32, #tpu.memory_space<vmem>>, vector<16xf32>,
        tpu.vector_store %arg11[%swap3A_1725, %swap3A_1726], %mul3A_1722 {strides = array<i32>} : memref<128x128xf32, #tpu.memory_space<vmem>>, vector<16xf32>,
        %mul3A_1728 = arith.mulf %get3A_1665, %get3A_1697 : vector<16xf32>
        %add3A_1729 = arith.constant 12 : i32
        %add3A_1730 = arith.addi %add3A_269, %add3A_1729 : i32
        %swap3A_1731 = arith.index_cast %add3A_1730 : i32 to index
        %swap3A_1732 = arith.constant 48 : index
        %swap3A_1733 = tpu.vector_load %arg11[%swap3A_1731, %swap3A_1732] {strides = array<i32>} : memref<128x128xf32, #tpu.memory_space<vmem>>, vector<16xf32>,
        tpu.vector_store %arg11[%swap3A_1731, %swap3A_1732], %mul3A_1728 {strides = array<i32>} : memref<128x128xf32, #tpu.memory_space<vmem>>, vector<16xf32>,
        %mul3A_1734 = arith.mulf %get3A_1670, %get3A_1700 : vector<16xf32>
        %add3A_1735 = arith.constant 12 : i32
        %add3A_1736 = arith.addi %add3A_269, %add3A_1735 : i32
        %swap3A_1737 = arith.index_cast %add3A_1736 : i32 to index
        %swap3A_1738 = arith.constant 64 : index
        %swap3A_1739 = tpu.vector_load %arg11[%swap3A_1737, %swap3A_1738] {strides = array<i32>} : memref<128x128xf32, #tpu.memory_space<vmem>>, vector<16xf32>,
        tpu.vector_store %arg11[%swap3A_1737, %swap3A_1738], %mul3A_1734 {strides = array<i32>} : memref<128x128xf32, #tpu.memory_space<vmem>>, vector<16xf32>,
        %mul3A_1740 = arith.mulf %get3A_1675, %get3A_1703 : vector<16xf32>
        %add3A_1741 = arith.constant 12 : i32
        %add3A_1742 = arith.addi %add3A_269, %add3A_1741 : i32
        %swap3A_1743 = arith.index_cast %add3A_1742 : i32 to index
        %swap3A_1744 = arith.constant 80 : index
        %swap3A_1745 = tpu.vector_load %arg11[%swap3A_1743, %swap3A_1744] {strides = array<i32>} : memref<128x128xf32, #tpu.memory_space<vmem>>, vector<16xf32>,
        tpu.vector_store %arg11[%swap3A_1743, %swap3A_1744], %mul3A_1740 {strides = array<i32>} : memref<128x128xf32, #tpu.memory_space<vmem>>, vector<16xf32>,
        %mul3A_1746 = arith.mulf %get3A_1680, %get3A_1706 : vector<16xf32>
        %add3A_1747 = arith.constant 12 : i32
        %add3A_1748 = arith.addi %add3A_269, %add3A_1747 : i32
        %swap3A_1749 = arith.index_cast %add3A_1748 : i32 to index
        %swap3A_1750 = arith.constant 96 : index
        %swap3A_1751 = tpu.vector_load %arg11[%swap3A_1749, %swap3A_1750] {strides = array<i32>} : memref<128x128xf32, #tpu.memory_space<vmem>>, vector<16xf32>,
        tpu.vector_store %arg11[%swap3A_1749, %swap3A_1750], %mul3A_1746 {strides = array<i32>} : memref<128x128xf32, #tpu.memory_space<vmem>>, vector<16xf32>,
        %mul3A_1752 = arith.mulf %get3A_1685, %get3A_1709 : vector<16xf32>
        %add3A_1753 = arith.constant 12 : i32
        %add3A_1754 = arith.addi %add3A_269, %add3A_1753 : i32
        %swap3A_1755 = arith.index_cast %add3A_1754 : i32 to index
        %swap3A_1756 = arith.constant 112 : index
        %swap3A_1757 = tpu.vector_load %arg11[%swap3A_1755, %swap3A_1756] {strides = array<i32>} : memref<128x128xf32, #tpu.memory_space<vmem>>, vector<16xf32>,
        tpu.vector_store %arg11[%swap3A_1755, %swap3A_1756], %mul3A_1752 {strides = array<i32>} : memref<128x128xf32, #tpu.memory_space<vmem>>, vector<16xf32>,
        %slice3A_1758 = vector.extract_strided_slice %get3A_273 {offsets = [13], sizes = [1], strides = [1]} : vector<16xi32> to vector<1xi32>
        %squeeze3A_1759 = vector.extract %slice3A_1758[0] : i32 from vector<1xi32>
        %add3A_1760 = arith.constant 13 : i32
        %add3A_1761 = arith.addi %add3A_269, %add3A_1760 : i32
        %get3A_1762 = arith.index_cast %add3A_1761 : i32 to index
        %get3A_1763 = arith.constant 0 : index
        %get3A_1764 = tpu.vector_load %arg11[%get3A_1762, %get3A_1763] {strides = array<i32>} : memref<128x128xf32, #tpu.memory_space<vmem>>, vector<16xf32>,
        %add3A_1765 = arith.constant 13 : i32
        %add3A_1766 = arith.addi %add3A_269, %add3A_1765 : i32
        %get3A_1767 = arith.index_cast %add3A_1766 : i32 to index
        %get3A_1768 = arith.constant 16 : index
        %get3A_1769 = tpu.vector_load %arg11[%get3A_1767, %get3A_1768] {strides = array<i32>} : memref<128x128xf32, #tpu.memory_space<vmem>>, vector<16xf32>,
        %add3A_1770 = arith.constant 13 : i32
        %add3A_1771 = arith.addi %add3A_269, %add3A_1770 : i32
        %get3A_1772 = arith.index_cast %add3A_1771 : i32 to index
        %get3A_1773 = arith.constant 32 : index
        %get3A_1774 = tpu.vector_load %arg11[%get3A_1772, %get3A_1773] {strides = array<i32>} : memref<128x128xf32, #tpu.memory_space<vmem>>, vector<16xf32>,
        %add3A_1775 = arith.constant 13 : i32
        %add3A_1776 = arith.addi %add3A_269, %add3A_1775 : i32
        %get3A_1777 = arith.index_cast %add3A_1776 : i32 to index
        %get3A_1778 = arith.constant 48 : index
        %get3A_1779 = tpu.vector_load %arg11[%get3A_1777, %get3A_1778] {strides = array<i32>} : memref<128x128xf32, #tpu.memory_space<vmem>>, vector<16xf32>,
        %add3A_1780 = arith.constant 13 : i32
        %add3A_1781 = arith.addi %add3A_269, %add3A_1780 : i32
        %get3A_1782 = arith.index_cast %add3A_1781 : i32 to index
        %get3A_1783 = arith.constant 64 : index
        %get3A_1784 = tpu.vector_load %arg11[%get3A_1782, %get3A_1783] {strides = array<i32>} : memref<128x128xf32, #tpu.memory_space<vmem>>, vector<16xf32>,
        %add3A_1785 = arith.constant 13 : i32
        %add3A_1786 = arith.addi %add3A_269, %add3A_1785 : i32
        %get3A_1787 = arith.index_cast %add3A_1786 : i32 to index
        %get3A_1788 = arith.constant 80 : index
        %get3A_1789 = tpu.vector_load %arg11[%get3A_1787, %get3A_1788] {strides = array<i32>} : memref<128x128xf32, #tpu.memory_space<vmem>>, vector<16xf32>,
        %add3A_1790 = arith.constant 13 : i32
        %add3A_1791 = arith.addi %add3A_269, %add3A_1790 : i32
        %get3A_1792 = arith.index_cast %add3A_1791 : i32 to index
        %get3A_1793 = arith.constant 96 : index
        %get3A_1794 = tpu.vector_load %arg11[%get3A_1792, %get3A_1793] {strides = array<i32>} : memref<128x128xf32, #tpu.memory_space<vmem>>, vector<16xf32>,
        %add3A_1795 = arith.constant 13 : i32
        %add3A_1796 = arith.addi %add3A_269, %add3A_1795 : i32
        %get3A_1797 = arith.index_cast %add3A_1796 : i32 to index
        %get3A_1798 = arith.constant 112 : index
        %get3A_1799 = tpu.vector_load %arg11[%get3A_1797, %get3A_1798] {strides = array<i32>} : memref<128x128xf32, #tpu.memory_space<vmem>>, vector<16xf32>,
        %get3A_1800 = arith.index_cast %squeeze3A_1759 : i32 to index
        %get3A_1801 = arith.constant 0 : index
        %get3A_1802 = tpu.vector_load %arg13[%get3A_1800, %get3A_1801] {strides = array<i32>} : memref<32x128xf32, #tpu.memory_space<vmem>>, vector<16xf32>,
        %get3A_1803 = arith.index_cast %squeeze3A_1759 : i32 to index
        %get3A_1804 = arith.constant 16 : index
        %get3A_1805 = tpu.vector_load %arg13[%get3A_1803, %get3A_1804] {strides = array<i32>} : memref<32x128xf32, #tpu.memory_space<vmem>>, vector<16xf32>,
        %get3A_1806 = arith.index_cast %squeeze3A_1759 : i32 to index
        %get3A_1807 = arith.constant 32 : index
        %get3A_1808 = tpu.vector_load %arg13[%get3A_1806, %get3A_1807] {strides = array<i32>} : memref<32x128xf32, #tpu.memory_space<vmem>>, vector<16xf32>,
        %get3A_1809 = arith.index_cast %squeeze3A_1759 : i32 to index
        %get3A_1810 = arith.constant 48 : index
        %get3A_1811 = tpu.vector_load %arg13[%get3A_1809, %get3A_1810] {strides = array<i32>} : memref<32x128xf32, #tpu.memory_space<vmem>>, vector<16xf32>,
        %get3A_1812 = arith.index_cast %squeeze3A_1759 : i32 to index
        %get3A_1813 = arith.constant 64 : index
        %get3A_1814 = tpu.vector_load %arg13[%get3A_1812, %get3A_1813] {strides = array<i32>} : memref<32x128xf32, #tpu.memory_space<vmem>>, vector<16xf32>,
        %get3A_1815 = arith.index_cast %squeeze3A_1759 : i32 to index
        %get3A_1816 = arith.constant 80 : index
        %get3A_1817 = tpu.vector_load %arg13[%get3A_1815, %get3A_1816] {strides = array<i32>} : memref<32x128xf32, #tpu.memory_space<vmem>>, vector<16xf32>,
        %get3A_1818 = arith.index_cast %squeeze3A_1759 : i32 to index
        %get3A_1819 = arith.constant 96 : index
        %get3A_1820 = tpu.vector_load %arg13[%get3A_1818, %get3A_1819] {strides = array<i32>} : memref<32x128xf32, #tpu.memory_space<vmem>>, vector<16xf32>,
        %get3A_1821 = arith.index_cast %squeeze3A_1759 : i32 to index
        %get3A_1822 = arith.constant 112 : index
        %get3A_1823 = tpu.vector_load %arg13[%get3A_1821, %get3A_1822] {strides = array<i32>} : memref<32x128xf32, #tpu.memory_space<vmem>>, vector<16xf32>,
        %mul3A_1824 = arith.mulf %get3A_1764, %get3A_1802 : vector<16xf32>
        %add3A_1825 = arith.constant 13 : i32
        %add3A_1826 = arith.addi %add3A_269, %add3A_1825 : i32
        %swap3A_1827 = arith.index_cast %add3A_1826 : i32 to index
        %swap3A_1828 = arith.constant 0 : index
        %swap3A_1829 = tpu.vector_load %arg11[%swap3A_1827, %swap3A_1828] {strides = array<i32>} : memref<128x128xf32, #tpu.memory_space<vmem>>, vector<16xf32>,
        tpu.vector_store %arg11[%swap3A_1827, %swap3A_1828], %mul3A_1824 {strides = array<i32>} : memref<128x128xf32, #tpu.memory_space<vmem>>, vector<16xf32>,
        %mul3A_1830 = arith.mulf %get3A_1769, %get3A_1805 : vector<16xf32>
        %add3A_1831 = arith.constant 13 : i32
        %add3A_1832 = arith.addi %add3A_269, %add3A_1831 : i32
        %swap3A_1833 = arith.index_cast %add3A_1832 : i32 to index
        %swap3A_1834 = arith.constant 16 : index
        %swap3A_1835 = tpu.vector_load %arg11[%swap3A_1833, %swap3A_1834] {strides = array<i32>} : memref<128x128xf32, #tpu.memory_space<vmem>>, vector<16xf32>,
        tpu.vector_store %arg11[%swap3A_1833, %swap3A_1834], %mul3A_1830 {strides = array<i32>} : memref<128x128xf32, #tpu.memory_space<vmem>>, vector<16xf32>,
        %mul3A_1836 = arith.mulf %get3A_1774, %get3A_1808 : vector<16xf32>
        %add3A_1837 = arith.constant 13 : i32
        %add3A_1838 = arith.addi %add3A_269, %add3A_1837 : i32
        %swap3A_1839 = arith.index_cast %add3A_1838 : i32 to index
        %swap3A_1840 = arith.constant 32 : index
        %swap3A_1841 = tpu.vector_load %arg11[%swap3A_1839, %swap3A_1840] {strides = array<i32>} : memref<128x128xf32, #tpu.memory_space<vmem>>, vector<16xf32>,
        tpu.vector_store %arg11[%swap3A_1839, %swap3A_1840], %mul3A_1836 {strides = array<i32>} : memref<128x128xf32, #tpu.memory_space<vmem>>, vector<16xf32>,
        %mul3A_1842 = arith.mulf %get3A_1779, %get3A_1811 : vector<16xf32>
        %add3A_1843 = arith.constant 13 : i32
        %add3A_1844 = arith.addi %add3A_269, %add3A_1843 : i32
        %swap3A_1845 = arith.index_cast %add3A_1844 : i32 to index
        %swap3A_1846 = arith.constant 48 : index
        %swap3A_1847 = tpu.vector_load %arg11[%swap3A_1845, %swap3A_1846] {strides = array<i32>} : memref<128x128xf32, #tpu.memory_space<vmem>>, vector<16xf32>,
        tpu.vector_store %arg11[%swap3A_1845, %swap3A_1846], %mul3A_1842 {strides = array<i32>} : memref<128x128xf32, #tpu.memory_space<vmem>>, vector<16xf32>,
        %mul3A_1848 = arith.mulf %get3A_1784, %get3A_1814 : vector<16xf32>
        %add3A_1849 = arith.constant 13 : i32
        %add3A_1850 = arith.addi %add3A_269, %add3A_1849 : i32
        %swap3A_1851 = arith.index_cast %add3A_1850 : i32 to index
        %swap3A_1852 = arith.constant 64 : index
        %swap3A_1853 = tpu.vector_load %arg11[%swap3A_1851, %swap3A_1852] {strides = array<i32>} : memref<128x128xf32, #tpu.memory_space<vmem>>, vector<16xf32>,
        tpu.vector_store %arg11[%swap3A_1851, %swap3A_1852], %mul3A_1848 {strides = array<i32>} : memref<128x128xf32, #tpu.memory_space<vmem>>, vector<16xf32>,
        %mul3A_1854 = arith.mulf %get3A_1789, %get3A_1817 : vector<16xf32>
        %add3A_1855 = arith.constant 13 : i32
        %add3A_1856 = arith.addi %add3A_269, %add3A_1855 : i32
        %swap3A_1857 = arith.index_cast %add3A_1856 : i32 to index
        %swap3A_1858 = arith.constant 80 : index
        %swap3A_1859 = tpu.vector_load %arg11[%swap3A_1857, %swap3A_1858] {strides = array<i32>} : memref<128x128xf32, #tpu.memory_space<vmem>>, vector<16xf32>,
        tpu.vector_store %arg11[%swap3A_1857, %swap3A_1858], %mul3A_1854 {strides = array<i32>} : memref<128x128xf32, #tpu.memory_space<vmem>>, vector<16xf32>,
        %mul3A_1860 = arith.mulf %get3A_1794, %get3A_1820 : vector<16xf32>
        %add3A_1861 = arith.constant 13 : i32
        %add3A_1862 = arith.addi %add3A_269, %add3A_1861 : i32
        %swap3A_1863 = arith.index_cast %add3A_1862 : i32 to index
        %swap3A_1864 = arith.constant 96 : index
        %swap3A_1865 = tpu.vector_load %arg11[%swap3A_1863, %swap3A_1864] {strides = array<i32>} : memref<128x128xf32, #tpu.memory_space<vmem>>, vector<16xf32>,
        tpu.vector_store %arg11[%swap3A_1863, %swap3A_1864], %mul3A_1860 {strides = array<i32>} : memref<128x128xf32, #tpu.memory_space<vmem>>, vector<16xf32>,
        %mul3A_1866 = arith.mulf %get3A_1799, %get3A_1823 : vector<16xf32>
        %add3A_1867 = arith.constant 13 : i32
        %add3A_1868 = arith.addi %add3A_269, %add3A_1867 : i32
        %swap3A_1869 = arith.index_cast %add3A_1868 : i32 to index
        %swap3A_1870 = arith.constant 112 : index
        %swap3A_1871 = tpu.vector_load %arg11[%swap3A_1869, %swap3A_1870] {strides = array<i32>} : memref<128x128xf32, #tpu.memory_space<vmem>>, vector<16xf32>,
        tpu.vector_store %arg11[%swap3A_1869, %swap3A_1870], %mul3A_1866 {strides = array<i32>} : memref<128x128xf32, #tpu.memory_space<vmem>>, vector<16xf32>,
        %slice3A_1872 = vector.extract_strided_slice %get3A_273 {offsets = [14], sizes = [1], strides = [1]} : vector<16xi32> to vector<1xi32>
        %squeeze3A_1873 = vector.extract %slice3A_1872[0] : i32 from vector<1xi32>
        %add3A_1874 = arith.constant 14 : i32
        %add3A_1875 = arith.addi %add3A_269, %add3A_1874 : i32
        %get3A_1876 = arith.index_cast %add3A_1875 : i32 to index
        %get3A_1877 = arith.constant 0 : index
        %get3A_1878 = tpu.vector_load %arg11[%get3A_1876, %get3A_1877] {strides = array<i32>} : memref<128x128xf32, #tpu.memory_space<vmem>>, vector<16xf32>,
        %add3A_1879 = arith.constant 14 : i32
        %add3A_1880 = arith.addi %add3A_269, %add3A_1879 : i32
        %get3A_1881 = arith.index_cast %add3A_1880 : i32 to index
        %get3A_1882 = arith.constant 16 : index
        %get3A_1883 = tpu.vector_load %arg11[%get3A_1881, %get3A_1882] {strides = array<i32>} : memref<128x128xf32, #tpu.memory_space<vmem>>, vector<16xf32>,
        %add3A_1884 = arith.constant 14 : i32
        %add3A_1885 = arith.addi %add3A_269, %add3A_1884 : i32
        %get3A_1886 = arith.index_cast %add3A_1885 : i32 to index
        %get3A_1887 = arith.constant 32 : index
        %get3A_1888 = tpu.vector_load %arg11[%get3A_1886, %get3A_1887] {strides = array<i32>} : memref<128x128xf32, #tpu.memory_space<vmem>>, vector<16xf32>,
        %add3A_1889 = arith.constant 14 : i32
        %add3A_1890 = arith.addi %add3A_269, %add3A_1889 : i32
        %get3A_1891 = arith.index_cast %add3A_1890 : i32 to index
        %get3A_1892 = arith.constant 48 : index
        %get3A_1893 = tpu.vector_load %arg11[%get3A_1891, %get3A_1892] {strides = array<i32>} : memref<128x128xf32, #tpu.memory_space<vmem>>, vector<16xf32>,
        %add3A_1894 = arith.constant 14 : i32
        %add3A_1895 = arith.addi %add3A_269, %add3A_1894 : i32
        %get3A_1896 = arith.index_cast %add3A_1895 : i32 to index
        %get3A_1897 = arith.constant 64 : index
        %get3A_1898 = tpu.vector_load %arg11[%get3A_1896, %get3A_1897] {strides = array<i32>} : memref<128x128xf32, #tpu.memory_space<vmem>>, vector<16xf32>,
        %add3A_1899 = arith.constant 14 : i32
        %add3A_1900 = arith.addi %add3A_269, %add3A_1899 : i32
        %get3A_1901 = arith.index_cast %add3A_1900 : i32 to index
        %get3A_1902 = arith.constant 80 : index
        %get3A_1903 = tpu.vector_load %arg11[%get3A_1901, %get3A_1902] {strides = array<i32>} : memref<128x128xf32, #tpu.memory_space<vmem>>, vector<16xf32>,
        %add3A_1904 = arith.constant 14 : i32
        %add3A_1905 = arith.addi %add3A_269, %add3A_1904 : i32
        %get3A_1906 = arith.index_cast %add3A_1905 : i32 to index
        %get3A_1907 = arith.constant 96 : index
        %get3A_1908 = tpu.vector_load %arg11[%get3A_1906, %get3A_1907] {strides = array<i32>} : memref<128x128xf32, #tpu.memory_space<vmem>>, vector<16xf32>,
        %add3A_1909 = arith.constant 14 : i32
        %add3A_1910 = arith.addi %add3A_269, %add3A_1909 : i32
        %get3A_1911 = arith.index_cast %add3A_1910 : i32 to index
        %get3A_1912 = arith.constant 112 : index
        %get3A_1913 = tpu.vector_load %arg11[%get3A_1911, %get3A_1912] {strides = array<i32>} : memref<128x128xf32, #tpu.memory_space<vmem>>, vector<16xf32>,
        %get3A_1914 = arith.index_cast %squeeze3A_1873 : i32 to index
        %get3A_1915 = arith.constant 0 : index
        %get3A_1916 = tpu.vector_load %arg13[%get3A_1914, %get3A_1915] {strides = array<i32>} : memref<32x128xf32, #tpu.memory_space<vmem>>, vector<16xf32>,
        %get3A_1917 = arith.index_cast %squeeze3A_1873 : i32 to index
        %get3A_1918 = arith.constant 16 : index
        %get3A_1919 = tpu.vector_load %arg13[%get3A_1917, %get3A_1918] {strides = array<i32>} : memref<32x128xf32, #tpu.memory_space<vmem>>, vector<16xf32>,
        %get3A_1920 = arith.index_cast %squeeze3A_1873 : i32 to index
        %get3A_1921 = arith.constant 32 : index
        %get3A_1922 = tpu.vector_load %arg13[%get3A_1920, %get3A_1921] {strides = array<i32>} : memref<32x128xf32, #tpu.memory_space<vmem>>, vector<16xf32>,
        %get3A_1923 = arith.index_cast %squeeze3A_1873 : i32 to index
        %get3A_1924 = arith.constant 48 : index
        %get3A_1925 = tpu.vector_load %arg13[%get3A_1923, %get3A_1924] {strides = array<i32>} : memref<32x128xf32, #tpu.memory_space<vmem>>, vector<16xf32>,
        %get3A_1926 = arith.index_cast %squeeze3A_1873 : i32 to index
        %get3A_1927 = arith.constant 64 : index
        %get3A_1928 = tpu.vector_load %arg13[%get3A_1926, %get3A_1927] {strides = array<i32>} : memref<32x128xf32, #tpu.memory_space<vmem>>, vector<16xf32>,
        %get3A_1929 = arith.index_cast %squeeze3A_1873 : i32 to index
        %get3A_1930 = arith.constant 80 : index
        %get3A_1931 = tpu.vector_load %arg13[%get3A_1929, %get3A_1930] {strides = array<i32>} : memref<32x128xf32, #tpu.memory_space<vmem>>, vector<16xf32>,
        %get3A_1932 = arith.index_cast %squeeze3A_1873 : i32 to index
        %get3A_1933 = arith.constant 96 : index
        %get3A_1934 = tpu.vector_load %arg13[%get3A_1932, %get3A_1933] {strides = array<i32>} : memref<32x128xf32, #tpu.memory_space<vmem>>, vector<16xf32>,
        %get3A_1935 = arith.index_cast %squeeze3A_1873 : i32 to index
        %get3A_1936 = arith.constant 112 : index
        %get3A_1937 = tpu.vector_load %arg13[%get3A_1935, %get3A_1936] {strides = array<i32>} : memref<32x128xf32, #tpu.memory_space<vmem>>, vector<16xf32>,
        %mul3A_1938 = arith.mulf %get3A_1878, %get3A_1916 : vector<16xf32>
        %add3A_1939 = arith.constant 14 : i32
        %add3A_1940 = arith.addi %add3A_269, %add3A_1939 : i32
        %swap3A_1941 = arith.index_cast %add3A_1940 : i32 to index
        %swap3A_1942 = arith.constant 0 : index
        %swap3A_1943 = tpu.vector_load %arg11[%swap3A_1941, %swap3A_1942] {strides = array<i32>} : memref<128x128xf32, #tpu.memory_space<vmem>>, vector<16xf32>,
        tpu.vector_store %arg11[%swap3A_1941, %swap3A_1942], %mul3A_1938 {strides = array<i32>} : memref<128x128xf32, #tpu.memory_space<vmem>>, vector<16xf32>,
        %mul3A_1944 = arith.mulf %get3A_1883, %get3A_1919 : vector<16xf32>
        %add3A_1945 = arith.constant 14 : i32
        %add3A_1946 = arith.addi %add3A_269, %add3A_1945 : i32
        %swap3A_1947 = arith.index_cast %add3A_1946 : i32 to index
        %swap3A_1948 = arith.constant 16 : index
        %swap3A_1949 = tpu.vector_load %arg11[%swap3A_1947, %swap3A_1948] {strides = array<i32>} : memref<128x128xf32, #tpu.memory_space<vmem>>, vector<16xf32>,
        tpu.vector_store %arg11[%swap3A_1947, %swap3A_1948], %mul3A_1944 {strides = array<i32>} : memref<128x128xf32, #tpu.memory_space<vmem>>, vector<16xf32>,
        %mul3A_1950 = arith.mulf %get3A_1888, %get3A_1922 : vector<16xf32>
        %add3A_1951 = arith.constant 14 : i32
        %add3A_1952 = arith.addi %add3A_269, %add3A_1951 : i32
        %swap3A_1953 = arith.index_cast %add3A_1952 : i32 to index
        %swap3A_1954 = arith.constant 32 : index
        %swap3A_1955 = tpu.vector_load %arg11[%swap3A_1953, %swap3A_1954] {strides = array<i32>} : memref<128x128xf32, #tpu.memory_space<vmem>>, vector<16xf32>,
        tpu.vector_store %arg11[%swap3A_1953, %swap3A_1954], %mul3A_1950 {strides = array<i32>} : memref<128x128xf32, #tpu.memory_space<vmem>>, vector<16xf32>,
        %mul3A_1956 = arith.mulf %get3A_1893, %get3A_1925 : vector<16xf32>
        %add3A_1957 = arith.constant 14 : i32
        %add3A_1958 = arith.addi %add3A_269, %add3A_1957 : i32
        %swap3A_1959 = arith.index_cast %add3A_1958 : i32 to index
        %swap3A_1960 = arith.constant 48 : index
        %swap3A_1961 = tpu.vector_load %arg11[%swap3A_1959, %swap3A_1960] {strides = array<i32>} : memref<128x128xf32, #tpu.memory_space<vmem>>, vector<16xf32>,
        tpu.vector_store %arg11[%swap3A_1959, %swap3A_1960], %mul3A_1956 {strides = array<i32>} : memref<128x128xf32, #tpu.memory_space<vmem>>, vector<16xf32>,
        %mul3A_1962 = arith.mulf %get3A_1898, %get3A_1928 : vector<16xf32>
        %add3A_1963 = arith.constant 14 : i32
        %add3A_1964 = arith.addi %add3A_269, %add3A_1963 : i32
        %swap3A_1965 = arith.index_cast %add3A_1964 : i32 to index
        %swap3A_1966 = arith.constant 64 : index
        %swap3A_1967 = tpu.vector_load %arg11[%swap3A_1965, %swap3A_1966] {strides = array<i32>} : memref<128x128xf32, #tpu.memory_space<vmem>>, vector<16xf32>,
        tpu.vector_store %arg11[%swap3A_1965, %swap3A_1966], %mul3A_1962 {strides = array<i32>} : memref<128x128xf32, #tpu.memory_space<vmem>>, vector<16xf32>,
        %mul3A_1968 = arith.mulf %get3A_1903, %get3A_1931 : vector<16xf32>
        %add3A_1969 = arith.constant 14 : i32
        %add3A_1970 = arith.addi %add3A_269, %add3A_1969 : i32
        %swap3A_1971 = arith.index_cast %add3A_1970 : i32 to index
        %swap3A_1972 = arith.constant 80 : index
        %swap3A_1973 = tpu.vector_load %arg11[%swap3A_1971, %swap3A_1972] {strides = array<i32>} : memref<128x128xf32, #tpu.memory_space<vmem>>, vector<16xf32>,
        tpu.vector_store %arg11[%swap3A_1971, %swap3A_1972], %mul3A_1968 {strides = array<i32>} : memref<128x128xf32, #tpu.memory_space<vmem>>, vector<16xf32>,
        %mul3A_1974 = arith.mulf %get3A_1908, %get3A_1934 : vector<16xf32>
        %add3A_1975 = arith.constant 14 : i32
        %add3A_1976 = arith.addi %add3A_269, %add3A_1975 : i32
        %swap3A_1977 = arith.index_cast %add3A_1976 : i32 to index
        %swap3A_1978 = arith.constant 96 : index
        %swap3A_1979 = tpu.vector_load %arg11[%swap3A_1977, %swap3A_1978] {strides = array<i32>} : memref<128x128xf32, #tpu.memory_space<vmem>>, vector<16xf32>,
        tpu.vector_store %arg11[%swap3A_1977, %swap3A_1978], %mul3A_1974 {strides = array<i32>} : memref<128x128xf32, #tpu.memory_space<vmem>>, vector<16xf32>,
        %mul3A_1980 = arith.mulf %get3A_1913, %get3A_1937 : vector<16xf32>
        %add3A_1981 = arith.constant 14 : i32
        %add3A_1982 = arith.addi %add3A_269, %add3A_1981 : i32
        %swap3A_1983 = arith.index_cast %add3A_1982 : i32 to index
        %swap3A_1984 = arith.constant 112 : index
        %swap3A_1985 = tpu.vector_load %arg11[%swap3A_1983, %swap3A_1984] {strides = array<i32>} : memref<128x128xf32, #tpu.memory_space<vmem>>, vector<16xf32>,
        tpu.vector_store %arg11[%swap3A_1983, %swap3A_1984], %mul3A_1980 {strides = array<i32>} : memref<128x128xf32, #tpu.memory_space<vmem>>, vector<16xf32>,
        %slice3A_1986 = vector.extract_strided_slice %get3A_273 {offsets = [15], sizes = [1], strides = [1]} : vector<16xi32> to vector<1xi32>
        %squeeze3A_1987 = vector.extract %slice3A_1986[0] : i32 from vector<1xi32>
        %add3A_1988 = arith.constant 15 : i32
        %add3A_1989 = arith.addi %add3A_269, %add3A_1988 : i32
        %get3A_1990 = arith.index_cast %add3A_1989 : i32 to index
        %get3A_1991 = arith.constant 0 : index
        %get3A_1992 = tpu.vector_load %arg11[%get3A_1990, %get3A_1991] {strides = array<i32>} : memref<128x128xf32, #tpu.memory_space<vmem>>, vector<16xf32>,
        %add3A_1993 = arith.constant 15 : i32
        %add3A_1994 = arith.addi %add3A_269, %add3A_1993 : i32
        %get3A_1995 = arith.index_cast %add3A_1994 : i32 to index
        %get3A_1996 = arith.constant 16 : index
        %get3A_1997 = tpu.vector_load %arg11[%get3A_1995, %get3A_1996] {strides = array<i32>} : memref<128x128xf32, #tpu.memory_space<vmem>>, vector<16xf32>,
        %add3A_1998 = arith.constant 15 : i32
        %add3A_1999 = arith.addi %add3A_269, %add3A_1998 : i32
        %get3A_2000 = arith.index_cast %add3A_1999 : i32 to index
        %get3A_2001 = arith.constant 32 : index
        %get3A_2002 = tpu.vector_load %arg11[%get3A_2000, %get3A_2001] {strides = array<i32>} : memref<128x128xf32, #tpu.memory_space<vmem>>, vector<16xf32>,
        %add3A_2003 = arith.constant 15 : i32
        %add3A_2004 = arith.addi %add3A_269, %add3A_2003 : i32
        %get3A_2005 = arith.index_cast %add3A_2004 : i32 to index
        %get3A_2006 = arith.constant 48 : index
        %get3A_2007 = tpu.vector_load %arg11[%get3A_2005, %get3A_2006] {strides = array<i32>} : memref<128x128xf32, #tpu.memory_space<vmem>>, vector<16xf32>,
        %add3A_2008 = arith.constant 15 : i32
        %add3A_2009 = arith.addi %add3A_269, %add3A_2008 : i32
        %get3A_2010 = arith.index_cast %add3A_2009 : i32 to index
        %get3A_2011 = arith.constant 64 : index
        %get3A_2012 = tpu.vector_load %arg11[%get3A_2010, %get3A_2011] {strides = array<i32>} : memref<128x128xf32, #tpu.memory_space<vmem>>, vector<16xf32>,
        %add3A_2013 = arith.constant 15 : i32
        %add3A_2014 = arith.addi %add3A_269, %add3A_2013 : i32
        %get3A_2015 = arith.index_cast %add3A_2014 : i32 to index
        %get3A_2016 = arith.constant 80 : index
        %get3A_2017 = tpu.vector_load %arg11[%get3A_2015, %get3A_2016] {strides = array<i32>} : memref<128x128xf32, #tpu.memory_space<vmem>>, vector<16xf32>,
        %add3A_2018 = arith.constant 15 : i32
        %add3A_2019 = arith.addi %add3A_269, %add3A_2018 : i32
        %get3A_2020 = arith.index_cast %add3A_2019 : i32 to index
        %get3A_2021 = arith.constant 96 : index
        %get3A_2022 = tpu.vector_load %arg11[%get3A_2020, %get3A_2021] {strides = array<i32>} : memref<128x128xf32, #tpu.memory_space<vmem>>, vector<16xf32>,
        %add3A_2023 = arith.constant 15 : i32
        %add3A_2024 = arith.addi %add3A_269, %add3A_2023 : i32
        %get3A_2025 = arith.index_cast %add3A_2024 : i32 to index
        %get3A_2026 = arith.constant 112 : index
        %get3A_2027 = tpu.vector_load %arg11[%get3A_2025, %get3A_2026] {strides = array<i32>} : memref<128x128xf32, #tpu.memory_space<vmem>>, vector<16xf32>,
        %get3A_2028 = arith.index_cast %squeeze3A_1987 : i32 to index
        %get3A_2029 = arith.constant 0 : index
        %get3A_2030 = tpu.vector_load %arg13[%get3A_2028, %get3A_2029] {strides = array<i32>} : memref<32x128xf32, #tpu.memory_space<vmem>>, vector<16xf32>,
        %get3A_2031 = arith.index_cast %squeeze3A_1987 : i32 to index
        %get3A_2032 = arith.constant 16 : index
        %get3A_2033 = tpu.vector_load %arg13[%get3A_2031, %get3A_2032] {strides = array<i32>} : memref<32x128xf32, #tpu.memory_space<vmem>>, vector<16xf32>,
        %get3A_2034 = arith.index_cast %squeeze3A_1987 : i32 to index
        %get3A_2035 = arith.constant 32 : index
        %get3A_2036 = tpu.vector_load %arg13[%get3A_2034, %get3A_2035] {strides = array<i32>} : memref<32x128xf32, #tpu.memory_space<vmem>>, vector<16xf32>,
        %get3A_2037 = arith.index_cast %squeeze3A_1987 : i32 to index
        %get3A_2038 = arith.constant 48 : index
        %get3A_2039 = tpu.vector_load %arg13[%get3A_2037, %get3A_2038] {strides = array<i32>} : memref<32x128xf32, #tpu.memory_space<vmem>>, vector<16xf32>,
        %get3A_2040 = arith.index_cast %squeeze3A_1987 : i32 to index
        %get3A_2041 = arith.constant 64 : index
        %get3A_2042 = tpu.vector_load %arg13[%get3A_2040, %get3A_2041] {strides = array<i32>} : memref<32x128xf32, #tpu.memory_space<vmem>>, vector<16xf32>,
        %get3A_2043 = arith.index_cast %squeeze3A_1987 : i32 to index
        %get3A_2044 = arith.constant 80 : index
        %get3A_2045 = tpu.vector_load %arg13[%get3A_2043, %get3A_2044] {strides = array<i32>} : memref<32x128xf32, #tpu.memory_space<vmem>>, vector<16xf32>,
        %get3A_2046 = arith.index_cast %squeeze3A_1987 : i32 to index
        %get3A_2047 = arith.constant 96 : index
        %get3A_2048 = tpu.vector_load %arg13[%get3A_2046, %get3A_2047] {strides = array<i32>} : memref<32x128xf32, #tpu.memory_space<vmem>>, vector<16xf32>,
        %get3A_2049 = arith.index_cast %squeeze3A_1987 : i32 to index
        %get3A_2050 = arith.constant 112 : index
        %get3A_2051 = tpu.vector_load %arg13[%get3A_2049, %get3A_2050] {strides = array<i32>} : memref<32x128xf32, #tpu.memory_space<vmem>>, vector<16xf32>,
        %mul3A_2052 = arith.mulf %get3A_1992, %get3A_2030 : vector<16xf32>
        %add3A_2053 = arith.constant 15 : i32
        %add3A_2054 = arith.addi %add3A_269, %add3A_2053 : i32
        %swap3A_2055 = arith.index_cast %add3A_2054 : i32 to index
        %swap3A_2056 = arith.constant 0 : index
        %swap3A_2057 = tpu.vector_load %arg11[%swap3A_2055, %swap3A_2056] {strides = array<i32>} : memref<128x128xf32, #tpu.memory_space<vmem>>, vector<16xf32>,
        tpu.vector_store %arg11[%swap3A_2055, %swap3A_2056], %mul3A_2052 {strides = array<i32>} : memref<128x128xf32, #tpu.memory_space<vmem>>, vector<16xf32>,
        %mul3A_2058 = arith.mulf %get3A_1997, %get3A_2033 : vector<16xf32>
        %add3A_2059 = arith.constant 15 : i32
        %add3A_2060 = arith.addi %add3A_269, %add3A_2059 : i32
        %swap3A_2061 = arith.index_cast %add3A_2060 : i32 to index
        %swap3A_2062 = arith.constant 16 : index
        %swap3A_2063 = tpu.vector_load %arg11[%swap3A_2061, %swap3A_2062] {strides = array<i32>} : memref<128x128xf32, #tpu.memory_space<vmem>>, vector<16xf32>,
        tpu.vector_store %arg11[%swap3A_2061, %swap3A_2062], %mul3A_2058 {strides = array<i32>} : memref<128x128xf32, #tpu.memory_space<vmem>>, vector<16xf32>,
        %mul3A_2064 = arith.mulf %get3A_2002, %get3A_2036 : vector<16xf32>
        %add3A_2065 = arith.constant 15 : i32
        %add3A_2066 = arith.addi %add3A_269, %add3A_2065 : i32
        %swap3A_2067 = arith.index_cast %add3A_2066 : i32 to index
        %swap3A_2068 = arith.constant 32 : index
        %swap3A_2069 = tpu.vector_load %arg11[%swap3A_2067, %swap3A_2068] {strides = array<i32>} : memref<128x128xf32, #tpu.memory_space<vmem>>, vector<16xf32>,
        tpu.vector_store %arg11[%swap3A_2067, %swap3A_2068], %mul3A_2064 {strides = array<i32>} : memref<128x128xf32, #tpu.memory_space<vmem>>, vector<16xf32>,
        %mul3A_2070 = arith.mulf %get3A_2007, %get3A_2039 : vector<16xf32>
        %add3A_2071 = arith.constant 15 : i32
        %add3A_2072 = arith.addi %add3A_269, %add3A_2071 : i32
        %swap3A_2073 = arith.index_cast %add3A_2072 : i32 to index
        %swap3A_2074 = arith.constant 48 : index
        %swap3A_2075 = tpu.vector_load %arg11[%swap3A_2073, %swap3A_2074] {strides = array<i32>} : memref<128x128xf32, #tpu.memory_space<vmem>>, vector<16xf32>,
        tpu.vector_store %arg11[%swap3A_2073, %swap3A_2074], %mul3A_2070 {strides = array<i32>} : memref<128x128xf32, #tpu.memory_space<vmem>>, vector<16xf32>,
        %mul3A_2076 = arith.mulf %get3A_2012, %get3A_2042 : vector<16xf32>
        %add3A_2077 = arith.constant 15 : i32
        %add3A_2078 = arith.addi %add3A_269, %add3A_2077 : i32
        %swap3A_2079 = arith.index_cast %add3A_2078 : i32 to index
        %swap3A_2080 = arith.constant 64 : index
        %swap3A_2081 = tpu.vector_load %arg11[%swap3A_2079, %swap3A_2080] {strides = array<i32>} : memref<128x128xf32, #tpu.memory_space<vmem>>, vector<16xf32>,
        tpu.vector_store %arg11[%swap3A_2079, %swap3A_2080], %mul3A_2076 {strides = array<i32>} : memref<128x128xf32, #tpu.memory_space<vmem>>, vector<16xf32>,
        %mul3A_2082 = arith.mulf %get3A_2017, %get3A_2045 : vector<16xf32>
        %add3A_2083 = arith.constant 15 : i32
        %add3A_2084 = arith.addi %add3A_269, %add3A_2083 : i32
        %swap3A_2085 = arith.index_cast %add3A_2084 : i32 to index
        %swap3A_2086 = arith.constant 80 : index
        %swap3A_2087 = tpu.vector_load %arg11[%swap3A_2085, %swap3A_2086] {strides = array<i32>} : memref<128x128xf32, #tpu.memory_space<vmem>>, vector<16xf32>,
        tpu.vector_store %arg11[%swap3A_2085, %swap3A_2086], %mul3A_2082 {strides = array<i32>} : memref<128x128xf32, #tpu.memory_space<vmem>>, vector<16xf32>,
        %mul3A_2088 = arith.mulf %get3A_2022, %get3A_2048 : vector<16xf32>
        %add3A_2089 = arith.constant 15 : i32
        %add3A_2090 = arith.addi %add3A_269, %add3A_2089 : i32
        %swap3A_2091 = arith.index_cast %add3A_2090 : i32 to index
        %swap3A_2092 = arith.constant 96 : index
        %swap3A_2093 = tpu.vector_load %arg11[%swap3A_2091, %swap3A_2092] {strides = array<i32>} : memref<128x128xf32, #tpu.memory_space<vmem>>, vector<16xf32>,
        tpu.vector_store %arg11[%swap3A_2091, %swap3A_2092], %mul3A_2088 {strides = array<i32>} : memref<128x128xf32, #tpu.memory_space<vmem>>, vector<16xf32>,
        %mul3A_2094 = arith.mulf %get3A_2027, %get3A_2051 : vector<16xf32>
        %add3A_2095 = arith.constant 15 : i32
        %add3A_2096 = arith.addi %add3A_269, %add3A_2095 : i32
        %swap3A_2097 = arith.index_cast %add3A_2096 : i32 to index
        %swap3A_2098 = arith.constant 112 : index
        %swap3A_2099 = tpu.vector_load %arg11[%swap3A_2097, %swap3A_2098] {strides = array<i32>} : memref<128x128xf32, #tpu.memory_space<vmem>>, vector<16xf32>,
        tpu.vector_store %arg11[%swap3A_2097, %swap3A_2098], %mul3A_2094 {strides = array<i32>} : memref<128x128xf32, #tpu.memory_space<vmem>>, vector<16xf32>,
      }
      %scan3A_105 = arith.constant 8 : i32
      %get3A = arith.constant 2 : i32
      %get3A_106 = arith.index_cast %get3A : i32 to index
      %get3A_107 = arith.constant 0 : index
      %get3A_108 = tpu.vector_load %arg7[%get3A_106, %get3A_107] {strides = array<i32>} : memref<3x128xi32, #tpu.memory_space<vmem>>, vector<16xi32>,
      %swap3A = arith.constant 0 : index
      %swap3A_109 = tpu.vector_load %arg9[%swap3A] {strides = array<i32>} : memref<128xi32, #tpu.memory_space<vmem>>, vector<16xi32>,
      tpu.vector_store %arg9[%swap3A], %get3A_108 {strides = array<i32>} : memref<128xi32, #tpu.memory_space<vmem>>, vector<16xi32>,
      %get3A_110 = arith.constant 2 : i32
      %get3A_111 = arith.index_cast %get3A_110 : i32 to index
      %get3A_112 = arith.constant 16 : index
      %get3A_113 = tpu.vector_load %arg7[%get3A_111, %get3A_112] {strides = array<i32>} : memref<3x128xi32, #tpu.memory_space<vmem>>, vector<16xi32>,
      %swap3A_114 = arith.constant 16 : index
      %swap3A_115 = tpu.vector_load %arg9[%swap3A_114] {strides = array<i32>} : memref<128xi32, #tpu.memory_space<vmem>>, vector<16xi32>,
      tpu.vector_store %arg9[%swap3A_114], %get3A_113 {strides = array<i32>} : memref<128xi32, #tpu.memory_space<vmem>>, vector<16xi32>,
      %get3A_116 = arith.constant 2 : i32
      %get3A_117 = arith.index_cast %get3A_116 : i32 to index
      %get3A_118 = arith.constant 32 : index
      %get3A_119 = tpu.vector_load %arg7[%get3A_117, %get3A_118] {strides = array<i32>} : memref<3x128xi32, #tpu.memory_space<vmem>>, vector<16xi32>,
      %swap3A_120 = arith.constant 32 : index
      %swap3A_121 = tpu.vector_load %arg9[%swap3A_120] {strides = array<i32>} : memref<128xi32, #tpu.memory_space<vmem>>, vector<16xi32>,
      tpu.vector_store %arg9[%swap3A_120], %get3A_119 {strides = array<i32>} : memref<128xi32, #tpu.memory_space<vmem>>, vector<16xi32>,
      %get3A_122 = arith.constant 2 : i32
      %get3A_123 = arith.index_cast %get3A_122 : i32 to index
      %get3A_124 = arith.constant 48 : index
      %get3A_125 = tpu.vector_load %arg7[%get3A_123, %get3A_124] {strides = array<i32>} : memref<3x128xi32, #tpu.memory_space<vmem>>, vector<16xi32>,
      %swap3A_126 = arith.constant 48 : index
      %swap3A_127 = tpu.vector_load %arg9[%swap3A_126] {strides = array<i32>} : memref<128xi32, #tpu.memory_space<vmem>>, vector<16xi32>,
      tpu.vector_store %arg9[%swap3A_126], %get3A_125 {strides = array<i32>} : memref<128xi32, #tpu.memory_space<vmem>>, vector<16xi32>,
      %get3A_128 = arith.constant 2 : i32
      %get3A_129 = arith.index_cast %get3A_128 : i32 to index
      %get3A_130 = arith.constant 64 : index
      %get3A_131 = tpu.vector_load %arg7[%get3A_129, %get3A_130] {strides = array<i32>} : memref<3x128xi32, #tpu.memory_space<vmem>>, vector<16xi32>,
      %swap3A_132 = arith.constant 64 : index
      %swap3A_133 = tpu.vector_load %arg9[%swap3A_132] {strides = array<i32>} : memref<128xi32, #tpu.memory_space<vmem>>, vector<16xi32>,
      tpu.vector_store %arg9[%swap3A_132], %get3A_131 {strides = array<i32>} : memref<128xi32, #tpu.memory_space<vmem>>, vector<16xi32>,
      %get3A_134 = arith.constant 2 : i32
      %get3A_135 = arith.index_cast %get3A_134 : i32 to index
      %get3A_136 = arith.constant 80 : index
      %get3A_137 = tpu.vector_load %arg7[%get3A_135, %get3A_136] {strides = array<i32>} : memref<3x128xi32, #tpu.memory_space<vmem>>, vector<16xi32>,
      %swap3A_138 = arith.constant 80 : index
      %swap3A_139 = tpu.vector_load %arg9[%swap3A_138] {strides = array<i32>} : memref<128xi32, #tpu.memory_space<vmem>>, vector<16xi32>,
      tpu.vector_store %arg9[%swap3A_138], %get3A_137 {strides = array<i32>} : memref<128xi32, #tpu.memory_space<vmem>>, vector<16xi32>,
      %get3A_140 = arith.constant 2 : i32
      %get3A_141 = arith.index_cast %get3A_140 : i32 to index
      %get3A_142 = arith.constant 96 : index
      %get3A_143 = tpu.vector_load %arg7[%get3A_141, %get3A_142] {strides = array<i32>} : memref<3x128xi32, #tpu.memory_space<vmem>>, vector<16xi32>,
      %swap3A_144 = arith.constant 96 : index
      %swap3A_145 = tpu.vector_load %arg9[%swap3A_144] {strides = array<i32>} : memref<128xi32, #tpu.memory_space<vmem>>, vector<16xi32>,
      tpu.vector_store %arg9[%swap3A_144], %get3A_143 {strides = array<i32>} : memref<128xi32, #tpu.memory_space<vmem>>, vector<16xi32>,
      %get3A_146 = arith.constant 2 : i32
      %get3A_147 = arith.index_cast %get3A_146 : i32 to index
      %get3A_148 = arith.constant 112 : index
      %get3A_149 = tpu.vector_load %arg7[%get3A_147, %get3A_148] {strides = array<i32>} : memref<3x128xi32, #tpu.memory_space<vmem>>, vector<16xi32>,
      %swap3A_150 = arith.constant 112 : index
      %swap3A_151 = tpu.vector_load %arg9[%swap3A_150] {strides = array<i32>} : memref<128xi32, #tpu.memory_space<vmem>>, vector<16xi32>,
      tpu.vector_store %arg9[%swap3A_150], %get3A_149 {strides = array<i32>} : memref<128xi32, #tpu.memory_space<vmem>>, vector<16xi32>,
      %dma_start3A_152 = arith.constant 0 : i32
      %dma_start3A_153 = arith.constant 0 : i32
      %dma_start3A_154 = tpu.memref_slice %arg15[%dma_start3A_152, %dma_start3A_153] : memref<10112x128xf32, #tpu.memory_space<vmem_shared>> -> memref<10112x128xf32, #tpu.memory_space<vmem_shared>>
      tpu.enqueue_indirect_dma source(%arg11 : memref<128x128xf32, #tpu.memory_space<vmem>>) target(%dma_start3A_154 : memref<10112x128xf32, #tpu.memory_space<vmem_shared>>) offsets(%arg9 : memref<128xi32, #tpu.memory_space<vmem>>) semaphore(%arg20 : memref<!tpu.dma_semaphore, #tpu.memory_space<semaphore_mem>>) {add = true}
      %add3A_155 = arith.constant 2 : i32
      %add3A_156 = arith.addi %add3A_76, %add3A_155 : i32
      %min3A = arith.constant 79 : i32
      %min3A_157 = arith.minsi %add3A_156, %min3A : i32
      %add3A_158 = arith.addi %mul3A_23, %min3A_157 : i32
      %dma_start3A_159 = arith.constant 0 : i32
      %dma_start3A_160 = arith.constant 0 : i32
      %dma_start3A_161 = tpu.memref_slice %arg4[%add3A_158, %dma_start3A_159, %dma_start3A_160] : memref<2560x3x128xi32, #tpu.memory_space<hbm>> -> memref<1x3x128xi32, #tpu.memory_space<hbm>>
      %dma_start3A_162 = tpu.memref_squeeze %dma_start3A_161 : memref<1x3x128xi32, #tpu.memory_space<hbm>> -> memref<3x128xi32, #tpu.memory_space<hbm>>
      %dma_start3A_163 = arith.constant 0 : i32
      %dma_start3A_164 = arith.constant 0 : i32
      %dma_start3A_165 = tpu.memref_slice %arg4[%add3A_158, %dma_start3A_163, %dma_start3A_164] : memref<2560x3x128xi32, #tpu.memory_space<hbm>> -> memref<1x3x128xi32, #tpu.memory_space<hbm>>
      %dma_start3A_166 = tpu.memref_squeeze %dma_start3A_165 : memref<1x3x128xi32, #tpu.memory_space<hbm>> -> memref<3x128xi32, #tpu.memory_space<hbm>>
      tpu.enqueue_dma source(%dma_start3A_166 : memref<3x128xi32, #tpu.memory_space<hbm>>) target(%arg7 : memref<3x128xi32, #tpu.memory_space<vmem>>) target_semaphore(%arg16 : memref<!tpu.dma_semaphore, #tpu.memory_space<semaphore_mem>>)
      %add3A_167 = arith.constant 1 : i32
      %add3A_168 = arith.addi %add3A_76, %add3A_167 : i32
      %dma_wait3A_169 = arith.constant 0 : i32
      %dma_wait3A_170 = arith.constant 0 : i32
      %dma_wait3A_171 = tpu.memref_slice %arg8[%dma_wait3A_169, %dma_wait3A_170] : memref<3x128xi32, #tpu.memory_space<vmem>> -> memref<1x128xi32, #tpu.memory_space<vmem>>
      %dma_wait3A_172 = tpu.memref_squeeze %dma_wait3A_171 : memref<1x128xi32, #tpu.memory_space<vmem>> -> memref<128xi32, #tpu.memory_space<vmem>>
      %dma_wait3A_173 = arith.constant 0 : i32
      %dma_wait3A_174 = arith.constant 0 : i32
      %dma_wait3A_175 = tpu.memref_slice %arg2[%dma_wait3A_173, %dma_wait3A_174] : memref<10000x128xf32, #tpu.memory_space<hbm>> -> memref<10000x128xf32, #tpu.memory_space<hbm>>
      tpu.wait_indirect_dma semaphore(%arg19 : memref<!tpu.dma_semaphore, #tpu.memory_space<semaphore_mem>>) src(%dma_wait3A_175 : memref<10000x128xf32, #tpu.memory_space<hbm>>) dst(%arg12 : memref<128x128xf32, #tpu.memory_space<vmem>>)
      %dma_wait3A_176 = arith.constant 0 : i32
      %dma_wait3A_177 = arith.constant 0 : i32
      %dma_wait3A_178 = tpu.memref_slice %arg4[%mul3A_23, %dma_wait3A_176, %dma_wait3A_177] : memref<2560x3x128xi32, #tpu.memory_space<hbm>> -> memref<1x3x128xi32, #tpu.memory_space<hbm>>
      %dma_wait3A_179 = tpu.memref_squeeze %dma_wait3A_178 : memref<1x3x128xi32, #tpu.memory_space<hbm>> -> memref<3x128xi32, #tpu.memory_space<hbm>>
      %dma_wait3A_180 = arith.constant 0 : i32
      %dma_wait3A_181 = arith.constant 0 : i32
      %dma_wait3A_182 = tpu.memref_slice %arg4[%mul3A_23, %dma_wait3A_180, %dma_wait3A_181] : memref<2560x3x128xi32, #tpu.memory_space<hbm>> -> memref<1x3x128xi32, #tpu.memory_space<hbm>>
      %dma_wait3A_183 = tpu.memref_squeeze %dma_wait3A_182 : memref<1x3x128xi32, #tpu.memory_space<hbm>> -> memref<3x128xi32, #tpu.memory_space<hbm>>
      tpu.wait_dma2 semaphore(%arg16 : memref<!tpu.dma_semaphore, #tpu.memory_space<semaphore_mem>>) src(%dma_wait3A_183 : memref<3x128xi32, #tpu.memory_space<hbm>>) dst(%arg7 : memref<3x128xi32, #tpu.memory_space<vmem>>)
      %gt3A_184 = arith.constant 0 : i32
      %gt3A_185 = arith.cmpi sgt, %add3A_168, %gt3A_184 : i32
      %convert_element_type3A_186 = arith.extui %gt3A_185 : i1 to i32
      %cond3A_187 = arith.constant 0 : i32
      %cond3A_188 = arith.cmpi ne, %convert_element_type3A_186, %cond3A_187 : i32
      scf.if %cond3A_188 {
        %dma_wait3A_265 = arith.constant 0 : i32
        %dma_wait3A_266 = arith.constant 0 : i32
        %dma_wait3A_267 = tpu.memref_slice %arg15[%dma_wait3A_265, %dma_wait3A_266] : memref<10112x128xf32, #tpu.memory_space<vmem_shared>> -> memref<10112x128xf32, #tpu.memory_space<vmem_shared>>
        tpu.wait_indirect_dma semaphore(%arg20 : memref<!tpu.dma_semaphore, #tpu.memory_space<semaphore_mem>>) src(%arg11 : memref<128x128xf32, #tpu.memory_space<vmem>>) dst(%dma_wait3A_267 : memref<10112x128xf32, #tpu.memory_space<vmem_shared>>)
      } else {
      }
      %dma_start3A_189 = arith.constant 0 : i32
      %dma_start3A_190 = arith.constant 0 : i32
      %dma_start3A_191 = tpu.memref_slice %arg7[%dma_start3A_189, %dma_start3A_190] : memref<3x128xi32, #tpu.memory_space<vmem>> -> memref<1x128xi32, #tpu.memory_space<vmem>>
      %dma_start3A_192 = tpu.memref_squeeze %dma_start3A_191 : memref<1x128xi32, #tpu.memory_space<vmem>> -> memref<128xi32, #tpu.memory_space<vmem>>
      %dma_start3A_193 = arith.constant 0 : i32
      %dma_start3A_194 = arith.constant 0 : i32
      %dma_start3A_195 = tpu.memref_slice %arg2[%dma_start3A_193, %dma_start3A_194] : memref<10000x128xf32, #tpu.memory_space<hbm>> -> memref<10000x128xf32, #tpu.memory_space<hbm>>
      tpu.enqueue_indirect_dma source(%dma_start3A_195 : memref<10000x128xf32, #tpu.memory_space<hbm>>) target(%arg11 : memref<128x128xf32, #tpu.memory_space<vmem>>) offsets(%dma_start3A_192 : memref<128xi32, #tpu.memory_space<vmem>>) semaphore(%arg18 : memref<!tpu.dma_semaphore, #tpu.memory_space<semaphore_mem>>)
      %scan3A_196 = arith.constant 0 : i32
      %scan3A_197 = arith.constant 8 : i32
      %scan3A_198 = arith.addi %scan3A_196, %scan3A_197 : i32
      %scan3A_199 = arith.constant 1 : i32
      scf.for %scan3A_265 = %scan3A_196 to %scan3A_198 step %scan3A_199  : i32 {
        %mul3A_266 = arith.constant 16 : i32
        %mul3A_267 = arith.muli %scan3A_265, %mul3A_266 : i32
        %add3A_268 = arith.constant 0 : i32
        %add3A_269 = arith.addi %add3A_268, %mul3A_267 : i32
        %get3A_270 = arith.constant 1 : i32
        %get3A_271 = arith.index_cast %get3A_270 : i32 to index
        %get3A_272 = arith.index_cast %add3A_269 : i32 to index
        %get3A_273 = tpu.vector_load %arg8[%get3A_271, %get3A_272] {strides = array<i32>} : memref<3x128xi32, #tpu.memory_space<vmem>>, vector<16xi32>,
        %get3A_274 = arith.constant 2 : i32
        %get3A_275 = arith.index_cast %get3A_274 : i32 to index
        %get3A_276 = arith.index_cast %add3A_269 : i32 to index
        %get3A_277 = tpu.vector_load %arg8[%get3A_275, %get3A_276] {strides = array<i32>} : memref<3x128xi32, #tpu.memory_space<vmem>>, vector<16xi32>,
        tpu.vector_store_idx %arg14[%get3A_277], %broadcast_in_dim3A_1 {add = true} : memref<10112xf32, #tpu.memory_space<vmem>>[vector<16xi32>], vector<16xf32>,
        %slice3A = vector.extract_strided_slice %get3A_273 {offsets = [0], sizes = [1], strides = [1]} : vector<16xi32> to vector<1xi32>
        %squeeze3A = vector.extract %slice3A[0] : i32 from vector<1xi32>
        %add3A_278 = arith.constant 0 : i32
        %add3A_279 = arith.addi %add3A_269, %add3A_278 : i32
        %get3A_280 = arith.index_cast %add3A_279 : i32 to index
        %get3A_281 = arith.constant 0 : index
        %get3A_282 = tpu.vector_load %arg12[%get3A_280, %get3A_281] {strides = array<i32>} : memref<128x128xf32, #tpu.memory_space<vmem>>, vector<16xf32>,
        %add3A_283 = arith.constant 0 : i32
        %add3A_284 = arith.addi %add3A_269, %add3A_283 : i32
        %get3A_285 = arith.index_cast %add3A_284 : i32 to index
        %get3A_286 = arith.constant 16 : index
        %get3A_287 = tpu.vector_load %arg12[%get3A_285, %get3A_286] {strides = array<i32>} : memref<128x128xf32, #tpu.memory_space<vmem>>, vector<16xf32>,
        %add3A_288 = arith.constant 0 : i32
        %add3A_289 = arith.addi %add3A_269, %add3A_288 : i32
        %get3A_290 = arith.index_cast %add3A_289 : i32 to index
        %get3A_291 = arith.constant 32 : index
        %get3A_292 = tpu.vector_load %arg12[%get3A_290, %get3A_291] {strides = array<i32>} : memref<128x128xf32, #tpu.memory_space<vmem>>, vector<16xf32>,
        %add3A_293 = arith.constant 0 : i32
        %add3A_294 = arith.addi %add3A_269, %add3A_293 : i32
        %get3A_295 = arith.index_cast %add3A_294 : i32 to index
        %get3A_296 = arith.constant 48 : index
        %get3A_297 = tpu.vector_load %arg12[%get3A_295, %get3A_296] {strides = array<i32>} : memref<128x128xf32, #tpu.memory_space<vmem>>, vector<16xf32>,
        %add3A_298 = arith.constant 0 : i32
        %add3A_299 = arith.addi %add3A_269, %add3A_298 : i32
        %get3A_300 = arith.index_cast %add3A_299 : i32 to index
        %get3A_301 = arith.constant 64 : index
        %get3A_302 = tpu.vector_load %arg12[%get3A_300, %get3A_301] {strides = array<i32>} : memref<128x128xf32, #tpu.memory_space<vmem>>, vector<16xf32>,
        %add3A_303 = arith.constant 0 : i32
        %add3A_304 = arith.addi %add3A_269, %add3A_303 : i32
        %get3A_305 = arith.index_cast %add3A_304 : i32 to index
        %get3A_306 = arith.constant 80 : index
        %get3A_307 = tpu.vector_load %arg12[%get3A_305, %get3A_306] {strides = array<i32>} : memref<128x128xf32, #tpu.memory_space<vmem>>, vector<16xf32>,
        %add3A_308 = arith.constant 0 : i32
        %add3A_309 = arith.addi %add3A_269, %add3A_308 : i32
        %get3A_310 = arith.index_cast %add3A_309 : i32 to index
        %get3A_311 = arith.constant 96 : index
        %get3A_312 = tpu.vector_load %arg12[%get3A_310, %get3A_311] {strides = array<i32>} : memref<128x128xf32, #tpu.memory_space<vmem>>, vector<16xf32>,
        %add3A_313 = arith.constant 0 : i32
        %add3A_314 = arith.addi %add3A_269, %add3A_313 : i32
        %get3A_315 = arith.index_cast %add3A_314 : i32 to index
        %get3A_316 = arith.constant 112 : index
        %get3A_317 = tpu.vector_load %arg12[%get3A_315, %get3A_316] {strides = array<i32>} : memref<128x128xf32, #tpu.memory_space<vmem>>, vector<16xf32>,
        %get3A_318 = arith.index_cast %squeeze3A : i32 to index
        %get3A_319 = arith.constant 0 : index
        %get3A_320 = tpu.vector_load %arg13[%get3A_318, %get3A_319] {strides = array<i32>} : memref<32x128xf32, #tpu.memory_space<vmem>>, vector<16xf32>,
        %get3A_321 = arith.index_cast %squeeze3A : i32 to index
        %get3A_322 = arith.constant 16 : index
        %get3A_323 = tpu.vector_load %arg13[%get3A_321, %get3A_322] {strides = array<i32>} : memref<32x128xf32, #tpu.memory_space<vmem>>, vector<16xf32>,
        %get3A_324 = arith.index_cast %squeeze3A : i32 to index
        %get3A_325 = arith.constant 32 : index
        %get3A_326 = tpu.vector_load %arg13[%get3A_324, %get3A_325] {strides = array<i32>} : memref<32x128xf32, #tpu.memory_space<vmem>>, vector<16xf32>,
        %get3A_327 = arith.index_cast %squeeze3A : i32 to index
        %get3A_328 = arith.constant 48 : index
        %get3A_329 = tpu.vector_load %arg13[%get3A_327, %get3A_328] {strides = array<i32>} : memref<32x128xf32, #tpu.memory_space<vmem>>, vector<16xf32>,
        %get3A_330 = arith.index_cast %squeeze3A : i32 to index
        %get3A_331 = arith.constant 64 : index
        %get3A_332 = tpu.vector_load %arg13[%get3A_330, %get3A_331] {strides = array<i32>} : memref<32x128xf32, #tpu.memory_space<vmem>>, vector<16xf32>,
        %get3A_333 = arith.index_cast %squeeze3A : i32 to index
        %get3A_334 = arith.constant 80 : index
        %get3A_335 = tpu.vector_load %arg13[%get3A_333, %get3A_334] {strides = array<i32>} : memref<32x128xf32, #tpu.memory_space<vmem>>, vector<16xf32>,
        %get3A_336 = arith.index_cast %squeeze3A : i32 to index
        %get3A_337 = arith.constant 96 : index
        %get3A_338 = tpu.vector_load %arg13[%get3A_336, %get3A_337] {strides = array<i32>} : memref<32x128xf32, #tpu.memory_space<vmem>>, vector<16xf32>,
        %get3A_339 = arith.index_cast %squeeze3A : i32 to index
        %get3A_340 = arith.constant 112 : index
        %get3A_341 = tpu.vector_load %arg13[%get3A_339, %get3A_340] {strides = array<i32>} : memref<32x128xf32, #tpu.memory_space<vmem>>, vector<16xf32>,
        %mul3A_342 = arith.mulf %get3A_282, %get3A_320 : vector<16xf32>
        %add3A_343 = arith.constant 0 : i32
        %add3A_344 = arith.addi %add3A_269, %add3A_343 : i32
        %swap3A_345 = arith.index_cast %add3A_344 : i32 to index
        %swap3A_346 = arith.constant 0 : index
        %swap3A_347 = tpu.vector_load %arg12[%swap3A_345, %swap3A_346] {strides = array<i32>} : memref<128x128xf32, #tpu.memory_space<vmem>>, vector<16xf32>,
        tpu.vector_store %arg12[%swap3A_345, %swap3A_346], %mul3A_342 {strides = array<i32>} : memref<128x128xf32, #tpu.memory_space<vmem>>, vector<16xf32>,
        %mul3A_348 = arith.mulf %get3A_287, %get3A_323 : vector<16xf32>
        %add3A_349 = arith.constant 0 : i32
        %add3A_350 = arith.addi %add3A_269, %add3A_349 : i32
        %swap3A_351 = arith.index_cast %add3A_350 : i32 to index
        %swap3A_352 = arith.constant 16 : index
        %swap3A_353 = tpu.vector_load %arg12[%swap3A_351, %swap3A_352] {strides = array<i32>} : memref<128x128xf32, #tpu.memory_space<vmem>>, vector<16xf32>,
        tpu.vector_store %arg12[%swap3A_351, %swap3A_352], %mul3A_348 {strides = array<i32>} : memref<128x128xf32, #tpu.memory_space<vmem>>, vector<16xf32>,
        %mul3A_354 = arith.mulf %get3A_292, %get3A_326 : vector<16xf32>
        %add3A_355 = arith.constant 0 : i32
        %add3A_356 = arith.addi %add3A_269, %add3A_355 : i32
        %swap3A_357 = arith.index_cast %add3A_356 : i32 to index
        %swap3A_358 = arith.constant 32 : index
        %swap3A_359 = tpu.vector_load %arg12[%swap3A_357, %swap3A_358] {strides = array<i32>} : memref<128x128xf32, #tpu.memory_space<vmem>>, vector<16xf32>,
        tpu.vector_store %arg12[%swap3A_357, %swap3A_358], %mul3A_354 {strides = array<i32>} : memref<128x128xf32, #tpu.memory_space<vmem>>, vector<16xf32>,
        %mul3A_360 = arith.mulf %get3A_297, %get3A_329 : vector<16xf32>
        %add3A_361 = arith.constant 0 : i32
        %add3A_362 = arith.addi %add3A_269, %add3A_361 : i32
        %swap3A_363 = arith.index_cast %add3A_362 : i32 to index
        %swap3A_364 = arith.constant 48 : index
        %swap3A_365 = tpu.vector_load %arg12[%swap3A_363, %swap3A_364] {strides = array<i32>} : memref<128x128xf32, #tpu.memory_space<vmem>>, vector<16xf32>,
        tpu.vector_store %arg12[%swap3A_363, %swap3A_364], %mul3A_360 {strides = array<i32>} : memref<128x128xf32, #tpu.memory_space<vmem>>, vector<16xf32>,
        %mul3A_366 = arith.mulf %get3A_302, %get3A_332 : vector<16xf32>
        %add3A_367 = arith.constant 0 : i32
        %add3A_368 = arith.addi %add3A_269, %add3A_367 : i32
        %swap3A_369 = arith.index_cast %add3A_368 : i32 to index
        %swap3A_370 = arith.constant 64 : index
        %swap3A_371 = tpu.vector_load %arg12[%swap3A_369, %swap3A_370] {strides = array<i32>} : memref<128x128xf32, #tpu.memory_space<vmem>>, vector<16xf32>,
        tpu.vector_store %arg12[%swap3A_369, %swap3A_370], %mul3A_366 {strides = array<i32>} : memref<128x128xf32, #tpu.memory_space<vmem>>, vector<16xf32>,
        %mul3A_372 = arith.mulf %get3A_307, %get3A_335 : vector<16xf32>
        %add3A_373 = arith.constant 0 : i32
        %add3A_374 = arith.addi %add3A_269, %add3A_373 : i32
        %swap3A_375 = arith.index_cast %add3A_374 : i32 to index
        %swap3A_376 = arith.constant 80 : index
        %swap3A_377 = tpu.vector_load %arg12[%swap3A_375, %swap3A_376] {strides = array<i32>} : memref<128x128xf32, #tpu.memory_space<vmem>>, vector<16xf32>,
        tpu.vector_store %arg12[%swap3A_375, %swap3A_376], %mul3A_372 {strides = array<i32>} : memref<128x128xf32, #tpu.memory_space<vmem>>, vector<16xf32>,
        %mul3A_378 = arith.mulf %get3A_312, %get3A_338 : vector<16xf32>
        %add3A_379 = arith.constant 0 : i32
        %add3A_380 = arith.addi %add3A_269, %add3A_379 : i32
        %swap3A_381 = arith.index_cast %add3A_380 : i32 to index
        %swap3A_382 = arith.constant 96 : index
        %swap3A_383 = tpu.vector_load %arg12[%swap3A_381, %swap3A_382] {strides = array<i32>} : memref<128x128xf32, #tpu.memory_space<vmem>>, vector<16xf32>,
        tpu.vector_store %arg12[%swap3A_381, %swap3A_382], %mul3A_378 {strides = array<i32>} : memref<128x128xf32, #tpu.memory_space<vmem>>, vector<16xf32>,
        %mul3A_384 = arith.mulf %get3A_317, %get3A_341 : vector<16xf32>
        %add3A_385 = arith.constant 0 : i32
        %add3A_386 = arith.addi %add3A_269, %add3A_385 : i32
        %swap3A_387 = arith.index_cast %add3A_386 : i32 to index
        %swap3A_388 = arith.constant 112 : index
        %swap3A_389 = tpu.vector_load %arg12[%swap3A_387, %swap3A_388] {strides = array<i32>} : memref<128x128xf32, #tpu.memory_space<vmem>>, vector<16xf32>,
        tpu.vector_store %arg12[%swap3A_387, %swap3A_388], %mul3A_384 {strides = array<i32>} : memref<128x128xf32, #tpu.memory_space<vmem>>, vector<16xf32>,
        %slice3A_390 = vector.extract_strided_slice %get3A_273 {offsets = [1], sizes = [1], strides = [1]} : vector<16xi32> to vector<1xi32>
        %squeeze3A_391 = vector.extract %slice3A_390[0] : i32 from vector<1xi32>
        %add3A_392 = arith.constant 1 : i32
        %add3A_393 = arith.addi %add3A_269, %add3A_392 : i32
        %get3A_394 = arith.index_cast %add3A_393 : i32 to index
        %get3A_395 = arith.constant 0 : index
        %get3A_396 = tpu.vector_load %arg12[%get3A_394, %get3A_395] {strides = array<i32>} : memref<128x128xf32, #tpu.memory_space<vmem>>, vector<16xf32>,
        %add3A_397 = arith.constant 1 : i32
        %add3A_398 = arith.addi %add3A_269, %add3A_397 : i32
        %get3A_399 = arith.index_cast %add3A_398 : i32 to index
        %get3A_400 = arith.constant 16 : index
        %get3A_401 = tpu.vector_load %arg12[%get3A_399, %get3A_400] {strides = array<i32>} : memref<128x128xf32, #tpu.memory_space<vmem>>, vector<16xf32>,
        %add3A_402 = arith.constant 1 : i32
        %add3A_403 = arith.addi %add3A_269, %add3A_402 : i32
        %get3A_404 = arith.index_cast %add3A_403 : i32 to index
        %get3A_405 = arith.constant 32 : index
        %get3A_406 = tpu.vector_load %arg12[%get3A_404, %get3A_405] {strides = array<i32>} : memref<128x128xf32, #tpu.memory_space<vmem>>, vector<16xf32>,
        %add3A_407 = arith.constant 1 : i32
        %add3A_408 = arith.addi %add3A_269, %add3A_407 : i32
        %get3A_409 = arith.index_cast %add3A_408 : i32 to index
        %get3A_410 = arith.constant 48 : index
        %get3A_411 = tpu.vector_load %arg12[%get3A_409, %get3A_410] {strides = array<i32>} : memref<128x128xf32, #tpu.memory_space<vmem>>, vector<16xf32>,
        %add3A_412 = arith.constant 1 : i32
        %add3A_413 = arith.addi %add3A_269, %add3A_412 : i32
        %get3A_414 = arith.index_cast %add3A_413 : i32 to index
        %get3A_415 = arith.constant 64 : index
        %get3A_416 = tpu.vector_load %arg12[%get3A_414, %get3A_415] {strides = array<i32>} : memref<128x128xf32, #tpu.memory_space<vmem>>, vector<16xf32>,
        %add3A_417 = arith.constant 1 : i32
        %add3A_418 = arith.addi %add3A_269, %add3A_417 : i32
        %get3A_419 = arith.index_cast %add3A_418 : i32 to index
        %get3A_420 = arith.constant 80 : index
        %get3A_421 = tpu.vector_load %arg12[%get3A_419, %get3A_420] {strides = array<i32>} : memref<128x128xf32, #tpu.memory_space<vmem>>, vector<16xf32>,
        %add3A_422 = arith.constant 1 : i32
        %add3A_423 = arith.addi %add3A_269, %add3A_422 : i32
        %get3A_424 = arith.index_cast %add3A_423 : i32 to index
        %get3A_425 = arith.constant 96 : index
        %get3A_426 = tpu.vector_load %arg12[%get3A_424, %get3A_425] {strides = array<i32>} : memref<128x128xf32, #tpu.memory_space<vmem>>, vector<16xf32>,
        %add3A_427 = arith.constant 1 : i32
        %add3A_428 = arith.addi %add3A_269, %add3A_427 : i32
        %get3A_429 = arith.index_cast %add3A_428 : i32 to index
        %get3A_430 = arith.constant 112 : index
        %get3A_431 = tpu.vector_load %arg12[%get3A_429, %get3A_430] {strides = array<i32>} : memref<128x128xf32, #tpu.memory_space<vmem>>, vector<16xf32>,
        %get3A_432 = arith.index_cast %squeeze3A_391 : i32 to index
        %get3A_433 = arith.constant 0 : index
        %get3A_434 = tpu.vector_load %arg13[%get3A_432, %get3A_433] {strides = array<i32>} : memref<32x128xf32, #tpu.memory_space<vmem>>, vector<16xf32>,
        %get3A_435 = arith.index_cast %squeeze3A_391 : i32 to index
        %get3A_436 = arith.constant 16 : index
        %get3A_437 = tpu.vector_load %arg13[%get3A_435, %get3A_436] {strides = array<i32>} : memref<32x128xf32, #tpu.memory_space<vmem>>, vector<16xf32>,
        %get3A_438 = arith.index_cast %squeeze3A_391 : i32 to index
        %get3A_439 = arith.constant 32 : index
        %get3A_440 = tpu.vector_load %arg13[%get3A_438, %get3A_439] {strides = array<i32>} : memref<32x128xf32, #tpu.memory_space<vmem>>, vector<16xf32>,
        %get3A_441 = arith.index_cast %squeeze3A_391 : i32 to index
        %get3A_442 = arith.constant 48 : index
        %get3A_443 = tpu.vector_load %arg13[%get3A_441, %get3A_442] {strides = array<i32>} : memref<32x128xf32, #tpu.memory_space<vmem>>, vector<16xf32>,
        %get3A_444 = arith.index_cast %squeeze3A_391 : i32 to index
        %get3A_445 = arith.constant 64 : index
        %get3A_446 = tpu.vector_load %arg13[%get3A_444, %get3A_445] {strides = array<i32>} : memref<32x128xf32, #tpu.memory_space<vmem>>, vector<16xf32>,
        %get3A_447 = arith.index_cast %squeeze3A_391 : i32 to index
        %get3A_448 = arith.constant 80 : index
        %get3A_449 = tpu.vector_load %arg13[%get3A_447, %get3A_448] {strides = array<i32>} : memref<32x128xf32, #tpu.memory_space<vmem>>, vector<16xf32>,
        %get3A_450 = arith.index_cast %squeeze3A_391 : i32 to index
        %get3A_451 = arith.constant 96 : index
        %get3A_452 = tpu.vector_load %arg13[%get3A_450, %get3A_451] {strides = array<i32>} : memref<32x128xf32, #tpu.memory_space<vmem>>, vector<16xf32>,
        %get3A_453 = arith.index_cast %squeeze3A_391 : i32 to index
        %get3A_454 = arith.constant 112 : index
        %get3A_455 = tpu.vector_load %arg13[%get3A_453, %get3A_454] {strides = array<i32>} : memref<32x128xf32, #tpu.memory_space<vmem>>, vector<16xf32>,
        %mul3A_456 = arith.mulf %get3A_396, %get3A_434 : vector<16xf32>
        %add3A_457 = arith.constant 1 : i32
        %add3A_458 = arith.addi %add3A_269, %add3A_457 : i32
        %swap3A_459 = arith.index_cast %add3A_458 : i32 to index
        %swap3A_460 = arith.constant 0 : index
        %swap3A_461 = tpu.vector_load %arg12[%swap3A_459, %swap3A_460] {strides = array<i32>} : memref<128x128xf32, #tpu.memory_space<vmem>>, vector<16xf32>,
        tpu.vector_store %arg12[%swap3A_459, %swap3A_460], %mul3A_456 {strides = array<i32>} : memref<128x128xf32, #tpu.memory_space<vmem>>, vector<16xf32>,
        %mul3A_462 = arith.mulf %get3A_401, %get3A_437 : vector<16xf32>
        %add3A_463 = arith.constant 1 : i32
        %add3A_464 = arith.addi %add3A_269, %add3A_463 : i32
        %swap3A_465 = arith.index_cast %add3A_464 : i32 to index
        %swap3A_466 = arith.constant 16 : index
        %swap3A_467 = tpu.vector_load %arg12[%swap3A_465, %swap3A_466] {strides = array<i32>} : memref<128x128xf32, #tpu.memory_space<vmem>>, vector<16xf32>,
        tpu.vector_store %arg12[%swap3A_465, %swap3A_466], %mul3A_462 {strides = array<i32>} : memref<128x128xf32, #tpu.memory_space<vmem>>, vector<16xf32>,
        %mul3A_468 = arith.mulf %get3A_406, %get3A_440 : vector<16xf32>
        %add3A_469 = arith.constant 1 : i32
        %add3A_470 = arith.addi %add3A_269, %add3A_469 : i32
        %swap3A_471 = arith.index_cast %add3A_470 : i32 to index
        %swap3A_472 = arith.constant 32 : index
        %swap3A_473 = tpu.vector_load %arg12[%swap3A_471, %swap3A_472] {strides = array<i32>} : memref<128x128xf32, #tpu.memory_space<vmem>>, vector<16xf32>,
        tpu.vector_store %arg12[%swap3A_471, %swap3A_472], %mul3A_468 {strides = array<i32>} : memref<128x128xf32, #tpu.memory_space<vmem>>, vector<16xf32>,
        %mul3A_474 = arith.mulf %get3A_411, %get3A_443 : vector<16xf32>
        %add3A_475 = arith.constant 1 : i32
        %add3A_476 = arith.addi %add3A_269, %add3A_475 : i32
        %swap3A_477 = arith.index_cast %add3A_476 : i32 to index
        %swap3A_478 = arith.constant 48 : index
        %swap3A_479 = tpu.vector_load %arg12[%swap3A_477, %swap3A_478] {strides = array<i32>} : memref<128x128xf32, #tpu.memory_space<vmem>>, vector<16xf32>,
        tpu.vector_store %arg12[%swap3A_477, %swap3A_478], %mul3A_474 {strides = array<i32>} : memref<128x128xf32, #tpu.memory_space<vmem>>, vector<16xf32>,
        %mul3A_480 = arith.mulf %get3A_416, %get3A_446 : vector<16xf32>
        %add3A_481 = arith.constant 1 : i32
        %add3A_482 = arith.addi %add3A_269, %add3A_481 : i32
        %swap3A_483 = arith.index_cast %add3A_482 : i32 to index
        %swap3A_484 = arith.constant 64 : index
        %swap3A_485 = tpu.vector_load %arg12[%swap3A_483, %swap3A_484] {strides = array<i32>} : memref<128x128xf32, #tpu.memory_space<vmem>>, vector<16xf32>,
        tpu.vector_store %arg12[%swap3A_483, %swap3A_484], %mul3A_480 {strides = array<i32>} : memref<128x128xf32, #tpu.memory_space<vmem>>, vector<16xf32>,
        %mul3A_486 = arith.mulf %get3A_421, %get3A_449 : vector<16xf32>
        %add3A_487 = arith.constant 1 : i32
        %add3A_488 = arith.addi %add3A_269, %add3A_487 : i32
        %swap3A_489 = arith.index_cast %add3A_488 : i32 to index
        %swap3A_490 = arith.constant 80 : index
        %swap3A_491 = tpu.vector_load %arg12[%swap3A_489, %swap3A_490] {strides = array<i32>} : memref<128x128xf32, #tpu.memory_space<vmem>>, vector<16xf32>,
        tpu.vector_store %arg12[%swap3A_489, %swap3A_490], %mul3A_486 {strides = array<i32>} : memref<128x128xf32, #tpu.memory_space<vmem>>, vector<16xf32>,
        %mul3A_492 = arith.mulf %get3A_426, %get3A_452 : vector<16xf32>
        %add3A_493 = arith.constant 1 : i32
        %add3A_494 = arith.addi %add3A_269, %add3A_493 : i32
        %swap3A_495 = arith.index_cast %add3A_494 : i32 to index
        %swap3A_496 = arith.constant 96 : index
        %swap3A_497 = tpu.vector_load %arg12[%swap3A_495, %swap3A_496] {strides = array<i32>} : memref<128x128xf32, #tpu.memory_space<vmem>>, vector<16xf32>,
        tpu.vector_store %arg12[%swap3A_495, %swap3A_496], %mul3A_492 {strides = array<i32>} : memref<128x128xf32, #tpu.memory_space<vmem>>, vector<16xf32>,
        %mul3A_498 = arith.mulf %get3A_431, %get3A_455 : vector<16xf32>
        %add3A_499 = arith.constant 1 : i32
        %add3A_500 = arith.addi %add3A_269, %add3A_499 : i32
        %swap3A_501 = arith.index_cast %add3A_500 : i32 to index
        %swap3A_502 = arith.constant 112 : index
        %swap3A_503 = tpu.vector_load %arg12[%swap3A_501, %swap3A_502] {strides = array<i32>} : memref<128x128xf32, #tpu.memory_space<vmem>>, vector<16xf32>,
        tpu.vector_store %arg12[%swap3A_501, %swap3A_502], %mul3A_498 {strides = array<i32>} : memref<128x128xf32, #tpu.memory_space<vmem>>, vector<16xf32>,
        %slice3A_504 = vector.extract_strided_slice %get3A_273 {offsets = [2], sizes = [1], strides = [1]} : vector<16xi32> to vector<1xi32>
        %squeeze3A_505 = vector.extract %slice3A_504[0] : i32 from vector<1xi32>
        %add3A_506 = arith.constant 2 : i32
        %add3A_507 = arith.addi %add3A_269, %add3A_506 : i32
        %get3A_508 = arith.index_cast %add3A_507 : i32 to index
        %get3A_509 = arith.constant 0 : index
        %get3A_510 = tpu.vector_load %arg12[%get3A_508, %get3A_509] {strides = array<i32>} : memref<128x128xf32, #tpu.memory_space<vmem>>, vector<16xf32>,
        %add3A_511 = arith.constant 2 : i32
        %add3A_512 = arith.addi %add3A_269, %add3A_511 : i32
        %get3A_513 = arith.index_cast %add3A_512 : i32 to index
        %get3A_514 = arith.constant 16 : index
        %get3A_515 = tpu.vector_load %arg12[%get3A_513, %get3A_514] {strides = array<i32>} : memref<128x128xf32, #tpu.memory_space<vmem>>, vector<16xf32>,
        %add3A_516 = arith.constant 2 : i32
        %add3A_517 = arith.addi %add3A_269, %add3A_516 : i32
        %get3A_518 = arith.index_cast %add3A_517 : i32 to index
        %get3A_519 = arith.constant 32 : index
        %get3A_520 = tpu.vector_load %arg12[%get3A_518, %get3A_519] {strides = array<i32>} : memref<128x128xf32, #tpu.memory_space<vmem>>, vector<16xf32>,
        %add3A_521 = arith.constant 2 : i32
        %add3A_522 = arith.addi %add3A_269, %add3A_521 : i32
        %get3A_523 = arith.index_cast %add3A_522 : i32 to index
        %get3A_524 = arith.constant 48 : index
        %get3A_525 = tpu.vector_load %arg12[%get3A_523, %get3A_524] {strides = array<i32>} : memref<128x128xf32, #tpu.memory_space<vmem>>, vector<16xf32>,
        %add3A_526 = arith.constant 2 : i32
        %add3A_527 = arith.addi %add3A_269, %add3A_526 : i32
        %get3A_528 = arith.index_cast %add3A_527 : i32 to index
        %get3A_529 = arith.constant 64 : index
        %get3A_530 = tpu.vector_load %arg12[%get3A_528, %get3A_529] {strides = array<i32>} : memref<128x128xf32, #tpu.memory_space<vmem>>, vector<16xf32>,
        %add3A_531 = arith.constant 2 : i32
        %add3A_532 = arith.addi %add3A_269, %add3A_531 : i32
        %get3A_533 = arith.index_cast %add3A_532 : i32 to index
        %get3A_534 = arith.constant 80 : index
        %get3A_535 = tpu.vector_load %arg12[%get3A_533, %get3A_534] {strides = array<i32>} : memref<128x128xf32, #tpu.memory_space<vmem>>, vector<16xf32>,
        %add3A_536 = arith.constant 2 : i32
        %add3A_537 = arith.addi %add3A_269, %add3A_536 : i32
        %get3A_538 = arith.index_cast %add3A_537 : i32 to index
        %get3A_539 = arith.constant 96 : index
        %get3A_540 = tpu.vector_load %arg12[%get3A_538, %get3A_539] {strides = array<i32>} : memref<128x128xf32, #tpu.memory_space<vmem>>, vector<16xf32>,
        %add3A_541 = arith.constant 2 : i32
        %add3A_542 = arith.addi %add3A_269, %add3A_541 : i32
        %get3A_543 = arith.index_cast %add3A_542 : i32 to index
        %get3A_544 = arith.constant 112 : index
        %get3A_545 = tpu.vector_load %arg12[%get3A_543, %get3A_544] {strides = array<i32>} : memref<128x128xf32, #tpu.memory_space<vmem>>, vector<16xf32>,
        %get3A_546 = arith.index_cast %squeeze3A_505 : i32 to index
        %get3A_547 = arith.constant 0 : index
        %get3A_548 = tpu.vector_load %arg13[%get3A_546, %get3A_547] {strides = array<i32>} : memref<32x128xf32, #tpu.memory_space<vmem>>, vector<16xf32>,
        %get3A_549 = arith.index_cast %squeeze3A_505 : i32 to index
        %get3A_550 = arith.constant 16 : index
        %get3A_551 = tpu.vector_load %arg13[%get3A_549, %get3A_550] {strides = array<i32>} : memref<32x128xf32, #tpu.memory_space<vmem>>, vector<16xf32>,
        %get3A_552 = arith.index_cast %squeeze3A_505 : i32 to index
        %get3A_553 = arith.constant 32 : index
        %get3A_554 = tpu.vector_load %arg13[%get3A_552, %get3A_553] {strides = array<i32>} : memref<32x128xf32, #tpu.memory_space<vmem>>, vector<16xf32>,
        %get3A_555 = arith.index_cast %squeeze3A_505 : i32 to index
        %get3A_556 = arith.constant 48 : index
        %get3A_557 = tpu.vector_load %arg13[%get3A_555, %get3A_556] {strides = array<i32>} : memref<32x128xf32, #tpu.memory_space<vmem>>, vector<16xf32>,
        %get3A_558 = arith.index_cast %squeeze3A_505 : i32 to index
        %get3A_559 = arith.constant 64 : index
        %get3A_560 = tpu.vector_load %arg13[%get3A_558, %get3A_559] {strides = array<i32>} : memref<32x128xf32, #tpu.memory_space<vmem>>, vector<16xf32>,
        %get3A_561 = arith.index_cast %squeeze3A_505 : i32 to index
        %get3A_562 = arith.constant 80 : index
        %get3A_563 = tpu.vector_load %arg13[%get3A_561, %get3A_562] {strides = array<i32>} : memref<32x128xf32, #tpu.memory_space<vmem>>, vector<16xf32>,
        %get3A_564 = arith.index_cast %squeeze3A_505 : i32 to index
        %get3A_565 = arith.constant 96 : index
        %get3A_566 = tpu.vector_load %arg13[%get3A_564, %get3A_565] {strides = array<i32>} : memref<32x128xf32, #tpu.memory_space<vmem>>, vector<16xf32>,
        %get3A_567 = arith.index_cast %squeeze3A_505 : i32 to index
        %get3A_568 = arith.constant 112 : index
        %get3A_569 = tpu.vector_load %arg13[%get3A_567, %get3A_568] {strides = array<i32>} : memref<32x128xf32, #tpu.memory_space<vmem>>, vector<16xf32>,
        %mul3A_570 = arith.mulf %get3A_510, %get3A_548 : vector<16xf32>
        %add3A_571 = arith.constant 2 : i32
        %add3A_572 = arith.addi %add3A_269, %add3A_571 : i32
        %swap3A_573 = arith.index_cast %add3A_572 : i32 to index
        %swap3A_574 = arith.constant 0 : index
        %swap3A_575 = tpu.vector_load %arg12[%swap3A_573, %swap3A_574] {strides = array<i32>} : memref<128x128xf32, #tpu.memory_space<vmem>>, vector<16xf32>,
        tpu.vector_store %arg12[%swap3A_573, %swap3A_574], %mul3A_570 {strides = array<i32>} : memref<128x128xf32, #tpu.memory_space<vmem>>, vector<16xf32>,
        %mul3A_576 = arith.mulf %get3A_515, %get3A_551 : vector<16xf32>
        %add3A_577 = arith.constant 2 : i32
        %add3A_578 = arith.addi %add3A_269, %add3A_577 : i32
        %swap3A_579 = arith.index_cast %add3A_578 : i32 to index
        %swap3A_580 = arith.constant 16 : index
        %swap3A_581 = tpu.vector_load %arg12[%swap3A_579, %swap3A_580] {strides = array<i32>} : memref<128x128xf32, #tpu.memory_space<vmem>>, vector<16xf32>,
        tpu.vector_store %arg12[%swap3A_579, %swap3A_580], %mul3A_576 {strides = array<i32>} : memref<128x128xf32, #tpu.memory_space<vmem>>, vector<16xf32>,
        %mul3A_582 = arith.mulf %get3A_520, %get3A_554 : vector<16xf32>
        %add3A_583 = arith.constant 2 : i32
        %add3A_584 = arith.addi %add3A_269, %add3A_583 : i32
        %swap3A_585 = arith.index_cast %add3A_584 : i32 to index
        %swap3A_586 = arith.constant 32 : index
        %swap3A_587 = tpu.vector_load %arg12[%swap3A_585, %swap3A_586] {strides = array<i32>} : memref<128x128xf32, #tpu.memory_space<vmem>>, vector<16xf32>,
        tpu.vector_store %arg12[%swap3A_585, %swap3A_586], %mul3A_582 {strides = array<i32>} : memref<128x128xf32, #tpu.memory_space<vmem>>, vector<16xf32>,
        %mul3A_588 = arith.mulf %get3A_525, %get3A_557 : vector<16xf32>
        %add3A_589 = arith.constant 2 : i32
        %add3A_590 = arith.addi %add3A_269, %add3A_589 : i32
        %swap3A_591 = arith.index_cast %add3A_590 : i32 to index
        %swap3A_592 = arith.constant 48 : index
        %swap3A_593 = tpu.vector_load %arg12[%swap3A_591, %swap3A_592] {strides = array<i32>} : memref<128x128xf32, #tpu.memory_space<vmem>>, vector<16xf32>,
        tpu.vector_store %arg12[%swap3A_591, %swap3A_592], %mul3A_588 {strides = array<i32>} : memref<128x128xf32, #tpu.memory_space<vmem>>, vector<16xf32>,
        %mul3A_594 = arith.mulf %get3A_530, %get3A_560 : vector<16xf32>
        %add3A_595 = arith.constant 2 : i32
        %add3A_596 = arith.addi %add3A_269, %add3A_595 : i32
        %swap3A_597 = arith.index_cast %add3A_596 : i32 to index
        %swap3A_598 = arith.constant 64 : index
        %swap3A_599 = tpu.vector_load %arg12[%swap3A_597, %swap3A_598] {strides = array<i32>} : memref<128x128xf32, #tpu.memory_space<vmem>>, vector<16xf32>,
        tpu.vector_store %arg12[%swap3A_597, %swap3A_598], %mul3A_594 {strides = array<i32>} : memref<128x128xf32, #tpu.memory_space<vmem>>, vector<16xf32>,
        %mul3A_600 = arith.mulf %get3A_535, %get3A_563 : vector<16xf32>
        %add3A_601 = arith.constant 2 : i32
        %add3A_602 = arith.addi %add3A_269, %add3A_601 : i32
        %swap3A_603 = arith.index_cast %add3A_602 : i32 to index
        %swap3A_604 = arith.constant 80 : index
        %swap3A_605 = tpu.vector_load %arg12[%swap3A_603, %swap3A_604] {strides = array<i32>} : memref<128x128xf32, #tpu.memory_space<vmem>>, vector<16xf32>,
        tpu.vector_store %arg12[%swap3A_603, %swap3A_604], %mul3A_600 {strides = array<i32>} : memref<128x128xf32, #tpu.memory_space<vmem>>, vector<16xf32>,
        %mul3A_606 = arith.mulf %get3A_540, %get3A_566 : vector<16xf32>
        %add3A_607 = arith.constant 2 : i32
        %add3A_608 = arith.addi %add3A_269, %add3A_607 : i32
        %swap3A_609 = arith.index_cast %add3A_608 : i32 to index
        %swap3A_610 = arith.constant 96 : index
        %swap3A_611 = tpu.vector_load %arg12[%swap3A_609, %swap3A_610] {strides = array<i32>} : memref<128x128xf32, #tpu.memory_space<vmem>>, vector<16xf32>,
        tpu.vector_store %arg12[%swap3A_609, %swap3A_610], %mul3A_606 {strides = array<i32>} : memref<128x128xf32, #tpu.memory_space<vmem>>, vector<16xf32>,
        %mul3A_612 = arith.mulf %get3A_545, %get3A_569 : vector<16xf32>
        %add3A_613 = arith.constant 2 : i32
        %add3A_614 = arith.addi %add3A_269, %add3A_613 : i32
        %swap3A_615 = arith.index_cast %add3A_614 : i32 to index
        %swap3A_616 = arith.constant 112 : index
        %swap3A_617 = tpu.vector_load %arg12[%swap3A_615, %swap3A_616] {strides = array<i32>} : memref<128x128xf32, #tpu.memory_space<vmem>>, vector<16xf32>,
        tpu.vector_store %arg12[%swap3A_615, %swap3A_616], %mul3A_612 {strides = array<i32>} : memref<128x128xf32, #tpu.memory_space<vmem>>, vector<16xf32>,
        %slice3A_618 = vector.extract_strided_slice %get3A_273 {offsets = [3], sizes = [1], strides = [1]} : vector<16xi32> to vector<1xi32>
        %squeeze3A_619 = vector.extract %slice3A_618[0] : i32 from vector<1xi32>
        %add3A_620 = arith.constant 3 : i32
        %add3A_621 = arith.addi %add3A_269, %add3A_620 : i32
        %get3A_622 = arith.index_cast %add3A_621 : i32 to index
        %get3A_623 = arith.constant 0 : index
        %get3A_624 = tpu.vector_load %arg12[%get3A_622, %get3A_623] {strides = array<i32>} : memref<128x128xf32, #tpu.memory_space<vmem>>, vector<16xf32>,
        %add3A_625 = arith.constant 3 : i32
        %add3A_626 = arith.addi %add3A_269, %add3A_625 : i32
        %get3A_627 = arith.index_cast %add3A_626 : i32 to index
        %get3A_628 = arith.constant 16 : index
        %get3A_629 = tpu.vector_load %arg12[%get3A_627, %get3A_628] {strides = array<i32>} : memref<128x128xf32, #tpu.memory_space<vmem>>, vector<16xf32>,
        %add3A_630 = arith.constant 3 : i32
        %add3A_631 = arith.addi %add3A_269, %add3A_630 : i32
        %get3A_632 = arith.index_cast %add3A_631 : i32 to index
        %get3A_633 = arith.constant 32 : index
        %get3A_634 = tpu.vector_load %arg12[%get3A_632, %get3A_633] {strides = array<i32>} : memref<128x128xf32, #tpu.memory_space<vmem>>, vector<16xf32>,
        %add3A_635 = arith.constant 3 : i32
        %add3A_636 = arith.addi %add3A_269, %add3A_635 : i32
        %get3A_637 = arith.index_cast %add3A_636 : i32 to index
        %get3A_638 = arith.constant 48 : index
        %get3A_639 = tpu.vector_load %arg12[%get3A_637, %get3A_638] {strides = array<i32>} : memref<128x128xf32, #tpu.memory_space<vmem>>, vector<16xf32>,
        %add3A_640 = arith.constant 3 : i32
        %add3A_641 = arith.addi %add3A_269, %add3A_640 : i32
        %get3A_642 = arith.index_cast %add3A_641 : i32 to index
        %get3A_643 = arith.constant 64 : index
        %get3A_644 = tpu.vector_load %arg12[%get3A_642, %get3A_643] {strides = array<i32>} : memref<128x128xf32, #tpu.memory_space<vmem>>, vector<16xf32>,
        %add3A_645 = arith.constant 3 : i32
        %add3A_646 = arith.addi %add3A_269, %add3A_645 : i32
        %get3A_647 = arith.index_cast %add3A_646 : i32 to index
        %get3A_648 = arith.constant 80 : index
        %get3A_649 = tpu.vector_load %arg12[%get3A_647, %get3A_648] {strides = array<i32>} : memref<128x128xf32, #tpu.memory_space<vmem>>, vector<16xf32>,
        %add3A_650 = arith.constant 3 : i32
        %add3A_651 = arith.addi %add3A_269, %add3A_650 : i32
        %get3A_652 = arith.index_cast %add3A_651 : i32 to index
        %get3A_653 = arith.constant 96 : index
        %get3A_654 = tpu.vector_load %arg12[%get3A_652, %get3A_653] {strides = array<i32>} : memref<128x128xf32, #tpu.memory_space<vmem>>, vector<16xf32>,
        %add3A_655 = arith.constant 3 : i32
        %add3A_656 = arith.addi %add3A_269, %add3A_655 : i32
        %get3A_657 = arith.index_cast %add3A_656 : i32 to index
        %get3A_658 = arith.constant 112 : index
        %get3A_659 = tpu.vector_load %arg12[%get3A_657, %get3A_658] {strides = array<i32>} : memref<128x128xf32, #tpu.memory_space<vmem>>, vector<16xf32>,
        %get3A_660 = arith.index_cast %squeeze3A_619 : i32 to index
        %get3A_661 = arith.constant 0 : index
        %get3A_662 = tpu.vector_load %arg13[%get3A_660, %get3A_661] {strides = array<i32>} : memref<32x128xf32, #tpu.memory_space<vmem>>, vector<16xf32>,
        %get3A_663 = arith.index_cast %squeeze3A_619 : i32 to index
        %get3A_664 = arith.constant 16 : index
        %get3A_665 = tpu.vector_load %arg13[%get3A_663, %get3A_664] {strides = array<i32>} : memref<32x128xf32, #tpu.memory_space<vmem>>, vector<16xf32>,
        %get3A_666 = arith.index_cast %squeeze3A_619 : i32 to index
        %get3A_667 = arith.constant 32 : index
        %get3A_668 = tpu.vector_load %arg13[%get3A_666, %get3A_667] {strides = array<i32>} : memref<32x128xf32, #tpu.memory_space<vmem>>, vector<16xf32>,
        %get3A_669 = arith.index_cast %squeeze3A_619 : i32 to index
        %get3A_670 = arith.constant 48 : index
        %get3A_671 = tpu.vector_load %arg13[%get3A_669, %get3A_670] {strides = array<i32>} : memref<32x128xf32, #tpu.memory_space<vmem>>, vector<16xf32>,
        %get3A_672 = arith.index_cast %squeeze3A_619 : i32 to index
        %get3A_673 = arith.constant 64 : index
        %get3A_674 = tpu.vector_load %arg13[%get3A_672, %get3A_673] {strides = array<i32>} : memref<32x128xf32, #tpu.memory_space<vmem>>, vector<16xf32>,
        %get3A_675 = arith.index_cast %squeeze3A_619 : i32 to index
        %get3A_676 = arith.constant 80 : index
        %get3A_677 = tpu.vector_load %arg13[%get3A_675, %get3A_676] {strides = array<i32>} : memref<32x128xf32, #tpu.memory_space<vmem>>, vector<16xf32>,
        %get3A_678 = arith.index_cast %squeeze3A_619 : i32 to index
        %get3A_679 = arith.constant 96 : index
        %get3A_680 = tpu.vector_load %arg13[%get3A_678, %get3A_679] {strides = array<i32>} : memref<32x128xf32, #tpu.memory_space<vmem>>, vector<16xf32>,
        %get3A_681 = arith.index_cast %squeeze3A_619 : i32 to index
        %get3A_682 = arith.constant 112 : index
        %get3A_683 = tpu.vector_load %arg13[%get3A_681, %get3A_682] {strides = array<i32>} : memref<32x128xf32, #tpu.memory_space<vmem>>, vector<16xf32>,
        %mul3A_684 = arith.mulf %get3A_624, %get3A_662 : vector<16xf32>
        %add3A_685 = arith.constant 3 : i32
        %add3A_686 = arith.addi %add3A_269, %add3A_685 : i32
        %swap3A_687 = arith.index_cast %add3A_686 : i32 to index
        %swap3A_688 = arith.constant 0 : index
        %swap3A_689 = tpu.vector_load %arg12[%swap3A_687, %swap3A_688] {strides = array<i32>} : memref<128x128xf32, #tpu.memory_space<vmem>>, vector<16xf32>,
        tpu.vector_store %arg12[%swap3A_687, %swap3A_688], %mul3A_684 {strides = array<i32>} : memref<128x128xf32, #tpu.memory_space<vmem>>, vector<16xf32>,
        %mul3A_690 = arith.mulf %get3A_629, %get3A_665 : vector<16xf32>
        %add3A_691 = arith.constant 3 : i32
        %add3A_692 = arith.addi %add3A_269, %add3A_691 : i32
        %swap3A_693 = arith.index_cast %add3A_692 : i32 to index
        %swap3A_694 = arith.constant 16 : index
        %swap3A_695 = tpu.vector_load %arg12[%swap3A_693, %swap3A_694] {strides = array<i32>} : memref<128x128xf32, #tpu.memory_space<vmem>>, vector<16xf32>,
        tpu.vector_store %arg12[%swap3A_693, %swap3A_694], %mul3A_690 {strides = array<i32>} : memref<128x128xf32, #tpu.memory_space<vmem>>, vector<16xf32>,
        %mul3A_696 = arith.mulf %get3A_634, %get3A_668 : vector<16xf32>
        %add3A_697 = arith.constant 3 : i32
        %add3A_698 = arith.addi %add3A_269, %add3A_697 : i32
        %swap3A_699 = arith.index_cast %add3A_698 : i32 to index
        %swap3A_700 = arith.constant 32 : index
        %swap3A_701 = tpu.vector_load %arg12[%swap3A_699, %swap3A_700] {strides = array<i32>} : memref<128x128xf32, #tpu.memory_space<vmem>>, vector<16xf32>,
        tpu.vector_store %arg12[%swap3A_699, %swap3A_700], %mul3A_696 {strides = array<i32>} : memref<128x128xf32, #tpu.memory_space<vmem>>, vector<16xf32>,
        %mul3A_702 = arith.mulf %get3A_639, %get3A_671 : vector<16xf32>
        %add3A_703 = arith.constant 3 : i32
        %add3A_704 = arith.addi %add3A_269, %add3A_703 : i32
        %swap3A_705 = arith.index_cast %add3A_704 : i32 to index
        %swap3A_706 = arith.constant 48 : index
        %swap3A_707 = tpu.vector_load %arg12[%swap3A_705, %swap3A_706] {strides = array<i32>} : memref<128x128xf32, #tpu.memory_space<vmem>>, vector<16xf32>,
        tpu.vector_store %arg12[%swap3A_705, %swap3A_706], %mul3A_702 {strides = array<i32>} : memref<128x128xf32, #tpu.memory_space<vmem>>, vector<16xf32>,
        %mul3A_708 = arith.mulf %get3A_644, %get3A_674 : vector<16xf32>
        %add3A_709 = arith.constant 3 : i32
        %add3A_710 = arith.addi %add3A_269, %add3A_709 : i32
        %swap3A_711 = arith.index_cast %add3A_710 : i32 to index
        %swap3A_712 = arith.constant 64 : index
        %swap3A_713 = tpu.vector_load %arg12[%swap3A_711, %swap3A_712] {strides = array<i32>} : memref<128x128xf32, #tpu.memory_space<vmem>>, vector<16xf32>,
        tpu.vector_store %arg12[%swap3A_711, %swap3A_712], %mul3A_708 {strides = array<i32>} : memref<128x128xf32, #tpu.memory_space<vmem>>, vector<16xf32>,
        %mul3A_714 = arith.mulf %get3A_649, %get3A_677 : vector<16xf32>
        %add3A_715 = arith.constant 3 : i32
        %add3A_716 = arith.addi %add3A_269, %add3A_715 : i32
        %swap3A_717 = arith.index_cast %add3A_716 : i32 to index
        %swap3A_718 = arith.constant 80 : index
        %swap3A_719 = tpu.vector_load %arg12[%swap3A_717, %swap3A_718] {strides = array<i32>} : memref<128x128xf32, #tpu.memory_space<vmem>>, vector<16xf32>,
        tpu.vector_store %arg12[%swap3A_717, %swap3A_718], %mul3A_714 {strides = array<i32>} : memref<128x128xf32, #tpu.memory_space<vmem>>, vector<16xf32>,
        %mul3A_720 = arith.mulf %get3A_654, %get3A_680 : vector<16xf32>
        %add3A_721 = arith.constant 3 : i32
        %add3A_722 = arith.addi %add3A_269, %add3A_721 : i32
        %swap3A_723 = arith.index_cast %add3A_722 : i32 to index
        %swap3A_724 = arith.constant 96 : index
        %swap3A_725 = tpu.vector_load %arg12[%swap3A_723, %swap3A_724] {strides = array<i32>} : memref<128x128xf32, #tpu.memory_space<vmem>>, vector<16xf32>,
        tpu.vector_store %arg12[%swap3A_723, %swap3A_724], %mul3A_720 {strides = array<i32>} : memref<128x128xf32, #tpu.memory_space<vmem>>, vector<16xf32>,
        %mul3A_726 = arith.mulf %get3A_659, %get3A_683 : vector<16xf32>
        %add3A_727 = arith.constant 3 : i32
        %add3A_728 = arith.addi %add3A_269, %add3A_727 : i32
        %swap3A_729 = arith.index_cast %add3A_728 : i32 to index
        %swap3A_730 = arith.constant 112 : index
        %swap3A_731 = tpu.vector_load %arg12[%swap3A_729, %swap3A_730] {strides = array<i32>} : memref<128x128xf32, #tpu.memory_space<vmem>>, vector<16xf32>,
        tpu.vector_store %arg12[%swap3A_729, %swap3A_730], %mul3A_726 {strides = array<i32>} : memref<128x128xf32, #tpu.memory_space<vmem>>, vector<16xf32>,
        %slice3A_732 = vector.extract_strided_slice %get3A_273 {offsets = [4], sizes = [1], strides = [1]} : vector<16xi32> to vector<1xi32>
        %squeeze3A_733 = vector.extract %slice3A_732[0] : i32 from vector<1xi32>
        %add3A_734 = arith.constant 4 : i32
        %add3A_735 = arith.addi %add3A_269, %add3A_734 : i32
        %get3A_736 = arith.index_cast %add3A_735 : i32 to index
        %get3A_737 = arith.constant 0 : index
        %get3A_738 = tpu.vector_load %arg12[%get3A_736, %get3A_737] {strides = array<i32>} : memref<128x128xf32, #tpu.memory_space<vmem>>, vector<16xf32>,
        %add3A_739 = arith.constant 4 : i32
        %add3A_740 = arith.addi %add3A_269, %add3A_739 : i32
        %get3A_741 = arith.index_cast %add3A_740 : i32 to index
        %get3A_742 = arith.constant 16 : index
        %get3A_743 = tpu.vector_load %arg12[%get3A_741, %get3A_742] {strides = array<i32>} : memref<128x128xf32, #tpu.memory_space<vmem>>, vector<16xf32>,
        %add3A_744 = arith.constant 4 : i32
        %add3A_745 = arith.addi %add3A_269, %add3A_744 : i32
        %get3A_746 = arith.index_cast %add3A_745 : i32 to index
        %get3A_747 = arith.constant 32 : index
        %get3A_748 = tpu.vector_load %arg12[%get3A_746, %get3A_747] {strides = array<i32>} : memref<128x128xf32, #tpu.memory_space<vmem>>, vector<16xf32>,
        %add3A_749 = arith.constant 4 : i32
        %add3A_750 = arith.addi %add3A_269, %add3A_749 : i32
        %get3A_751 = arith.index_cast %add3A_750 : i32 to index
        %get3A_752 = arith.constant 48 : index
        %get3A_753 = tpu.vector_load %arg12[%get3A_751, %get3A_752] {strides = array<i32>} : memref<128x128xf32, #tpu.memory_space<vmem>>, vector<16xf32>,
        %add3A_754 = arith.constant 4 : i32
        %add3A_755 = arith.addi %add3A_269, %add3A_754 : i32
        %get3A_756 = arith.index_cast %add3A_755 : i32 to index
        %get3A_757 = arith.constant 64 : index
        %get3A_758 = tpu.vector_load %arg12[%get3A_756, %get3A_757] {strides = array<i32>} : memref<128x128xf32, #tpu.memory_space<vmem>>, vector<16xf32>,
        %add3A_759 = arith.constant 4 : i32
        %add3A_760 = arith.addi %add3A_269, %add3A_759 : i32
        %get3A_761 = arith.index_cast %add3A_760 : i32 to index
        %get3A_762 = arith.constant 80 : index
        %get3A_763 = tpu.vector_load %arg12[%get3A_761, %get3A_762] {strides = array<i32>} : memref<128x128xf32, #tpu.memory_space<vmem>>, vector<16xf32>,
        %add3A_764 = arith.constant 4 : i32
        %add3A_765 = arith.addi %add3A_269, %add3A_764 : i32
        %get3A_766 = arith.index_cast %add3A_765 : i32 to index
        %get3A_767 = arith.constant 96 : index
        %get3A_768 = tpu.vector_load %arg12[%get3A_766, %get3A_767] {strides = array<i32>} : memref<128x128xf32, #tpu.memory_space<vmem>>, vector<16xf32>,
        %add3A_769 = arith.constant 4 : i32
        %add3A_770 = arith.addi %add3A_269, %add3A_769 : i32
        %get3A_771 = arith.index_cast %add3A_770 : i32 to index
        %get3A_772 = arith.constant 112 : index
        %get3A_773 = tpu.vector_load %arg12[%get3A_771, %get3A_772] {strides = array<i32>} : memref<128x128xf32, #tpu.memory_space<vmem>>, vector<16xf32>,
        %get3A_774 = arith.index_cast %squeeze3A_733 : i32 to index
        %get3A_775 = arith.constant 0 : index
        %get3A_776 = tpu.vector_load %arg13[%get3A_774, %get3A_775] {strides = array<i32>} : memref<32x128xf32, #tpu.memory_space<vmem>>, vector<16xf32>,
        %get3A_777 = arith.index_cast %squeeze3A_733 : i32 to index
        %get3A_778 = arith.constant 16 : index
        %get3A_779 = tpu.vector_load %arg13[%get3A_777, %get3A_778] {strides = array<i32>} : memref<32x128xf32, #tpu.memory_space<vmem>>, vector<16xf32>,
        %get3A_780 = arith.index_cast %squeeze3A_733 : i32 to index
        %get3A_781 = arith.constant 32 : index
        %get3A_782 = tpu.vector_load %arg13[%get3A_780, %get3A_781] {strides = array<i32>} : memref<32x128xf32, #tpu.memory_space<vmem>>, vector<16xf32>,
        %get3A_783 = arith.index_cast %squeeze3A_733 : i32 to index
        %get3A_784 = arith.constant 48 : index
        %get3A_785 = tpu.vector_load %arg13[%get3A_783, %get3A_784] {strides = array<i32>} : memref<32x128xf32, #tpu.memory_space<vmem>>, vector<16xf32>,
        %get3A_786 = arith.index_cast %squeeze3A_733 : i32 to index
        %get3A_787 = arith.constant 64 : index
        %get3A_788 = tpu.vector_load %arg13[%get3A_786, %get3A_787] {strides = array<i32>} : memref<32x128xf32, #tpu.memory_space<vmem>>, vector<16xf32>,
        %get3A_789 = arith.index_cast %squeeze3A_733 : i32 to index
        %get3A_790 = arith.constant 80 : index
        %get3A_791 = tpu.vector_load %arg13[%get3A_789, %get3A_790] {strides = array<i32>} : memref<32x128xf32, #tpu.memory_space<vmem>>, vector<16xf32>,
        %get3A_792 = arith.index_cast %squeeze3A_733 : i32 to index
        %get3A_793 = arith.constant 96 : index
        %get3A_794 = tpu.vector_load %arg13[%get3A_792, %get3A_793] {strides = array<i32>} : memref<32x128xf32, #tpu.memory_space<vmem>>, vector<16xf32>,
        %get3A_795 = arith.index_cast %squeeze3A_733 : i32 to index
        %get3A_796 = arith.constant 112 : index
        %get3A_797 = tpu.vector_load %arg13[%get3A_795, %get3A_796] {strides = array<i32>} : memref<32x128xf32, #tpu.memory_space<vmem>>, vector<16xf32>,
        %mul3A_798 = arith.mulf %get3A_738, %get3A_776 : vector<16xf32>
        %add3A_799 = arith.constant 4 : i32
        %add3A_800 = arith.addi %add3A_269, %add3A_799 : i32
        %swap3A_801 = arith.index_cast %add3A_800 : i32 to index
        %swap3A_802 = arith.constant 0 : index
        %swap3A_803 = tpu.vector_load %arg12[%swap3A_801, %swap3A_802] {strides = array<i32>} : memref<128x128xf32, #tpu.memory_space<vmem>>, vector<16xf32>,
        tpu.vector_store %arg12[%swap3A_801, %swap3A_802], %mul3A_798 {strides = array<i32>} : memref<128x128xf32, #tpu.memory_space<vmem>>, vector<16xf32>,
        %mul3A_804 = arith.mulf %get3A_743, %get3A_779 : vector<16xf32>
        %add3A_805 = arith.constant 4 : i32
        %add3A_806 = arith.addi %add3A_269, %add3A_805 : i32
        %swap3A_807 = arith.index_cast %add3A_806 : i32 to index
        %swap3A_808 = arith.constant 16 : index
        %swap3A_809 = tpu.vector_load %arg12[%swap3A_807, %swap3A_808] {strides = array<i32>} : memref<128x128xf32, #tpu.memory_space<vmem>>, vector<16xf32>,
        tpu.vector_store %arg12[%swap3A_807, %swap3A_808], %mul3A_804 {strides = array<i32>} : memref<128x128xf32, #tpu.memory_space<vmem>>, vector<16xf32>,
        %mul3A_810 = arith.mulf %get3A_748, %get3A_782 : vector<16xf32>
        %add3A_811 = arith.constant 4 : i32
        %add3A_812 = arith.addi %add3A_269, %add3A_811 : i32
        %swap3A_813 = arith.index_cast %add3A_812 : i32 to index
        %swap3A_814 = arith.constant 32 : index
        %swap3A_815 = tpu.vector_load %arg12[%swap3A_813, %swap3A_814] {strides = array<i32>} : memref<128x128xf32, #tpu.memory_space<vmem>>, vector<16xf32>,
        tpu.vector_store %arg12[%swap3A_813, %swap3A_814], %mul3A_810 {strides = array<i32>} : memref<128x128xf32, #tpu.memory_space<vmem>>, vector<16xf32>,
        %mul3A_816 = arith.mulf %get3A_753, %get3A_785 : vector<16xf32>
        %add3A_817 = arith.constant 4 : i32
        %add3A_818 = arith.addi %add3A_269, %add3A_817 : i32
        %swap3A_819 = arith.index_cast %add3A_818 : i32 to index
        %swap3A_820 = arith.constant 48 : index
        %swap3A_821 = tpu.vector_load %arg12[%swap3A_819, %swap3A_820] {strides = array<i32>} : memref<128x128xf32, #tpu.memory_space<vmem>>, vector<16xf32>,
        tpu.vector_store %arg12[%swap3A_819, %swap3A_820], %mul3A_816 {strides = array<i32>} : memref<128x128xf32, #tpu.memory_space<vmem>>, vector<16xf32>,
        %mul3A_822 = arith.mulf %get3A_758, %get3A_788 : vector<16xf32>
        %add3A_823 = arith.constant 4 : i32
        %add3A_824 = arith.addi %add3A_269, %add3A_823 : i32
        %swap3A_825 = arith.index_cast %add3A_824 : i32 to index
        %swap3A_826 = arith.constant 64 : index
        %swap3A_827 = tpu.vector_load %arg12[%swap3A_825, %swap3A_826] {strides = array<i32>} : memref<128x128xf32, #tpu.memory_space<vmem>>, vector<16xf32>,
        tpu.vector_store %arg12[%swap3A_825, %swap3A_826], %mul3A_822 {strides = array<i32>} : memref<128x128xf32, #tpu.memory_space<vmem>>, vector<16xf32>,
        %mul3A_828 = arith.mulf %get3A_763, %get3A_791 : vector<16xf32>
        %add3A_829 = arith.constant 4 : i32
        %add3A_830 = arith.addi %add3A_269, %add3A_829 : i32
        %swap3A_831 = arith.index_cast %add3A_830 : i32 to index
        %swap3A_832 = arith.constant 80 : index
        %swap3A_833 = tpu.vector_load %arg12[%swap3A_831, %swap3A_832] {strides = array<i32>} : memref<128x128xf32, #tpu.memory_space<vmem>>, vector<16xf32>,
        tpu.vector_store %arg12[%swap3A_831, %swap3A_832], %mul3A_828 {strides = array<i32>} : memref<128x128xf32, #tpu.memory_space<vmem>>, vector<16xf32>,
        %mul3A_834 = arith.mulf %get3A_768, %get3A_794 : vector<16xf32>
        %add3A_835 = arith.constant 4 : i32
        %add3A_836 = arith.addi %add3A_269, %add3A_835 : i32
        %swap3A_837 = arith.index_cast %add3A_836 : i32 to index
        %swap3A_838 = arith.constant 96 : index
        %swap3A_839 = tpu.vector_load %arg12[%swap3A_837, %swap3A_838] {strides = array<i32>} : memref<128x128xf32, #tpu.memory_space<vmem>>, vector<16xf32>,
        tpu.vector_store %arg12[%swap3A_837, %swap3A_838], %mul3A_834 {strides = array<i32>} : memref<128x128xf32, #tpu.memory_space<vmem>>, vector<16xf32>,
        %mul3A_840 = arith.mulf %get3A_773, %get3A_797 : vector<16xf32>
        %add3A_841 = arith.constant 4 : i32
        %add3A_842 = arith.addi %add3A_269, %add3A_841 : i32
        %swap3A_843 = arith.index_cast %add3A_842 : i32 to index
        %swap3A_844 = arith.constant 112 : index
        %swap3A_845 = tpu.vector_load %arg12[%swap3A_843, %swap3A_844] {strides = array<i32>} : memref<128x128xf32, #tpu.memory_space<vmem>>, vector<16xf32>,
        tpu.vector_store %arg12[%swap3A_843, %swap3A_844], %mul3A_840 {strides = array<i32>} : memref<128x128xf32, #tpu.memory_space<vmem>>, vector<16xf32>,
        %slice3A_846 = vector.extract_strided_slice %get3A_273 {offsets = [5], sizes = [1], strides = [1]} : vector<16xi32> to vector<1xi32>
        %squeeze3A_847 = vector.extract %slice3A_846[0] : i32 from vector<1xi32>
        %add3A_848 = arith.constant 5 : i32
        %add3A_849 = arith.addi %add3A_269, %add3A_848 : i32
        %get3A_850 = arith.index_cast %add3A_849 : i32 to index
        %get3A_851 = arith.constant 0 : index
        %get3A_852 = tpu.vector_load %arg12[%get3A_850, %get3A_851] {strides = array<i32>} : memref<128x128xf32, #tpu.memory_space<vmem>>, vector<16xf32>,
        %add3A_853 = arith.constant 5 : i32
        %add3A_854 = arith.addi %add3A_269, %add3A_853 : i32
        %get3A_855 = arith.index_cast %add3A_854 : i32 to index
        %get3A_856 = arith.constant 16 : index
        %get3A_857 = tpu.vector_load %arg12[%get3A_855, %get3A_856] {strides = array<i32>} : memref<128x128xf32, #tpu.memory_space<vmem>>, vector<16xf32>,
        %add3A_858 = arith.constant 5 : i32
        %add3A_859 = arith.addi %add3A_269, %add3A_858 : i32
        %get3A_860 = arith.index_cast %add3A_859 : i32 to index
        %get3A_861 = arith.constant 32 : index
        %get3A_862 = tpu.vector_load %arg12[%get3A_860, %get3A_861] {strides = array<i32>} : memref<128x128xf32, #tpu.memory_space<vmem>>, vector<16xf32>,
        %add3A_863 = arith.constant 5 : i32
        %add3A_864 = arith.addi %add3A_269, %add3A_863 : i32
        %get3A_865 = arith.index_cast %add3A_864 : i32 to index
        %get3A_866 = arith.constant 48 : index
        %get3A_867 = tpu.vector_load %arg12[%get3A_865, %get3A_866] {strides = array<i32>} : memref<128x128xf32, #tpu.memory_space<vmem>>, vector<16xf32>,
        %add3A_868 = arith.constant 5 : i32
        %add3A_869 = arith.addi %add3A_269, %add3A_868 : i32
        %get3A_870 = arith.index_cast %add3A_869 : i32 to index
        %get3A_871 = arith.constant 64 : index
        %get3A_872 = tpu.vector_load %arg12[%get3A_870, %get3A_871] {strides = array<i32>} : memref<128x128xf32, #tpu.memory_space<vmem>>, vector<16xf32>,
        %add3A_873 = arith.constant 5 : i32
        %add3A_874 = arith.addi %add3A_269, %add3A_873 : i32
        %get3A_875 = arith.index_cast %add3A_874 : i32 to index
        %get3A_876 = arith.constant 80 : index
        %get3A_877 = tpu.vector_load %arg12[%get3A_875, %get3A_876] {strides = array<i32>} : memref<128x128xf32, #tpu.memory_space<vmem>>, vector<16xf32>,
        %add3A_878 = arith.constant 5 : i32
        %add3A_879 = arith.addi %add3A_269, %add3A_878 : i32
        %get3A_880 = arith.index_cast %add3A_879 : i32 to index
        %get3A_881 = arith.constant 96 : index
        %get3A_882 = tpu.vector_load %arg12[%get3A_880, %get3A_881] {strides = array<i32>} : memref<128x128xf32, #tpu.memory_space<vmem>>, vector<16xf32>,
        %add3A_883 = arith.constant 5 : i32
        %add3A_884 = arith.addi %add3A_269, %add3A_883 : i32
        %get3A_885 = arith.index_cast %add3A_884 : i32 to index
        %get3A_886 = arith.constant 112 : index
        %get3A_887 = tpu.vector_load %arg12[%get3A_885, %get3A_886] {strides = array<i32>} : memref<128x128xf32, #tpu.memory_space<vmem>>, vector<16xf32>,
        %get3A_888 = arith.index_cast %squeeze3A_847 : i32 to index
        %get3A_889 = arith.constant 0 : index
        %get3A_890 = tpu.vector_load %arg13[%get3A_888, %get3A_889] {strides = array<i32>} : memref<32x128xf32, #tpu.memory_space<vmem>>, vector<16xf32>,
        %get3A_891 = arith.index_cast %squeeze3A_847 : i32 to index
        %get3A_892 = arith.constant 16 : index
        %get3A_893 = tpu.vector_load %arg13[%get3A_891, %get3A_892] {strides = array<i32>} : memref<32x128xf32, #tpu.memory_space<vmem>>, vector<16xf32>,
        %get3A_894 = arith.index_cast %squeeze3A_847 : i32 to index
        %get3A_895 = arith.constant 32 : index
        %get3A_896 = tpu.vector_load %arg13[%get3A_894, %get3A_895] {strides = array<i32>} : memref<32x128xf32, #tpu.memory_space<vmem>>, vector<16xf32>,
        %get3A_897 = arith.index_cast %squeeze3A_847 : i32 to index
        %get3A_898 = arith.constant 48 : index
        %get3A_899 = tpu.vector_load %arg13[%get3A_897, %get3A_898] {strides = array<i32>} : memref<32x128xf32, #tpu.memory_space<vmem>>, vector<16xf32>,
        %get3A_900 = arith.index_cast %squeeze3A_847 : i32 to index
        %get3A_901 = arith.constant 64 : index
        %get3A_902 = tpu.vector_load %arg13[%get3A_900, %get3A_901] {strides = array<i32>} : memref<32x128xf32, #tpu.memory_space<vmem>>, vector<16xf32>,
        %get3A_903 = arith.index_cast %squeeze3A_847 : i32 to index
        %get3A_904 = arith.constant 80 : index
        %get3A_905 = tpu.vector_load %arg13[%get3A_903, %get3A_904] {strides = array<i32>} : memref<32x128xf32, #tpu.memory_space<vmem>>, vector<16xf32>,
        %get3A_906 = arith.index_cast %squeeze3A_847 : i32 to index
        %get3A_907 = arith.constant 96 : index
        %get3A_908 = tpu.vector_load %arg13[%get3A_906, %get3A_907] {strides = array<i32>} : memref<32x128xf32, #tpu.memory_space<vmem>>, vector<16xf32>,
        %get3A_909 = arith.index_cast %squeeze3A_847 : i32 to index
        %get3A_910 = arith.constant 112 : index
        %get3A_911 = tpu.vector_load %arg13[%get3A_909, %get3A_910] {strides = array<i32>} : memref<32x128xf32, #tpu.memory_space<vmem>>, vector<16xf32>,
        %mul3A_912 = arith.mulf %get3A_852, %get3A_890 : vector<16xf32>
        %add3A_913 = arith.constant 5 : i32
        %add3A_914 = arith.addi %add3A_269, %add3A_913 : i32
        %swap3A_915 = arith.index_cast %add3A_914 : i32 to index
        %swap3A_916 = arith.constant 0 : index
        %swap3A_917 = tpu.vector_load %arg12[%swap3A_915, %swap3A_916] {strides = array<i32>} : memref<128x128xf32, #tpu.memory_space<vmem>>, vector<16xf32>,
        tpu.vector_store %arg12[%swap3A_915, %swap3A_916], %mul3A_912 {strides = array<i32>} : memref<128x128xf32, #tpu.memory_space<vmem>>, vector<16xf32>,
        %mul3A_918 = arith.mulf %get3A_857, %get3A_893 : vector<16xf32>
        %add3A_919 = arith.constant 5 : i32
        %add3A_920 = arith.addi %add3A_269, %add3A_919 : i32
        %swap3A_921 = arith.index_cast %add3A_920 : i32 to index
        %swap3A_922 = arith.constant 16 : index
        %swap3A_923 = tpu.vector_load %arg12[%swap3A_921, %swap3A_922] {strides = array<i32>} : memref<128x128xf32, #tpu.memory_space<vmem>>, vector<16xf32>,
        tpu.vector_store %arg12[%swap3A_921, %swap3A_922], %mul3A_918 {strides = array<i32>} : memref<128x128xf32, #tpu.memory_space<vmem>>, vector<16xf32>,
        %mul3A_924 = arith.mulf %get3A_862, %get3A_896 : vector<16xf32>
        %add3A_925 = arith.constant 5 : i32
        %add3A_926 = arith.addi %add3A_269, %add3A_925 : i32
        %swap3A_927 = arith.index_cast %add3A_926 : i32 to index
        %swap3A_928 = arith.constant 32 : index
        %swap3A_929 = tpu.vector_load %arg12[%swap3A_927, %swap3A_928] {strides = array<i32>} : memref<128x128xf32, #tpu.memory_space<vmem>>, vector<16xf32>,
        tpu.vector_store %arg12[%swap3A_927, %swap3A_928], %mul3A_924 {strides = array<i32>} : memref<128x128xf32, #tpu.memory_space<vmem>>, vector<16xf32>,
        %mul3A_930 = arith.mulf %get3A_867, %get3A_899 : vector<16xf32>
        %add3A_931 = arith.constant 5 : i32
        %add3A_932 = arith.addi %add3A_269, %add3A_931 : i32
        %swap3A_933 = arith.index_cast %add3A_932 : i32 to index
        %swap3A_934 = arith.constant 48 : index
        %swap3A_935 = tpu.vector_load %arg12[%swap3A_933, %swap3A_934] {strides = array<i32>} : memref<128x128xf32, #tpu.memory_space<vmem>>, vector<16xf32>,
        tpu.vector_store %arg12[%swap3A_933, %swap3A_934], %mul3A_930 {strides = array<i32>} : memref<128x128xf32, #tpu.memory_space<vmem>>, vector<16xf32>,
        %mul3A_936 = arith.mulf %get3A_872, %get3A_902 : vector<16xf32>
        %add3A_937 = arith.constant 5 : i32
        %add3A_938 = arith.addi %add3A_269, %add3A_937 : i32
        %swap3A_939 = arith.index_cast %add3A_938 : i32 to index
        %swap3A_940 = arith.constant 64 : index
        %swap3A_941 = tpu.vector_load %arg12[%swap3A_939, %swap3A_940] {strides = array<i32>} : memref<128x128xf32, #tpu.memory_space<vmem>>, vector<16xf32>,
        tpu.vector_store %arg12[%swap3A_939, %swap3A_940], %mul3A_936 {strides = array<i32>} : memref<128x128xf32, #tpu.memory_space<vmem>>, vector<16xf32>,
        %mul3A_942 = arith.mulf %get3A_877, %get3A_905 : vector<16xf32>
        %add3A_943 = arith.constant 5 : i32
        %add3A_944 = arith.addi %add3A_269, %add3A_943 : i32
        %swap3A_945 = arith.index_cast %add3A_944 : i32 to index
        %swap3A_946 = arith.constant 80 : index
        %swap3A_947 = tpu.vector_load %arg12[%swap3A_945, %swap3A_946] {strides = array<i32>} : memref<128x128xf32, #tpu.memory_space<vmem>>, vector<16xf32>,
        tpu.vector_store %arg12[%swap3A_945, %swap3A_946], %mul3A_942 {strides = array<i32>} : memref<128x128xf32, #tpu.memory_space<vmem>>, vector<16xf32>,
        %mul3A_948 = arith.mulf %get3A_882, %get3A_908 : vector<16xf32>
        %add3A_949 = arith.constant 5 : i32
        %add3A_950 = arith.addi %add3A_269, %add3A_949 : i32
        %swap3A_951 = arith.index_cast %add3A_950 : i32 to index
        %swap3A_952 = arith.constant 96 : index
        %swap3A_953 = tpu.vector_load %arg12[%swap3A_951, %swap3A_952] {strides = array<i32>} : memref<128x128xf32, #tpu.memory_space<vmem>>, vector<16xf32>,
        tpu.vector_store %arg12[%swap3A_951, %swap3A_952], %mul3A_948 {strides = array<i32>} : memref<128x128xf32, #tpu.memory_space<vmem>>, vector<16xf32>,
        %mul3A_954 = arith.mulf %get3A_887, %get3A_911 : vector<16xf32>
        %add3A_955 = arith.constant 5 : i32
        %add3A_956 = arith.addi %add3A_269, %add3A_955 : i32
        %swap3A_957 = arith.index_cast %add3A_956 : i32 to index
        %swap3A_958 = arith.constant 112 : index
        %swap3A_959 = tpu.vector_load %arg12[%swap3A_957, %swap3A_958] {strides = array<i32>} : memref<128x128xf32, #tpu.memory_space<vmem>>, vector<16xf32>,
        tpu.vector_store %arg12[%swap3A_957, %swap3A_958], %mul3A_954 {strides = array<i32>} : memref<128x128xf32, #tpu.memory_space<vmem>>, vector<16xf32>,
        %slice3A_960 = vector.extract_strided_slice %get3A_273 {offsets = [6], sizes = [1], strides = [1]} : vector<16xi32> to vector<1xi32>
        %squeeze3A_961 = vector.extract %slice3A_960[0] : i32 from vector<1xi32>
        %add3A_962 = arith.constant 6 : i32
        %add3A_963 = arith.addi %add3A_269, %add3A_962 : i32
        %get3A_964 = arith.index_cast %add3A_963 : i32 to index
        %get3A_965 = arith.constant 0 : index
        %get3A_966 = tpu.vector_load %arg12[%get3A_964, %get3A_965] {strides = array<i32>} : memref<128x128xf32, #tpu.memory_space<vmem>>, vector<16xf32>,
        %add3A_967 = arith.constant 6 : i32
        %add3A_968 = arith.addi %add3A_269, %add3A_967 : i32
        %get3A_969 = arith.index_cast %add3A_968 : i32 to index
        %get3A_970 = arith.constant 16 : index
        %get3A_971 = tpu.vector_load %arg12[%get3A_969, %get3A_970] {strides = array<i32>} : memref<128x128xf32, #tpu.memory_space<vmem>>, vector<16xf32>,
        %add3A_972 = arith.constant 6 : i32
        %add3A_973 = arith.addi %add3A_269, %add3A_972 : i32
        %get3A_974 = arith.index_cast %add3A_973 : i32 to index
        %get3A_975 = arith.constant 32 : index
        %get3A_976 = tpu.vector_load %arg12[%get3A_974, %get3A_975] {strides = array<i32>} : memref<128x128xf32, #tpu.memory_space<vmem>>, vector<16xf32>,
        %add3A_977 = arith.constant 6 : i32
        %add3A_978 = arith.addi %add3A_269, %add3A_977 : i32
        %get3A_979 = arith.index_cast %add3A_978 : i32 to index
        %get3A_980 = arith.constant 48 : index
        %get3A_981 = tpu.vector_load %arg12[%get3A_979, %get3A_980] {strides = array<i32>} : memref<128x128xf32, #tpu.memory_space<vmem>>, vector<16xf32>,
        %add3A_982 = arith.constant 6 : i32
        %add3A_983 = arith.addi %add3A_269, %add3A_982 : i32
        %get3A_984 = arith.index_cast %add3A_983 : i32 to index
        %get3A_985 = arith.constant 64 : index
        %get3A_986 = tpu.vector_load %arg12[%get3A_984, %get3A_985] {strides = array<i32>} : memref<128x128xf32, #tpu.memory_space<vmem>>, vector<16xf32>,
        %add3A_987 = arith.constant 6 : i32
        %add3A_988 = arith.addi %add3A_269, %add3A_987 : i32
        %get3A_989 = arith.index_cast %add3A_988 : i32 to index
        %get3A_990 = arith.constant 80 : index
        %get3A_991 = tpu.vector_load %arg12[%get3A_989, %get3A_990] {strides = array<i32>} : memref<128x128xf32, #tpu.memory_space<vmem>>, vector<16xf32>,
        %add3A_992 = arith.constant 6 : i32
        %add3A_993 = arith.addi %add3A_269, %add3A_992 : i32
        %get3A_994 = arith.index_cast %add3A_993 : i32 to index
        %get3A_995 = arith.constant 96 : index
        %get3A_996 = tpu.vector_load %arg12[%get3A_994, %get3A_995] {strides = array<i32>} : memref<128x128xf32, #tpu.memory_space<vmem>>, vector<16xf32>,
        %add3A_997 = arith.constant 6 : i32
        %add3A_998 = arith.addi %add3A_269, %add3A_997 : i32
        %get3A_999 = arith.index_cast %add3A_998 : i32 to index
        %get3A_1000 = arith.constant 112 : index
        %get3A_1001 = tpu.vector_load %arg12[%get3A_999, %get3A_1000] {strides = array<i32>} : memref<128x128xf32, #tpu.memory_space<vmem>>, vector<16xf32>,
        %get3A_1002 = arith.index_cast %squeeze3A_961 : i32 to index
        %get3A_1003 = arith.constant 0 : index
        %get3A_1004 = tpu.vector_load %arg13[%get3A_1002, %get3A_1003] {strides = array<i32>} : memref<32x128xf32, #tpu.memory_space<vmem>>, vector<16xf32>,
        %get3A_1005 = arith.index_cast %squeeze3A_961 : i32 to index
        %get3A_1006 = arith.constant 16 : index
        %get3A_1007 = tpu.vector_load %arg13[%get3A_1005, %get3A_1006] {strides = array<i32>} : memref<32x128xf32, #tpu.memory_space<vmem>>, vector<16xf32>,
        %get3A_1008 = arith.index_cast %squeeze3A_961 : i32 to index
        %get3A_1009 = arith.constant 32 : index
        %get3A_1010 = tpu.vector_load %arg13[%get3A_1008, %get3A_1009] {strides = array<i32>} : memref<32x128xf32, #tpu.memory_space<vmem>>, vector<16xf32>,
        %get3A_1011 = arith.index_cast %squeeze3A_961 : i32 to index
        %get3A_1012 = arith.constant 48 : index
        %get3A_1013 = tpu.vector_load %arg13[%get3A_1011, %get3A_1012] {strides = array<i32>} : memref<32x128xf32, #tpu.memory_space<vmem>>, vector<16xf32>,
        %get3A_1014 = arith.index_cast %squeeze3A_961 : i32 to index
        %get3A_1015 = arith.constant 64 : index
        %get3A_1016 = tpu.vector_load %arg13[%get3A_1014, %get3A_1015] {strides = array<i32>} : memref<32x128xf32, #tpu.memory_space<vmem>>, vector<16xf32>,
        %get3A_1017 = arith.index_cast %squeeze3A_961 : i32 to index
        %get3A_1018 = arith.constant 80 : index
        %get3A_1019 = tpu.vector_load %arg13[%get3A_1017, %get3A_1018] {strides = array<i32>} : memref<32x128xf32, #tpu.memory_space<vmem>>, vector<16xf32>,
        %get3A_1020 = arith.index_cast %squeeze3A_961 : i32 to index
        %get3A_1021 = arith.constant 96 : index
        %get3A_1022 = tpu.vector_load %arg13[%get3A_1020, %get3A_1021] {strides = array<i32>} : memref<32x128xf32, #tpu.memory_space<vmem>>, vector<16xf32>,
        %get3A_1023 = arith.index_cast %squeeze3A_961 : i32 to index
        %get3A_1024 = arith.constant 112 : index
        %get3A_1025 = tpu.vector_load %arg13[%get3A_1023, %get3A_1024] {strides = array<i32>} : memref<32x128xf32, #tpu.memory_space<vmem>>, vector<16xf32>,
        %mul3A_1026 = arith.mulf %get3A_966, %get3A_1004 : vector<16xf32>
        %add3A_1027 = arith.constant 6 : i32
        %add3A_1028 = arith.addi %add3A_269, %add3A_1027 : i32
        %swap3A_1029 = arith.index_cast %add3A_1028 : i32 to index
        %swap3A_1030 = arith.constant 0 : index
        %swap3A_1031 = tpu.vector_load %arg12[%swap3A_1029, %swap3A_1030] {strides = array<i32>} : memref<128x128xf32, #tpu.memory_space<vmem>>, vector<16xf32>,
        tpu.vector_store %arg12[%swap3A_1029, %swap3A_1030], %mul3A_1026 {strides = array<i32>} : memref<128x128xf32, #tpu.memory_space<vmem>>, vector<16xf32>,
        %mul3A_1032 = arith.mulf %get3A_971, %get3A_1007 : vector<16xf32>
        %add3A_1033 = arith.constant 6 : i32
        %add3A_1034 = arith.addi %add3A_269, %add3A_1033 : i32
        %swap3A_1035 = arith.index_cast %add3A_1034 : i32 to index
        %swap3A_1036 = arith.constant 16 : index
        %swap3A_1037 = tpu.vector_load %arg12[%swap3A_1035, %swap3A_1036] {strides = array<i32>} : memref<128x128xf32, #tpu.memory_space<vmem>>, vector<16xf32>,
        tpu.vector_store %arg12[%swap3A_1035, %swap3A_1036], %mul3A_1032 {strides = array<i32>} : memref<128x128xf32, #tpu.memory_space<vmem>>, vector<16xf32>,
        %mul3A_1038 = arith.mulf %get3A_976, %get3A_1010 : vector<16xf32>
        %add3A_1039 = arith.constant 6 : i32
        %add3A_1040 = arith.addi %add3A_269, %add3A_1039 : i32
        %swap3A_1041 = arith.index_cast %add3A_1040 : i32 to index
        %swap3A_1042 = arith.constant 32 : index
        %swap3A_1043 = tpu.vector_load %arg12[%swap3A_1041, %swap3A_1042] {strides = array<i32>} : memref<128x128xf32, #tpu.memory_space<vmem>>, vector<16xf32>,
        tpu.vector_store %arg12[%swap3A_1041, %swap3A_1042], %mul3A_1038 {strides = array<i32>} : memref<128x128xf32, #tpu.memory_space<vmem>>, vector<16xf32>,
        %mul3A_1044 = arith.mulf %get3A_981, %get3A_1013 : vector<16xf32>
        %add3A_1045 = arith.constant 6 : i32
        %add3A_1046 = arith.addi %add3A_269, %add3A_1045 : i32
        %swap3A_1047 = arith.index_cast %add3A_1046 : i32 to index
        %swap3A_1048 = arith.constant 48 : index
        %swap3A_1049 = tpu.vector_load %arg12[%swap3A_1047, %swap3A_1048] {strides = array<i32>} : memref<128x128xf32, #tpu.memory_space<vmem>>, vector<16xf32>,
        tpu.vector_store %arg12[%swap3A_1047, %swap3A_1048], %mul3A_1044 {strides = array<i32>} : memref<128x128xf32, #tpu.memory_space<vmem>>, vector<16xf32>,
        %mul3A_1050 = arith.mulf %get3A_986, %get3A_1016 : vector<16xf32>
        %add3A_1051 = arith.constant 6 : i32
        %add3A_1052 = arith.addi %add3A_269, %add3A_1051 : i32
        %swap3A_1053 = arith.index_cast %add3A_1052 : i32 to index
        %swap3A_1054 = arith.constant 64 : index
        %swap3A_1055 = tpu.vector_load %arg12[%swap3A_1053, %swap3A_1054] {strides = array<i32>} : memref<128x128xf32, #tpu.memory_space<vmem>>, vector<16xf32>,
        tpu.vector_store %arg12[%swap3A_1053, %swap3A_1054], %mul3A_1050 {strides = array<i32>} : memref<128x128xf32, #tpu.memory_space<vmem>>, vector<16xf32>,
        %mul3A_1056 = arith.mulf %get3A_991, %get3A_1019 : vector<16xf32>
        %add3A_1057 = arith.constant 6 : i32
        %add3A_1058 = arith.addi %add3A_269, %add3A_1057 : i32
        %swap3A_1059 = arith.index_cast %add3A_1058 : i32 to index
        %swap3A_1060 = arith.constant 80 : index
        %swap3A_1061 = tpu.vector_load %arg12[%swap3A_1059, %swap3A_1060] {strides = array<i32>} : memref<128x128xf32, #tpu.memory_space<vmem>>, vector<16xf32>,
        tpu.vector_store %arg12[%swap3A_1059, %swap3A_1060], %mul3A_1056 {strides = array<i32>} : memref<128x128xf32, #tpu.memory_space<vmem>>, vector<16xf32>,
        %mul3A_1062 = arith.mulf %get3A_996, %get3A_1022 : vector<16xf32>
        %add3A_1063 = arith.constant 6 : i32
        %add3A_1064 = arith.addi %add3A_269, %add3A_1063 : i32
        %swap3A_1065 = arith.index_cast %add3A_1064 : i32 to index
        %swap3A_1066 = arith.constant 96 : index
        %swap3A_1067 = tpu.vector_load %arg12[%swap3A_1065, %swap3A_1066] {strides = array<i32>} : memref<128x128xf32, #tpu.memory_space<vmem>>, vector<16xf32>,
        tpu.vector_store %arg12[%swap3A_1065, %swap3A_1066], %mul3A_1062 {strides = array<i32>} : memref<128x128xf32, #tpu.memory_space<vmem>>, vector<16xf32>,
        %mul3A_1068 = arith.mulf %get3A_1001, %get3A_1025 : vector<16xf32>
        %add3A_1069 = arith.constant 6 : i32
        %add3A_1070 = arith.addi %add3A_269, %add3A_1069 : i32
        %swap3A_1071 = arith.index_cast %add3A_1070 : i32 to index
        %swap3A_1072 = arith.constant 112 : index
        %swap3A_1073 = tpu.vector_load %arg12[%swap3A_1071, %swap3A_1072] {strides = array<i32>} : memref<128x128xf32, #tpu.memory_space<vmem>>, vector<16xf32>,
        tpu.vector_store %arg12[%swap3A_1071, %swap3A_1072], %mul3A_1068 {strides = array<i32>} : memref<128x128xf32, #tpu.memory_space<vmem>>, vector<16xf32>,
        %slice3A_1074 = vector.extract_strided_slice %get3A_273 {offsets = [7], sizes = [1], strides = [1]} : vector<16xi32> to vector<1xi32>
        %squeeze3A_1075 = vector.extract %slice3A_1074[0] : i32 from vector<1xi32>
        %add3A_1076 = arith.constant 7 : i32
        %add3A_1077 = arith.addi %add3A_269, %add3A_1076 : i32
        %get3A_1078 = arith.index_cast %add3A_1077 : i32 to index
        %get3A_1079 = arith.constant 0 : index
        %get3A_1080 = tpu.vector_load %arg12[%get3A_1078, %get3A_1079] {strides = array<i32>} : memref<128x128xf32, #tpu.memory_space<vmem>>, vector<16xf32>,
        %add3A_1081 = arith.constant 7 : i32
        %add3A_1082 = arith.addi %add3A_269, %add3A_1081 : i32
        %get3A_1083 = arith.index_cast %add3A_1082 : i32 to index
        %get3A_1084 = arith.constant 16 : index
        %get3A_1085 = tpu.vector_load %arg12[%get3A_1083, %get3A_1084] {strides = array<i32>} : memref<128x128xf32, #tpu.memory_space<vmem>>, vector<16xf32>,
        %add3A_1086 = arith.constant 7 : i32
        %add3A_1087 = arith.addi %add3A_269, %add3A_1086 : i32
        %get3A_1088 = arith.index_cast %add3A_1087 : i32 to index
        %get3A_1089 = arith.constant 32 : index
        %get3A_1090 = tpu.vector_load %arg12[%get3A_1088, %get3A_1089] {strides = array<i32>} : memref<128x128xf32, #tpu.memory_space<vmem>>, vector<16xf32>,
        %add3A_1091 = arith.constant 7 : i32
        %add3A_1092 = arith.addi %add3A_269, %add3A_1091 : i32
        %get3A_1093 = arith.index_cast %add3A_1092 : i32 to index
        %get3A_1094 = arith.constant 48 : index
        %get3A_1095 = tpu.vector_load %arg12[%get3A_1093, %get3A_1094] {strides = array<i32>} : memref<128x128xf32, #tpu.memory_space<vmem>>, vector<16xf32>,
        %add3A_1096 = arith.constant 7 : i32
        %add3A_1097 = arith.addi %add3A_269, %add3A_1096 : i32
        %get3A_1098 = arith.index_cast %add3A_1097 : i32 to index
        %get3A_1099 = arith.constant 64 : index
        %get3A_1100 = tpu.vector_load %arg12[%get3A_1098, %get3A_1099] {strides = array<i32>} : memref<128x128xf32, #tpu.memory_space<vmem>>, vector<16xf32>,
        %add3A_1101 = arith.constant 7 : i32
        %add3A_1102 = arith.addi %add3A_269, %add3A_1101 : i32
        %get3A_1103 = arith.index_cast %add3A_1102 : i32 to index
        %get3A_1104 = arith.constant 80 : index
        %get3A_1105 = tpu.vector_load %arg12[%get3A_1103, %get3A_1104] {strides = array<i32>} : memref<128x128xf32, #tpu.memory_space<vmem>>, vector<16xf32>,
        %add3A_1106 = arith.constant 7 : i32
        %add3A_1107 = arith.addi %add3A_269, %add3A_1106 : i32
        %get3A_1108 = arith.index_cast %add3A_1107 : i32 to index
        %get3A_1109 = arith.constant 96 : index
        %get3A_1110 = tpu.vector_load %arg12[%get3A_1108, %get3A_1109] {strides = array<i32>} : memref<128x128xf32, #tpu.memory_space<vmem>>, vector<16xf32>,
        %add3A_1111 = arith.constant 7 : i32
        %add3A_1112 = arith.addi %add3A_269, %add3A_1111 : i32
        %get3A_1113 = arith.index_cast %add3A_1112 : i32 to index
        %get3A_1114 = arith.constant 112 : index
        %get3A_1115 = tpu.vector_load %arg12[%get3A_1113, %get3A_1114] {strides = array<i32>} : memref<128x128xf32, #tpu.memory_space<vmem>>, vector<16xf32>,
        %get3A_1116 = arith.index_cast %squeeze3A_1075 : i32 to index
        %get3A_1117 = arith.constant 0 : index
        %get3A_1118 = tpu.vector_load %arg13[%get3A_1116, %get3A_1117] {strides = array<i32>} : memref<32x128xf32, #tpu.memory_space<vmem>>, vector<16xf32>,
        %get3A_1119 = arith.index_cast %squeeze3A_1075 : i32 to index
        %get3A_1120 = arith.constant 16 : index
        %get3A_1121 = tpu.vector_load %arg13[%get3A_1119, %get3A_1120] {strides = array<i32>} : memref<32x128xf32, #tpu.memory_space<vmem>>, vector<16xf32>,
        %get3A_1122 = arith.index_cast %squeeze3A_1075 : i32 to index
        %get3A_1123 = arith.constant 32 : index
        %get3A_1124 = tpu.vector_load %arg13[%get3A_1122, %get3A_1123] {strides = array<i32>} : memref<32x128xf32, #tpu.memory_space<vmem>>, vector<16xf32>,
        %get3A_1125 = arith.index_cast %squeeze3A_1075 : i32 to index
        %get3A_1126 = arith.constant 48 : index
        %get3A_1127 = tpu.vector_load %arg13[%get3A_1125, %get3A_1126] {strides = array<i32>} : memref<32x128xf32, #tpu.memory_space<vmem>>, vector<16xf32>,
        %get3A_1128 = arith.index_cast %squeeze3A_1075 : i32 to index
        %get3A_1129 = arith.constant 64 : index
        %get3A_1130 = tpu.vector_load %arg13[%get3A_1128, %get3A_1129] {strides = array<i32>} : memref<32x128xf32, #tpu.memory_space<vmem>>, vector<16xf32>,
        %get3A_1131 = arith.index_cast %squeeze3A_1075 : i32 to index
        %get3A_1132 = arith.constant 80 : index
        %get3A_1133 = tpu.vector_load %arg13[%get3A_1131, %get3A_1132] {strides = array<i32>} : memref<32x128xf32, #tpu.memory_space<vmem>>, vector<16xf32>,
        %get3A_1134 = arith.index_cast %squeeze3A_1075 : i32 to index
        %get3A_1135 = arith.constant 96 : index
        %get3A_1136 = tpu.vector_load %arg13[%get3A_1134, %get3A_1135] {strides = array<i32>} : memref<32x128xf32, #tpu.memory_space<vmem>>, vector<16xf32>,
        %get3A_1137 = arith.index_cast %squeeze3A_1075 : i32 to index
        %get3A_1138 = arith.constant 112 : index
        %get3A_1139 = tpu.vector_load %arg13[%get3A_1137, %get3A_1138] {strides = array<i32>} : memref<32x128xf32, #tpu.memory_space<vmem>>, vector<16xf32>,
        %mul3A_1140 = arith.mulf %get3A_1080, %get3A_1118 : vector<16xf32>
        %add3A_1141 = arith.constant 7 : i32
        %add3A_1142 = arith.addi %add3A_269, %add3A_1141 : i32
        %swap3A_1143 = arith.index_cast %add3A_1142 : i32 to index
        %swap3A_1144 = arith.constant 0 : index
        %swap3A_1145 = tpu.vector_load %arg12[%swap3A_1143, %swap3A_1144] {strides = array<i32>} : memref<128x128xf32, #tpu.memory_space<vmem>>, vector<16xf32>,
        tpu.vector_store %arg12[%swap3A_1143, %swap3A_1144], %mul3A_1140 {strides = array<i32>} : memref<128x128xf32, #tpu.memory_space<vmem>>, vector<16xf32>,
        %mul3A_1146 = arith.mulf %get3A_1085, %get3A_1121 : vector<16xf32>
        %add3A_1147 = arith.constant 7 : i32
        %add3A_1148 = arith.addi %add3A_269, %add3A_1147 : i32
        %swap3A_1149 = arith.index_cast %add3A_1148 : i32 to index
        %swap3A_1150 = arith.constant 16 : index
        %swap3A_1151 = tpu.vector_load %arg12[%swap3A_1149, %swap3A_1150] {strides = array<i32>} : memref<128x128xf32, #tpu.memory_space<vmem>>, vector<16xf32>,
        tpu.vector_store %arg12[%swap3A_1149, %swap3A_1150], %mul3A_1146 {strides = array<i32>} : memref<128x128xf32, #tpu.memory_space<vmem>>, vector<16xf32>,
        %mul3A_1152 = arith.mulf %get3A_1090, %get3A_1124 : vector<16xf32>
        %add3A_1153 = arith.constant 7 : i32
        %add3A_1154 = arith.addi %add3A_269, %add3A_1153 : i32
        %swap3A_1155 = arith.index_cast %add3A_1154 : i32 to index
        %swap3A_1156 = arith.constant 32 : index
        %swap3A_1157 = tpu.vector_load %arg12[%swap3A_1155, %swap3A_1156] {strides = array<i32>} : memref<128x128xf32, #tpu.memory_space<vmem>>, vector<16xf32>,
        tpu.vector_store %arg12[%swap3A_1155, %swap3A_1156], %mul3A_1152 {strides = array<i32>} : memref<128x128xf32, #tpu.memory_space<vmem>>, vector<16xf32>,
        %mul3A_1158 = arith.mulf %get3A_1095, %get3A_1127 : vector<16xf32>
        %add3A_1159 = arith.constant 7 : i32
        %add3A_1160 = arith.addi %add3A_269, %add3A_1159 : i32
        %swap3A_1161 = arith.index_cast %add3A_1160 : i32 to index
        %swap3A_1162 = arith.constant 48 : index
        %swap3A_1163 = tpu.vector_load %arg12[%swap3A_1161, %swap3A_1162] {strides = array<i32>} : memref<128x128xf32, #tpu.memory_space<vmem>>, vector<16xf32>,
        tpu.vector_store %arg12[%swap3A_1161, %swap3A_1162], %mul3A_1158 {strides = array<i32>} : memref<128x128xf32, #tpu.memory_space<vmem>>, vector<16xf32>,
        %mul3A_1164 = arith.mulf %get3A_1100, %get3A_1130 : vector<16xf32>
        %add3A_1165 = arith.constant 7 : i32
        %add3A_1166 = arith.addi %add3A_269, %add3A_1165 : i32
        %swap3A_1167 = arith.index_cast %add3A_1166 : i32 to index
        %swap3A_1168 = arith.constant 64 : index
        %swap3A_1169 = tpu.vector_load %arg12[%swap3A_1167, %swap3A_1168] {strides = array<i32>} : memref<128x128xf32, #tpu.memory_space<vmem>>, vector<16xf32>,
        tpu.vector_store %arg12[%swap3A_1167, %swap3A_1168], %mul3A_1164 {strides = array<i32>} : memref<128x128xf32, #tpu.memory_space<vmem>>, vector<16xf32>,
        %mul3A_1170 = arith.mulf %get3A_1105, %get3A_1133 : vector<16xf32>
        %add3A_1171 = arith.constant 7 : i32
        %add3A_1172 = arith.addi %add3A_269, %add3A_1171 : i32
        %swap3A_1173 = arith.index_cast %add3A_1172 : i32 to index
        %swap3A_1174 = arith.constant 80 : index
        %swap3A_1175 = tpu.vector_load %arg12[%swap3A_1173, %swap3A_1174] {strides = array<i32>} : memref<128x128xf32, #tpu.memory_space<vmem>>, vector<16xf32>,
        tpu.vector_store %arg12[%swap3A_1173, %swap3A_1174], %mul3A_1170 {strides = array<i32>} : memref<128x128xf32, #tpu.memory_space<vmem>>, vector<16xf32>,
        %mul3A_1176 = arith.mulf %get3A_1110, %get3A_1136 : vector<16xf32>
        %add3A_1177 = arith.constant 7 : i32
        %add3A_1178 = arith.addi %add3A_269, %add3A_1177 : i32
        %swap3A_1179 = arith.index_cast %add3A_1178 : i32 to index
        %swap3A_1180 = arith.constant 96 : index
        %swap3A_1181 = tpu.vector_load %arg12[%swap3A_1179, %swap3A_1180] {strides = array<i32>} : memref<128x128xf32, #tpu.memory_space<vmem>>, vector<16xf32>,
        tpu.vector_store %arg12[%swap3A_1179, %swap3A_1180], %mul3A_1176 {strides = array<i32>} : memref<128x128xf32, #tpu.memory_space<vmem>>, vector<16xf32>,
        %mul3A_1182 = arith.mulf %get3A_1115, %get3A_1139 : vector<16xf32>
        %add3A_1183 = arith.constant 7 : i32
        %add3A_1184 = arith.addi %add3A_269, %add3A_1183 : i32
        %swap3A_1185 = arith.index_cast %add3A_1184 : i32 to index
        %swap3A_1186 = arith.constant 112 : index
        %swap3A_1187 = tpu.vector_load %arg12[%swap3A_1185, %swap3A_1186] {strides = array<i32>} : memref<128x128xf32, #tpu.memory_space<vmem>>, vector<16xf32>,
        tpu.vector_store %arg12[%swap3A_1185, %swap3A_1186], %mul3A_1182 {strides = array<i32>} : memref<128x128xf32, #tpu.memory_space<vmem>>, vector<16xf32>,
        %slice3A_1188 = vector.extract_strided_slice %get3A_273 {offsets = [8], sizes = [1], strides = [1]} : vector<16xi32> to vector<1xi32>
        %squeeze3A_1189 = vector.extract %slice3A_1188[0] : i32 from vector<1xi32>
        %add3A_1190 = arith.constant 8 : i32
        %add3A_1191 = arith.addi %add3A_269, %add3A_1190 : i32
        %get3A_1192 = arith.index_cast %add3A_1191 : i32 to index
        %get3A_1193 = arith.constant 0 : index
        %get3A_1194 = tpu.vector_load %arg12[%get3A_1192, %get3A_1193] {strides = array<i32>} : memref<128x128xf32, #tpu.memory_space<vmem>>, vector<16xf32>,
        %add3A_1195 = arith.constant 8 : i32
        %add3A_1196 = arith.addi %add3A_269, %add3A_1195 : i32
        %get3A_1197 = arith.index_cast %add3A_1196 : i32 to index
        %get3A_1198 = arith.constant 16 : index
        %get3A_1199 = tpu.vector_load %arg12[%get3A_1197, %get3A_1198] {strides = array<i32>} : memref<128x128xf32, #tpu.memory_space<vmem>>, vector<16xf32>,
        %add3A_1200 = arith.constant 8 : i32
        %add3A_1201 = arith.addi %add3A_269, %add3A_1200 : i32
        %get3A_1202 = arith.index_cast %add3A_1201 : i32 to index
        %get3A_1203 = arith.constant 32 : index
        %get3A_1204 = tpu.vector_load %arg12[%get3A_1202, %get3A_1203] {strides = array<i32>} : memref<128x128xf32, #tpu.memory_space<vmem>>, vector<16xf32>,
        %add3A_1205 = arith.constant 8 : i32
        %add3A_1206 = arith.addi %add3A_269, %add3A_1205 : i32
        %get3A_1207 = arith.index_cast %add3A_1206 : i32 to index
        %get3A_1208 = arith.constant 48 : index
        %get3A_1209 = tpu.vector_load %arg12[%get3A_1207, %get3A_1208] {strides = array<i32>} : memref<128x128xf32, #tpu.memory_space<vmem>>, vector<16xf32>,
        %add3A_1210 = arith.constant 8 : i32
        %add3A_1211 = arith.addi %add3A_269, %add3A_1210 : i32
        %get3A_1212 = arith.index_cast %add3A_1211 : i32 to index
        %get3A_1213 = arith.constant 64 : index
        %get3A_1214 = tpu.vector_load %arg12[%get3A_1212, %get3A_1213] {strides = array<i32>} : memref<128x128xf32, #tpu.memory_space<vmem>>, vector<16xf32>,
        %add3A_1215 = arith.constant 8 : i32
        %add3A_1216 = arith.addi %add3A_269, %add3A_1215 : i32
        %get3A_1217 = arith.index_cast %add3A_1216 : i32 to index
        %get3A_1218 = arith.constant 80 : index
        %get3A_1219 = tpu.vector_load %arg12[%get3A_1217, %get3A_1218] {strides = array<i32>} : memref<128x128xf32, #tpu.memory_space<vmem>>, vector<16xf32>,
        %add3A_1220 = arith.constant 8 : i32
        %add3A_1221 = arith.addi %add3A_269, %add3A_1220 : i32
        %get3A_1222 = arith.index_cast %add3A_1221 : i32 to index
        %get3A_1223 = arith.constant 96 : index
        %get3A_1224 = tpu.vector_load %arg12[%get3A_1222, %get3A_1223] {strides = array<i32>} : memref<128x128xf32, #tpu.memory_space<vmem>>, vector<16xf32>,
        %add3A_1225 = arith.constant 8 : i32
        %add3A_1226 = arith.addi %add3A_269, %add3A_1225 : i32
        %get3A_1227 = arith.index_cast %add3A_1226 : i32 to index
        %get3A_1228 = arith.constant 112 : index
        %get3A_1229 = tpu.vector_load %arg12[%get3A_1227, %get3A_1228] {strides = array<i32>} : memref<128x128xf32, #tpu.memory_space<vmem>>, vector<16xf32>,
        %get3A_1230 = arith.index_cast %squeeze3A_1189 : i32 to index
        %get3A_1231 = arith.constant 0 : index
        %get3A_1232 = tpu.vector_load %arg13[%get3A_1230, %get3A_1231] {strides = array<i32>} : memref<32x128xf32, #tpu.memory_space<vmem>>, vector<16xf32>,
        %get3A_1233 = arith.index_cast %squeeze3A_1189 : i32 to index
        %get3A_1234 = arith.constant 16 : index
        %get3A_1235 = tpu.vector_load %arg13[%get3A_1233, %get3A_1234] {strides = array<i32>} : memref<32x128xf32, #tpu.memory_space<vmem>>, vector<16xf32>,
        %get3A_1236 = arith.index_cast %squeeze3A_1189 : i32 to index
        %get3A_1237 = arith.constant 32 : index
        %get3A_1238 = tpu.vector_load %arg13[%get3A_1236, %get3A_1237] {strides = array<i32>} : memref<32x128xf32, #tpu.memory_space<vmem>>, vector<16xf32>,
        %get3A_1239 = arith.index_cast %squeeze3A_1189 : i32 to index
        %get3A_1240 = arith.constant 48 : index
        %get3A_1241 = tpu.vector_load %arg13[%get3A_1239, %get3A_1240] {strides = array<i32>} : memref<32x128xf32, #tpu.memory_space<vmem>>, vector<16xf32>,
        %get3A_1242 = arith.index_cast %squeeze3A_1189 : i32 to index
        %get3A_1243 = arith.constant 64 : index
        %get3A_1244 = tpu.vector_load %arg13[%get3A_1242, %get3A_1243] {strides = array<i32>} : memref<32x128xf32, #tpu.memory_space<vmem>>, vector<16xf32>,
        %get3A_1245 = arith.index_cast %squeeze3A_1189 : i32 to index
        %get3A_1246 = arith.constant 80 : index
        %get3A_1247 = tpu.vector_load %arg13[%get3A_1245, %get3A_1246] {strides = array<i32>} : memref<32x128xf32, #tpu.memory_space<vmem>>, vector<16xf32>,
        %get3A_1248 = arith.index_cast %squeeze3A_1189 : i32 to index
        %get3A_1249 = arith.constant 96 : index
        %get3A_1250 = tpu.vector_load %arg13[%get3A_1248, %get3A_1249] {strides = array<i32>} : memref<32x128xf32, #tpu.memory_space<vmem>>, vector<16xf32>,
        %get3A_1251 = arith.index_cast %squeeze3A_1189 : i32 to index
        %get3A_1252 = arith.constant 112 : index
        %get3A_1253 = tpu.vector_load %arg13[%get3A_1251, %get3A_1252] {strides = array<i32>} : memref<32x128xf32, #tpu.memory_space<vmem>>, vector<16xf32>,
        %mul3A_1254 = arith.mulf %get3A_1194, %get3A_1232 : vector<16xf32>
        %add3A_1255 = arith.constant 8 : i32
        %add3A_1256 = arith.addi %add3A_269, %add3A_1255 : i32
        %swap3A_1257 = arith.index_cast %add3A_1256 : i32 to index
        %swap3A_1258 = arith.constant 0 : index
        %swap3A_1259 = tpu.vector_load %arg12[%swap3A_1257, %swap3A_1258] {strides = array<i32>} : memref<128x128xf32, #tpu.memory_space<vmem>>, vector<16xf32>,
        tpu.vector_store %arg12[%swap3A_1257, %swap3A_1258], %mul3A_1254 {strides = array<i32>} : memref<128x128xf32, #tpu.memory_space<vmem>>, vector<16xf32>,
        %mul3A_1260 = arith.mulf %get3A_1199, %get3A_1235 : vector<16xf32>
        %add3A_1261 = arith.constant 8 : i32
        %add3A_1262 = arith.addi %add3A_269, %add3A_1261 : i32
        %swap3A_1263 = arith.index_cast %add3A_1262 : i32 to index
        %swap3A_1264 = arith.constant 16 : index
        %swap3A_1265 = tpu.vector_load %arg12[%swap3A_1263, %swap3A_1264] {strides = array<i32>} : memref<128x128xf32, #tpu.memory_space<vmem>>, vector<16xf32>,
        tpu.vector_store %arg12[%swap3A_1263, %swap3A_1264], %mul3A_1260 {strides = array<i32>} : memref<128x128xf32, #tpu.memory_space<vmem>>, vector<16xf32>,
        %mul3A_1266 = arith.mulf %get3A_1204, %get3A_1238 : vector<16xf32>
        %add3A_1267 = arith.constant 8 : i32
        %add3A_1268 = arith.addi %add3A_269, %add3A_1267 : i32
        %swap3A_1269 = arith.index_cast %add3A_1268 : i32 to index
        %swap3A_1270 = arith.constant 32 : index
        %swap3A_1271 = tpu.vector_load %arg12[%swap3A_1269, %swap3A_1270] {strides = array<i32>} : memref<128x128xf32, #tpu.memory_space<vmem>>, vector<16xf32>,
        tpu.vector_store %arg12[%swap3A_1269, %swap3A_1270], %mul3A_1266 {strides = array<i32>} : memref<128x128xf32, #tpu.memory_space<vmem>>, vector<16xf32>,
        %mul3A_1272 = arith.mulf %get3A_1209, %get3A_1241 : vector<16xf32>
        %add3A_1273 = arith.constant 8 : i32
        %add3A_1274 = arith.addi %add3A_269, %add3A_1273 : i32
        %swap3A_1275 = arith.index_cast %add3A_1274 : i32 to index
        %swap3A_1276 = arith.constant 48 : index
        %swap3A_1277 = tpu.vector_load %arg12[%swap3A_1275, %swap3A_1276] {strides = array<i32>} : memref<128x128xf32, #tpu.memory_space<vmem>>, vector<16xf32>,
        tpu.vector_store %arg12[%swap3A_1275, %swap3A_1276], %mul3A_1272 {strides = array<i32>} : memref<128x128xf32, #tpu.memory_space<vmem>>, vector<16xf32>,
        %mul3A_1278 = arith.mulf %get3A_1214, %get3A_1244 : vector<16xf32>
        %add3A_1279 = arith.constant 8 : i32
        %add3A_1280 = arith.addi %add3A_269, %add3A_1279 : i32
        %swap3A_1281 = arith.index_cast %add3A_1280 : i32 to index
        %swap3A_1282 = arith.constant 64 : index
        %swap3A_1283 = tpu.vector_load %arg12[%swap3A_1281, %swap3A_1282] {strides = array<i32>} : memref<128x128xf32, #tpu.memory_space<vmem>>, vector<16xf32>,
        tpu.vector_store %arg12[%swap3A_1281, %swap3A_1282], %mul3A_1278 {strides = array<i32>} : memref<128x128xf32, #tpu.memory_space<vmem>>, vector<16xf32>,
        %mul3A_1284 = arith.mulf %get3A_1219, %get3A_1247 : vector<16xf32>
        %add3A_1285 = arith.constant 8 : i32
        %add3A_1286 = arith.addi %add3A_269, %add3A_1285 : i32
        %swap3A_1287 = arith.index_cast %add3A_1286 : i32 to index
        %swap3A_1288 = arith.constant 80 : index
        %swap3A_1289 = tpu.vector_load %arg12[%swap3A_1287, %swap3A_1288] {strides = array<i32>} : memref<128x128xf32, #tpu.memory_space<vmem>>, vector<16xf32>,
        tpu.vector_store %arg12[%swap3A_1287, %swap3A_1288], %mul3A_1284 {strides = array<i32>} : memref<128x128xf32, #tpu.memory_space<vmem>>, vector<16xf32>,
        %mul3A_1290 = arith.mulf %get3A_1224, %get3A_1250 : vector<16xf32>
        %add3A_1291 = arith.constant 8 : i32
        %add3A_1292 = arith.addi %add3A_269, %add3A_1291 : i32
        %swap3A_1293 = arith.index_cast %add3A_1292 : i32 to index
        %swap3A_1294 = arith.constant 96 : index
        %swap3A_1295 = tpu.vector_load %arg12[%swap3A_1293, %swap3A_1294] {strides = array<i32>} : memref<128x128xf32, #tpu.memory_space<vmem>>, vector<16xf32>,
        tpu.vector_store %arg12[%swap3A_1293, %swap3A_1294], %mul3A_1290 {strides = array<i32>} : memref<128x128xf32, #tpu.memory_space<vmem>>, vector<16xf32>,
        %mul3A_1296 = arith.mulf %get3A_1229, %get3A_1253 : vector<16xf32>
        %add3A_1297 = arith.constant 8 : i32
        %add3A_1298 = arith.addi %add3A_269, %add3A_1297 : i32
        %swap3A_1299 = arith.index_cast %add3A_1298 : i32 to index
        %swap3A_1300 = arith.constant 112 : index
        %swap3A_1301 = tpu.vector_load %arg12[%swap3A_1299, %swap3A_1300] {strides = array<i32>} : memref<128x128xf32, #tpu.memory_space<vmem>>, vector<16xf32>,
        tpu.vector_store %arg12[%swap3A_1299, %swap3A_1300], %mul3A_1296 {strides = array<i32>} : memref<128x128xf32, #tpu.memory_space<vmem>>, vector<16xf32>,
        %slice3A_1302 = vector.extract_strided_slice %get3A_273 {offsets = [9], sizes = [1], strides = [1]} : vector<16xi32> to vector<1xi32>
        %squeeze3A_1303 = vector.extract %slice3A_1302[0] : i32 from vector<1xi32>
        %add3A_1304 = arith.constant 9 : i32
        %add3A_1305 = arith.addi %add3A_269, %add3A_1304 : i32
        %get3A_1306 = arith.index_cast %add3A_1305 : i32 to index
        %get3A_1307 = arith.constant 0 : index
        %get3A_1308 = tpu.vector_load %arg12[%get3A_1306, %get3A_1307] {strides = array<i32>} : memref<128x128xf32, #tpu.memory_space<vmem>>, vector<16xf32>,
        %add3A_1309 = arith.constant 9 : i32
        %add3A_1310 = arith.addi %add3A_269, %add3A_1309 : i32
        %get3A_1311 = arith.index_cast %add3A_1310 : i32 to index
        %get3A_1312 = arith.constant 16 : index
        %get3A_1313 = tpu.vector_load %arg12[%get3A_1311, %get3A_1312] {strides = array<i32>} : memref<128x128xf32, #tpu.memory_space<vmem>>, vector<16xf32>,
        %add3A_1314 = arith.constant 9 : i32
        %add3A_1315 = arith.addi %add3A_269, %add3A_1314 : i32
        %get3A_1316 = arith.index_cast %add3A_1315 : i32 to index
        %get3A_1317 = arith.constant 32 : index
        %get3A_1318 = tpu.vector_load %arg12[%get3A_1316, %get3A_1317] {strides = array<i32>} : memref<128x128xf32, #tpu.memory_space<vmem>>, vector<16xf32>,
        %add3A_1319 = arith.constant 9 : i32
        %add3A_1320 = arith.addi %add3A_269, %add3A_1319 : i32
        %get3A_1321 = arith.index_cast %add3A_1320 : i32 to index
        %get3A_1322 = arith.constant 48 : index
        %get3A_1323 = tpu.vector_load %arg12[%get3A_1321, %get3A_1322] {strides = array<i32>} : memref<128x128xf32, #tpu.memory_space<vmem>>, vector<16xf32>,
        %add3A_1324 = arith.constant 9 : i32
        %add3A_1325 = arith.addi %add3A_269, %add3A_1324 : i32
        %get3A_1326 = arith.index_cast %add3A_1325 : i32 to index
        %get3A_1327 = arith.constant 64 : index
        %get3A_1328 = tpu.vector_load %arg12[%get3A_1326, %get3A_1327] {strides = array<i32>} : memref<128x128xf32, #tpu.memory_space<vmem>>, vector<16xf32>,
        %add3A_1329 = arith.constant 9 : i32
        %add3A_1330 = arith.addi %add3A_269, %add3A_1329 : i32
        %get3A_1331 = arith.index_cast %add3A_1330 : i32 to index
        %get3A_1332 = arith.constant 80 : index
        %get3A_1333 = tpu.vector_load %arg12[%get3A_1331, %get3A_1332] {strides = array<i32>} : memref<128x128xf32, #tpu.memory_space<vmem>>, vector<16xf32>,
        %add3A_1334 = arith.constant 9 : i32
        %add3A_1335 = arith.addi %add3A_269, %add3A_1334 : i32
        %get3A_1336 = arith.index_cast %add3A_1335 : i32 to index
        %get3A_1337 = arith.constant 96 : index
        %get3A_1338 = tpu.vector_load %arg12[%get3A_1336, %get3A_1337] {strides = array<i32>} : memref<128x128xf32, #tpu.memory_space<vmem>>, vector<16xf32>,
        %add3A_1339 = arith.constant 9 : i32
        %add3A_1340 = arith.addi %add3A_269, %add3A_1339 : i32
        %get3A_1341 = arith.index_cast %add3A_1340 : i32 to index
        %get3A_1342 = arith.constant 112 : index
        %get3A_1343 = tpu.vector_load %arg12[%get3A_1341, %get3A_1342] {strides = array<i32>} : memref<128x128xf32, #tpu.memory_space<vmem>>, vector<16xf32>,
        %get3A_1344 = arith.index_cast %squeeze3A_1303 : i32 to index
        %get3A_1345 = arith.constant 0 : index
        %get3A_1346 = tpu.vector_load %arg13[%get3A_1344, %get3A_1345] {strides = array<i32>} : memref<32x128xf32, #tpu.memory_space<vmem>>, vector<16xf32>,
        %get3A_1347 = arith.index_cast %squeeze3A_1303 : i32 to index
        %get3A_1348 = arith.constant 16 : index
        %get3A_1349 = tpu.vector_load %arg13[%get3A_1347, %get3A_1348] {strides = array<i32>} : memref<32x128xf32, #tpu.memory_space<vmem>>, vector<16xf32>,
        %get3A_1350 = arith.index_cast %squeeze3A_1303 : i32 to index
        %get3A_1351 = arith.constant 32 : index
        %get3A_1352 = tpu.vector_load %arg13[%get3A_1350, %get3A_1351] {strides = array<i32>} : memref<32x128xf32, #tpu.memory_space<vmem>>, vector<16xf32>,
        %get3A_1353 = arith.index_cast %squeeze3A_1303 : i32 to index
        %get3A_1354 = arith.constant 48 : index
        %get3A_1355 = tpu.vector_load %arg13[%get3A_1353, %get3A_1354] {strides = array<i32>} : memref<32x128xf32, #tpu.memory_space<vmem>>, vector<16xf32>,
        %get3A_1356 = arith.index_cast %squeeze3A_1303 : i32 to index
        %get3A_1357 = arith.constant 64 : index
        %get3A_1358 = tpu.vector_load %arg13[%get3A_1356, %get3A_1357] {strides = array<i32>} : memref<32x128xf32, #tpu.memory_space<vmem>>, vector<16xf32>,
        %get3A_1359 = arith.index_cast %squeeze3A_1303 : i32 to index
        %get3A_1360 = arith.constant 80 : index
        %get3A_1361 = tpu.vector_load %arg13[%get3A_1359, %get3A_1360] {strides = array<i32>} : memref<32x128xf32, #tpu.memory_space<vmem>>, vector<16xf32>,
        %get3A_1362 = arith.index_cast %squeeze3A_1303 : i32 to index
        %get3A_1363 = arith.constant 96 : index
        %get3A_1364 = tpu.vector_load %arg13[%get3A_1362, %get3A_1363] {strides = array<i32>} : memref<32x128xf32, #tpu.memory_space<vmem>>, vector<16xf32>,
        %get3A_1365 = arith.index_cast %squeeze3A_1303 : i32 to index
        %get3A_1366 = arith.constant 112 : index
        %get3A_1367 = tpu.vector_load %arg13[%get3A_1365, %get3A_1366] {strides = array<i32>} : memref<32x128xf32, #tpu.memory_space<vmem>>, vector<16xf32>,
        %mul3A_1368 = arith.mulf %get3A_1308, %get3A_1346 : vector<16xf32>
        %add3A_1369 = arith.constant 9 : i32
        %add3A_1370 = arith.addi %add3A_269, %add3A_1369 : i32
        %swap3A_1371 = arith.index_cast %add3A_1370 : i32 to index
        %swap3A_1372 = arith.constant 0 : index
        %swap3A_1373 = tpu.vector_load %arg12[%swap3A_1371, %swap3A_1372] {strides = array<i32>} : memref<128x128xf32, #tpu.memory_space<vmem>>, vector<16xf32>,
        tpu.vector_store %arg12[%swap3A_1371, %swap3A_1372], %mul3A_1368 {strides = array<i32>} : memref<128x128xf32, #tpu.memory_space<vmem>>, vector<16xf32>,
        %mul3A_1374 = arith.mulf %get3A_1313, %get3A_1349 : vector<16xf32>
        %add3A_1375 = arith.constant 9 : i32
        %add3A_1376 = arith.addi %add3A_269, %add3A_1375 : i32
        %swap3A_1377 = arith.index_cast %add3A_1376 : i32 to index
        %swap3A_1378 = arith.constant 16 : index
        %swap3A_1379 = tpu.vector_load %arg12[%swap3A_1377, %swap3A_1378] {strides = array<i32>} : memref<128x128xf32, #tpu.memory_space<vmem>>, vector<16xf32>,
        tpu.vector_store %arg12[%swap3A_1377, %swap3A_1378], %mul3A_1374 {strides = array<i32>} : memref<128x128xf32, #tpu.memory_space<vmem>>, vector<16xf32>,
        %mul3A_1380 = arith.mulf %get3A_1318, %get3A_1352 : vector<16xf32>
        %add3A_1381 = arith.constant 9 : i32
        %add3A_1382 = arith.addi %add3A_269, %add3A_1381 : i32
        %swap3A_1383 = arith.index_cast %add3A_1382 : i32 to index
        %swap3A_1384 = arith.constant 32 : index
        %swap3A_1385 = tpu.vector_load %arg12[%swap3A_1383, %swap3A_1384] {strides = array<i32>} : memref<128x128xf32, #tpu.memory_space<vmem>>, vector<16xf32>,
        tpu.vector_store %arg12[%swap3A_1383, %swap3A_1384], %mul3A_1380 {strides = array<i32>} : memref<128x128xf32, #tpu.memory_space<vmem>>, vector<16xf32>,
        %mul3A_1386 = arith.mulf %get3A_1323, %get3A_1355 : vector<16xf32>
        %add3A_1387 = arith.constant 9 : i32
        %add3A_1388 = arith.addi %add3A_269, %add3A_1387 : i32
        %swap3A_1389 = arith.index_cast %add3A_1388 : i32 to index
        %swap3A_1390 = arith.constant 48 : index
        %swap3A_1391 = tpu.vector_load %arg12[%swap3A_1389, %swap3A_1390] {strides = array<i32>} : memref<128x128xf32, #tpu.memory_space<vmem>>, vector<16xf32>,
        tpu.vector_store %arg12[%swap3A_1389, %swap3A_1390], %mul3A_1386 {strides = array<i32>} : memref<128x128xf32, #tpu.memory_space<vmem>>, vector<16xf32>,
        %mul3A_1392 = arith.mulf %get3A_1328, %get3A_1358 : vector<16xf32>
        %add3A_1393 = arith.constant 9 : i32
        %add3A_1394 = arith.addi %add3A_269, %add3A_1393 : i32
        %swap3A_1395 = arith.index_cast %add3A_1394 : i32 to index
        %swap3A_1396 = arith.constant 64 : index
        %swap3A_1397 = tpu.vector_load %arg12[%swap3A_1395, %swap3A_1396] {strides = array<i32>} : memref<128x128xf32, #tpu.memory_space<vmem>>, vector<16xf32>,
        tpu.vector_store %arg12[%swap3A_1395, %swap3A_1396], %mul3A_1392 {strides = array<i32>} : memref<128x128xf32, #tpu.memory_space<vmem>>, vector<16xf32>,
        %mul3A_1398 = arith.mulf %get3A_1333, %get3A_1361 : vector<16xf32>
        %add3A_1399 = arith.constant 9 : i32
        %add3A_1400 = arith.addi %add3A_269, %add3A_1399 : i32
        %swap3A_1401 = arith.index_cast %add3A_1400 : i32 to index
        %swap3A_1402 = arith.constant 80 : index
        %swap3A_1403 = tpu.vector_load %arg12[%swap3A_1401, %swap3A_1402] {strides = array<i32>} : memref<128x128xf32, #tpu.memory_space<vmem>>, vector<16xf32>,
        tpu.vector_store %arg12[%swap3A_1401, %swap3A_1402], %mul3A_1398 {strides = array<i32>} : memref<128x128xf32, #tpu.memory_space<vmem>>, vector<16xf32>,
        %mul3A_1404 = arith.mulf %get3A_1338, %get3A_1364 : vector<16xf32>
        %add3A_1405 = arith.constant 9 : i32
        %add3A_1406 = arith.addi %add3A_269, %add3A_1405 : i32
        %swap3A_1407 = arith.index_cast %add3A_1406 : i32 to index
        %swap3A_1408 = arith.constant 96 : index
        %swap3A_1409 = tpu.vector_load %arg12[%swap3A_1407, %swap3A_1408] {strides = array<i32>} : memref<128x128xf32, #tpu.memory_space<vmem>>, vector<16xf32>,
        tpu.vector_store %arg12[%swap3A_1407, %swap3A_1408], %mul3A_1404 {strides = array<i32>} : memref<128x128xf32, #tpu.memory_space<vmem>>, vector<16xf32>,
        %mul3A_1410 = arith.mulf %get3A_1343, %get3A_1367 : vector<16xf32>
        %add3A_1411 = arith.constant 9 : i32
        %add3A_1412 = arith.addi %add3A_269, %add3A_1411 : i32
        %swap3A_1413 = arith.index_cast %add3A_1412 : i32 to index
        %swap3A_1414 = arith.constant 112 : index
        %swap3A_1415 = tpu.vector_load %arg12[%swap3A_1413, %swap3A_1414] {strides = array<i32>} : memref<128x128xf32, #tpu.memory_space<vmem>>, vector<16xf32>,
        tpu.vector_store %arg12[%swap3A_1413, %swap3A_1414], %mul3A_1410 {strides = array<i32>} : memref<128x128xf32, #tpu.memory_space<vmem>>, vector<16xf32>,
        %slice3A_1416 = vector.extract_strided_slice %get3A_273 {offsets = [10], sizes = [1], strides = [1]} : vector<16xi32> to vector<1xi32>
        %squeeze3A_1417 = vector.extract %slice3A_1416[0] : i32 from vector<1xi32>
        %add3A_1418 = arith.constant 10 : i32
        %add3A_1419 = arith.addi %add3A_269, %add3A_1418 : i32
        %get3A_1420 = arith.index_cast %add3A_1419 : i32 to index
        %get3A_1421 = arith.constant 0 : index
        %get3A_1422 = tpu.vector_load %arg12[%get3A_1420, %get3A_1421] {strides = array<i32>} : memref<128x128xf32, #tpu.memory_space<vmem>>, vector<16xf32>,
        %add3A_1423 = arith.constant 10 : i32
        %add3A_1424 = arith.addi %add3A_269, %add3A_1423 : i32
        %get3A_1425 = arith.index_cast %add3A_1424 : i32 to index
        %get3A_1426 = arith.constant 16 : index
        %get3A_1427 = tpu.vector_load %arg12[%get3A_1425, %get3A_1426] {strides = array<i32>} : memref<128x128xf32, #tpu.memory_space<vmem>>, vector<16xf32>,
        %add3A_1428 = arith.constant 10 : i32
        %add3A_1429 = arith.addi %add3A_269, %add3A_1428 : i32
        %get3A_1430 = arith.index_cast %add3A_1429 : i32 to index
        %get3A_1431 = arith.constant 32 : index
        %get3A_1432 = tpu.vector_load %arg12[%get3A_1430, %get3A_1431] {strides = array<i32>} : memref<128x128xf32, #tpu.memory_space<vmem>>, vector<16xf32>,
        %add3A_1433 = arith.constant 10 : i32
        %add3A_1434 = arith.addi %add3A_269, %add3A_1433 : i32
        %get3A_1435 = arith.index_cast %add3A_1434 : i32 to index
        %get3A_1436 = arith.constant 48 : index
        %get3A_1437 = tpu.vector_load %arg12[%get3A_1435, %get3A_1436] {strides = array<i32>} : memref<128x128xf32, #tpu.memory_space<vmem>>, vector<16xf32>,
        %add3A_1438 = arith.constant 10 : i32
        %add3A_1439 = arith.addi %add3A_269, %add3A_1438 : i32
        %get3A_1440 = arith.index_cast %add3A_1439 : i32 to index
        %get3A_1441 = arith.constant 64 : index
        %get3A_1442 = tpu.vector_load %arg12[%get3A_1440, %get3A_1441] {strides = array<i32>} : memref<128x128xf32, #tpu.memory_space<vmem>>, vector<16xf32>,
        %add3A_1443 = arith.constant 10 : i32
        %add3A_1444 = arith.addi %add3A_269, %add3A_1443 : i32
        %get3A_1445 = arith.index_cast %add3A_1444 : i32 to index
        %get3A_1446 = arith.constant 80 : index
        %get3A_1447 = tpu.vector_load %arg12[%get3A_1445, %get3A_1446] {strides = array<i32>} : memref<128x128xf32, #tpu.memory_space<vmem>>, vector<16xf32>,
        %add3A_1448 = arith.constant 10 : i32
        %add3A_1449 = arith.addi %add3A_269, %add3A_1448 : i32
        %get3A_1450 = arith.index_cast %add3A_1449 : i32 to index
        %get3A_1451 = arith.constant 96 : index
        %get3A_1452 = tpu.vector_load %arg12[%get3A_1450, %get3A_1451] {strides = array<i32>} : memref<128x128xf32, #tpu.memory_space<vmem>>, vector<16xf32>,
        %add3A_1453 = arith.constant 10 : i32
        %add3A_1454 = arith.addi %add3A_269, %add3A_1453 : i32
        %get3A_1455 = arith.index_cast %add3A_1454 : i32 to index
        %get3A_1456 = arith.constant 112 : index
        %get3A_1457 = tpu.vector_load %arg12[%get3A_1455, %get3A_1456] {strides = array<i32>} : memref<128x128xf32, #tpu.memory_space<vmem>>, vector<16xf32>,
        %get3A_1458 = arith.index_cast %squeeze3A_1417 : i32 to index
        %get3A_1459 = arith.constant 0 : index
        %get3A_1460 = tpu.vector_load %arg13[%get3A_1458, %get3A_1459] {strides = array<i32>} : memref<32x128xf32, #tpu.memory_space<vmem>>, vector<16xf32>,
        %get3A_1461 = arith.index_cast %squeeze3A_1417 : i32 to index
        %get3A_1462 = arith.constant 16 : index
        %get3A_1463 = tpu.vector_load %arg13[%get3A_1461, %get3A_1462] {strides = array<i32>} : memref<32x128xf32, #tpu.memory_space<vmem>>, vector<16xf32>,
        %get3A_1464 = arith.index_cast %squeeze3A_1417 : i32 to index
        %get3A_1465 = arith.constant 32 : index
        %get3A_1466 = tpu.vector_load %arg13[%get3A_1464, %get3A_1465] {strides = array<i32>} : memref<32x128xf32, #tpu.memory_space<vmem>>, vector<16xf32>,
        %get3A_1467 = arith.index_cast %squeeze3A_1417 : i32 to index
        %get3A_1468 = arith.constant 48 : index
        %get3A_1469 = tpu.vector_load %arg13[%get3A_1467, %get3A_1468] {strides = array<i32>} : memref<32x128xf32, #tpu.memory_space<vmem>>, vector<16xf32>,
        %get3A_1470 = arith.index_cast %squeeze3A_1417 : i32 to index
        %get3A_1471 = arith.constant 64 : index
        %get3A_1472 = tpu.vector_load %arg13[%get3A_1470, %get3A_1471] {strides = array<i32>} : memref<32x128xf32, #tpu.memory_space<vmem>>, vector<16xf32>,
        %get3A_1473 = arith.index_cast %squeeze3A_1417 : i32 to index
        %get3A_1474 = arith.constant 80 : index
        %get3A_1475 = tpu.vector_load %arg13[%get3A_1473, %get3A_1474] {strides = array<i32>} : memref<32x128xf32, #tpu.memory_space<vmem>>, vector<16xf32>,
        %get3A_1476 = arith.index_cast %squeeze3A_1417 : i32 to index
        %get3A_1477 = arith.constant 96 : index
        %get3A_1478 = tpu.vector_load %arg13[%get3A_1476, %get3A_1477] {strides = array<i32>} : memref<32x128xf32, #tpu.memory_space<vmem>>, vector<16xf32>,
        %get3A_1479 = arith.index_cast %squeeze3A_1417 : i32 to index
        %get3A_1480 = arith.constant 112 : index
        %get3A_1481 = tpu.vector_load %arg13[%get3A_1479, %get3A_1480] {strides = array<i32>} : memref<32x128xf32, #tpu.memory_space<vmem>>, vector<16xf32>,
        %mul3A_1482 = arith.mulf %get3A_1422, %get3A_1460 : vector<16xf32>
        %add3A_1483 = arith.constant 10 : i32
        %add3A_1484 = arith.addi %add3A_269, %add3A_1483 : i32
        %swap3A_1485 = arith.index_cast %add3A_1484 : i32 to index
        %swap3A_1486 = arith.constant 0 : index
        %swap3A_1487 = tpu.vector_load %arg12[%swap3A_1485, %swap3A_1486] {strides = array<i32>} : memref<128x128xf32, #tpu.memory_space<vmem>>, vector<16xf32>,
        tpu.vector_store %arg12[%swap3A_1485, %swap3A_1486], %mul3A_1482 {strides = array<i32>} : memref<128x128xf32, #tpu.memory_space<vmem>>, vector<16xf32>,
        %mul3A_1488 = arith.mulf %get3A_1427, %get3A_1463 : vector<16xf32>
        %add3A_1489 = arith.constant 10 : i32
        %add3A_1490 = arith.addi %add3A_269, %add3A_1489 : i32
        %swap3A_1491 = arith.index_cast %add3A_1490 : i32 to index
        %swap3A_1492 = arith.constant 16 : index
        %swap3A_1493 = tpu.vector_load %arg12[%swap3A_1491, %swap3A_1492] {strides = array<i32>} : memref<128x128xf32, #tpu.memory_space<vmem>>, vector<16xf32>,
        tpu.vector_store %arg12[%swap3A_1491, %swap3A_1492], %mul3A_1488 {strides = array<i32>} : memref<128x128xf32, #tpu.memory_space<vmem>>, vector<16xf32>,
        %mul3A_1494 = arith.mulf %get3A_1432, %get3A_1466 : vector<16xf32>
        %add3A_1495 = arith.constant 10 : i32
        %add3A_1496 = arith.addi %add3A_269, %add3A_1495 : i32
        %swap3A_1497 = arith.index_cast %add3A_1496 : i32 to index
        %swap3A_1498 = arith.constant 32 : index
        %swap3A_1499 = tpu.vector_load %arg12[%swap3A_1497, %swap3A_1498] {strides = array<i32>} : memref<128x128xf32, #tpu.memory_space<vmem>>, vector<16xf32>,
        tpu.vector_store %arg12[%swap3A_1497, %swap3A_1498], %mul3A_1494 {strides = array<i32>} : memref<128x128xf32, #tpu.memory_space<vmem>>, vector<16xf32>,
        %mul3A_1500 = arith.mulf %get3A_1437, %get3A_1469 : vector<16xf32>
        %add3A_1501 = arith.constant 10 : i32
        %add3A_1502 = arith.addi %add3A_269, %add3A_1501 : i32
        %swap3A_1503 = arith.index_cast %add3A_1502 : i32 to index
        %swap3A_1504 = arith.constant 48 : index
        %swap3A_1505 = tpu.vector_load %arg12[%swap3A_1503, %swap3A_1504] {strides = array<i32>} : memref<128x128xf32, #tpu.memory_space<vmem>>, vector<16xf32>,
        tpu.vector_store %arg12[%swap3A_1503, %swap3A_1504], %mul3A_1500 {strides = array<i32>} : memref<128x128xf32, #tpu.memory_space<vmem>>, vector<16xf32>,
        %mul3A_1506 = arith.mulf %get3A_1442, %get3A_1472 : vector<16xf32>
        %add3A_1507 = arith.constant 10 : i32
        %add3A_1508 = arith.addi %add3A_269, %add3A_1507 : i32
        %swap3A_1509 = arith.index_cast %add3A_1508 : i32 to index
        %swap3A_1510 = arith.constant 64 : index
        %swap3A_1511 = tpu.vector_load %arg12[%swap3A_1509, %swap3A_1510] {strides = array<i32>} : memref<128x128xf32, #tpu.memory_space<vmem>>, vector<16xf32>,
        tpu.vector_store %arg12[%swap3A_1509, %swap3A_1510], %mul3A_1506 {strides = array<i32>} : memref<128x128xf32, #tpu.memory_space<vmem>>, vector<16xf32>,
        %mul3A_1512 = arith.mulf %get3A_1447, %get3A_1475 : vector<16xf32>
        %add3A_1513 = arith.constant 10 : i32
        %add3A_1514 = arith.addi %add3A_269, %add3A_1513 : i32
        %swap3A_1515 = arith.index_cast %add3A_1514 : i32 to index
        %swap3A_1516 = arith.constant 80 : index
        %swap3A_1517 = tpu.vector_load %arg12[%swap3A_1515, %swap3A_1516] {strides = array<i32>} : memref<128x128xf32, #tpu.memory_space<vmem>>, vector<16xf32>,
        tpu.vector_store %arg12[%swap3A_1515, %swap3A_1516], %mul3A_1512 {strides = array<i32>} : memref<128x128xf32, #tpu.memory_space<vmem>>, vector<16xf32>,
        %mul3A_1518 = arith.mulf %get3A_1452, %get3A_1478 : vector<16xf32>
        %add3A_1519 = arith.constant 10 : i32
        %add3A_1520 = arith.addi %add3A_269, %add3A_1519 : i32
        %swap3A_1521 = arith.index_cast %add3A_1520 : i32 to index
        %swap3A_1522 = arith.constant 96 : index
        %swap3A_1523 = tpu.vector_load %arg12[%swap3A_1521, %swap3A_1522] {strides = array<i32>} : memref<128x128xf32, #tpu.memory_space<vmem>>, vector<16xf32>,
        tpu.vector_store %arg12[%swap3A_1521, %swap3A_1522], %mul3A_1518 {strides = array<i32>} : memref<128x128xf32, #tpu.memory_space<vmem>>, vector<16xf32>,
        %mul3A_1524 = arith.mulf %get3A_1457, %get3A_1481 : vector<16xf32>
        %add3A_1525 = arith.constant 10 : i32
        %add3A_1526 = arith.addi %add3A_269, %add3A_1525 : i32
        %swap3A_1527 = arith.index_cast %add3A_1526 : i32 to index
        %swap3A_1528 = arith.constant 112 : index
        %swap3A_1529 = tpu.vector_load %arg12[%swap3A_1527, %swap3A_1528] {strides = array<i32>} : memref<128x128xf32, #tpu.memory_space<vmem>>, vector<16xf32>,
        tpu.vector_store %arg12[%swap3A_1527, %swap3A_1528], %mul3A_1524 {strides = array<i32>} : memref<128x128xf32, #tpu.memory_space<vmem>>, vector<16xf32>,
        %slice3A_1530 = vector.extract_strided_slice %get3A_273 {offsets = [11], sizes = [1], strides = [1]} : vector<16xi32> to vector<1xi32>
        %squeeze3A_1531 = vector.extract %slice3A_1530[0] : i32 from vector<1xi32>
        %add3A_1532 = arith.constant 11 : i32
        %add3A_1533 = arith.addi %add3A_269, %add3A_1532 : i32
        %get3A_1534 = arith.index_cast %add3A_1533 : i32 to index
        %get3A_1535 = arith.constant 0 : index
        %get3A_1536 = tpu.vector_load %arg12[%get3A_1534, %get3A_1535] {strides = array<i32>} : memref<128x128xf32, #tpu.memory_space<vmem>>, vector<16xf32>,
        %add3A_1537 = arith.constant 11 : i32
        %add3A_1538 = arith.addi %add3A_269, %add3A_1537 : i32
        %get3A_1539 = arith.index_cast %add3A_1538 : i32 to index
        %get3A_1540 = arith.constant 16 : index
        %get3A_1541 = tpu.vector_load %arg12[%get3A_1539, %get3A_1540] {strides = array<i32>} : memref<128x128xf32, #tpu.memory_space<vmem>>, vector<16xf32>,
        %add3A_1542 = arith.constant 11 : i32
        %add3A_1543 = arith.addi %add3A_269, %add3A_1542 : i32
        %get3A_1544 = arith.index_cast %add3A_1543 : i32 to index
        %get3A_1545 = arith.constant 32 : index
        %get3A_1546 = tpu.vector_load %arg12[%get3A_1544, %get3A_1545] {strides = array<i32>} : memref<128x128xf32, #tpu.memory_space<vmem>>, vector<16xf32>,
        %add3A_1547 = arith.constant 11 : i32
        %add3A_1548 = arith.addi %add3A_269, %add3A_1547 : i32
        %get3A_1549 = arith.index_cast %add3A_1548 : i32 to index
        %get3A_1550 = arith.constant 48 : index
        %get3A_1551 = tpu.vector_load %arg12[%get3A_1549, %get3A_1550] {strides = array<i32>} : memref<128x128xf32, #tpu.memory_space<vmem>>, vector<16xf32>,
        %add3A_1552 = arith.constant 11 : i32
        %add3A_1553 = arith.addi %add3A_269, %add3A_1552 : i32
        %get3A_1554 = arith.index_cast %add3A_1553 : i32 to index
        %get3A_1555 = arith.constant 64 : index
        %get3A_1556 = tpu.vector_load %arg12[%get3A_1554, %get3A_1555] {strides = array<i32>} : memref<128x128xf32, #tpu.memory_space<vmem>>, vector<16xf32>,
        %add3A_1557 = arith.constant 11 : i32
        %add3A_1558 = arith.addi %add3A_269, %add3A_1557 : i32
        %get3A_1559 = arith.index_cast %add3A_1558 : i32 to index
        %get3A_1560 = arith.constant 80 : index
        %get3A_1561 = tpu.vector_load %arg12[%get3A_1559, %get3A_1560] {strides = array<i32>} : memref<128x128xf32, #tpu.memory_space<vmem>>, vector<16xf32>,
        %add3A_1562 = arith.constant 11 : i32
        %add3A_1563 = arith.addi %add3A_269, %add3A_1562 : i32
        %get3A_1564 = arith.index_cast %add3A_1563 : i32 to index
        %get3A_1565 = arith.constant 96 : index
        %get3A_1566 = tpu.vector_load %arg12[%get3A_1564, %get3A_1565] {strides = array<i32>} : memref<128x128xf32, #tpu.memory_space<vmem>>, vector<16xf32>,
        %add3A_1567 = arith.constant 11 : i32
        %add3A_1568 = arith.addi %add3A_269, %add3A_1567 : i32
        %get3A_1569 = arith.index_cast %add3A_1568 : i32 to index
        %get3A_1570 = arith.constant 112 : index
        %get3A_1571 = tpu.vector_load %arg12[%get3A_1569, %get3A_1570] {strides = array<i32>} : memref<128x128xf32, #tpu.memory_space<vmem>>, vector<16xf32>,
        %get3A_1572 = arith.index_cast %squeeze3A_1531 : i32 to index
        %get3A_1573 = arith.constant 0 : index
        %get3A_1574 = tpu.vector_load %arg13[%get3A_1572, %get3A_1573] {strides = array<i32>} : memref<32x128xf32, #tpu.memory_space<vmem>>, vector<16xf32>,
        %get3A_1575 = arith.index_cast %squeeze3A_1531 : i32 to index
        %get3A_1576 = arith.constant 16 : index
        %get3A_1577 = tpu.vector_load %arg13[%get3A_1575, %get3A_1576] {strides = array<i32>} : memref<32x128xf32, #tpu.memory_space<vmem>>, vector<16xf32>,
        %get3A_1578 = arith.index_cast %squeeze3A_1531 : i32 to index
        %get3A_1579 = arith.constant 32 : index
        %get3A_1580 = tpu.vector_load %arg13[%get3A_1578, %get3A_1579] {strides = array<i32>} : memref<32x128xf32, #tpu.memory_space<vmem>>, vector<16xf32>,
        %get3A_1581 = arith.index_cast %squeeze3A_1531 : i32 to index
        %get3A_1582 = arith.constant 48 : index
        %get3A_1583 = tpu.vector_load %arg13[%get3A_1581, %get3A_1582] {strides = array<i32>} : memref<32x128xf32, #tpu.memory_space<vmem>>, vector<16xf32>,
        %get3A_1584 = arith.index_cast %squeeze3A_1531 : i32 to index
        %get3A_1585 = arith.constant 64 : index
        %get3A_1586 = tpu.vector_load %arg13[%get3A_1584, %get3A_1585] {strides = array<i32>} : memref<32x128xf32, #tpu.memory_space<vmem>>, vector<16xf32>,
        %get3A_1587 = arith.index_cast %squeeze3A_1531 : i32 to index
        %get3A_1588 = arith.constant 80 : index
        %get3A_1589 = tpu.vector_load %arg13[%get3A_1587, %get3A_1588] {strides = array<i32>} : memref<32x128xf32, #tpu.memory_space<vmem>>, vector<16xf32>,
        %get3A_1590 = arith.index_cast %squeeze3A_1531 : i32 to index
        %get3A_1591 = arith.constant 96 : index
        %get3A_1592 = tpu.vector_load %arg13[%get3A_1590, %get3A_1591] {strides = array<i32>} : memref<32x128xf32, #tpu.memory_space<vmem>>, vector<16xf32>,
        %get3A_1593 = arith.index_cast %squeeze3A_1531 : i32 to index
        %get3A_1594 = arith.constant 112 : index
        %get3A_1595 = tpu.vector_load %arg13[%get3A_1593, %get3A_1594] {strides = array<i32>} : memref<32x128xf32, #tpu.memory_space<vmem>>, vector<16xf32>,
        %mul3A_1596 = arith.mulf %get3A_1536, %get3A_1574 : vector<16xf32>
        %add3A_1597 = arith.constant 11 : i32
        %add3A_1598 = arith.addi %add3A_269, %add3A_1597 : i32
        %swap3A_1599 = arith.index_cast %add3A_1598 : i32 to index
        %swap3A_1600 = arith.constant 0 : index
        %swap3A_1601 = tpu.vector_load %arg12[%swap3A_1599, %swap3A_1600] {strides = array<i32>} : memref<128x128xf32, #tpu.memory_space<vmem>>, vector<16xf32>,
        tpu.vector_store %arg12[%swap3A_1599, %swap3A_1600], %mul3A_1596 {strides = array<i32>} : memref<128x128xf32, #tpu.memory_space<vmem>>, vector<16xf32>,
        %mul3A_1602 = arith.mulf %get3A_1541, %get3A_1577 : vector<16xf32>
        %add3A_1603 = arith.constant 11 : i32
        %add3A_1604 = arith.addi %add3A_269, %add3A_1603 : i32
        %swap3A_1605 = arith.index_cast %add3A_1604 : i32 to index
        %swap3A_1606 = arith.constant 16 : index
        %swap3A_1607 = tpu.vector_load %arg12[%swap3A_1605, %swap3A_1606] {strides = array<i32>} : memref<128x128xf32, #tpu.memory_space<vmem>>, vector<16xf32>,
        tpu.vector_store %arg12[%swap3A_1605, %swap3A_1606], %mul3A_1602 {strides = array<i32>} : memref<128x128xf32, #tpu.memory_space<vmem>>, vector<16xf32>,
        %mul3A_1608 = arith.mulf %get3A_1546, %get3A_1580 : vector<16xf32>
        %add3A_1609 = arith.constant 11 : i32
        %add3A_1610 = arith.addi %add3A_269, %add3A_1609 : i32
        %swap3A_1611 = arith.index_cast %add3A_1610 : i32 to index
        %swap3A_1612 = arith.constant 32 : index
        %swap3A_1613 = tpu.vector_load %arg12[%swap3A_1611, %swap3A_1612] {strides = array<i32>} : memref<128x128xf32, #tpu.memory_space<vmem>>, vector<16xf32>,
        tpu.vector_store %arg12[%swap3A_1611, %swap3A_1612], %mul3A_1608 {strides = array<i32>} : memref<128x128xf32, #tpu.memory_space<vmem>>, vector<16xf32>,
        %mul3A_1614 = arith.mulf %get3A_1551, %get3A_1583 : vector<16xf32>
        %add3A_1615 = arith.constant 11 : i32
        %add3A_1616 = arith.addi %add3A_269, %add3A_1615 : i32
        %swap3A_1617 = arith.index_cast %add3A_1616 : i32 to index
        %swap3A_1618 = arith.constant 48 : index
        %swap3A_1619 = tpu.vector_load %arg12[%swap3A_1617, %swap3A_1618] {strides = array<i32>} : memref<128x128xf32, #tpu.memory_space<vmem>>, vector<16xf32>,
        tpu.vector_store %arg12[%swap3A_1617, %swap3A_1618], %mul3A_1614 {strides = array<i32>} : memref<128x128xf32, #tpu.memory_space<vmem>>, vector<16xf32>,
        %mul3A_1620 = arith.mulf %get3A_1556, %get3A_1586 : vector<16xf32>
        %add3A_1621 = arith.constant 11 : i32
        %add3A_1622 = arith.addi %add3A_269, %add3A_1621 : i32
        %swap3A_1623 = arith.index_cast %add3A_1622 : i32 to index
        %swap3A_1624 = arith.constant 64 : index
        %swap3A_1625 = tpu.vector_load %arg12[%swap3A_1623, %swap3A_1624] {strides = array<i32>} : memref<128x128xf32, #tpu.memory_space<vmem>>, vector<16xf32>,
        tpu.vector_store %arg12[%swap3A_1623, %swap3A_1624], %mul3A_1620 {strides = array<i32>} : memref<128x128xf32, #tpu.memory_space<vmem>>, vector<16xf32>,
        %mul3A_1626 = arith.mulf %get3A_1561, %get3A_1589 : vector<16xf32>
        %add3A_1627 = arith.constant 11 : i32
        %add3A_1628 = arith.addi %add3A_269, %add3A_1627 : i32
        %swap3A_1629 = arith.index_cast %add3A_1628 : i32 to index
        %swap3A_1630 = arith.constant 80 : index
        %swap3A_1631 = tpu.vector_load %arg12[%swap3A_1629, %swap3A_1630] {strides = array<i32>} : memref<128x128xf32, #tpu.memory_space<vmem>>, vector<16xf32>,
        tpu.vector_store %arg12[%swap3A_1629, %swap3A_1630], %mul3A_1626 {strides = array<i32>} : memref<128x128xf32, #tpu.memory_space<vmem>>, vector<16xf32>,
        %mul3A_1632 = arith.mulf %get3A_1566, %get3A_1592 : vector<16xf32>
        %add3A_1633 = arith.constant 11 : i32
        %add3A_1634 = arith.addi %add3A_269, %add3A_1633 : i32
        %swap3A_1635 = arith.index_cast %add3A_1634 : i32 to index
        %swap3A_1636 = arith.constant 96 : index
        %swap3A_1637 = tpu.vector_load %arg12[%swap3A_1635, %swap3A_1636] {strides = array<i32>} : memref<128x128xf32, #tpu.memory_space<vmem>>, vector<16xf32>,
        tpu.vector_store %arg12[%swap3A_1635, %swap3A_1636], %mul3A_1632 {strides = array<i32>} : memref<128x128xf32, #tpu.memory_space<vmem>>, vector<16xf32>,
        %mul3A_1638 = arith.mulf %get3A_1571, %get3A_1595 : vector<16xf32>
        %add3A_1639 = arith.constant 11 : i32
        %add3A_1640 = arith.addi %add3A_269, %add3A_1639 : i32
        %swap3A_1641 = arith.index_cast %add3A_1640 : i32 to index
        %swap3A_1642 = arith.constant 112 : index
        %swap3A_1643 = tpu.vector_load %arg12[%swap3A_1641, %swap3A_1642] {strides = array<i32>} : memref<128x128xf32, #tpu.memory_space<vmem>>, vector<16xf32>,
        tpu.vector_store %arg12[%swap3A_1641, %swap3A_1642], %mul3A_1638 {strides = array<i32>} : memref<128x128xf32, #tpu.memory_space<vmem>>, vector<16xf32>,
        %slice3A_1644 = vector.extract_strided_slice %get3A_273 {offsets = [12], sizes = [1], strides = [1]} : vector<16xi32> to vector<1xi32>
        %squeeze3A_1645 = vector.extract %slice3A_1644[0] : i32 from vector<1xi32>
        %add3A_1646 = arith.constant 12 : i32
        %add3A_1647 = arith.addi %add3A_269, %add3A_1646 : i32
        %get3A_1648 = arith.index_cast %add3A_1647 : i32 to index
        %get3A_1649 = arith.constant 0 : index
        %get3A_1650 = tpu.vector_load %arg12[%get3A_1648, %get3A_1649] {strides = array<i32>} : memref<128x128xf32, #tpu.memory_space<vmem>>, vector<16xf32>,
        %add3A_1651 = arith.constant 12 : i32
        %add3A_1652 = arith.addi %add3A_269, %add3A_1651 : i32
        %get3A_1653 = arith.index_cast %add3A_1652 : i32 to index
        %get3A_1654 = arith.constant 16 : index
        %get3A_1655 = tpu.vector_load %arg12[%get3A_1653, %get3A_1654] {strides = array<i32>} : memref<128x128xf32, #tpu.memory_space<vmem>>, vector<16xf32>,
        %add3A_1656 = arith.constant 12 : i32
        %add3A_1657 = arith.addi %add3A_269, %add3A_1656 : i32
        %get3A_1658 = arith.index_cast %add3A_1657 : i32 to index
        %get3A_1659 = arith.constant 32 : index
        %get3A_1660 = tpu.vector_load %arg12[%get3A_1658, %get3A_1659] {strides = array<i32>} : memref<128x128xf32, #tpu.memory_space<vmem>>, vector<16xf32>,
        %add3A_1661 = arith.constant 12 : i32
        %add3A_1662 = arith.addi %add3A_269, %add3A_1661 : i32
        %get3A_1663 = arith.index_cast %add3A_1662 : i32 to index
        %get3A_1664 = arith.constant 48 : index
        %get3A_1665 = tpu.vector_load %arg12[%get3A_1663, %get3A_1664] {strides = array<i32>} : memref<128x128xf32, #tpu.memory_space<vmem>>, vector<16xf32>,
        %add3A_1666 = arith.constant 12 : i32
        %add3A_1667 = arith.addi %add3A_269, %add3A_1666 : i32
        %get3A_1668 = arith.index_cast %add3A_1667 : i32 to index
        %get3A_1669 = arith.constant 64 : index
        %get3A_1670 = tpu.vector_load %arg12[%get3A_1668, %get3A_1669] {strides = array<i32>} : memref<128x128xf32, #tpu.memory_space<vmem>>, vector<16xf32>,
        %add3A_1671 = arith.constant 12 : i32
        %add3A_1672 = arith.addi %add3A_269, %add3A_1671 : i32
        %get3A_1673 = arith.index_cast %add3A_1672 : i32 to index
        %get3A_1674 = arith.constant 80 : index
        %get3A_1675 = tpu.vector_load %arg12[%get3A_1673, %get3A_1674] {strides = array<i32>} : memref<128x128xf32, #tpu.memory_space<vmem>>, vector<16xf32>,
        %add3A_1676 = arith.constant 12 : i32
        %add3A_1677 = arith.addi %add3A_269, %add3A_1676 : i32
        %get3A_1678 = arith.index_cast %add3A_1677 : i32 to index
        %get3A_1679 = arith.constant 96 : index
        %get3A_1680 = tpu.vector_load %arg12[%get3A_1678, %get3A_1679] {strides = array<i32>} : memref<128x128xf32, #tpu.memory_space<vmem>>, vector<16xf32>,
        %add3A_1681 = arith.constant 12 : i32
        %add3A_1682 = arith.addi %add3A_269, %add3A_1681 : i32
        %get3A_1683 = arith.index_cast %add3A_1682 : i32 to index
        %get3A_1684 = arith.constant 112 : index
        %get3A_1685 = tpu.vector_load %arg12[%get3A_1683, %get3A_1684] {strides = array<i32>} : memref<128x128xf32, #tpu.memory_space<vmem>>, vector<16xf32>,
        %get3A_1686 = arith.index_cast %squeeze3A_1645 : i32 to index
        %get3A_1687 = arith.constant 0 : index
        %get3A_1688 = tpu.vector_load %arg13[%get3A_1686, %get3A_1687] {strides = array<i32>} : memref<32x128xf32, #tpu.memory_space<vmem>>, vector<16xf32>,
        %get3A_1689 = arith.index_cast %squeeze3A_1645 : i32 to index
        %get3A_1690 = arith.constant 16 : index
        %get3A_1691 = tpu.vector_load %arg13[%get3A_1689, %get3A_1690] {strides = array<i32>} : memref<32x128xf32, #tpu.memory_space<vmem>>, vector<16xf32>,
        %get3A_1692 = arith.index_cast %squeeze3A_1645 : i32 to index
        %get3A_1693 = arith.constant 32 : index
        %get3A_1694 = tpu.vector_load %arg13[%get3A_1692, %get3A_1693] {strides = array<i32>} : memref<32x128xf32, #tpu.memory_space<vmem>>, vector<16xf32>,
        %get3A_1695 = arith.index_cast %squeeze3A_1645 : i32 to index
        %get3A_1696 = arith.constant 48 : index
        %get3A_1697 = tpu.vector_load %arg13[%get3A_1695, %get3A_1696] {strides = array<i32>} : memref<32x128xf32, #tpu.memory_space<vmem>>, vector<16xf32>,
        %get3A_1698 = arith.index_cast %squeeze3A_1645 : i32 to index
        %get3A_1699 = arith.constant 64 : index
        %get3A_1700 = tpu.vector_load %arg13[%get3A_1698, %get3A_1699] {strides = array<i32>} : memref<32x128xf32, #tpu.memory_space<vmem>>, vector<16xf32>,
        %get3A_1701 = arith.index_cast %squeeze3A_1645 : i32 to index
        %get3A_1702 = arith.constant 80 : index
        %get3A_1703 = tpu.vector_load %arg13[%get3A_1701, %get3A_1702] {strides = array<i32>} : memref<32x128xf32, #tpu.memory_space<vmem>>, vector<16xf32>,
        %get3A_1704 = arith.index_cast %squeeze3A_1645 : i32 to index
        %get3A_1705 = arith.constant 96 : index
        %get3A_1706 = tpu.vector_load %arg13[%get3A_1704, %get3A_1705] {strides = array<i32>} : memref<32x128xf32, #tpu.memory_space<vmem>>, vector<16xf32>,
        %get3A_1707 = arith.index_cast %squeeze3A_1645 : i32 to index
        %get3A_1708 = arith.constant 112 : index
        %get3A_1709 = tpu.vector_load %arg13[%get3A_1707, %get3A_1708] {strides = array<i32>} : memref<32x128xf32, #tpu.memory_space<vmem>>, vector<16xf32>,
        %mul3A_1710 = arith.mulf %get3A_1650, %get3A_1688 : vector<16xf32>
        %add3A_1711 = arith.constant 12 : i32
        %add3A_1712 = arith.addi %add3A_269, %add3A_1711 : i32
        %swap3A_1713 = arith.index_cast %add3A_1712 : i32 to index
        %swap3A_1714 = arith.constant 0 : index
        %swap3A_1715 = tpu.vector_load %arg12[%swap3A_1713, %swap3A_1714] {strides = array<i32>} : memref<128x128xf32, #tpu.memory_space<vmem>>, vector<16xf32>,
        tpu.vector_store %arg12[%swap3A_1713, %swap3A_1714], %mul3A_1710 {strides = array<i32>} : memref<128x128xf32, #tpu.memory_space<vmem>>, vector<16xf32>,
        %mul3A_1716 = arith.mulf %get3A_1655, %get3A_1691 : vector<16xf32>
        %add3A_1717 = arith.constant 12 : i32
        %add3A_1718 = arith.addi %add3A_269, %add3A_1717 : i32
        %swap3A_1719 = arith.index_cast %add3A_1718 : i32 to index
        %swap3A_1720 = arith.constant 16 : index
        %swap3A_1721 = tpu.vector_load %arg12[%swap3A_1719, %swap3A_1720] {strides = array<i32>} : memref<128x128xf32, #tpu.memory_space<vmem>>, vector<16xf32>,
        tpu.vector_store %arg12[%swap3A_1719, %swap3A_1720], %mul3A_1716 {strides = array<i32>} : memref<128x128xf32, #tpu.memory_space<vmem>>, vector<16xf32>,
        %mul3A_1722 = arith.mulf %get3A_1660, %get3A_1694 : vector<16xf32>
        %add3A_1723 = arith.constant 12 : i32
        %add3A_1724 = arith.addi %add3A_269, %add3A_1723 : i32
        %swap3A_1725 = arith.index_cast %add3A_1724 : i32 to index
        %swap3A_1726 = arith.constant 32 : index
        %swap3A_1727 = tpu.vector_load %arg12[%swap3A_1725, %swap3A_1726] {strides = array<i32>} : memref<128x128xf32, #tpu.memory_space<vmem>>, vector<16xf32>,
        tpu.vector_store %arg12[%swap3A_1725, %swap3A_1726], %mul3A_1722 {strides = array<i32>} : memref<128x128xf32, #tpu.memory_space<vmem>>, vector<16xf32>,
        %mul3A_1728 = arith.mulf %get3A_1665, %get3A_1697 : vector<16xf32>
        %add3A_1729 = arith.constant 12 : i32
        %add3A_1730 = arith.addi %add3A_269, %add3A_1729 : i32
        %swap3A_1731 = arith.index_cast %add3A_1730 : i32 to index
        %swap3A_1732 = arith.constant 48 : index
        %swap3A_1733 = tpu.vector_load %arg12[%swap3A_1731, %swap3A_1732] {strides = array<i32>} : memref<128x128xf32, #tpu.memory_space<vmem>>, vector<16xf32>,
        tpu.vector_store %arg12[%swap3A_1731, %swap3A_1732], %mul3A_1728 {strides = array<i32>} : memref<128x128xf32, #tpu.memory_space<vmem>>, vector<16xf32>,
        %mul3A_1734 = arith.mulf %get3A_1670, %get3A_1700 : vector<16xf32>
        %add3A_1735 = arith.constant 12 : i32
        %add3A_1736 = arith.addi %add3A_269, %add3A_1735 : i32
        %swap3A_1737 = arith.index_cast %add3A_1736 : i32 to index
        %swap3A_1738 = arith.constant 64 : index
        %swap3A_1739 = tpu.vector_load %arg12[%swap3A_1737, %swap3A_1738] {strides = array<i32>} : memref<128x128xf32, #tpu.memory_space<vmem>>, vector<16xf32>,
        tpu.vector_store %arg12[%swap3A_1737, %swap3A_1738], %mul3A_1734 {strides = array<i32>} : memref<128x128xf32, #tpu.memory_space<vmem>>, vector<16xf32>,
        %mul3A_1740 = arith.mulf %get3A_1675, %get3A_1703 : vector<16xf32>
        %add3A_1741 = arith.constant 12 : i32
        %add3A_1742 = arith.addi %add3A_269, %add3A_1741 : i32
        %swap3A_1743 = arith.index_cast %add3A_1742 : i32 to index
        %swap3A_1744 = arith.constant 80 : index
        %swap3A_1745 = tpu.vector_load %arg12[%swap3A_1743, %swap3A_1744] {strides = array<i32>} : memref<128x128xf32, #tpu.memory_space<vmem>>, vector<16xf32>,
        tpu.vector_store %arg12[%swap3A_1743, %swap3A_1744], %mul3A_1740 {strides = array<i32>} : memref<128x128xf32, #tpu.memory_space<vmem>>, vector<16xf32>,
        %mul3A_1746 = arith.mulf %get3A_1680, %get3A_1706 : vector<16xf32>
        %add3A_1747 = arith.constant 12 : i32
        %add3A_1748 = arith.addi %add3A_269, %add3A_1747 : i32
        %swap3A_1749 = arith.index_cast %add3A_1748 : i32 to index
        %swap3A_1750 = arith.constant 96 : index
        %swap3A_1751 = tpu.vector_load %arg12[%swap3A_1749, %swap3A_1750] {strides = array<i32>} : memref<128x128xf32, #tpu.memory_space<vmem>>, vector<16xf32>,
        tpu.vector_store %arg12[%swap3A_1749, %swap3A_1750], %mul3A_1746 {strides = array<i32>} : memref<128x128xf32, #tpu.memory_space<vmem>>, vector<16xf32>,
        %mul3A_1752 = arith.mulf %get3A_1685, %get3A_1709 : vector<16xf32>
        %add3A_1753 = arith.constant 12 : i32
        %add3A_1754 = arith.addi %add3A_269, %add3A_1753 : i32
        %swap3A_1755 = arith.index_cast %add3A_1754 : i32 to index
        %swap3A_1756 = arith.constant 112 : index
        %swap3A_1757 = tpu.vector_load %arg12[%swap3A_1755, %swap3A_1756] {strides = array<i32>} : memref<128x128xf32, #tpu.memory_space<vmem>>, vector<16xf32>,
        tpu.vector_store %arg12[%swap3A_1755, %swap3A_1756], %mul3A_1752 {strides = array<i32>} : memref<128x128xf32, #tpu.memory_space<vmem>>, vector<16xf32>,
        %slice3A_1758 = vector.extract_strided_slice %get3A_273 {offsets = [13], sizes = [1], strides = [1]} : vector<16xi32> to vector<1xi32>
        %squeeze3A_1759 = vector.extract %slice3A_1758[0] : i32 from vector<1xi32>
        %add3A_1760 = arith.constant 13 : i32
        %add3A_1761 = arith.addi %add3A_269, %add3A_1760 : i32
        %get3A_1762 = arith.index_cast %add3A_1761 : i32 to index
        %get3A_1763 = arith.constant 0 : index
        %get3A_1764 = tpu.vector_load %arg12[%get3A_1762, %get3A_1763] {strides = array<i32>} : memref<128x128xf32, #tpu.memory_space<vmem>>, vector<16xf32>,
        %add3A_1765 = arith.constant 13 : i32
        %add3A_1766 = arith.addi %add3A_269, %add3A_1765 : i32
        %get3A_1767 = arith.index_cast %add3A_1766 : i32 to index
        %get3A_1768 = arith.constant 16 : index
        %get3A_1769 = tpu.vector_load %arg12[%get3A_1767, %get3A_1768] {strides = array<i32>} : memref<128x128xf32, #tpu.memory_space<vmem>>, vector<16xf32>,
        %add3A_1770 = arith.constant 13 : i32
        %add3A_1771 = arith.addi %add3A_269, %add3A_1770 : i32
        %get3A_1772 = arith.index_cast %add3A_1771 : i32 to index
        %get3A_1773 = arith.constant 32 : index
        %get3A_1774 = tpu.vector_load %arg12[%get3A_1772, %get3A_1773] {strides = array<i32>} : memref<128x128xf32, #tpu.memory_space<vmem>>, vector<16xf32>,
        %add3A_1775 = arith.constant 13 : i32
        %add3A_1776 = arith.addi %add3A_269, %add3A_1775 : i32
        %get3A_1777 = arith.index_cast %add3A_1776 : i32 to index
        %get3A_1778 = arith.constant 48 : index
        %get3A_1779 = tpu.vector_load %arg12[%get3A_1777, %get3A_1778] {strides = array<i32>} : memref<128x128xf32, #tpu.memory_space<vmem>>, vector<16xf32>,
        %add3A_1780 = arith.constant 13 : i32
        %add3A_1781 = arith.addi %add3A_269, %add3A_1780 : i32
        %get3A_1782 = arith.index_cast %add3A_1781 : i32 to index
        %get3A_1783 = arith.constant 64 : index
        %get3A_1784 = tpu.vector_load %arg12[%get3A_1782, %get3A_1783] {strides = array<i32>} : memref<128x128xf32, #tpu.memory_space<vmem>>, vector<16xf32>,
        %add3A_1785 = arith.constant 13 : i32
        %add3A_1786 = arith.addi %add3A_269, %add3A_1785 : i32
        %get3A_1787 = arith.index_cast %add3A_1786 : i32 to index
        %get3A_1788 = arith.constant 80 : index
        %get3A_1789 = tpu.vector_load %arg12[%get3A_1787, %get3A_1788] {strides = array<i32>} : memref<128x128xf32, #tpu.memory_space<vmem>>, vector<16xf32>,
        %add3A_1790 = arith.constant 13 : i32
        %add3A_1791 = arith.addi %add3A_269, %add3A_1790 : i32
        %get3A_1792 = arith.index_cast %add3A_1791 : i32 to index
        %get3A_1793 = arith.constant 96 : index
        %get3A_1794 = tpu.vector_load %arg12[%get3A_1792, %get3A_1793] {strides = array<i32>} : memref<128x128xf32, #tpu.memory_space<vmem>>, vector<16xf32>,
        %add3A_1795 = arith.constant 13 : i32
        %add3A_1796 = arith.addi %add3A_269, %add3A_1795 : i32
        %get3A_1797 = arith.index_cast %add3A_1796 : i32 to index
        %get3A_1798 = arith.constant 112 : index
        %get3A_1799 = tpu.vector_load %arg12[%get3A_1797, %get3A_1798] {strides = array<i32>} : memref<128x128xf32, #tpu.memory_space<vmem>>, vector<16xf32>,
        %get3A_1800 = arith.index_cast %squeeze3A_1759 : i32 to index
        %get3A_1801 = arith.constant 0 : index
        %get3A_1802 = tpu.vector_load %arg13[%get3A_1800, %get3A_1801] {strides = array<i32>} : memref<32x128xf32, #tpu.memory_space<vmem>>, vector<16xf32>,
        %get3A_1803 = arith.index_cast %squeeze3A_1759 : i32 to index
        %get3A_1804 = arith.constant 16 : index
        %get3A_1805 = tpu.vector_load %arg13[%get3A_1803, %get3A_1804] {strides = array<i32>} : memref<32x128xf32, #tpu.memory_space<vmem>>, vector<16xf32>,
        %get3A_1806 = arith.index_cast %squeeze3A_1759 : i32 to index
        %get3A_1807 = arith.constant 32 : index
        %get3A_1808 = tpu.vector_load %arg13[%get3A_1806, %get3A_1807] {strides = array<i32>} : memref<32x128xf32, #tpu.memory_space<vmem>>, vector<16xf32>,
        %get3A_1809 = arith.index_cast %squeeze3A_1759 : i32 to index
        %get3A_1810 = arith.constant 48 : index
        %get3A_1811 = tpu.vector_load %arg13[%get3A_1809, %get3A_1810] {strides = array<i32>} : memref<32x128xf32, #tpu.memory_space<vmem>>, vector<16xf32>,
        %get3A_1812 = arith.index_cast %squeeze3A_1759 : i32 to index
        %get3A_1813 = arith.constant 64 : index
        %get3A_1814 = tpu.vector_load %arg13[%get3A_1812, %get3A_1813] {strides = array<i32>} : memref<32x128xf32, #tpu.memory_space<vmem>>, vector<16xf32>,
        %get3A_1815 = arith.index_cast %squeeze3A_1759 : i32 to index
        %get3A_1816 = arith.constant 80 : index
        %get3A_1817 = tpu.vector_load %arg13[%get3A_1815, %get3A_1816] {strides = array<i32>} : memref<32x128xf32, #tpu.memory_space<vmem>>, vector<16xf32>,
        %get3A_1818 = arith.index_cast %squeeze3A_1759 : i32 to index
        %get3A_1819 = arith.constant 96 : index
        %get3A_1820 = tpu.vector_load %arg13[%get3A_1818, %get3A_1819] {strides = array<i32>} : memref<32x128xf32, #tpu.memory_space<vmem>>, vector<16xf32>,
        %get3A_1821 = arith.index_cast %squeeze3A_1759 : i32 to index
        %get3A_1822 = arith.constant 112 : index
        %get3A_1823 = tpu.vector_load %arg13[%get3A_1821, %get3A_1822] {strides = array<i32>} : memref<32x128xf32, #tpu.memory_space<vmem>>, vector<16xf32>,
        %mul3A_1824 = arith.mulf %get3A_1764, %get3A_1802 : vector<16xf32>
        %add3A_1825 = arith.constant 13 : i32
        %add3A_1826 = arith.addi %add3A_269, %add3A_1825 : i32
        %swap3A_1827 = arith.index_cast %add3A_1826 : i32 to index
        %swap3A_1828 = arith.constant 0 : index
        %swap3A_1829 = tpu.vector_load %arg12[%swap3A_1827, %swap3A_1828] {strides = array<i32>} : memref<128x128xf32, #tpu.memory_space<vmem>>, vector<16xf32>,
        tpu.vector_store %arg12[%swap3A_1827, %swap3A_1828], %mul3A_1824 {strides = array<i32>} : memref<128x128xf32, #tpu.memory_space<vmem>>, vector<16xf32>,
        %mul3A_1830 = arith.mulf %get3A_1769, %get3A_1805 : vector<16xf32>
        %add3A_1831 = arith.constant 13 : i32
        %add3A_1832 = arith.addi %add3A_269, %add3A_1831 : i32
        %swap3A_1833 = arith.index_cast %add3A_1832 : i32 to index
        %swap3A_1834 = arith.constant 16 : index
        %swap3A_1835 = tpu.vector_load %arg12[%swap3A_1833, %swap3A_1834] {strides = array<i32>} : memref<128x128xf32, #tpu.memory_space<vmem>>, vector<16xf32>,
        tpu.vector_store %arg12[%swap3A_1833, %swap3A_1834], %mul3A_1830 {strides = array<i32>} : memref<128x128xf32, #tpu.memory_space<vmem>>, vector<16xf32>,
        %mul3A_1836 = arith.mulf %get3A_1774, %get3A_1808 : vector<16xf32>
        %add3A_1837 = arith.constant 13 : i32
        %add3A_1838 = arith.addi %add3A_269, %add3A_1837 : i32
        %swap3A_1839 = arith.index_cast %add3A_1838 : i32 to index
        %swap3A_1840 = arith.constant 32 : index
        %swap3A_1841 = tpu.vector_load %arg12[%swap3A_1839, %swap3A_1840] {strides = array<i32>} : memref<128x128xf32, #tpu.memory_space<vmem>>, vector<16xf32>,
        tpu.vector_store %arg12[%swap3A_1839, %swap3A_1840], %mul3A_1836 {strides = array<i32>} : memref<128x128xf32, #tpu.memory_space<vmem>>, vector<16xf32>,
        %mul3A_1842 = arith.mulf %get3A_1779, %get3A_1811 : vector<16xf32>
        %add3A_1843 = arith.constant 13 : i32
        %add3A_1844 = arith.addi %add3A_269, %add3A_1843 : i32
        %swap3A_1845 = arith.index_cast %add3A_1844 : i32 to index
        %swap3A_1846 = arith.constant 48 : index
        %swap3A_1847 = tpu.vector_load %arg12[%swap3A_1845, %swap3A_1846] {strides = array<i32>} : memref<128x128xf32, #tpu.memory_space<vmem>>, vector<16xf32>,
        tpu.vector_store %arg12[%swap3A_1845, %swap3A_1846], %mul3A_1842 {strides = array<i32>} : memref<128x128xf32, #tpu.memory_space<vmem>>, vector<16xf32>,
        %mul3A_1848 = arith.mulf %get3A_1784, %get3A_1814 : vector<16xf32>
        %add3A_1849 = arith.constant 13 : i32
        %add3A_1850 = arith.addi %add3A_269, %add3A_1849 : i32
        %swap3A_1851 = arith.index_cast %add3A_1850 : i32 to index
        %swap3A_1852 = arith.constant 64 : index
        %swap3A_1853 = tpu.vector_load %arg12[%swap3A_1851, %swap3A_1852] {strides = array<i32>} : memref<128x128xf32, #tpu.memory_space<vmem>>, vector<16xf32>,
        tpu.vector_store %arg12[%swap3A_1851, %swap3A_1852], %mul3A_1848 {strides = array<i32>} : memref<128x128xf32, #tpu.memory_space<vmem>>, vector<16xf32>,
        %mul3A_1854 = arith.mulf %get3A_1789, %get3A_1817 : vector<16xf32>
        %add3A_1855 = arith.constant 13 : i32
        %add3A_1856 = arith.addi %add3A_269, %add3A_1855 : i32
        %swap3A_1857 = arith.index_cast %add3A_1856 : i32 to index
        %swap3A_1858 = arith.constant 80 : index
        %swap3A_1859 = tpu.vector_load %arg12[%swap3A_1857, %swap3A_1858] {strides = array<i32>} : memref<128x128xf32, #tpu.memory_space<vmem>>, vector<16xf32>,
        tpu.vector_store %arg12[%swap3A_1857, %swap3A_1858], %mul3A_1854 {strides = array<i32>} : memref<128x128xf32, #tpu.memory_space<vmem>>, vector<16xf32>,
        %mul3A_1860 = arith.mulf %get3A_1794, %get3A_1820 : vector<16xf32>
        %add3A_1861 = arith.constant 13 : i32
        %add3A_1862 = arith.addi %add3A_269, %add3A_1861 : i32
        %swap3A_1863 = arith.index_cast %add3A_1862 : i32 to index
        %swap3A_1864 = arith.constant 96 : index
        %swap3A_1865 = tpu.vector_load %arg12[%swap3A_1863, %swap3A_1864] {strides = array<i32>} : memref<128x128xf32, #tpu.memory_space<vmem>>, vector<16xf32>,
        tpu.vector_store %arg12[%swap3A_1863, %swap3A_1864], %mul3A_1860 {strides = array<i32>} : memref<128x128xf32, #tpu.memory_space<vmem>>, vector<16xf32>,
        %mul3A_1866 = arith.mulf %get3A_1799, %get3A_1823 : vector<16xf32>
        %add3A_1867 = arith.constant 13 : i32
        %add3A_1868 = arith.addi %add3A_269, %add3A_1867 : i32
        %swap3A_1869 = arith.index_cast %add3A_1868 : i32 to index
        %swap3A_1870 = arith.constant 112 : index
        %swap3A_1871 = tpu.vector_load %arg12[%swap3A_1869, %swap3A_1870] {strides = array<i32>} : memref<128x128xf32, #tpu.memory_space<vmem>>, vector<16xf32>,
        tpu.vector_store %arg12[%swap3A_1869, %swap3A_1870], %mul3A_1866 {strides = array<i32>} : memref<128x128xf32, #tpu.memory_space<vmem>>, vector<16xf32>,
        %slice3A_1872 = vector.extract_strided_slice %get3A_273 {offsets = [14], sizes = [1], strides = [1]} : vector<16xi32> to vector<1xi32>
        %squeeze3A_1873 = vector.extract %slice3A_1872[0] : i32 from vector<1xi32>
        %add3A_1874 = arith.constant 14 : i32
        %add3A_1875 = arith.addi %add3A_269, %add3A_1874 : i32
        %get3A_1876 = arith.index_cast %add3A_1875 : i32 to index
        %get3A_1877 = arith.constant 0 : index
        %get3A_1878 = tpu.vector_load %arg12[%get3A_1876, %get3A_1877] {strides = array<i32>} : memref<128x128xf32, #tpu.memory_space<vmem>>, vector<16xf32>,
        %add3A_1879 = arith.constant 14 : i32
        %add3A_1880 = arith.addi %add3A_269, %add3A_1879 : i32
        %get3A_1881 = arith.index_cast %add3A_1880 : i32 to index
        %get3A_1882 = arith.constant 16 : index
        %get3A_1883 = tpu.vector_load %arg12[%get3A_1881, %get3A_1882] {strides = array<i32>} : memref<128x128xf32, #tpu.memory_space<vmem>>, vector<16xf32>,
        %add3A_1884 = arith.constant 14 : i32
        %add3A_1885 = arith.addi %add3A_269, %add3A_1884 : i32
        %get3A_1886 = arith.index_cast %add3A_1885 : i32 to index
        %get3A_1887 = arith.constant 32 : index
        %get3A_1888 = tpu.vector_load %arg12[%get3A_1886, %get3A_1887] {strides = array<i32>} : memref<128x128xf32, #tpu.memory_space<vmem>>, vector<16xf32>,
        %add3A_1889 = arith.constant 14 : i32
        %add3A_1890 = arith.addi %add3A_269, %add3A_1889 : i32
        %get3A_1891 = arith.index_cast %add3A_1890 : i32 to index
        %get3A_1892 = arith.constant 48 : index
        %get3A_1893 = tpu.vector_load %arg12[%get3A_1891, %get3A_1892] {strides = array<i32>} : memref<128x128xf32, #tpu.memory_space<vmem>>, vector<16xf32>,
        %add3A_1894 = arith.constant 14 : i32
        %add3A_1895 = arith.addi %add3A_269, %add3A_1894 : i32
        %get3A_1896 = arith.index_cast %add3A_1895 : i32 to index
        %get3A_1897 = arith.constant 64 : index
        %get3A_1898 = tpu.vector_load %arg12[%get3A_1896, %get3A_1897] {strides = array<i32>} : memref<128x128xf32, #tpu.memory_space<vmem>>, vector<16xf32>,
        %add3A_1899 = arith.constant 14 : i32
        %add3A_1900 = arith.addi %add3A_269, %add3A_1899 : i32
        %get3A_1901 = arith.index_cast %add3A_1900 : i32 to index
        %get3A_1902 = arith.constant 80 : index
        %get3A_1903 = tpu.vector_load %arg12[%get3A_1901, %get3A_1902] {strides = array<i32>} : memref<128x128xf32, #tpu.memory_space<vmem>>, vector<16xf32>,
        %add3A_1904 = arith.constant 14 : i32
        %add3A_1905 = arith.addi %add3A_269, %add3A_1904 : i32
        %get3A_1906 = arith.index_cast %add3A_1905 : i32 to index
        %get3A_1907 = arith.constant 96 : index
        %get3A_1908 = tpu.vector_load %arg12[%get3A_1906, %get3A_1907] {strides = array<i32>} : memref<128x128xf32, #tpu.memory_space<vmem>>, vector<16xf32>,
        %add3A_1909 = arith.constant 14 : i32
        %add3A_1910 = arith.addi %add3A_269, %add3A_1909 : i32
        %get3A_1911 = arith.index_cast %add3A_1910 : i32 to index
        %get3A_1912 = arith.constant 112 : index
        %get3A_1913 = tpu.vector_load %arg12[%get3A_1911, %get3A_1912] {strides = array<i32>} : memref<128x128xf32, #tpu.memory_space<vmem>>, vector<16xf32>,
        %get3A_1914 = arith.index_cast %squeeze3A_1873 : i32 to index
        %get3A_1915 = arith.constant 0 : index
        %get3A_1916 = tpu.vector_load %arg13[%get3A_1914, %get3A_1915] {strides = array<i32>} : memref<32x128xf32, #tpu.memory_space<vmem>>, vector<16xf32>,
        %get3A_1917 = arith.index_cast %squeeze3A_1873 : i32 to index
        %get3A_1918 = arith.constant 16 : index
        %get3A_1919 = tpu.vector_load %arg13[%get3A_1917, %get3A_1918] {strides = array<i32>} : memref<32x128xf32, #tpu.memory_space<vmem>>, vector<16xf32>,
        %get3A_1920 = arith.index_cast %squeeze3A_1873 : i32 to index
        %get3A_1921 = arith.constant 32 : index
        %get3A_1922 = tpu.vector_load %arg13[%get3A_1920, %get3A_1921] {strides = array<i32>} : memref<32x128xf32, #tpu.memory_space<vmem>>, vector<16xf32>,
        %get3A_1923 = arith.index_cast %squeeze3A_1873 : i32 to index
        %get3A_1924 = arith.constant 48 : index
        %get3A_1925 = tpu.vector_load %arg13[%get3A_1923, %get3A_1924] {strides = array<i32>} : memref<32x128xf32, #tpu.memory_space<vmem>>, vector<16xf32>,
        %get3A_1926 = arith.index_cast %squeeze3A_1873 : i32 to index
        %get3A_1927 = arith.constant 64 : index
        %get3A_1928 = tpu.vector_load %arg13[%get3A_1926, %get3A_1927] {strides = array<i32>} : memref<32x128xf32, #tpu.memory_space<vmem>>, vector<16xf32>,
        %get3A_1929 = arith.index_cast %squeeze3A_1873 : i32 to index
        %get3A_1930 = arith.constant 80 : index
        %get3A_1931 = tpu.vector_load %arg13[%get3A_1929, %get3A_1930] {strides = array<i32>} : memref<32x128xf32, #tpu.memory_space<vmem>>, vector<16xf32>,
        %get3A_1932 = arith.index_cast %squeeze3A_1873 : i32 to index
        %get3A_1933 = arith.constant 96 : index
        %get3A_1934 = tpu.vector_load %arg13[%get3A_1932, %get3A_1933] {strides = array<i32>} : memref<32x128xf32, #tpu.memory_space<vmem>>, vector<16xf32>,
        %get3A_1935 = arith.index_cast %squeeze3A_1873 : i32 to index
        %get3A_1936 = arith.constant 112 : index
        %get3A_1937 = tpu.vector_load %arg13[%get3A_1935, %get3A_1936] {strides = array<i32>} : memref<32x128xf32, #tpu.memory_space<vmem>>, vector<16xf32>,
        %mul3A_1938 = arith.mulf %get3A_1878, %get3A_1916 : vector<16xf32>
        %add3A_1939 = arith.constant 14 : i32
        %add3A_1940 = arith.addi %add3A_269, %add3A_1939 : i32
        %swap3A_1941 = arith.index_cast %add3A_1940 : i32 to index
        %swap3A_1942 = arith.constant 0 : index
        %swap3A_1943 = tpu.vector_load %arg12[%swap3A_1941, %swap3A_1942] {strides = array<i32>} : memref<128x128xf32, #tpu.memory_space<vmem>>, vector<16xf32>,
        tpu.vector_store %arg12[%swap3A_1941, %swap3A_1942], %mul3A_1938 {strides = array<i32>} : memref<128x128xf32, #tpu.memory_space<vmem>>, vector<16xf32>,
        %mul3A_1944 = arith.mulf %get3A_1883, %get3A_1919 : vector<16xf32>
        %add3A_1945 = arith.constant 14 : i32
        %add3A_1946 = arith.addi %add3A_269, %add3A_1945 : i32
        %swap3A_1947 = arith.index_cast %add3A_1946 : i32 to index
        %swap3A_1948 = arith.constant 16 : index
        %swap3A_1949 = tpu.vector_load %arg12[%swap3A_1947, %swap3A_1948] {strides = array<i32>} : memref<128x128xf32, #tpu.memory_space<vmem>>, vector<16xf32>,
        tpu.vector_store %arg12[%swap3A_1947, %swap3A_1948], %mul3A_1944 {strides = array<i32>} : memref<128x128xf32, #tpu.memory_space<vmem>>, vector<16xf32>,
        %mul3A_1950 = arith.mulf %get3A_1888, %get3A_1922 : vector<16xf32>
        %add3A_1951 = arith.constant 14 : i32
        %add3A_1952 = arith.addi %add3A_269, %add3A_1951 : i32
        %swap3A_1953 = arith.index_cast %add3A_1952 : i32 to index
        %swap3A_1954 = arith.constant 32 : index
        %swap3A_1955 = tpu.vector_load %arg12[%swap3A_1953, %swap3A_1954] {strides = array<i32>} : memref<128x128xf32, #tpu.memory_space<vmem>>, vector<16xf32>,
        tpu.vector_store %arg12[%swap3A_1953, %swap3A_1954], %mul3A_1950 {strides = array<i32>} : memref<128x128xf32, #tpu.memory_space<vmem>>, vector<16xf32>,
        %mul3A_1956 = arith.mulf %get3A_1893, %get3A_1925 : vector<16xf32>
        %add3A_1957 = arith.constant 14 : i32
        %add3A_1958 = arith.addi %add3A_269, %add3A_1957 : i32
        %swap3A_1959 = arith.index_cast %add3A_1958 : i32 to index
        %swap3A_1960 = arith.constant 48 : index
        %swap3A_1961 = tpu.vector_load %arg12[%swap3A_1959, %swap3A_1960] {strides = array<i32>} : memref<128x128xf32, #tpu.memory_space<vmem>>, vector<16xf32>,
        tpu.vector_store %arg12[%swap3A_1959, %swap3A_1960], %mul3A_1956 {strides = array<i32>} : memref<128x128xf32, #tpu.memory_space<vmem>>, vector<16xf32>,
        %mul3A_1962 = arith.mulf %get3A_1898, %get3A_1928 : vector<16xf32>
        %add3A_1963 = arith.constant 14 : i32
        %add3A_1964 = arith.addi %add3A_269, %add3A_1963 : i32
        %swap3A_1965 = arith.index_cast %add3A_1964 : i32 to index
        %swap3A_1966 = arith.constant 64 : index
        %swap3A_1967 = tpu.vector_load %arg12[%swap3A_1965, %swap3A_1966] {strides = array<i32>} : memref<128x128xf32, #tpu.memory_space<vmem>>, vector<16xf32>,
        tpu.vector_store %arg12[%swap3A_1965, %swap3A_1966], %mul3A_1962 {strides = array<i32>} : memref<128x128xf32, #tpu.memory_space<vmem>>, vector<16xf32>,
        %mul3A_1968 = arith.mulf %get3A_1903, %get3A_1931 : vector<16xf32>
        %add3A_1969 = arith.constant 14 : i32
        %add3A_1970 = arith.addi %add3A_269, %add3A_1969 : i32
        %swap3A_1971 = arith.index_cast %add3A_1970 : i32 to index
        %swap3A_1972 = arith.constant 80 : index
        %swap3A_1973 = tpu.vector_load %arg12[%swap3A_1971, %swap3A_1972] {strides = array<i32>} : memref<128x128xf32, #tpu.memory_space<vmem>>, vector<16xf32>,
        tpu.vector_store %arg12[%swap3A_1971, %swap3A_1972], %mul3A_1968 {strides = array<i32>} : memref<128x128xf32, #tpu.memory_space<vmem>>, vector<16xf32>,
        %mul3A_1974 = arith.mulf %get3A_1908, %get3A_1934 : vector<16xf32>
        %add3A_1975 = arith.constant 14 : i32
        %add3A_1976 = arith.addi %add3A_269, %add3A_1975 : i32
        %swap3A_1977 = arith.index_cast %add3A_1976 : i32 to index
        %swap3A_1978 = arith.constant 96 : index
        %swap3A_1979 = tpu.vector_load %arg12[%swap3A_1977, %swap3A_1978] {strides = array<i32>} : memref<128x128xf32, #tpu.memory_space<vmem>>, vector<16xf32>,
        tpu.vector_store %arg12[%swap3A_1977, %swap3A_1978], %mul3A_1974 {strides = array<i32>} : memref<128x128xf32, #tpu.memory_space<vmem>>, vector<16xf32>,
        %mul3A_1980 = arith.mulf %get3A_1913, %get3A_1937 : vector<16xf32>
        %add3A_1981 = arith.constant 14 : i32
        %add3A_1982 = arith.addi %add3A_269, %add3A_1981 : i32
        %swap3A_1983 = arith.index_cast %add3A_1982 : i32 to index
        %swap3A_1984 = arith.constant 112 : index
        %swap3A_1985 = tpu.vector_load %arg12[%swap3A_1983, %swap3A_1984] {strides = array<i32>} : memref<128x128xf32, #tpu.memory_space<vmem>>, vector<16xf32>,
        tpu.vector_store %arg12[%swap3A_1983, %swap3A_1984], %mul3A_1980 {strides = array<i32>} : memref<128x128xf32, #tpu.memory_space<vmem>>, vector<16xf32>,
        %slice3A_1986 = vector.extract_strided_slice %get3A_273 {offsets = [15], sizes = [1], strides = [1]} : vector<16xi32> to vector<1xi32>
        %squeeze3A_1987 = vector.extract %slice3A_1986[0] : i32 from vector<1xi32>
        %add3A_1988 = arith.constant 15 : i32
        %add3A_1989 = arith.addi %add3A_269, %add3A_1988 : i32
        %get3A_1990 = arith.index_cast %add3A_1989 : i32 to index
        %get3A_1991 = arith.constant 0 : index
        %get3A_1992 = tpu.vector_load %arg12[%get3A_1990, %get3A_1991] {strides = array<i32>} : memref<128x128xf32, #tpu.memory_space<vmem>>, vector<16xf32>,
        %add3A_1993 = arith.constant 15 : i32
        %add3A_1994 = arith.addi %add3A_269, %add3A_1993 : i32
        %get3A_1995 = arith.index_cast %add3A_1994 : i32 to index
        %get3A_1996 = arith.constant 16 : index
        %get3A_1997 = tpu.vector_load %arg12[%get3A_1995, %get3A_1996] {strides = array<i32>} : memref<128x128xf32, #tpu.memory_space<vmem>>, vector<16xf32>,
        %add3A_1998 = arith.constant 15 : i32
        %add3A_1999 = arith.addi %add3A_269, %add3A_1998 : i32
        %get3A_2000 = arith.index_cast %add3A_1999 : i32 to index
        %get3A_2001 = arith.constant 32 : index
        %get3A_2002 = tpu.vector_load %arg12[%get3A_2000, %get3A_2001] {strides = array<i32>} : memref<128x128xf32, #tpu.memory_space<vmem>>, vector<16xf32>,
        %add3A_2003 = arith.constant 15 : i32
        %add3A_2004 = arith.addi %add3A_269, %add3A_2003 : i32
        %get3A_2005 = arith.index_cast %add3A_2004 : i32 to index
        %get3A_2006 = arith.constant 48 : index
        %get3A_2007 = tpu.vector_load %arg12[%get3A_2005, %get3A_2006] {strides = array<i32>} : memref<128x128xf32, #tpu.memory_space<vmem>>, vector<16xf32>,
        %add3A_2008 = arith.constant 15 : i32
        %add3A_2009 = arith.addi %add3A_269, %add3A_2008 : i32
        %get3A_2010 = arith.index_cast %add3A_2009 : i32 to index
        %get3A_2011 = arith.constant 64 : index
        %get3A_2012 = tpu.vector_load %arg12[%get3A_2010, %get3A_2011] {strides = array<i32>} : memref<128x128xf32, #tpu.memory_space<vmem>>, vector<16xf32>,
        %add3A_2013 = arith.constant 15 : i32
        %add3A_2014 = arith.addi %add3A_269, %add3A_2013 : i32
        %get3A_2015 = arith.index_cast %add3A_2014 : i32 to index
        %get3A_2016 = arith.constant 80 : index
        %get3A_2017 = tpu.vector_load %arg12[%get3A_2015, %get3A_2016] {strides = array<i32>} : memref<128x128xf32, #tpu.memory_space<vmem>>, vector<16xf32>,
        %add3A_2018 = arith.constant 15 : i32
        %add3A_2019 = arith.addi %add3A_269, %add3A_2018 : i32
        %get3A_2020 = arith.index_cast %add3A_2019 : i32 to index
        %get3A_2021 = arith.constant 96 : index
        %get3A_2022 = tpu.vector_load %arg12[%get3A_2020, %get3A_2021] {strides = array<i32>} : memref<128x128xf32, #tpu.memory_space<vmem>>, vector<16xf32>,
        %add3A_2023 = arith.constant 15 : i32
        %add3A_2024 = arith.addi %add3A_269, %add3A_2023 : i32
        %get3A_2025 = arith.index_cast %add3A_2024 : i32 to index
        %get3A_2026 = arith.constant 112 : index
        %get3A_2027 = tpu.vector_load %arg12[%get3A_2025, %get3A_2026] {strides = array<i32>} : memref<128x128xf32, #tpu.memory_space<vmem>>, vector<16xf32>,
        %get3A_2028 = arith.index_cast %squeeze3A_1987 : i32 to index
        %get3A_2029 = arith.constant 0 : index
        %get3A_2030 = tpu.vector_load %arg13[%get3A_2028, %get3A_2029] {strides = array<i32>} : memref<32x128xf32, #tpu.memory_space<vmem>>, vector<16xf32>,
        %get3A_2031 = arith.index_cast %squeeze3A_1987 : i32 to index
        %get3A_2032 = arith.constant 16 : index
        %get3A_2033 = tpu.vector_load %arg13[%get3A_2031, %get3A_2032] {strides = array<i32>} : memref<32x128xf32, #tpu.memory_space<vmem>>, vector<16xf32>,
        %get3A_2034 = arith.index_cast %squeeze3A_1987 : i32 to index
        %get3A_2035 = arith.constant 32 : index
        %get3A_2036 = tpu.vector_load %arg13[%get3A_2034, %get3A_2035] {strides = array<i32>} : memref<32x128xf32, #tpu.memory_space<vmem>>, vector<16xf32>,
        %get3A_2037 = arith.index_cast %squeeze3A_1987 : i32 to index
        %get3A_2038 = arith.constant 48 : index
        %get3A_2039 = tpu.vector_load %arg13[%get3A_2037, %get3A_2038] {strides = array<i32>} : memref<32x128xf32, #tpu.memory_space<vmem>>, vector<16xf32>,
        %get3A_2040 = arith.index_cast %squeeze3A_1987 : i32 to index
        %get3A_2041 = arith.constant 64 : index
        %get3A_2042 = tpu.vector_load %arg13[%get3A_2040, %get3A_2041] {strides = array<i32>} : memref<32x128xf32, #tpu.memory_space<vmem>>, vector<16xf32>,
        %get3A_2043 = arith.index_cast %squeeze3A_1987 : i32 to index
        %get3A_2044 = arith.constant 80 : index
        %get3A_2045 = tpu.vector_load %arg13[%get3A_2043, %get3A_2044] {strides = array<i32>} : memref<32x128xf32, #tpu.memory_space<vmem>>, vector<16xf32>,
        %get3A_2046 = arith.index_cast %squeeze3A_1987 : i32 to index
        %get3A_2047 = arith.constant 96 : index
        %get3A_2048 = tpu.vector_load %arg13[%get3A_2046, %get3A_2047] {strides = array<i32>} : memref<32x128xf32, #tpu.memory_space<vmem>>, vector<16xf32>,
        %get3A_2049 = arith.index_cast %squeeze3A_1987 : i32 to index
        %get3A_2050 = arith.constant 112 : index
        %get3A_2051 = tpu.vector_load %arg13[%get3A_2049, %get3A_2050] {strides = array<i32>} : memref<32x128xf32, #tpu.memory_space<vmem>>, vector<16xf32>,
        %mul3A_2052 = arith.mulf %get3A_1992, %get3A_2030 : vector<16xf32>
        %add3A_2053 = arith.constant 15 : i32
        %add3A_2054 = arith.addi %add3A_269, %add3A_2053 : i32
        %swap3A_2055 = arith.index_cast %add3A_2054 : i32 to index
        %swap3A_2056 = arith.constant 0 : index
        %swap3A_2057 = tpu.vector_load %arg12[%swap3A_2055, %swap3A_2056] {strides = array<i32>} : memref<128x128xf32, #tpu.memory_space<vmem>>, vector<16xf32>,
        tpu.vector_store %arg12[%swap3A_2055, %swap3A_2056], %mul3A_2052 {strides = array<i32>} : memref<128x128xf32, #tpu.memory_space<vmem>>, vector<16xf32>,
        %mul3A_2058 = arith.mulf %get3A_1997, %get3A_2033 : vector<16xf32>
        %add3A_2059 = arith.constant 15 : i32
        %add3A_2060 = arith.addi %add3A_269, %add3A_2059 : i32
        %swap3A_2061 = arith.index_cast %add3A_2060 : i32 to index
        %swap3A_2062 = arith.constant 16 : index
        %swap3A_2063 = tpu.vector_load %arg12[%swap3A_2061, %swap3A_2062] {strides = array<i32>} : memref<128x128xf32, #tpu.memory_space<vmem>>, vector<16xf32>,
        tpu.vector_store %arg12[%swap3A_2061, %swap3A_2062], %mul3A_2058 {strides = array<i32>} : memref<128x128xf32, #tpu.memory_space<vmem>>, vector<16xf32>,
        %mul3A_2064 = arith.mulf %get3A_2002, %get3A_2036 : vector<16xf32>
        %add3A_2065 = arith.constant 15 : i32
        %add3A_2066 = arith.addi %add3A_269, %add3A_2065 : i32
        %swap3A_2067 = arith.index_cast %add3A_2066 : i32 to index
        %swap3A_2068 = arith.constant 32 : index
        %swap3A_2069 = tpu.vector_load %arg12[%swap3A_2067, %swap3A_2068] {strides = array<i32>} : memref<128x128xf32, #tpu.memory_space<vmem>>, vector<16xf32>,
        tpu.vector_store %arg12[%swap3A_2067, %swap3A_2068], %mul3A_2064 {strides = array<i32>} : memref<128x128xf32, #tpu.memory_space<vmem>>, vector<16xf32>,
        %mul3A_2070 = arith.mulf %get3A_2007, %get3A_2039 : vector<16xf32>
        %add3A_2071 = arith.constant 15 : i32
        %add3A_2072 = arith.addi %add3A_269, %add3A_2071 : i32
        %swap3A_2073 = arith.index_cast %add3A_2072 : i32 to index
        %swap3A_2074 = arith.constant 48 : index
        %swap3A_2075 = tpu.vector_load %arg12[%swap3A_2073, %swap3A_2074] {strides = array<i32>} : memref<128x128xf32, #tpu.memory_space<vmem>>, vector<16xf32>,
        tpu.vector_store %arg12[%swap3A_2073, %swap3A_2074], %mul3A_2070 {strides = array<i32>} : memref<128x128xf32, #tpu.memory_space<vmem>>, vector<16xf32>,
        %mul3A_2076 = arith.mulf %get3A_2012, %get3A_2042 : vector<16xf32>
        %add3A_2077 = arith.constant 15 : i32
        %add3A_2078 = arith.addi %add3A_269, %add3A_2077 : i32
        %swap3A_2079 = arith.index_cast %add3A_2078 : i32 to index
        %swap3A_2080 = arith.constant 64 : index
        %swap3A_2081 = tpu.vector_load %arg12[%swap3A_2079, %swap3A_2080] {strides = array<i32>} : memref<128x128xf32, #tpu.memory_space<vmem>>, vector<16xf32>,
        tpu.vector_store %arg12[%swap3A_2079, %swap3A_2080], %mul3A_2076 {strides = array<i32>} : memref<128x128xf32, #tpu.memory_space<vmem>>, vector<16xf32>,
        %mul3A_2082 = arith.mulf %get3A_2017, %get3A_2045 : vector<16xf32>
        %add3A_2083 = arith.constant 15 : i32
        %add3A_2084 = arith.addi %add3A_269, %add3A_2083 : i32
        %swap3A_2085 = arith.index_cast %add3A_2084 : i32 to index
        %swap3A_2086 = arith.constant 80 : index
        %swap3A_2087 = tpu.vector_load %arg12[%swap3A_2085, %swap3A_2086] {strides = array<i32>} : memref<128x128xf32, #tpu.memory_space<vmem>>, vector<16xf32>,
        tpu.vector_store %arg12[%swap3A_2085, %swap3A_2086], %mul3A_2082 {strides = array<i32>} : memref<128x128xf32, #tpu.memory_space<vmem>>, vector<16xf32>,
        %mul3A_2088 = arith.mulf %get3A_2022, %get3A_2048 : vector<16xf32>
        %add3A_2089 = arith.constant 15 : i32
        %add3A_2090 = arith.addi %add3A_269, %add3A_2089 : i32
        %swap3A_2091 = arith.index_cast %add3A_2090 : i32 to index
        %swap3A_2092 = arith.constant 96 : index
        %swap3A_2093 = tpu.vector_load %arg12[%swap3A_2091, %swap3A_2092] {strides = array<i32>} : memref<128x128xf32, #tpu.memory_space<vmem>>, vector<16xf32>,
        tpu.vector_store %arg12[%swap3A_2091, %swap3A_2092], %mul3A_2088 {strides = array<i32>} : memref<128x128xf32, #tpu.memory_space<vmem>>, vector<16xf32>,
        %mul3A_2094 = arith.mulf %get3A_2027, %get3A_2051 : vector<16xf32>
        %add3A_2095 = arith.constant 15 : i32
        %add3A_2096 = arith.addi %add3A_269, %add3A_2095 : i32
        %swap3A_2097 = arith.index_cast %add3A_2096 : i32 to index
        %swap3A_2098 = arith.constant 112 : index
        %swap3A_2099 = tpu.vector_load %arg12[%swap3A_2097, %swap3A_2098] {strides = array<i32>} : memref<128x128xf32, #tpu.memory_space<vmem>>, vector<16xf32>,
        tpu.vector_store %arg12[%swap3A_2097, %swap3A_2098], %mul3A_2094 {strides = array<i32>} : memref<128x128xf32, #tpu.memory_space<vmem>>, vector<16xf32>,
      }
      %scan3A_200 = arith.constant 8 : i32
      %get3A_201 = arith.constant 2 : i32
      %get3A_202 = arith.index_cast %get3A_201 : i32 to index
      %get3A_203 = arith.constant 0 : index
      %get3A_204 = tpu.vector_load %arg8[%get3A_202, %get3A_203] {strides = array<i32>} : memref<3x128xi32, #tpu.memory_space<vmem>>, vector<16xi32>,
      %swap3A_205 = arith.constant 0 : index
      %swap3A_206 = tpu.vector_load %arg10[%swap3A_205] {strides = array<i32>} : memref<128xi32, #tpu.memory_space<vmem>>, vector<16xi32>,
      tpu.vector_store %arg10[%swap3A_205], %get3A_204 {strides = array<i32>} : memref<128xi32, #tpu.memory_space<vmem>>, vector<16xi32>,
      %get3A_207 = arith.constant 2 : i32
      %get3A_208 = arith.index_cast %get3A_207 : i32 to index
      %get3A_209 = arith.constant 16 : index
      %get3A_210 = tpu.vector_load %arg8[%get3A_208, %get3A_209] {strides = array<i32>} : memref<3x128xi32, #tpu.memory_space<vmem>>, vector<16xi32>,
      %swap3A_211 = arith.constant 16 : index
      %swap3A_212 = tpu.vector_load %arg10[%swap3A_211] {strides = array<i32>} : memref<128xi32, #tpu.memory_space<vmem>>, vector<16xi32>,
      tpu.vector_store %arg10[%swap3A_211], %get3A_210 {strides = array<i32>} : memref<128xi32, #tpu.memory_space<vmem>>, vector<16xi32>,
      %get3A_213 = arith.constant 2 : i32
      %get3A_214 = arith.index_cast %get3A_213 : i32 to index
      %get3A_215 = arith.constant 32 : index
      %get3A_216 = tpu.vector_load %arg8[%get3A_214, %get3A_215] {strides = array<i32>} : memref<3x128xi32, #tpu.memory_space<vmem>>, vector<16xi32>,
      %swap3A_217 = arith.constant 32 : index
      %swap3A_218 = tpu.vector_load %arg10[%swap3A_217] {strides = array<i32>} : memref<128xi32, #tpu.memory_space<vmem>>, vector<16xi32>,
      tpu.vector_store %arg10[%swap3A_217], %get3A_216 {strides = array<i32>} : memref<128xi32, #tpu.memory_space<vmem>>, vector<16xi32>,
      %get3A_219 = arith.constant 2 : i32
      %get3A_220 = arith.index_cast %get3A_219 : i32 to index
      %get3A_221 = arith.constant 48 : index
      %get3A_222 = tpu.vector_load %arg8[%get3A_220, %get3A_221] {strides = array<i32>} : memref<3x128xi32, #tpu.memory_space<vmem>>, vector<16xi32>,
      %swap3A_223 = arith.constant 48 : index
      %swap3A_224 = tpu.vector_load %arg10[%swap3A_223] {strides = array<i32>} : memref<128xi32, #tpu.memory_space<vmem>>, vector<16xi32>,
      tpu.vector_store %arg10[%swap3A_223], %get3A_222 {strides = array<i32>} : memref<128xi32, #tpu.memory_space<vmem>>, vector<16xi32>,
      %get3A_225 = arith.constant 2 : i32
      %get3A_226 = arith.index_cast %get3A_225 : i32 to index
      %get3A_227 = arith.constant 64 : index
      %get3A_228 = tpu.vector_load %arg8[%get3A_226, %get3A_227] {strides = array<i32>} : memref<3x128xi32, #tpu.memory_space<vmem>>, vector<16xi32>,
      %swap3A_229 = arith.constant 64 : index
      %swap3A_230 = tpu.vector_load %arg10[%swap3A_229] {strides = array<i32>} : memref<128xi32, #tpu.memory_space<vmem>>, vector<16xi32>,
      tpu.vector_store %arg10[%swap3A_229], %get3A_228 {strides = array<i32>} : memref<128xi32, #tpu.memory_space<vmem>>, vector<16xi32>,
      %get3A_231 = arith.constant 2 : i32
      %get3A_232 = arith.index_cast %get3A_231 : i32 to index
      %get3A_233 = arith.constant 80 : index
      %get3A_234 = tpu.vector_load %arg8[%get3A_232, %get3A_233] {strides = array<i32>} : memref<3x128xi32, #tpu.memory_space<vmem>>, vector<16xi32>,
      %swap3A_235 = arith.constant 80 : index
      %swap3A_236 = tpu.vector_load %arg10[%swap3A_235] {strides = array<i32>} : memref<128xi32, #tpu.memory_space<vmem>>, vector<16xi32>,
      tpu.vector_store %arg10[%swap3A_235], %get3A_234 {strides = array<i32>} : memref<128xi32, #tpu.memory_space<vmem>>, vector<16xi32>,
      %get3A_237 = arith.constant 2 : i32
      %get3A_238 = arith.index_cast %get3A_237 : i32 to index
      %get3A_239 = arith.constant 96 : index
      %get3A_240 = tpu.vector_load %arg8[%get3A_238, %get3A_239] {strides = array<i32>} : memref<3x128xi32, #tpu.memory_space<vmem>>, vector<16xi32>,
      %swap3A_241 = arith.constant 96 : index
      %swap3A_242 = tpu.vector_load %arg10[%swap3A_241] {strides = array<i32>} : memref<128xi32, #tpu.memory_space<vmem>>, vector<16xi32>,
      tpu.vector_store %arg10[%swap3A_241], %get3A_240 {strides = array<i32>} : memref<128xi32, #tpu.memory_space<vmem>>, vector<16xi32>,
      %get3A_243 = arith.constant 2 : i32
      %get3A_244 = arith.index_cast %get3A_243 : i32 to index
      %get3A_245 = arith.constant 112 : index
      %get3A_246 = tpu.vector_load %arg8[%get3A_244, %get3A_245] {strides = array<i32>} : memref<3x128xi32, #tpu.memory_space<vmem>>, vector<16xi32>,
      %swap3A_247 = arith.constant 112 : index
      %swap3A_248 = tpu.vector_load %arg10[%swap3A_247] {strides = array<i32>} : memref<128xi32, #tpu.memory_space<vmem>>, vector<16xi32>,
      tpu.vector_store %arg10[%swap3A_247], %get3A_246 {strides = array<i32>} : memref<128xi32, #tpu.memory_space<vmem>>, vector<16xi32>,
      %dma_start3A_249 = arith.constant 0 : i32
      %dma_start3A_250 = arith.constant 0 : i32
      %dma_start3A_251 = tpu.memref_slice %arg15[%dma_start3A_249, %dma_start3A_250] : memref<10112x128xf32, #tpu.memory_space<vmem_shared>> -> memref<10112x128xf32, #tpu.memory_space<vmem_shared>>
      tpu.enqueue_indirect_dma source(%arg12 : memref<128x128xf32, #tpu.memory_space<vmem>>) target(%dma_start3A_251 : memref<10112x128xf32, #tpu.memory_space<vmem_shared>>) offsets(%arg10 : memref<128xi32, #tpu.memory_space<vmem>>) semaphore(%arg21 : memref<!tpu.dma_semaphore, #tpu.memory_space<semaphore_mem>>) {add = true}
      %add3A_252 = arith.constant 2 : i32
      %add3A_253 = arith.addi %add3A_168, %add3A_252 : i32
      %min3A_254 = arith.constant 79 : i32
      %min3A_255 = arith.minsi %add3A_253, %min3A_254 : i32
      %add3A_256 = arith.addi %mul3A_23, %min3A_255 : i32
      %dma_start3A_257 = arith.constant 0 : i32
      %dma_start3A_258 = arith.constant 0 : i32
      %dma_start3A_259 = tpu.memref_slice %arg4[%add3A_256, %dma_start3A_257, %dma_start3A_258] : memref<2560x3x128xi32, #tpu.memory_space<hbm>> -> memref<1x3x128xi32, #tpu.memory_space<hbm>>
      %dma_start3A_260 = tpu.memref_squeeze %dma_start3A_259 : memref<1x3x128xi32, #tpu.memory_space<hbm>> -> memref<3x128xi32, #tpu.memory_space<hbm>>
      %dma_start3A_261 = arith.constant 0 : i32
      %dma_start3A_262 = arith.constant 0 : i32
      %dma_start3A_263 = tpu.memref_slice %arg4[%add3A_256, %dma_start3A_261, %dma_start3A_262] : memref<2560x3x128xi32, #tpu.memory_space<hbm>> -> memref<1x3x128xi32, #tpu.memory_space<hbm>>
      %dma_start3A_264 = tpu.memref_squeeze %dma_start3A_263 : memref<1x3x128xi32, #tpu.memory_space<hbm>> -> memref<3x128xi32, #tpu.memory_space<hbm>>
      tpu.enqueue_dma source(%dma_start3A_264 : memref<3x128xi32, #tpu.memory_space<hbm>>) target(%arg8 : memref<3x128xi32, #tpu.memory_space<vmem>>) target_semaphore(%arg17 : memref<!tpu.dma_semaphore, #tpu.memory_space<semaphore_mem>>)
    }
    %scan3A_44 = arith.constant 40 : i32
    %dma_wait3A = arith.constant 0 : i32
    %dma_wait3A_45 = arith.constant 0 : i32
    %dma_wait3A_46 = tpu.memref_slice %arg15[%dma_wait3A, %dma_wait3A_45] : memref<10112x128xf32, #tpu.memory_space<vmem_shared>> -> memref<10112x128xf32, #tpu.memory_space<vmem_shared>>
    tpu.wait_indirect_dma semaphore(%arg21 : memref<!tpu.dma_semaphore, #tpu.memory_space<semaphore_mem>>) src(%arg12 : memref<128x128xf32, #tpu.memory_space<vmem>>) dst(%dma_wait3A_46 : memref<10112x128xf32, #tpu.memory_space<vmem_shared>>)
    %dma_wait3A_47 = arith.constant 0 : i32
    %dma_wait3A_48 = arith.constant 0 : i32
    %dma_wait3A_49 = tpu.memref_slice %arg7[%dma_wait3A_47, %dma_wait3A_48] : memref<3x128xi32, #tpu.memory_space<vmem>> -> memref<1x128xi32, #tpu.memory_space<vmem>>
    %dma_wait3A_50 = tpu.memref_squeeze %dma_wait3A_49 : memref<1x128xi32, #tpu.memory_space<vmem>> -> memref<128xi32, #tpu.memory_space<vmem>>
    %dma_wait3A_51 = arith.constant 0 : i32
    %dma_wait3A_52 = arith.constant 0 : i32
    %dma_wait3A_53 = tpu.memref_slice %arg2[%dma_wait3A_51, %dma_wait3A_52] : memref<10000x128xf32, #tpu.memory_space<hbm>> -> memref<10000x128xf32, #tpu.memory_space<hbm>>
    tpu.wait_indirect_dma semaphore(%arg18 : memref<!tpu.dma_semaphore, #tpu.memory_space<semaphore_mem>>) src(%dma_wait3A_53 : memref<10000x128xf32, #tpu.memory_space<hbm>>) dst(%arg11 : memref<128x128xf32, #tpu.memory_space<vmem>>)
    %dma_wait3A_54 = arith.constant 0 : i32
    %dma_wait3A_55 = arith.constant 0 : i32
    %dma_wait3A_56 = tpu.memref_slice %arg4[%mul3A_23, %dma_wait3A_54, %dma_wait3A_55] : memref<2560x3x128xi32, #tpu.memory_space<hbm>> -> memref<1x3x128xi32, #tpu.memory_space<hbm>>
    %dma_wait3A_57 = tpu.memref_squeeze %dma_wait3A_56 : memref<1x3x128xi32, #tpu.memory_space<hbm>> -> memref<3x128xi32, #tpu.memory_space<hbm>>
    %dma_wait3A_58 = arith.constant 0 : i32
    %dma_wait3A_59 = arith.constant 0 : i32
    %dma_wait3A_60 = tpu.memref_slice %arg4[%mul3A_23, %dma_wait3A_58, %dma_wait3A_59] : memref<2560x3x128xi32, #tpu.memory_space<hbm>> -> memref<1x3x128xi32, #tpu.memory_space<hbm>>
    %dma_wait3A_61 = tpu.memref_squeeze %dma_wait3A_60 : memref<1x3x128xi32, #tpu.memory_space<hbm>> -> memref<3x128xi32, #tpu.memory_space<hbm>>
    tpu.wait_dma2 semaphore(%arg17 : memref<!tpu.dma_semaphore, #tpu.memory_space<semaphore_mem>>) src(%dma_wait3A_61 : memref<3x128xi32, #tpu.memory_space<hbm>>) dst(%arg8 : memref<3x128xi32, #tpu.memory_space<vmem>>)
    %barrier3A_62 = arith.constant 0 : index
    tpu.barrier barrier_id(%barrier3A_62)
    %scan3A_63 = arith.constant 0 : i32
    %scan3A_64 = arith.constant 4 : i32
    %scan3A_65 = arith.addi %scan3A_63, %scan3A_64 : i32
    %scan3A_66 = arith.constant 1 : i32
    scf.for %scan3A_72 = %scan3A_63 to %scan3A_65 step %scan3A_66  : i32 {
      %mul3A_73 = arith.constant 128 : i32
      %mul3A_74 = arith.muli %scan3A_72, %mul3A_73 : i32
      %add3A_75 = arith.constant 0 : i32
      %add3A_76 = arith.addi %add3A_75, %mul3A_74 : i32
      %add3A_77 = arith.addi %mul3A_14, %add3A_76 : i32
      "tpu.region"() ({
        %run_scoped3A = tpu.sem_alloc : memref<!tpu.dma_semaphore, #tpu.memory_space<semaphore_mem>>
        %dma_start3A_79 = arith.constant 0 : i32
        %dma_start3A_80 = tpu.memref_slice %arg15[%add3A_77, %dma_start3A_79] : memref<10112x128xf32, #tpu.memory_space<vmem_shared>> -> memref<128x128xf32, #tpu.memory_space<vmem_shared>>
        %dma_start3A_81 = arith.constant 0 : i32
        %dma_start3A_82 = tpu.memref_slice %arg15[%add3A_77, %dma_start3A_81] : memref<10112x128xf32, #tpu.memory_space<vmem_shared>> -> memref<128x128xf32, #tpu.memory_space<vmem_shared>>
        tpu.enqueue_dma source(%dma_start3A_82 : memref<128x128xf32, #tpu.memory_space<vmem_shared>>) target(%arg11 : memref<128x128xf32, #tpu.memory_space<vmem>>) target_semaphore(%run_scoped3A : memref<!tpu.dma_semaphore, #tpu.memory_space<semaphore_mem>>)
        %dma_wait3A_83 = arith.constant 0 : i32
        %dma_wait3A_84 = tpu.memref_slice %arg15[%add3A_77, %dma_wait3A_83] : memref<10112x128xf32, #tpu.memory_space<vmem_shared>> -> memref<128x128xf32, #tpu.memory_space<vmem_shared>>
        %dma_wait3A_85 = arith.constant 0 : i32
        %dma_wait3A_86 = tpu.memref_slice %arg15[%add3A_77, %dma_wait3A_85] : memref<10112x128xf32, #tpu.memory_space<vmem_shared>> -> memref<128x128xf32, #tpu.memory_space<vmem_shared>>
        tpu.wait_dma2 semaphore(%run_scoped3A : memref<!tpu.dma_semaphore, #tpu.memory_space<semaphore_mem>>) src(%dma_wait3A_86 : memref<128x128xf32, #tpu.memory_space<vmem_shared>>) dst(%arg11 : memref<128x128xf32, #tpu.memory_space<vmem>>)
        tpu.yield
      }) : () -> ()
      %add3A_78 = arith.addi %mul3A_14, %add3A_76 : i32
      "tpu.region"() ({
        %run_scoped3A = tpu.sem_alloc : memref<!tpu.dma_semaphore, #tpu.memory_space<semaphore_mem>>
        %dma_start3A_79 = arith.constant 0 : i32
        %dma_start3A_80 = tpu.memref_slice %arg5[%arg0, %add3A_78, %dma_start3A_79] : memref<2x10112x128xf32, #tpu.memory_space<hbm>> -> memref<1x128x128xf32, #tpu.memory_space<hbm>>
        %dma_start3A_81 = tpu.memref_squeeze %dma_start3A_80 : memref<1x128x128xf32, #tpu.memory_space<hbm>> -> memref<128x128xf32, #tpu.memory_space<hbm>>
        %dma_start3A_82 = arith.constant 0 : i32
        %dma_start3A_83 = tpu.memref_slice %arg5[%arg0, %add3A_78, %dma_start3A_82] : memref<2x10112x128xf32, #tpu.memory_space<hbm>> -> memref<1x128x128xf32, #tpu.memory_space<hbm>>
        %dma_start3A_84 = tpu.memref_squeeze %dma_start3A_83 : memref<1x128x128xf32, #tpu.memory_space<hbm>> -> memref<128x128xf32, #tpu.memory_space<hbm>>
        tpu.enqueue_dma source(%arg11 : memref<128x128xf32, #tpu.memory_space<vmem>>) target(%dma_start3A_84 : memref<128x128xf32, #tpu.memory_space<hbm>>) target_semaphore(%run_scoped3A : memref<!tpu.dma_semaphore, #tpu.memory_space<semaphore_mem>>)
        %dma_wait3A_85 = arith.constant 0 : i32
        %dma_wait3A_86 = tpu.memref_slice %arg5[%arg0, %add3A_78, %dma_wait3A_85] : memref<2x10112x128xf32, #tpu.memory_space<hbm>> -> memref<1x128x128xf32, #tpu.memory_space<hbm>>
        %dma_wait3A_87 = tpu.memref_squeeze %dma_wait3A_86 : memref<1x128x128xf32, #tpu.memory_space<hbm>> -> memref<128x128xf32, #tpu.memory_space<hbm>>
        %dma_wait3A_88 = arith.constant 0 : i32
        %dma_wait3A_89 = tpu.memref_slice %arg5[%arg0, %add3A_78, %dma_wait3A_88] : memref<2x10112x128xf32, #tpu.memory_space<hbm>> -> memref<1x128x128xf32, #tpu.memory_space<hbm>>
        %dma_wait3A_90 = tpu.memref_squeeze %dma_wait3A_89 : memref<1x128x128xf32, #tpu.memory_space<hbm>> -> memref<128x128xf32, #tpu.memory_space<hbm>>
        tpu.wait_dma2 semaphore(%run_scoped3A : memref<!tpu.dma_semaphore, #tpu.memory_space<semaphore_mem>>) src(%arg11 : memref<128x128xf32, #tpu.memory_space<vmem>>) dst(%dma_wait3A_90 : memref<128x128xf32, #tpu.memory_space<hbm>>)
        tpu.yield
      }) : () -> ()
    }
    %scan3A_67 = arith.constant 4 : i32
    %add3A_68 = arith.constant 512 : i32
    %add3A_69 = arith.addi %mul3A_14, %add3A_68 : i32
    "tpu.region"() ({
      %run_scoped3A = tpu.sem_alloc : memref<!tpu.dma_semaphore, #tpu.memory_space<semaphore_mem>>
      %dma_start3A_72 = arith.constant 0 : i32
      %dma_start3A_73 = arith.constant 0 : i32
      %dma_start3A_74 = tpu.memref_slice %arg12[%dma_start3A_72, %dma_start3A_73] : memref<128x128xf32, #tpu.memory_space<vmem>> -> memref<120x128xf32, #tpu.memory_space<vmem>>
      %dma_start3A_75 = arith.constant 0 : i32
      %dma_start3A_76 = tpu.memref_slice %arg15[%add3A_69, %dma_start3A_75] : memref<10112x128xf32, #tpu.memory_space<vmem_shared>> -> memref<120x128xf32, #tpu.memory_space<vmem_shared>>
      %dma_start3A_77 = arith.constant 0 : i32
      %dma_start3A_78 = arith.constant 0 : i32
      %dma_start3A_79 = tpu.memref_slice %arg12[%dma_start3A_77, %dma_start3A_78] : memref<128x128xf32, #tpu.memory_space<vmem>> -> memref<120x128xf32, #tpu.memory_space<vmem>>
      %dma_start3A_80 = arith.constant 0 : i32
      %dma_start3A_81 = tpu.memref_slice %arg15[%add3A_69, %dma_start3A_80] : memref<10112x128xf32, #tpu.memory_space<vmem_shared>> -> memref<120x128xf32, #tpu.memory_space<vmem_shared>>
      tpu.enqueue_dma source(%dma_start3A_81 : memref<120x128xf32, #tpu.memory_space<vmem_shared>>) target(%dma_start3A_79 : memref<120x128xf32, #tpu.memory_space<vmem>>) target_semaphore(%run_scoped3A : memref<!tpu.dma_semaphore, #tpu.memory_space<semaphore_mem>>)
      %dma_wait3A_82 = arith.constant 0 : i32
      %dma_wait3A_83 = arith.constant 0 : i32
      %dma_wait3A_84 = tpu.memref_slice %arg12[%dma_wait3A_82, %dma_wait3A_83] : memref<128x128xf32, #tpu.memory_space<vmem>> -> memref<120x128xf32, #tpu.memory_space<vmem>>
      %dma_wait3A_85 = arith.constant 0 : i32
      %dma_wait3A_86 = tpu.memref_slice %arg15[%add3A_69, %dma_wait3A_85] : memref<10112x128xf32, #tpu.memory_space<vmem_shared>> -> memref<120x128xf32, #tpu.memory_space<vmem_shared>>
      %dma_wait3A_87 = arith.constant 0 : i32
      %dma_wait3A_88 = arith.constant 0 : i32
      %dma_wait3A_89 = tpu.memref_slice %arg12[%dma_wait3A_87, %dma_wait3A_88] : memref<128x128xf32, #tpu.memory_space<vmem>> -> memref<120x128xf32, #tpu.memory_space<vmem>>
      %dma_wait3A_90 = arith.constant 0 : i32
      %dma_wait3A_91 = tpu.memref_slice %arg15[%add3A_69, %dma_wait3A_90] : memref<10112x128xf32, #tpu.memory_space<vmem_shared>> -> memref<120x128xf32, #tpu.memory_space<vmem_shared>>
      tpu.wait_dma2 semaphore(%run_scoped3A : memref<!tpu.dma_semaphore, #tpu.memory_space<semaphore_mem>>) src(%dma_wait3A_91 : memref<120x128xf32, #tpu.memory_space<vmem_shared>>) dst(%dma_wait3A_89 : memref<120x128xf32, #tpu.memory_space<vmem>>)
      tpu.yield
    }) : () -> ()
    %add3A_70 = arith.constant 512 : i32
    %add3A_71 = arith.addi %mul3A_14, %add3A_70 : i32
    "tpu.region"() ({
      %run_scoped3A = tpu.sem_alloc : memref<!tpu.dma_semaphore, #tpu.memory_space<semaphore_mem>>
      %dma_start3A_72 = arith.constant 0 : i32
      %dma_start3A_73 = arith.constant 0 : i32
      %dma_start3A_74 = tpu.memref_slice %arg12[%dma_start3A_72, %dma_start3A_73] : memref<128x128xf32, #tpu.memory_space<vmem>> -> memref<120x128xf32, #tpu.memory_space<vmem>>
      %dma_start3A_75 = arith.constant 0 : i32
      %dma_start3A_76 = tpu.memref_slice %arg5[%arg0, %add3A_71, %dma_start3A_75] : memref<2x10112x128xf32, #tpu.memory_space<hbm>> -> memref<1x120x128xf32, #tpu.memory_space<hbm>>
      %dma_start3A_77 = tpu.memref_squeeze %dma_start3A_76 : memref<1x120x128xf32, #tpu.memory_space<hbm>> -> memref<120x128xf32, #tpu.memory_space<hbm>>
      %dma_start3A_78 = arith.constant 0 : i32
      %dma_start3A_79 = tpu.memref_slice %arg5[%arg0, %add3A_71, %dma_start3A_78] : memref<2x10112x128xf32, #tpu.memory_space<hbm>> -> memref<1x120x128xf32, #tpu.memory_space<hbm>>
      %dma_start3A_80 = tpu.memref_squeeze %dma_start3A_79 : memref<1x120x128xf32, #tpu.memory_space<hbm>> -> memref<120x128xf32, #tpu.memory_space<hbm>>
      %dma_start3A_81 = arith.constant 0 : i32
      %dma_start3A_82 = arith.constant 0 : i32
      %dma_start3A_83 = tpu.memref_slice %arg12[%dma_start3A_81, %dma_start3A_82] : memref<128x128xf32, #tpu.memory_space<vmem>> -> memref<120x128xf32, #tpu.memory_space<vmem>>
      tpu.enqueue_dma source(%dma_start3A_83 : memref<120x128xf32, #tpu.memory_space<vmem>>) target(%dma_start3A_80 : memref<120x128xf32, #tpu.memory_space<hbm>>) target_semaphore(%run_scoped3A : memref<!tpu.dma_semaphore, #tpu.memory_space<semaphore_mem>>)
      %dma_wait3A_84 = arith.constant 0 : i32
      %dma_wait3A_85 = arith.constant 0 : i32
      %dma_wait3A_86 = tpu.memref_slice %arg12[%dma_wait3A_84, %dma_wait3A_85] : memref<128x128xf32, #tpu.memory_space<vmem>> -> memref<120x128xf32, #tpu.memory_space<vmem>>
      %dma_wait3A_87 = arith.constant 0 : i32
      %dma_wait3A_88 = tpu.memref_slice %arg5[%arg0, %add3A_71, %dma_wait3A_87] : memref<2x10112x128xf32, #tpu.memory_space<hbm>> -> memref<1x120x128xf32, #tpu.memory_space<hbm>>
      %dma_wait3A_89 = tpu.memref_squeeze %dma_wait3A_88 : memref<1x120x128xf32, #tpu.memory_space<hbm>> -> memref<120x128xf32, #tpu.memory_space<hbm>>
      %dma_wait3A_90 = arith.constant 0 : i32
      %dma_wait3A_91 = tpu.memref_slice %arg5[%arg0, %add3A_71, %dma_wait3A_90] : memref<2x10112x128xf32, #tpu.memory_space<hbm>> -> memref<1x120x128xf32, #tpu.memory_space<hbm>>
      %dma_wait3A_92 = tpu.memref_squeeze %dma_wait3A_91 : memref<1x120x128xf32, #tpu.memory_space<hbm>> -> memref<120x128xf32, #tpu.memory_space<hbm>>
      %dma_wait3A_93 = arith.constant 0 : i32
      %dma_wait3A_94 = arith.constant 0 : i32
      %dma_wait3A_95 = tpu.memref_slice %arg12[%dma_wait3A_93, %dma_wait3A_94] : memref<128x128xf32, #tpu.memory_space<vmem>> -> memref<120x128xf32, #tpu.memory_space<vmem>>
      tpu.wait_dma2 semaphore(%run_scoped3A : memref<!tpu.dma_semaphore, #tpu.memory_space<semaphore_mem>>) src(%dma_wait3A_95 : memref<120x128xf32, #tpu.memory_space<vmem>>) dst(%dma_wait3A_92 : memref<120x128xf32, #tpu.memory_space<hbm>>)
      tpu.yield
    }) : () -> ()
    "tpu.region"() ({
      %run_scoped3A = tpu.sem_alloc : memref<!tpu.dma_semaphore, #tpu.memory_space<semaphore_mem>>
      %dma_start3A_72 = arith.constant 0 : i32
      %dma_start3A_73 = tpu.memref_slice %arg6[%add3A, %dma_start3A_72] : memref<32x10112xf32, #tpu.memory_space<hbm>> -> memref<1x10112xf32, #tpu.memory_space<hbm>>
      %dma_start3A_74 = tpu.memref_squeeze %dma_start3A_73 : memref<1x10112xf32, #tpu.memory_space<hbm>> -> memref<10112xf32, #tpu.memory_space<hbm>>
      %dma_start3A_75 = arith.constant 0 : i32
      %dma_start3A_76 = tpu.memref_slice %arg6[%add3A, %dma_start3A_75] : memref<32x10112xf32, #tpu.memory_space<hbm>> -> memref<1x10112xf32, #tpu.memory_space<hbm>>
      %dma_start3A_77 = tpu.memref_squeeze %dma_start3A_76 : memref<1x10112xf32, #tpu.memory_space<hbm>> -> memref<10112xf32, #tpu.memory_space<hbm>>
      tpu.enqueue_dma source(%arg14 : memref<10112xf32, #tpu.memory_space<vmem>>) target(%dma_start3A_77 : memref<10112xf32, #tpu.memory_space<hbm>>) target_semaphore(%run_scoped3A : memref<!tpu.dma_semaphore, #tpu.memory_space<semaphore_mem>>)
      %dma_wait3A_78 = arith.constant 0 : i32
      %dma_wait3A_79 = tpu.memref_slice %arg6[%add3A, %dma_wait3A_78] : memref<32x10112xf32, #tpu.memory_space<hbm>> -> memref<1x10112xf32, #tpu.memory_space<hbm>>
      %dma_wait3A_80 = tpu.memref_squeeze %dma_wait3A_79 : memref<1x10112xf32, #tpu.memory_space<hbm>> -> memref<10112xf32, #tpu.memory_space<hbm>>
      %dma_wait3A_81 = arith.constant 0 : i32
      %dma_wait3A_82 = tpu.memref_slice %arg6[%add3A, %dma_wait3A_81] : memref<32x10112xf32, #tpu.memory_space<hbm>> -> memref<1x10112xf32, #tpu.memory_space<hbm>>
      %dma_wait3A_83 = tpu.memref_squeeze %dma_wait3A_82 : memref<1x10112xf32, #tpu.memory_space<hbm>> -> memref<10112xf32, #tpu.memory_space<hbm>>
      tpu.wait_dma2 semaphore(%run_scoped3A : memref<!tpu.dma_semaphore, #tpu.memory_space<semaphore_mem>>) src(%arg14 : memref<10112xf32, #tpu.memory_space<vmem>>) dst(%dma_wait3A_83 : memref<10112xf32, #tpu.memory_space<hbm>>)
      tpu.yield
    }) : () -> ()
    return
  }
}

module attributes {stable_mosaic.version = 14 : i64} {
  func.func @_user_body(%arg0: i32, %arg1: memref<256x10000xf32, #tpu.memory_space<vmem>>, %arg2: memref<10000x128xf32, #tpu.memory_space<vmem>>, %arg3: memref<256x128xf32, #tpu.memory_space<vmem>>, %arg4: memref<4x128xf32, #tpu.memory_space<vmem>>, %arg5: memref<4x32xf32, #tpu.memory_space<vmem>>, %arg6: memref<32x128xf32, #tpu.memory_space<vmem>>, %arg7: memref<256x128xf32, #tpu.memory_space<vmem>>) attributes {dimension_semantics = [#tpu.dimension_semantics<arbitrary>], iteration_bounds = array<i64: 16>, scalar_prefetch = 0 : i64, scratch_operands = 0 : i64, tpu.core_type = #tpu.core_type<tc>, window_params = [{transform_indices = @transform_0, window_bounds = array<i64: 256, 10000>}, {pipeline_mode = #tpu.pipeline_mode<synchronous>, transform_indices = @transform_1, window_bounds = array<i64: 10000, 128>}, {transform_indices = @transform_2, window_bounds = array<i64: 256, 128>}, {pipeline_mode = #tpu.pipeline_mode<synchronous>, transform_indices = @transform_3, window_bounds = array<i64: 4, 128>}, {pipeline_mode = #tpu.pipeline_mode<synchronous>, transform_indices = @transform_4, window_bounds = array<i64: 4, 32>}, {pipeline_mode = #tpu.pipeline_mode<synchronous>, transform_indices = @transform_5, window_bounds = array<i64: 32, 128>}, {transform_indices = @transform_6, window_bounds = array<i64: 256, 128>}]} {
    %get3A = arith.constant 0 : index
    %get3A_0 = arith.constant 0 : index
    %get3A_1 = vector.load %arg1[%get3A, %get3A_0] : memref<256x10000xf32, #tpu.memory_space<vmem>>, vector<256x10000xf32>
    %get3A_2 = arith.constant 0 : index
    %get3A_3 = arith.constant 0 : index
    %get3A_4 = vector.load %arg2[%get3A_2, %get3A_3] : memref<10000x128xf32, #tpu.memory_space<vmem>>, vector<10000x128xf32>
    %dot_general3A = arith.constant dense<0.000000e+00> : vector<256x128xf32>
    %dot_general3A_5 = tpu.matmul %get3A_1, %get3A_4, %dot_general3A {dimension_numbers = #tpu.dot_dimension_numbers<[1], [0], [0], [1], [0, 0, 1, 1], [], []>, transpose_lhs_hint = false} : vector<256x10000xf32>, vector<10000x128xf32>, vector<256x128xf32> -> vector<256x128xf32>
    %get3A_6 = arith.constant 0 : index
    %get3A_7 = arith.constant 0 : index
    %get3A_8 = vector.load %arg3[%get3A_6, %get3A_7] : memref<256x128xf32, #tpu.memory_space<vmem>>, vector<256x128xf32>
    %get3A_9 = arith.constant 0 : index
    %get3A_10 = arith.constant 0 : index
    %get3A_11 = vector.load %arg4[%get3A_9, %get3A_10] : memref<4x128xf32, #tpu.memory_space<vmem>>, vector<4x128xf32>
    %dot_general3A_12 = arith.constant dense<0.000000e+00> : vector<256x4xf32>
    %dot_general3A_13 = tpu.matmul %get3A_8, %get3A_11, %dot_general3A_12 {dimension_numbers = #tpu.dot_dimension_numbers<[1], [1], [0], [0], [0, 0, 1, 0], [], []>, transpose_lhs_hint = false} : vector<256x128xf32>, vector<4x128xf32>, vector<256x4xf32> -> vector<256x4xf32>
    %reduce_max3A = arith.constant dense<0xFF800000> : vector<256xf32>
    %reduce_max3A_14 = vector.multi_reduction <maximumf>, %dot_general3A_13, %reduce_max3A [1] : vector<256x4xf32> to vector<256xf32>
    %max3A = arith.constant 0xFF800000 : f32
    %max3A_15 = vector.broadcast %max3A : f32 to vector<256xf32>
    %max3A_16 = arith.maximumf %max3A_15, %reduce_max3A_14 : vector<256xf32>
    %broadcast_in_dim3A = vector.shape_cast %max3A_16 : vector<256xf32> to vector<256x1xf32>
    %sub3A = vector.broadcast %broadcast_in_dim3A : vector<256x1xf32> to vector<256x4xf32>
    %sub3A_17 = arith.subf %dot_general3A_13, %sub3A : vector<256x4xf32>
    %exp3A = math.exp %sub3A_17 : vector<256x4xf32>
    %reduce_sum3A = arith.constant dense<0.000000e+00> : vector<256xf32>
    %reduce_sum3A_18 = vector.multi_reduction <add>, %exp3A, %reduce_sum3A [1] : vector<256x4xf32> to vector<256xf32>
    %broadcast_in_dim3A_19 = vector.shape_cast %reduce_sum3A_18 : vector<256xf32> to vector<256x1xf32>
    %div3A = vector.broadcast %broadcast_in_dim3A_19 : vector<256x1xf32> to vector<256x4xf32>
    %div3A_20 = arith.divf %exp3A, %div3A : vector<256x4xf32>
    %get3A_21 = arith.constant 0 : index
    %get3A_22 = arith.constant 0 : index
    %get3A_23 = vector.load %arg5[%get3A_21, %get3A_22] : memref<4x32xf32, #tpu.memory_space<vmem>>, vector<4x32xf32>
    %reduce_max3A_24 = arith.constant dense<0xFF800000> : vector<4xf32>
    %reduce_max3A_25 = vector.multi_reduction <maximumf>, %get3A_23, %reduce_max3A_24 [1] : vector<4x32xf32> to vector<4xf32>
    %max3A_26 = arith.constant 0xFF800000 : f32
    %max3A_27 = vector.broadcast %max3A_26 : f32 to vector<4xf32>
    %max3A_28 = arith.maximumf %max3A_27, %reduce_max3A_25 : vector<4xf32>
    %broadcast_in_dim3A_29 = vector.shape_cast %max3A_28 : vector<4xf32> to vector<4x1xf32>
    %sub3A_30 = vector.broadcast %broadcast_in_dim3A_29 : vector<4x1xf32> to vector<4x32xf32>
    %sub3A_31 = arith.subf %get3A_23, %sub3A_30 : vector<4x32xf32>
    %exp3A_32 = math.exp %sub3A_31 : vector<4x32xf32>
    %reduce_sum3A_33 = arith.constant dense<0.000000e+00> : vector<4xf32>
    %reduce_sum3A_34 = vector.multi_reduction <add>, %exp3A_32, %reduce_sum3A_33 [1] : vector<4x32xf32> to vector<4xf32>
    %broadcast_in_dim3A_35 = vector.shape_cast %reduce_sum3A_34 : vector<4xf32> to vector<4x1xf32>
    %div3A_36 = vector.broadcast %broadcast_in_dim3A_35 : vector<4x1xf32> to vector<4x32xf32>
    %div3A_37 = arith.divf %exp3A_32, %div3A_36 : vector<4x32xf32>
    %get3A_38 = arith.constant 0 : index
    %get3A_39 = arith.constant 0 : index
    %get3A_40 = vector.load %arg6[%get3A_38, %get3A_39] : memref<32x128xf32, #tpu.memory_space<vmem>>, vector<32x128xf32>
    %dot_general3A_41 = arith.constant dense<0.000000e+00> : vector<4x128xf32>
    %dot_general3A_42 = tpu.matmul %div3A_37, %get3A_40, %dot_general3A_41 {dimension_numbers = #tpu.dot_dimension_numbers<[1], [0], [0], [1], [0, 0, 1, 1], [], []>, transpose_lhs_hint = false} : vector<4x32xf32>, vector<32x128xf32>, vector<4x128xf32> -> vector<4x128xf32>
    %dot_general3A_43 = arith.constant dense<0.000000e+00> : vector<256x128xf32>
    %dot_general3A_44 = tpu.matmul %div3A_20, %dot_general3A_42, %dot_general3A_43 {dimension_numbers = #tpu.dot_dimension_numbers<[1], [0], [0], [1], [0, 0, 1, 1], [], []>, transpose_lhs_hint = false} : vector<256x4xf32>, vector<4x128xf32>, vector<256x128xf32> -> vector<256x128xf32>
    %add3A = arith.constant 1.000000e+00 : f32
    %add3A_45 = vector.broadcast %add3A : f32 to vector<256x128xf32>
    %add3A_46 = arith.addf %add3A_45, %dot_general3A_44 : vector<256x128xf32>
    %mul3A = arith.mulf %dot_general3A_5, %add3A_46 : vector<256x128xf32>
    %swap3A = arith.constant 0 : index
    %swap3A_47 = arith.constant 0 : index
    %swap3A_48 = vector.load %arg7[%swap3A, %swap3A_47] : memref<256x128xf32, #tpu.memory_space<vmem>>, vector<256x128xf32>
    tpu.vector_store %arg7[%swap3A, %swap3A_47], %mul3A {strides = array<i32>} : memref<256x128xf32, #tpu.memory_space<vmem>>, vector<256x128xf32>,
    return
  }
  func.func @transform_0(%arg0: i32) -> (i32, i32) {
    %c0_i32 = arith.constant 0 : i32
    %c0_i32_0 = arith.constant 0 : i32
    return %arg0, %c0_i32 : i32, i32
  }
  func.func @transform_1(%arg0: i32) -> (i32, i32) {
    %c0_i32 = arith.constant 0 : i32
    %c0_i32_0 = arith.constant 0 : i32
    %c0_i32_1 = arith.constant 0 : i32
    return %c0_i32, %c0_i32_0 : i32, i32
  }
  func.func @transform_2(%arg0: i32) -> (i32, i32) {
    %c0_i32 = arith.constant 0 : i32
    %c0_i32_0 = arith.constant 0 : i32
    return %arg0, %c0_i32 : i32, i32
  }
  func.func @transform_3(%arg0: i32) -> (i32, i32) {
    %c0_i32 = arith.constant 0 : i32
    %c0_i32_0 = arith.constant 0 : i32
    %c0_i32_1 = arith.constant 0 : i32
    return %c0_i32, %c0_i32_0 : i32, i32
  }
  func.func @transform_4(%arg0: i32) -> (i32, i32) {
    %c0_i32 = arith.constant 0 : i32
    %c0_i32_0 = arith.constant 0 : i32
    %c0_i32_1 = arith.constant 0 : i32
    return %c0_i32, %c0_i32_0 : i32, i32
  }
  func.func @transform_5(%arg0: i32) -> (i32, i32) {
    %c0_i32 = arith.constant 0 : i32
    %c0_i32_0 = arith.constant 0 : i32
    %c0_i32_1 = arith.constant 0 : i32
    return %c0_i32, %c0_i32_0 : i32, i32
  }
  func.func @transform_6(%arg0: i32) -> (i32, i32) {
    %c0_i32 = arith.constant 0 : i32
    %c0_i32_0 = arith.constant 0 : i32
    return %arg0, %c0_i32 : i32, i32
  }
}

module attributes {stable_mosaic.version = 14 : i64} {
  func.func @_combine_body(%arg0: memref<2x10112x128xf32, #tpu.memory_space<vmem>>, %arg1: memref<32x10112xf32, #tpu.memory_space<vmem>>, %arg2: memref<10112x128xf32, #tpu.memory_space<vmem>>) attributes {dimension_semantics = [], scalar_prefetch = 0 : i64, scratch_operands = 0 : i64, tpu.core_type = #tpu.core_type<tc>} {
    %get3A = arith.constant 0 : index
    %get3A_0 = arith.constant 0 : index
    %get3A_1 = arith.constant 0 : index
    %get3A_2 = vector.load %arg0[%get3A, %get3A_0, %get3A_1] : memref<2x10112x128xf32, #tpu.memory_space<vmem>>, vector<1x10112x128xf32>
    %get3A_3 = vector.shape_cast %get3A_2 : vector<1x10112x128xf32> to vector<10112x128xf32>
    %get3A_4 = arith.constant 1 : index
    %get3A_5 = arith.constant 0 : index
    %get3A_6 = arith.constant 0 : index
    %get3A_7 = vector.load %arg0[%get3A_4, %get3A_5, %get3A_6] : memref<2x10112x128xf32, #tpu.memory_space<vmem>>, vector<1x10112x128xf32>
    %get3A_8 = vector.shape_cast %get3A_7 : vector<1x10112x128xf32> to vector<10112x128xf32>
    %add3A = arith.addf %get3A_3, %get3A_8 : vector<10112x128xf32>
    %get3A_9 = arith.constant 0 : index
    %get3A_10 = arith.constant 0 : index
    %get3A_11 = vector.load %arg1[%get3A_9, %get3A_10] : memref<32x10112xf32, #tpu.memory_space<vmem>>, vector<32x10112xf32>
    %transpose3A = tpu.transpose %get3A_11, [1, 0] : vector<32x10112xf32> -> vector<10112x32xf32>
    %reduce_sum3A = arith.constant dense<0.000000e+00> : vector<10112xf32>
    %reduce_sum3A_12 = vector.multi_reduction <add>, %transpose3A, %reduce_sum3A [1] : vector<10112x32xf32> to vector<10112xf32>
    %broadcast_in_dim3A = vector.shape_cast %reduce_sum3A_12 : vector<10112xf32> to vector<10112x1xf32>
    %jit3A = arith.constant 1.000000e+00 : f32
    %max3A = vector.broadcast %jit3A : f32 to vector<10112x1xf32>
    %max3A_13 = arith.maximumf %max3A, %broadcast_in_dim3A : vector<10112x1xf32>
    %div3A = vector.broadcast %max3A_13 : vector<10112x1xf32> to vector<10112x128xf32>
    %div3A_14 = arith.divf %add3A, %div3A : vector<10112x128xf32>
    %swap3A = arith.constant 0 : index
    %swap3A_15 = arith.constant 0 : index
    %swap3A_16 = vector.load %arg2[%swap3A, %swap3A_15] : memref<10112x128xf32, #tpu.memory_space<vmem>>, vector<10112x128xf32>
    tpu.vector_store %arg2[%swap3A, %swap3A_15], %div3A_14 {strides = array<i32>} : memref<10112x128xf32, #tpu.memory_space<vmem>>, vector<10112x128xf32>,
    return
  }
}

</mosaic_0001>

<sc_bundles>
// kernel: kernel.5.cloned.1.call-start
scs
__scs_entry_jumppad:
0x0: {  	(pc) =	sbr.rel $0x88, $3  }
0x1: {  	(tag) =	ssettag $0x0;
	lr =	simm.s32 $0x1  }
0x2: {  	[smem:$0x3F99] =	sst lr;
	_ =	strace $0xD0000000  }
0x3: {  	_ = 	snop  }
0x4: {  	_ = 	snop  }
0x5: {  	_ = 	snop  }
0x6: {  	_ = 	snop  }
0x7: {  	_ = 	snop  }
__scs_overlays_trampoline_lowered:
0x8: {  	[smem:$0x3FA8] =	sst s0  }
0x9: {  	[smem:$0x3FA9] =	sst s1  }
0xa: {  	[smem:$0x3FAA] =	sst s2  }
0xb: {  	[smem:$0x3FAB] =	sst s3  }
0xc: {  	[smem:$0x3FAC] =	sst s4  }
0xd: {  	[smem:$0x3FAD] =	sst s5  }
0xe: {  	[smem:$0x3FAE] =	sst s6  }
0xf: {  	[smem:$0x3FAF] =	sst s7  }
0x10: {  	[smem:$0x3FB0] =	sst s8  }
0x11: {  	[smem:$0x3FB1] =	sst s9;
	s0 =	simm.s32 @!p0 $0x0  }
0x12: {  	s1 =	sld [smem:$0x3F97];
	s0 =	simm.s32 @p0 $0x1  }
0x13: {  	[smem:$0x3FB2] =	sst s0;
	s0 =	simm.s32 @!p1 $0x0  }
0x14: {  	s2 =	sld [smem:$0x3F96];
	s0 =	simm.s32 @p1 $0x1  }
0x15: {  	[smem:$0x3FB3] =	sst s0;
	s0 =	simm.s32 @!p2 $0x0  }
0x16: {  	s3 =	sld [smem:$0x3FDB];
	s0 =	simm.s32 @p2 $0x1  }
0x17: {  	s4 =	simm.s32 $0x1BF5;
	[smem:$0x3FB5] =	sst s0  }
0x18: {  	s0 =	sld [smem:$0x3F98];
	_ =	swait.ge [sflag:s4], $0x0  }
0x19: {  	s7 =	sld [smem:$0x3F99]  }
0x1a: {  	s8 =	sadd.s32 $0xFFFFE003, lr  }
0x1b: {  	s9 =	sadd.s32 $0xFFFFFEF7, lr;
	s5 =	simm.s32 $0xFFFFFFFF;
	p2 =	slt.u32 s8, $0xFFFFF086  }
0x1c: {  	p1 =	slt.u32 s9, $0xF7A;
	s5 =	simm.s32 @!p2 $0x0  }
0x1d: {  	s5 =	simm.s32 @p1 $0x1;
	p0 =	seq.s32 s7, s2  }
0x1e: {  	s7 =	smul.u32 @!p0 $0xF7A, s2;
	p2 =	seq.s32 @!p0 s5, $0x0  }
0x1f: {  	s9 =	smul.u32 $0xF7A, s1;
	s8 =	simm.s32 @!p0 $0x1BF5;
	p2 =	por !p2, p0  }
0x20: {  	[sflag:s8] =	ssyncset.s32 @!p0 $0xFFFFF086;
	s6 =	sadd.s32 @!p0 s3, s7;
	s7 =	simm.s32 @!p0 $0x108  }
0x21: {  	s3 =	sadd.s32 s3, s9;
	s6 =	sadd.s32 @!p0 $0x88, s6;
	s7 =	simm.s32 @p2 $0x1082  }
0x22: {  	[simem:s7], [sflag:s8] =	dma.local @!p0 [hbm:s6], $0xF7A  }
0x23: {  	s9 =	sor.u32 $0xD0000000, s2;
	s6 =	simm.s32 $0x108;
	_ =	swait.ge @!p0 [sflag:s8], $0x0  }
0x24: {  	s3 =	sadd.s32 $0x88, s3;
	s6 =	simm.s32 @!p1 $0x1082;
	[sflag:s4] =	ssyncset.s32 $0xFFFFF086  }
0x25: {  	[simem:s6], [sflag:s4] =	dma.local [hbm:s3], $0xF7A  }
0x26: {  	[smem:$0x3F99] =	sst s1;
	(tag) =	ssettag s2;
	_ =	strace s9  }
0x27: {  	s1 =	sld [smem:$0x3FA9]  }
0x28: {  	s2 =	sld [smem:$0x3FAA]  }
0x29: {  	s4 =	sld [smem:$0x3FAC]  }
0x2a: {  	p0 =	seq.s32 s5, $0x0;
	s5 =	sld [smem:$0x3FAD]  }
0x2b: {  	s6 =	sld [smem:$0x3FAE]  }
0x2c: {  	s7 =	sld [smem:$0x3FAF]  }
0x2d: {  	s3 =	simm.s32 $0x108;
	s8 =	sld [smem:$0x3FB0]  }
0x2e: {  	s3 =	simm.s32 @!p0 $0x1082;
	s9 =	sld [smem:$0x3FB1]  }
0x2f: {  	lr =	sadd.s32 s0, s3;
	s0 =	sld [smem:$0x3FA8]  }
0x30: {  	s3 =	sld [smem:$0x3FAB]  }
0x31: {  	[smem:$0x3FB4] =	sst s10  }
0x32: {  	s10 =	sld [smem:$0x3FB2];
	_ =	sdelay $0x3  }
0x33: {  	p0 =	seq.s32 s10, $0x1;
	s10 =	sld [smem:$0x3FB4];
	_ =	sdelay $0x3  }
0x34: {  	[smem:$0x3FB4] =	sst s10  }
0x35: {  	s10 =	sld [smem:$0x3FB3];
	_ =	sdelay $0x3  }
0x36: {  	p1 =	seq.s32 s10, $0x1;
	s10 =	sld [smem:$0x3FB4];
	_ =	sdelay $0x3  }
0x37: {  	[smem:$0x3FB4] =	sst s10  }
0x38: {  	s10 =	sld [smem:$0x3FB5]  }
0x39: {  	_ = 	snop;
	(pc) =	sbr.ind lr, $3  }
0x3a: {  	_ = 	snop  }
0x3b: {  	_ = 	snop  }
0x3c: {  	p2 =	seq.s32 s10, $0x1;
	s10 =	sld [smem:$0x3FB4]  }
0x3d: {  	_ =	shalt  }
0x3e: {  	_ =	shalt  }
0x3f: {  	_ =	shalt  }
0x40: {  	_ =	shalt  }
0x41: {  	_ =	shalt  }
0x42: {  	_ =	shalt  }
0x43: {  	_ =	shalt  }
0x44: {  	_ =	shalt  }
0x45: {  	_ =	shalt  }
0x46: {  	_ =	shalt  }
0x47: {  	_ =	shalt  }
0x48: {  	_ =	shalt  }
0x49: {  	_ =	shalt  }
0x4a: {  	_ =	shalt  }
0x4b: {  	_ =	shalt  }
0x4c: {  	_ =	shalt  }
0x4d: {  	_ =	shalt  }
0x4e: {  	_ =	shalt  }
0x4f: {  	_ =	shalt  }
0x50: {  	_ =	shalt  }
0x51: {  	_ =	shalt  }
0x52: {  	_ =	shalt  }
0x53: {  	_ =	shalt  }
0x54: {  	_ =	shalt  }
0x55: {  	_ =	shalt  }
0x56: {  	_ =	shalt  }
0x57: {  	_ =	shalt  }
0x58: {  	_ =	shalt  }
0x59: {  	_ =	shalt  }
0x5a: {  	_ =	shalt  }
0x5b: {  	_ =	shalt  }
0x5c: {  	_ =	shalt  }
0x5d: {  	_ =	shalt  }
0x5e: {  	_ =	shalt  }
0x5f: {  	_ =	shalt  }
0x60: {  	_ =	shalt  }
0x61: {  	_ =	shalt  }
0x62: {  	_ =	shalt  }
0x63: {  	_ =	shalt  }
0x64: {  	_ =	shalt  }
0x65: {  	_ =	shalt  }
0x66: {  	_ =	shalt  }
0x67: {  	_ =	shalt  }
0x68: {  	_ =	shalt  }
0x69: {  	_ =	shalt  }
0x6a: {  	_ =	shalt  }
0x6b: {  	_ =	shalt  }
0x6c: {  	_ =	shalt  }
0x6d: {  	_ =	shalt  }
0x6e: {  	_ =	shalt  }
0x6f: {  	_ =	shalt  }
0x70: {  	_ =	shalt  }
0x71: {  	_ =	shalt  }
0x72: {  	_ =	shalt  }
0x73: {  	_ =	shalt  }
0x74: {  	_ =	shalt  }
0x75: {  	_ =	shalt  }
0x76: {  	_ =	shalt  }
0x77: {  	_ =	shalt  }
0x78: {  	_ =	shalt  }
0x79: {  	_ =	shalt  }
0x7a: {  	_ =	shalt  }
0x7b: {  	_ =	shalt  }
0x7c: {  	_ =	shalt  }
0x7d: {  	_ =	shalt  }
0x7e: {  	_ =	shalt  }
0x7f: {  	_ =	shalt  }
0x80: {  	_ =	shalt  }
0x81: {  	_ =	shalt  }
0x82: {  	_ =	shalt  }
0x83: {  	_ =	shalt  }
0x84: {  	_ =	shalt  }
0x85: {  	_ =	shalt  }
0x86: {  	_ =	shalt  }
0x87: {  	_ =	shalt  }
.Lfunc_end0:
.L_simem_size_0:
called_computation_lowered:
.L_overlay_start_0:
0x88: {  	s2 =	sld [smem:$0x3FD9]  }
0x89: {  	s3 =	sld [smem:$0x3FFE];
	_ =	sdelay $0x1  }
0x8a: {  	s1 =	srdreg.scid  }
0x8b: {  	s0 =	sand.u32 $0x1, s1  }
0x8c: {  	s14 =	sshll.u32 s0, $0xA;
	s2 =	sadd.s32 s3, s2  }
0x8d: {  	s2 =	sadd.s32 s2, s14  }
0x8e: {  	[smem:$0x3FC0] =	sst s2  }
0x8f: {  	_ = 	snop  }
0x90: {  	s2 =	sld [smem:$0x3FD0];
	_ =	sdelay $0x1  }
0x91: {  	s15 =	sld [smem:$0x3FC9]  }
0x92: {  	s5 =	simm.s32 $0xA;
	s6 =	simm.s32 $0x10;
	s4 =	sld [smem:$0x3FC3]  }
0x93: {  	[smem:s6], [sflag:s5] =	dma.local [hbm:s2], $0x1  }
0x94: {  	_ =	swait.eq [sflag:s5], $0x1  }
0x95: {  	[sflag:s5] =	ssyncset.done $0x0  }
0x96: {  	[sflag:s5] =	ssyncadd.s32 $0xFFFFFFFF  }
0x97: {  	s16 =	sld [smem:$0x10];
	(tm) =	ssettm $0x1  }
0x98: {  	s17 =	sld [smem:$0x3FFB];
	_ =	sdelay $0x3  }
0x99: {  	_ =	strace s17  }
0x9a: {  	s5 =	sld [smem:$0x3FFC];
	_ =	sdelay $0x3  }
0x9b: {  	_ =	strace s5  }
0x9c: {  	s5 =	sld [smem:$0x3FFD];
	_ =	sdelay $0x3  }
0x9d: {  	_ =	strace s5  }
0x9e: {  	_ =	strace $0x8FFFFFFF  }
0x9f: {  	s18 =	sld [smem:$0x3FDB];
	_ =	sdelay $0x1  }
0xa0: {  	s19 =	simm.s32 $_scs_section_size  }
0xa1: {  	s7 =	simm.s32 $_size__tile_overlayer_lowered;
	s8 =	simm.s32 $_tile_overlayer_lowered  }
0xa2: {  	s22 =	simm.s32 $0x1BFF;
	s21 =	sshll.u32 s8, $0x1;
	s5 =	sadd.s32 s19, s18  }
0xa3: {  	s9 =	simm.s32 $0x0;
	s20 =	sshll.u32 s7, $0x1;
	s7 =	sadd.s32 s21, s5  }
0xa4: {  	[timem:s9], [sflag:s22] =	dma.local [hbm:s7], s20  }
0xa5: {  	_ =	swait.ge [sflag:s22], s20  }
0xa6: {  	s6 =	ssub.s32 $0x0, s20;
	[sflag:s22] =	ssyncset.done $0x0  }
0xa7: {  	[sflag:s22] =	ssyncadd.s32 s6;
	_ =	sdelay $0x1  }
0xa8: {  	s23 =	simm.s32 $0x1B8B  }
0xa9: {  	_ =	swait.ge [sflag:s23], $0x1  }
0xaa: {  	[sflag:s23] =	ssyncset.done $0x0  }
0xab: {  	s25 =	simm.s32 $0x1B8E;
	s24 =	sld [smem:$0x3FFE];
	[sflag:s23] =	ssyncadd.s32 $0xFFFFFFFF  }
0xac: {  	s26 =	simm.s32 $execute0_lowered;
	[smem:$0x3FD2] =	sst s25  }
0xad: {  	s7 =	sshll.u32 s26, $0x1;
	_ =	strace $0x80000046;
	[dreg:$0x1] =	wrdreg $0xFFFFFFFF  }
0xae: {  	s28 =	simm.s32 $_size_execute0_lowered;
	s5 =	sadd.s32 s5, s7;
	[dreg:$0x0] =	wrdreg $0x0  }
0xaf: {  	s7 =	sshll.u32 s28, $0x1;
	[dreg:$0x2] =	wrdreg s5  }
0xb0: {  	[dreg:$0x3] =	wrdreg s7  }
0xb1: {  	[dreg:$0x4] =	wrdreg $0xC0  }
0xb2: {  	_ =	task [dreg:s9], $0x5FFFF  }
0xb3: {  	[dreg:$0x1] =	wrdreg $0xFFFFFFFF  }
0xb4: {  	[dreg:$0x0] =	wrdreg $0x60  }
0xb5: {  	[dreg:$0x2] =	wrdreg s15  }
0xb6: {  	[dreg:$0x3] =	wrdreg s4  }
0xb7: {  	[dreg:$0x4] =	wrdreg s24  }
0xb8: {  	[dreg:$0x5] =	wrdreg s16  }
0xb9: {  	[dreg:$0x6] =	wrdreg $0xBC800  }
0xba: {  	[dreg:$0x7] =	wrdreg $0x9  }
0xbb: {  	_ =	task.clear_ibuf [dreg:s9], $0x8FFFF;
	_ =	strace $0x90000046  }
0xbc: {  	s29 =	simm.s32 $0x9;
	_ =	strace $0x80000048  }
0xbd: {  	_ =	swait.ge [sflag:s29], $0x1  }
0xbe: {  	[sflag:s29] =	ssyncadd.s32 $0xFFFFFFFF  }
0xbf: {  	_ =	strace $0x90000048  }
0xc0: {  	_ =	sfence  }
0xc1: {  	s30 =	sld [smem:$0x0];
	_ =	sdelay $0x2  }
0xc2: {  	s31 =	sshll.u32 s1, $0xD;
	s1 =	sshrl.u32 s1, $0x2  }
0xc3: {  	s3 =	sand.u32 $0x4000, s31;
	s1 =	sadd.s32 s1, s30  }
0xc4: {  	s0 =	sor.u32 s3, s0;
	s1 =	sshll.u32 s1, $0x11  }
0xc5: {  	s0 =	sor.u32 s1, s0  }
0xc6: {  	s0 =	sadd.s32 $0x8F2B, s0  }
0xc7: {  	[sflag:s0] =	ssyncadd.remote.s32 $0x1  }
0xc8: {  	_ =	sfence.sel $0xFFFF  }
0xc9: {  	[dreg:$0x0] =	wrdreg $0xFFFFFFFF;
	(pc) =	sbr.abs _section_cstart, $3  }
0xca: {  	[dreg:$0x1] =	wrdreg $0xFFFFFFFF  }
0xcb: {  	_ =	task.clear_ibuf [dreg:s9], $0x2FFFF;
	_ =	strace $0x9FFFFFFF  }
0xcc: {  	(tm) =	ssettm $0x7FFFFFFF  }
0xcd: {  	_ =	shalt  }
tec
execute0_lowered:
.L_overlay_start_1:
0x0: {  	(tag) =	ssettag $0x1  }
0x1: {  	s1 =	rddreg [dreg:$0x0]  }
0x2: {  	s0 =	rddreg [dreg:$0x2]  }
0x3: {  	s2 =	rddreg [dreg:$0x3]  }
0x4: {  	s3 =	rddreg [dreg:$0x4];
	s4 =	simm.s32 $0x0  }
0x5: {  	s5 =	srdreg.scid;
	s15 =	stileid.u32;
	s28 =	simm.s32 $0x7  }
0x6: {  	s29 =	simm.s32 $0x500;
	s30 =	simm.s32 $0x200;
	s31 =	simm.s32 $0x80  }
0x7: {  	[smem:$0x7FF] =	sst s4;
	s5 =	sand.u32 $0x1, s5;
	s9 =	smul.u32 $0x4F000, s15  }
0x8: {  	s8 =	sshll.u32 s15, $0x1;
	s13 =	smul.u32 $0x13C00, s15;
	s15 =	sshrl.u32 s15, $0x2  }
0x9: {  	s7 =	ssub.s32 $0x2, s5;
	s11 =	sor.u32 s5, s8;
	s5 =	smul.u32 $0x13C000, s5  }
0xa: {  	s6 =	sadd.s32 $0x1600, s0;
	s0 =	sadd.s32 $0x29600, s0;
	s15 =	smul.u32 $0x13C00, s15  }
0xb: {  	_ =	strace $0x80000047;
	s10 =	sshrl.u32 s7, $0x1;
	s12 =	smul.u32 $0x50, s11  }
0xc: {  	s24 =	sshrl.u32 s9, $0x2;
	s14 =	sadd.s32 $0x10000, s13;
	s25 =	smul.u32 $0x1400, s11  }
0xd: {  	s11 =	sshll.u32 s11, $0x7;
	s20 =	sadd.s32 $0x4000, s13;
	s21 =	sadd.s32 $0x8000, s13  }
0xe: {  	s10 =	ssub.s32 s7, s10;
	s7 =	sadd.s32 s24, s3;
	s8 =	sadd.s32 s14, s3  }
0xf: {  	s14 =	sadd.s32 s5, s14;
	s26 =	sand.u32 $0x380, s11;
	s17 =	sadd.s32 s5, s13  }
0x10: {  	s22 =	sadd.s32 s5, s20;
	s23 =	sadd.s32 s5, s21;
	s13 =	sadd.s32 $0xC000, s13  }
0x11: {  	s9 =	sadd.s32 s6, s25;
	s11 =	sor.u32 $0x2, s12;
	s14 =	sshrl.u32 s14, $0x3  }
0x12: {  	s15 =	sor.u32 s15, s26;
	s12 =	sor.u32 $0x3, s12;
	s18 =	sadd.s32 $0x4000, s7  }
0x13: {  	s19 =	sadd.s32 $0x8000, s7;
	s5 =	sadd.s32 s5, s13;
	[dreg:$0xa] =	wrdreg s18  }
0x14: {  	s25 =	sadd.s32 $0xC000, s7;
	s26 =	sadd.s32 s20, s3;
	[dreg:$0xb] =	wrdreg s19  }
0x15: {  	s16 =	sadd.s32 $0x40, s9;
	s14 =	sadd.s32 s0, s14;
	[dreg:$0x10] =	wrdreg s25  }
0x16: {  	s15 =	sshrl.u32 s15, $0x3;
	s5 =	sshrl.u32 s5, $0x3;
	[dreg:$0x11] =	wrdreg s26  }
0x17: {  	s25 =	sadd.s32 s13, s3;
	s26 =	simm.s32 $0x9500;
	[dreg:$0x6] =	wrdreg s16  }
0x18: {  	s13 =	simm.s32 $0x4;
	s18 =	simm.s32 $0x0;
	[dreg:$0x7] =	wrdreg s14  }
0x19: {  	s2 =	sadd.s32 s2, s15;
	s16 =	smax.u32 s10, $0x1;
	s14 =	sshrl.u32 s22, $0x3  }
0x1a: {  	s15 =	sshrl.u32 s23, $0x3;
	s10 =	simm.s32 $0x400;
	[dreg:$0x8] =	wrdreg s2  }
0x1b: {  	[dreg:$0x9] =	wrdreg s16;
	s2 =	sshrl.u32 s17, $0x3;
	s14 =	sadd.s32 s0, s14  }
0x1c: {  	s24 =	sadd.s32 s0, s15;
	s15 =	simm.s32 $0x5;
	s16 =	simm.s32 $0x480  }
0x1d: {  	s17 =	simm.s32 $0x6;
	s2 =	sadd.s32 s0, s2;
	[dreg:$0xd] =	wrdreg s14  }
0x1e: {  	[dreg:$0xe] =	wrdreg s24;
	s0 =	sadd.s32 s0, s5;
	s24 =	sadd.s32 s21, s3  }
0x1f: {  	s5 =	simm.s32 $0x2;
	s14 =	simm.s32 $0x1;
	[dreg:$0xc] =	wrdreg s2  }
0x20: {  	v0 =	vimm.f32 $0.0e+00;
	v1 =	vimm.f32 $1.000000000e+00;
	[dreg:$0xf] =	wrdreg s0;
	s0 =	simm.s32 $0x3;
	s2 =	simm.s32 $0x4500  }
.LBB2_1:
0x21: {  	s19 =	rddreg [dreg:$0x1];
	s20 =	simm.s32 $0x8500  }
0x22: {  	[tilespmem:s20], [sflag:$0x7] =	stream.linear.gather [hbm4b:s19+s4], $0x1000, $0x38;
	[tilespmem:$0x1F880] =	vst v63  }
0x23: {  	_ =	swait.ge [sflag:s28], $0x1000  }
0x24: {  	[sflag:s28] =	ssyncset.done $0x0  }
0x25: {  	s19 =	simm.s32 $0x0;
	s20 =	simm.s32 $0x200;
	[sflag:s28] =	ssyncadd.s32 $0xFFFFF000  }
.LBB2_2:
0x26: {  	p0 =	sne.s32 s20, $0xFE00;
	[tilespmem:s19+$0x570] =	vst v0  }
0x27: {  	[tilespmem:s19+$0x500] =	vst v0  }
0x28: {  	[tilespmem:s19+$0x510] =	vst v0  }
.Ltmp0:
0x29: {  	[tilespmem:s19+$0x520] =	vst v0;
	(pc) =	sbr.rel @p0 .LBB2_2-.Ltmp0, $4  }
0x2a: {  	[tilespmem:s19+$0x530] =	vst v0  }
0x2b: {  	[tilespmem:s19+$0x540] =	vst v0  }
0x2c: {  	[tilespmem:s19+$0x550] =	vst v0  }
0x2d: {  	[tilespmem:s19+$0x560] =	vst v0;
	s19 =	sshra.s32 s20, $0x2;
	s20 =	sadd.s32 $0x200, s20  }
0x2e: {  	[tilespmem:s19+$0x570] =	vst v0  }
0x2f: {  	[tilespmem:s19+$0x500] =	vst v0  }
0x30: {  	[tilespmem:s19+$0x510] =	vst v0  }
0x31: {  	[tilespmem:s19+$0x520] =	vst v0  }
0x32: {  	[tilespmem:s19+$0x530] =	vst v0  }
0x33: {  	[tilespmem:s19+$0x540] =	vst v0  }
0x34: {  	[tilespmem:s19+$0x550] =	vst v0  }
0x35: {  	[tilespmem:s19+$0x560] =	vst v0;
	s19 =	simm.s32 $0x40;
	s20 =	simm.s32 $0x0  }
.LBB2_4:
0x36: {  	p0 =	sne.s32 s19, $0x9DC0;
	[tilespmem:s20+$0x9500] =	vst v0;
	s20 =	smov.u32 s19;
	s19 =	sadd.s32 $0x40, s19  }
.Ltmp1:
0x37: {  	(pc) =	sbr.rel @p0 .LBB2_4-.Ltmp1, $2  }
0x38: {  	_ =	sdelay $0x2  }
0x39: {  	s20 =	sshra.s32 s20, $0x2  }
0x3a: {  	[tilespmem:s20+$0x9500] =	vst v0  }
0x3b: {  	[spmem:s7] =	stream.linear.scatter [tilespmem:s29], [sflag:$0x7], $0x4000, $0x38;
	[tilespmem:$0x1F880] =	vst v63  }
0x3c: {  	_ =	swait.ge [sflag:s28], $0x4000  }
0x3d: {  	[sflag:s28] =	ssyncset.done $0x0  }
0x3e: {  	s19 =	rddreg [dreg:$0xa];
	[sflag:s28] =	ssyncadd.s32 $0xFFFFC000  }
0x3f: {  	[spmem:s19] =	stream.linear.scatter [tilespmem:s29], [sflag:$0x7], $0x4000, $0x38;
	[tilespmem:$0x1F880] =	vst v63  }
0x40: {  	_ =	swait.ge [sflag:s28], $0x4000  }
0x41: {  	[sflag:s28] =	ssyncset.done $0x0  }
0x42: {  	s21 =	rddreg [dreg:$0xb];
	[sflag:s28] =	ssyncadd.s32 $0xFFFFC000  }
0x43: {  	[spmem:s21] =	stream.linear.scatter [tilespmem:s29], [sflag:$0x7], $0x4000, $0x38;
	[tilespmem:$0x1F880] =	vst v63  }
0x44: {  	_ =	swait.ge [sflag:s28], $0x4000  }
0x45: {  	[sflag:s28] =	ssyncset.done $0x0  }
0x46: {  	s22 =	rddreg [dreg:$0x10];
	[sflag:s28] =	ssyncadd.s32 $0xFFFFC000  }
0x47: {  	[spmem:s22] =	stream.linear.scatter [tilespmem:s29], [sflag:$0x7], $0x4000, $0x38;
	[tilespmem:$0x1F880] =	vst v63  }
0x48: {  	_ =	swait.ge [sflag:s28], $0x4000  }
0x49: {  	[sflag:s28] =	ssyncset.done $0x0  }
0x4a: {  	[sflag:s28] =	ssyncadd.s32 $0xFFFFC000  }
0x4b: {  	[spmem:s8] =	stream.linear.scatter [tilespmem:s29], [sflag:$0x7], $0x3C00, $0x38;
	[tilespmem:$0x1F880] =	vst v63  }
0x4c: {  	_ =	swait.ge [sflag:s28], $0x3C00  }
0x4d: {  	[sflag:s28] =	ssyncset.done $0x0  }
0x4e: {  	s19 =	simm.s32 $0x0;
	[sflag:s28] =	ssyncadd.s32 $0xFFFFC400  }
0x4f: {  	[tilespmem:s19], [sflag:$0x7] =	stream.linear.gather [hbm4b:s9+s19], $0x180, $0x38;
	[tilespmem:$0x1F880] =	vst v63  }
0x50: {  	_ =	swait.ge [sflag:s28], $0x180  }
0x51: {  	[sflag:s28] =	ssyncset.done $0x0  }
0x52: {  	s23 =	rddreg [dreg:$0x6];
	[sflag:s28] =	ssyncadd.s32 $0xFFFFFE80  }
0x53: {  	[tilespmem:s30], [sflag:$0x2] =	stream.linear.gather [hbm4b:s23+s19], $0x180, $0x38;
	[tilespmem:$0x1F880] =	vst v63  }
0x54: {  	_ = 	snop  }
0x55: {  	[tilespmem:s29], [sflag:$0x3] =	stream.indirect.gather [hbm4b:s1+s31], $0x80, s19, s31, $0xb8;
	[tilespmem:$0x1F880] =	vst v63  }
0x56: {  	[bflag:$0x0] =	sbarrier.arrive $0xFFFF  }
.LBB2_6:
0x57: {  	_ =	swait.ge [sflag:s0], $0x4000  }
0x58: {  	[sflag:s0] =	ssyncset.done $0x0  }
0x59: {  	[sflag:s0] =	ssyncadd.s32 $0xFFFFC000  }
0x5a: {  	_ =	swait.ge [sflag:s5], $0x180  }
0x5b: {  	p0 =	seq.s32 s19, $0x0;
	[sflag:s5] =	ssyncset.done $0x0  }
0x5c: {  	s20 =	simm.s32 @!p0 $0x6;
	[sflag:s5] =	ssyncadd.s32 $0xFFFFFE80  }
0x5d: {  	_ =	swait.ge @!p0 [sflag:s20], $0x4000  }
0x5e: {  	[sflag:s20] =	ssyncset.done @!p0 $0x0  }
0x5f: {  	s21 =	simm.s32 $0x0;
	[sflag:s20] =	ssyncadd.s32 @!p0 $0xFFFFC000;
	s20 =	sshll.u32 s19, $0x1  }
0x60: {  	[tilespmem:s2], [sflag:$0x4] =	stream.indirect.gather [hbm4b:s1+s31], $0x80, s30, s31, $0xb8;
	[tilespmem:$0x1F880] =	vst v63  }
.LBB2_7:
0x61: {  	s22 =	sshll.u32 s21, $0x4  }
0x62: {  	v3 =	vld [tilespmem:s22+$0x100];
	_ =	sdelay $0x6  }
0x63: {  	s23 =	sshll.u32 s21, $0xB;
	v2 =	vld [tilespmem:s22+$0x80]  }
0x64: {  	s22 =	sand.u32 $0x3FFFF800, s23;
	[tilespmem:v3+s26+$0x0] =	vst.idx.add.f32.msk $0xffff, v1  }
0x65: {  	v3 =	vld [tilespmem:s22+$0x500]  }
0x66: {  	v4 =	vld [tilespmem:s22+$0x510]  }
0x67: {  	v5 =	vld [tilespmem:s22+$0x520]  }
0x68: {  	v6 =	vld [tilespmem:s22+$0x530]  }
0x69: {  	v2 =	vshll.u32 v2, $0x9;
	v7 =	vld [tilespmem:s22+$0x540]  }
0x6a: {  	v2 =	vshra.s32 v2, $0x2;
	v8 =	vld [tilespmem:s22+$0x550]  }
0x6b: {  	(v2sf) =	vpush v2, $0x0;
	v9 =	vld [tilespmem:s22+$0x560]  }
0x6c: {  	v34 =	vld [tilespmem:s22+$0x570]  }
0x6d: {  	v36 =	vld [tilespmem:s22+$0x580]  }
0x6e: {  	v37 =	vld [tilespmem:s22+$0x590]  }
0x6f: {  	v39 =	vld [tilespmem:s22+$0x5A0]  }
0x70: {  	v40 =	vld [tilespmem:s22+$0x5B0]  }
0x71: {  	v42 =	vld [tilespmem:s22+$0x5C0]  }
0x72: {  	v43 =	vld [tilespmem:s22+$0x5E0]  }
0x73: {  	v52 =	vld [tilespmem:s22+$0x5F0]  }
0x74: {  	v55 =	vld [tilespmem:s22+$0x600]  }
0x75: {  	v57 =	vld [tilespmem:s22+$0x610]  }
0x76: {  	v58 =	vld [tilespmem:s22+$0x620]  }
0x77: {  	v59 =	vld [tilespmem:s22+$0x630]  }
0x78: {  	v60 =	vld [tilespmem:s22+$0x640]  }
0x79: {  	v61 =	vld [tilespmem:s22+$0x650]  }
0x7a: {  	v26 =	vld [tilespmem:s22+$0x670];
	s23 =	spop (v2sf);
	(v2sf) =	vpush v2, $0x1  }
0x7b: {  	v10 =	vld [tilespmem:s23+$0x8500]  }
0x7c: {  	v11 =	vld [tilespmem:s23+$0x8510]  }
0x7d: {  	v13 =	vld [tilespmem:s23+$0x8530]  }
0x7e: {  	v12 =	vld [tilespmem:s23+$0x8520]  }
0x7f: {  	v15 =	vld [tilespmem:s23+$0x8550]  }
0x80: {  	v14 =	vld [tilespmem:s23+$0x8540];
	v3 =	vmul.f32 v10, v3  }
0x81: {  	v33 =	vld [tilespmem:s23+$0x8570];
	v4 =	vmul.f32 v11, v4  }
0x82: {  	v16 =	vld [tilespmem:s23+$0x8560];
	v35 =	vmul.f32 v13, v6;
	[tilespmem:s22+$0x500] =	vst v3  }
0x83: {  	v27 =	vld [tilespmem:s22+$0x680];
	v3 =	vmul.f32 v12, v5;
	[tilespmem:s22+$0x510] =	vst v4  }
0x84: {  	v29 =	vld [tilespmem:s22+$0x690];
	v38 =	vmul.f32 v15, v8;
	[tilespmem:s22+$0x530] =	vst v35  }
0x85: {  	v30 =	vld [tilespmem:s22+$0x6A0];
	[tilespmem:s22+$0x520] =	vst v3;
	v3 =	vmul.f32 v14, v7  }
0x86: {  	v31 =	vld [tilespmem:s22+$0x6B0];
	v41 =	vmul.f32 v33, v34;
	[tilespmem:s22+$0x550] =	vst v38  }
0x87: {  	v33 =	vld [tilespmem:s22+$0x6C0];
	[tilespmem:s22+$0x540] =	vst v3;
	v3 =	vmul.f32 v16, v9  }
0x88: {  	v34 =	vld [tilespmem:s22+$0x6E0];
	[tilespmem:s22+$0x570] =	vst v41  }
0x89: {  	[tilespmem:s22+$0x560] =	vst v3;
	v3 =	vld [tilespmem:s22+$0x5D0];
	s23 =	spop (v2sf)  }
0x8a: {  	(v2sf) =	vpush v2, $0x2;
	v44 =	vld [tilespmem:s23+$0x8500]  }
0x8b: {  	v45 =	vld [tilespmem:s23+$0x8510]  }
0x8c: {  	v46 =	vld [tilespmem:s23+$0x8520]  }
0x8d: {  	v50 =	vld [tilespmem:s23+$0x8560]  }
0x8e: {  	v47 =	vld [tilespmem:s23+$0x8530]  }
0x8f: {  	v48 =	vld [tilespmem:s23+$0x8540]  }
0x90: {  	v49 =	vld [tilespmem:s23+$0x8550];
	v5 =	vmul.f32 v44, v36  }
0x91: {  	v51 =	vld [tilespmem:s23+$0x8570];
	v6 =	vmul.f32 v45, v37  }
0x92: {  	v53 =	vmul.f32 v46, v39;
	v4 =	vmul.f32 v50, v43;
	v43 =	vld [tilespmem:s22+$0x6F0];
	[tilespmem:s22+$0x580] =	vst v5  }
0x93: {  	v54 =	vmul.f32 v47, v40;
	v44 =	vld [tilespmem:s22+$0x700];
	[tilespmem:s22+$0x590] =	vst v6  }
0x94: {  	v56 =	vmul.f32 v48, v42;
	v46 =	vld [tilespmem:s22+$0x710];
	[tilespmem:s22+$0x5A0] =	vst v53  }
0x95: {  	v3 =	vmul.f32 v49, v3;
	v47 =	vld [tilespmem:s22+$0x720];
	[tilespmem:s22+$0x5B0] =	vst v54  }
0x96: {  	v48 =	vld [tilespmem:s22+$0x730];
	[tilespmem:s22+$0x5C0] =	vst v56  }
0x97: {  	v49 =	vld [tilespmem:s22+$0x740];
	[tilespmem:s22+$0x5D0] =	vst v3;
	v3 =	vmul.f32 v51, v52  }
0x98: {  	v50 =	vld [tilespmem:s22+$0x750];
	[tilespmem:s22+$0x5E0] =	vst v4  }
0x99: {  	[tilespmem:s22+$0x5F0] =	vst v3;
	v3 =	vld [tilespmem:s22+$0x660];
	s23 =	spop (v2sf);
	(v2sf) =	vpush v2, $0x3  }
0x9a: {  	v62 =	vld [tilespmem:s23+$0x8500]  }
0x9b: {  	v63 =	vld [tilespmem:s23+$0x8510]  }
0x9c: {  	v20 =	vld [tilespmem:s23+$0x8520]  }
0x9d: {  	v21 =	vld [tilespmem:s23+$0x8530]  }
0x9e: {  	v22 =	vld [tilespmem:s23+$0x8540]  }
0x9f: {  	v23 =	vld [tilespmem:s23+$0x8550];
	v7 =	vmul.f32 v62, v55  }
0xa0: {  	v24 =	vld [tilespmem:s23+$0x8560];
	v8 =	vmul.f32 v63, v57  }
0xa1: {  	v25 =	vld [tilespmem:s23+$0x8570];
	v6 =	vmul.f32 v20, v58;
	[tilespmem:s22+$0x600] =	vst v7  }
0xa2: {  	v5 =	vmul.f32 v21, v59;
	v59 =	vld [tilespmem:s22+$0x770];
	[tilespmem:s22+$0x610] =	vst v8  }
0xa3: {  	v28 =	vmul.f32 v22, v60;
	v60 =	vld [tilespmem:s22+$0x780];
	[tilespmem:s22+$0x620] =	vst v6  }
0xa4: {  	v4 =	vmul.f32 v23, v61;
	v62 =	vld [tilespmem:s22+$0x790];
	[tilespmem:s22+$0x630] =	vst v5  }
0xa5: {  	v3 =	vmul.f32 v24, v3;
	v63 =	vld [tilespmem:s22+$0x7A0];
	[tilespmem:s22+$0x640] =	vst v28  }
0xa6: {  	v32 =	vmul.f32 v25, v26;
	v20 =	vld [tilespmem:s22+$0x7B0];
	[tilespmem:s22+$0x650] =	vst v4  }
0xa7: {  	v22 =	vld [tilespmem:s22+$0x7C0];
	[tilespmem:s22+$0x660] =	vst v3  }
0xa8: {  	v3 =	vld [tilespmem:s22+$0x6D0];
	[tilespmem:s22+$0x670] =	vst v32;
	s23 =	spop (v2sf);
	(v2sf) =	vpush v2, $0x4  }
0xa9: {  	v35 =	vld [tilespmem:s23+$0x8500]  }
0xaa: {  	v36 =	vld [tilespmem:s23+$0x8510]  }
0xab: {  	v37 =	vld [tilespmem:s23+$0x8520]  }
0xac: {  	v38 =	vld [tilespmem:s23+$0x8530]  }
0xad: {  	v39 =	vld [tilespmem:s23+$0x8540]  }
0xae: {  	v40 =	vld [tilespmem:s23+$0x8550];
	v7 =	vmul.f32 v35, v27  }
0xaf: {  	v41 =	vld [tilespmem:s23+$0x8560];
	v8 =	vmul.f32 v36, v29  }
0xb0: {  	v42 =	vld [tilespmem:s23+$0x8570];
	v5 =	vmul.f32 v37, v30;
	[tilespmem:s22+$0x680] =	vst v7  }
0xb1: {  	v23 =	vld [tilespmem:s22+$0x7E0];
	v6 =	vmul.f32 v38, v31;
	[tilespmem:s22+$0x690] =	vst v8  }
0xb2: {  	v32 =	vld [tilespmem:s22+$0x7F0];
	v45 =	vmul.f32 v39, v33;
	[tilespmem:s22+$0x6A0] =	vst v5  }
0xb3: {  	v3 =	vmul.f32 v40, v3;
	v33 =	vld [tilespmem:s22+$0x800];
	[tilespmem:s22+$0x6B0] =	vst v6  }
0xb4: {  	v4 =	vmul.f32 v41, v34;
	v35 =	vld [tilespmem:s22+$0x810];
	[tilespmem:s22+$0x6C0] =	vst v45  }
0xb5: {  	v36 =	vld [tilespmem:s22+$0x820];
	[tilespmem:s22+$0x6D0] =	vst v3;
	v3 =	vmul.f32 v42, v43  }
0xb6: {  	v37 =	vld [tilespmem:s22+$0x830];
	[tilespmem:s22+$0x6E0] =	vst v4  }
0xb7: {  	[tilespmem:s22+$0x6F0] =	vst v3;
	v3 =	vld [tilespmem:s22+$0x760];
	s23 =	spop (v2sf);
	(v2sf) =	vpush v2, $0x5  }
0xb8: {  	v51 =	vld [tilespmem:s23+$0x8500]  }
0xb9: {  	v52 =	vld [tilespmem:s23+$0x8510]  }
0xba: {  	v53 =	vld [tilespmem:s23+$0x8520]  }
0xbb: {  	v54 =	vld [tilespmem:s23+$0x8530]  }
0xbc: {  	v55 =	vld [tilespmem:s23+$0x8540]  }
0xbd: {  	v56 =	vld [tilespmem:s23+$0x8550];
	v7 =	vmul.f32 v51, v44  }
0xbe: {  	v57 =	vld [tilespmem:s23+$0x8560];
	v8 =	vmul.f32 v52, v46  }
0xbf: {  	v58 =	vld [tilespmem:s23+$0x8570];
	v6 =	vmul.f32 v53, v47;
	[tilespmem:s22+$0x700] =	vst v7  }
0xc0: {  	v38 =	vld [tilespmem:s22+$0x840];
	v5 =	vmul.f32 v54, v48;
	[tilespmem:s22+$0x710] =	vst v8  }
0xc1: {  	v39 =	vld [tilespmem:s22+$0x850];
	v61 =	vmul.f32 v55, v49;
	[tilespmem:s22+$0x720] =	vst v6  }
0xc2: {  	v4 =	vmul.f32 v56, v50;
	v48 =	vld [tilespmem:s22+$0x870];
	[tilespmem:s22+$0x730] =	vst v5  }
0xc3: {  	v3 =	vmul.f32 v57, v3;
	v49 =	vld [tilespmem:s22+$0x880];
	[tilespmem:s22+$0x740] =	vst v61  }
0xc4: {  	v21 =	vmul.f32 v58, v59;
	v51 =	vld [tilespmem:s22+$0x890];
	[tilespmem:s22+$0x750] =	vst v4  }
0xc5: {  	v52 =	vld [tilespmem:s22+$0x8A0];
	[tilespmem:s22+$0x760] =	vst v3  }
0xc6: {  	v3 =	vld [tilespmem:s22+$0x7D0];
	[tilespmem:s22+$0x770] =	vst v21;
	s23 =	spop (v2sf);
	(v2sf) =	vpush v2, $0x6  }
0xc7: {  	v24 =	vld [tilespmem:s23+$0x8500]  }
0xc8: {  	v25 =	vld [tilespmem:s23+$0x8510]  }
0xc9: {  	v26 =	vld [tilespmem:s23+$0x8520]  }
0xca: {  	v27 =	vld [tilespmem:s23+$0x8530]  }
0xcb: {  	v28 =	vld [tilespmem:s23+$0x8540]  }
0xcc: {  	v29 =	vld [tilespmem:s23+$0x8550];
	v7 =	vmul.f32 v24, v60  }
0xcd: {  	v30 =	vld [tilespmem:s23+$0x8560];
	v8 =	vmul.f32 v25, v62  }
0xce: {  	v31 =	vld [tilespmem:s23+$0x8570];
	v5 =	vmul.f32 v26, v63;
	[tilespmem:s22+$0x780] =	vst v7  }
0xcf: {  	v53 =	vld [tilespmem:s22+$0x8B0];
	v6 =	vmul.f32 v27, v20;
	[tilespmem:s22+$0x790] =	vst v8  }
0xd0: {  	v55 =	vld [tilespmem:s22+$0x8C0];
	v34 =	vmul.f32 v28, v22;
	[tilespmem:s22+$0x7A0] =	vst v5  }
0xd1: {  	v56 =	vld [tilespmem:s22+$0x8E0];
	v3 =	vmul.f32 v29, v3;
	[tilespmem:s22+$0x7B0] =	vst v6  }
0xd2: {  	v21 =	vld [tilespmem:s22+$0x900];
	v4 =	vmul.f32 v30, v23;
	[tilespmem:s22+$0x7C0] =	vst v34  }
0xd3: {  	v20 =	vld [tilespmem:s22+$0x8F0];
	[tilespmem:s22+$0x7D0] =	vst v3;
	v3 =	vmul.f32 v31, v32  }
0xd4: {  	v23 =	vld [tilespmem:s22+$0x910];
	[tilespmem:s22+$0x7E0] =	vst v4  }
0xd5: {  	[tilespmem:s22+$0x7F0] =	vst v3;
	v3 =	vld [tilespmem:s22+$0x860];
	s23 =	spop (v2sf);
	(v2sf) =	vpush v2, $0x7  }
0xd6: {  	v40 =	vld [tilespmem:s23+$0x8500]  }
0xd7: {  	v41 =	vld [tilespmem:s23+$0x8510]  }
0xd8: {  	v42 =	vld [tilespmem:s23+$0x8520]  }
0xd9: {  	v43 =	vld [tilespmem:s23+$0x8530]  }
0xda: {  	v44 =	vld [tilespmem:s23+$0x8540]  }
0xdb: {  	v45 =	vld [tilespmem:s23+$0x8550];
	v7 =	vmul.f32 v40, v33  }
0xdc: {  	v46 =	vld [tilespmem:s23+$0x8560];
	v8 =	vmul.f32 v41, v35  }
0xdd: {  	v47 =	vld [tilespmem:s23+$0x8570];
	v6 =	vmul.f32 v42, v36;
	[tilespmem:s22+$0x800] =	vst v7  }
0xde: {  	v24 =	vld [tilespmem:s22+$0x920];
	v5 =	vmul.f32 v43, v37;
	[tilespmem:s22+$0x810] =	vst v8  }
0xdf: {  	v25 =	vld [tilespmem:s22+$0x930];
	v50 =	vmul.f32 v44, v38;
	[tilespmem:s22+$0x820] =	vst v6  }
0xe0: {  	v26 =	vld [tilespmem:s22+$0x940];
	v4 =	vmul.f32 v45, v39;
	[tilespmem:s22+$0x830] =	vst v5  }
0xe1: {  	v27 =	vld [tilespmem:s22+$0x950];
	v3 =	vmul.f32 v46, v3;
	[tilespmem:s22+$0x840] =	vst v50  }
0xe2: {  	v54 =	vmul.f32 v47, v48;
	v36 =	vld [tilespmem:s22+$0x970];
	[tilespmem:s22+$0x850] =	vst v4  }
0xe3: {  	v37 =	vld [tilespmem:s22+$0x980];
	[tilespmem:s22+$0x860] =	vst v3  }
0xe4: {  	v3 =	vld [tilespmem:s22+$0x8D0];
	[tilespmem:s22+$0x870] =	vst v54;
	s23 =	spop (v2sf);
	(v2sf) =	vpush v2, $0x8  }
0xe5: {  	v57 =	vld [tilespmem:s23+$0x8500]  }
0xe6: {  	v58 =	vld [tilespmem:s23+$0x8510]  }
0xe7: {  	v59 =	vld [tilespmem:s23+$0x8520]  }
0xe8: {  	v60 =	vld [tilespmem:s23+$0x8530]  }
0xe9: {  	v61 =	vld [tilespmem:s23+$0x8540]  }
0xea: {  	v62 =	vld [tilespmem:s23+$0x8550];
	v7 =	vmul.f32 v57, v49  }
0xeb: {  	v63 =	vld [tilespmem:s23+$0x8560];
	v8 =	vmul.f32 v58, v51  }
0xec: {  	v19 =	vld [tilespmem:s23+$0x8570];
	v5 =	vmul.f32 v59, v52;
	[tilespmem:s22+$0x880] =	vst v7  }
0xed: {  	v39 =	vld [tilespmem:s22+$0x990];
	v6 =	vmul.f32 v60, v53;
	[tilespmem:s22+$0x890] =	vst v8  }
0xee: {  	v40 =	vld [tilespmem:s22+$0x9A0];
	v22 =	vmul.f32 v61, v55;
	[tilespmem:s22+$0x8A0] =	vst v5  }
0xef: {  	v41 =	vld [tilespmem:s22+$0x9B0];
	v3 =	vmul.f32 v62, v3;
	[tilespmem:s22+$0x8B0] =	vst v6  }
0xf0: {  	v43 =	vld [tilespmem:s22+$0x9C0];
	v4 =	vmul.f32 v63, v56;
	[tilespmem:s22+$0x8C0] =	vst v22  }
0xf1: {  	v44 =	vld [tilespmem:s22+$0x9E0];
	[tilespmem:s22+$0x8D0] =	vst v3;
	v3 =	vmul.f32 v19, v20  }
0xf2: {  	v54 =	vld [tilespmem:s22+$0xA00];
	[tilespmem:s22+$0x8E0] =	vst v4  }
0xf3: {  	[tilespmem:s22+$0x8F0] =	vst v3;
	v3 =	vld [tilespmem:s22+$0x960];
	s23 =	spop (v2sf);
	(v2sf) =	vpush v2, $0x9  }
0xf4: {  	v28 =	vld [tilespmem:s23+$0x8500]  }
0xf5: {  	v29 =	vld [tilespmem:s23+$0x8510]  }
0xf6: {  	v30 =	vld [tilespmem:s23+$0x8520]  }
0xf7: {  	v31 =	vld [tilespmem:s23+$0x8530]  }
0xf8: {  	v32 =	vld [tilespmem:s23+$0x8540]  }
0xf9: {  	v33 =	vld [tilespmem:s23+$0x8550];
	v7 =	vmul.f32 v28, v21  }
0xfa: {  	v34 =	vld [tilespmem:s23+$0x8560];
	v8 =	vmul.f32 v29, v23  }
0xfb: {  	v35 =	vld [tilespmem:s23+$0x8570];
	v6 =	vmul.f32 v30, v24;
	[tilespmem:s22+$0x900] =	vst v7  }
0xfc: {  	v53 =	vld [tilespmem:s22+$0x9F0];
	v5 =	vmul.f32 v31, v25;
	[tilespmem:s22+$0x910] =	vst v8  }
0xfd: {  	v56 =	vld [tilespmem:s22+$0xA10];
	v38 =	vmul.f32 v32, v26;
	[tilespmem:s22+$0x920] =	vst v6  }
0xfe: {  	v57 =	vld [tilespmem:s22+$0xA20];
	v4 =	vmul.f32 v33, v27;
	[tilespmem:s22+$0x930] =	vst v5  }
0xff: {  	v58 =	vld [tilespmem:s22+$0xA30];
	v3 =	vmul.f32 v34, v3;
	[tilespmem:s22+$0x940] =	vst v38  }
0x100: {  	v59 =	vld [tilespmem:s22+$0xA40];
	v42 =	vmul.f32 v35, v36;
	[tilespmem:s22+$0x950] =	vst v4  }
0x101: {  	v60 =	vld [tilespmem:s22+$0xA50];
	[tilespmem:s22+$0x960] =	vst v3  }
0x102: {  	v3 =	vld [tilespmem:s22+$0x9D0];
	[tilespmem:s22+$0x970] =	vst v42;
	s23 =	spop (v2sf);
	(v2sf) =	vpush v2, $0xA  }
0x103: {  	v45 =	vld [tilespmem:s23+$0x8500]  }
0x104: {  	v46 =	vld [tilespmem:s23+$0x8510]  }
0x105: {  	v47 =	vld [tilespmem:s23+$0x8520]  }
0x106: {  	v48 =	vld [tilespmem:s23+$0x8530]  }
0x107: {  	v49 =	vld [tilespmem:s23+$0x8540]  }
0x108: {  	v50 =	vld [tilespmem:s23+$0x8550];
	v7 =	vmul.f32 v45, v37  }
0x109: {  	v51 =	vld [tilespmem:s23+$0x8560];
	v8 =	vmul.f32 v46, v39  }
0x10a: {  	v52 =	vld [tilespmem:s23+$0x8570];
	v5 =	vmul.f32 v47, v40;
	[tilespmem:s22+$0x980] =	vst v7  }
0x10b: {  	v25 =	vld [tilespmem:s22+$0xA70];
	v6 =	vmul.f32 v48, v41;
	[tilespmem:s22+$0x990] =	vst v8  }
0x10c: {  	v26 =	vld [tilespmem:s22+$0xA80];
	v55 =	vmul.f32 v49, v43;
	[tilespmem:s22+$0x9A0] =	vst v5  }
0x10d: {  	v28 =	vld [tilespmem:s22+$0xA90];
	v3 =	vmul.f32 v50, v3;
	[tilespmem:s22+$0x9B0] =	vst v6  }
0x10e: {  	v29 =	vld [tilespmem:s22+$0xAA0];
	v4 =	vmul.f32 v51, v44;
	[tilespmem:s22+$0x9C0] =	vst v55  }
0x10f: {  	v30 =	vld [tilespmem:s22+$0xAB0];
	[tilespmem:s22+$0x9D0] =	vst v3;
	v3 =	vmul.f32 v52, v53  }
0x110: {  	v32 =	vld [tilespmem:s22+$0xAC0];
	[tilespmem:s22+$0x9E0] =	vst v4  }
0x111: {  	[tilespmem:s22+$0x9F0] =	vst v3;
	v3 =	vld [tilespmem:s22+$0xA60];
	s23 =	spop (v2sf);
	(v2sf) =	vpush v2, $0xB  }
0x112: {  	v61 =	vld [tilespmem:s23+$0x8500]  }
0x113: {  	v62 =	vld [tilespmem:s23+$0x8510]  }
0x114: {  	v63 =	vld [tilespmem:s23+$0x8520]  }
0x115: {  	v20 =	vld [tilespmem:s23+$0x8530]  }
0x116: {  	v21 =	vld [tilespmem:s23+$0x8540]  }
0x117: {  	v22 =	vld [tilespmem:s23+$0x8550];
	v7 =	vmul.f32 v61, v54  }
0x118: {  	v23 =	vld [tilespmem:s23+$0x8560];
	v8 =	vmul.f32 v62, v56  }
0x119: {  	v24 =	vld [tilespmem:s23+$0x8570];
	v6 =	vmul.f32 v63, v57;
	[tilespmem:s22+$0xA00] =	vst v7  }
0x11a: {  	v33 =	vld [tilespmem:s22+$0xAE0];
	v5 =	vmul.f32 v20, v58;
	[tilespmem:s22+$0xA10] =	vst v8  }
0x11b: {  	v42 =	vld [tilespmem:s22+$0xAF0];
	v27 =	vmul.f32 v21, v59;
	[tilespmem:s22+$0xA20] =	vst v6  }
0x11c: {  	v43 =	vld [tilespmem:s22+$0xB00];
	v4 =	vmul.f32 v22, v60;
	[tilespmem:s22+$0xA30] =	vst v5  }
0x11d: {  	v45 =	vld [tilespmem:s22+$0xB10];
	v3 =	vmul.f32 v23, v3;
	[tilespmem:s22+$0xA40] =	vst v27  }
0x11e: {  	v46 =	vld [tilespmem:s22+$0xB20];
	v31 =	vmul.f32 v24, v25;
	[tilespmem:s22+$0xA50] =	vst v4  }
0x11f: {  	v47 =	vld [tilespmem:s22+$0xB30];
	[tilespmem:s22+$0xA60] =	vst v3  }
0x120: {  	v3 =	vld [tilespmem:s22+$0xAD0];
	[tilespmem:s22+$0xA70] =	vst v31;
	s23 =	spop (v2sf);
	(v2sf) =	vpush v2, $0xC  }
0x121: {  	v34 =	vld [tilespmem:s23+$0x8500]  }
0x122: {  	v35 =	vld [tilespmem:s23+$0x8510]  }
0x123: {  	v36 =	vld [tilespmem:s23+$0x8520]  }
0x124: {  	v37 =	vld [tilespmem:s23+$0x8530]  }
0x125: {  	v38 =	vld [tilespmem:s23+$0x8540]  }
0x126: {  	v39 =	vld [tilespmem:s23+$0x8550];
	v7 =	vmul.f32 v34, v26  }
0x127: {  	v40 =	vld [tilespmem:s23+$0x8560];
	v8 =	vmul.f32 v35, v28  }
0x128: {  	v41 =	vld [tilespmem:s23+$0x8570];
	v5 =	vmul.f32 v36, v29;
	[tilespmem:s22+$0xA80] =	vst v7  }
0x129: {  	v48 =	vld [tilespmem:s22+$0xB40];
	v6 =	vmul.f32 v37, v30;
	[tilespmem:s22+$0xA90] =	vst v8  }
0x12a: {  	v49 =	vld [tilespmem:s22+$0xB50];
	v44 =	vmul.f32 v38, v32;
	[tilespmem:s22+$0xAA0] =	vst v5  }
0x12b: {  	v58 =	vld [tilespmem:s22+$0xB70];
	v3 =	vmul.f32 v39, v3;
	[tilespmem:s22+$0xAB0] =	vst v6  }
0x12c: {  	v59 =	vld [tilespmem:s22+$0xB80];
	v4 =	vmul.f32 v40, v33;
	[tilespmem:s22+$0xAC0] =	vst v44  }
0x12d: {  	v61 =	vld [tilespmem:s22+$0xB90];
	[tilespmem:s22+$0xAD0] =	vst v3;
	v3 =	vmul.f32 v41, v42  }
0x12e: {  	v62 =	vld [tilespmem:s22+$0xBA0];
	[tilespmem:s22+$0xAE0] =	vst v4  }
0x12f: {  	[tilespmem:s22+$0xAF0] =	vst v3;
	v3 =	vld [tilespmem:s22+$0xB60];
	s23 =	spop (v2sf);
	(v2sf) =	vpush v2, $0xD  }
0x130: {  	v50 =	vld [tilespmem:s23+$0x8500]  }
0x131: {  	v51 =	vld [tilespmem:s23+$0x8510]  }
0x132: {  	v52 =	vld [tilespmem:s23+$0x8520]  }
0x133: {  	v53 =	vld [tilespmem:s23+$0x8530]  }
0x134: {  	v54 =	vld [tilespmem:s23+$0x8540]  }
0x135: {  	v55 =	vld [tilespmem:s23+$0x8550];
	v7 =	vmul.f32 v50, v43  }
0x136: {  	v56 =	vld [tilespmem:s23+$0x8560];
	v8 =	vmul.f32 v51, v45  }
0x137: {  	v57 =	vld [tilespmem:s23+$0x8570];
	v6 =	vmul.f32 v52, v46;
	[tilespmem:s22+$0xB00] =	vst v7  }
0x138: {  	v63 =	vld [tilespmem:s22+$0xBB0];
	v5 =	vmul.f32 v53, v47;
	[tilespmem:s22+$0xB10] =	vst v8  }
0x139: {  	v21 =	vld [tilespmem:s22+$0xBC0];
	v60 =	vmul.f32 v54, v48;
	[tilespmem:s22+$0xB20] =	vst v6  }
0x13a: {  	v22 =	vld [tilespmem:s22+$0xBE0];
	v4 =	vmul.f32 v55, v49;
	[tilespmem:s22+$0xB30] =	vst v5  }
0x13b: {  	v31 =	vld [tilespmem:s22+$0xBF0];
	v3 =	vmul.f32 v56, v3;
	[tilespmem:s22+$0xB40] =	vst v60  }
0x13c: {  	v32 =	vld [tilespmem:s22+$0xC00];
	v20 =	vmul.f32 v57, v58;
	[tilespmem:s22+$0xB50] =	vst v4  }
0x13d: {  	v34 =	vld [tilespmem:s22+$0xC10];
	[tilespmem:s22+$0xB60] =	vst v3  }
0x13e: {  	v3 =	vld [tilespmem:s22+$0xBD0];
	[tilespmem:s22+$0xB70] =	vst v20;
	s23 =	spop (v2sf);
	(v2sf) =	vpush v2, $0xE  }
0x13f: {  	v23 =	vld [tilespmem:s23+$0x8500]  }
0x140: {  	v24 =	vld [tilespmem:s23+$0x8510]  }
0x141: {  	v25 =	vld [tilespmem:s23+$0x8520]  }
0x142: {  	v26 =	vld [tilespmem:s23+$0x8530]  }
0x143: {  	v27 =	vld [tilespmem:s23+$0x8540]  }
0x144: {  	v28 =	vld [tilespmem:s23+$0x8550];
	v7 =	vmul.f32 v23, v59  }
0x145: {  	v29 =	vld [tilespmem:s23+$0x8560];
	v8 =	vmul.f32 v24, v61  }
0x146: {  	v30 =	vld [tilespmem:s23+$0x8570];
	v5 =	vmul.f32 v25, v62;
	[tilespmem:s22+$0xB80] =	vst v7  }
0x147: {  	v35 =	vld [tilespmem:s22+$0xC20];
	v6 =	vmul.f32 v26, v63;
	[tilespmem:s22+$0xB90] =	vst v8  }
0x148: {  	v36 =	vld [tilespmem:s22+$0xC30];
	v33 =	vmul.f32 v27, v21;
	[tilespmem:s22+$0xBA0] =	vst v5  }
0x149: {  	v37 =	vld [tilespmem:s22+$0xC40];
	v3 =	vmul.f32 v28, v3;
	[tilespmem:s22+$0xBB0] =	vst v6  }
0x14a: {  	v38 =	vld [tilespmem:s22+$0xC50];
	v4 =	vmul.f32 v29, v22;
	[tilespmem:s22+$0xBC0] =	vst v33  }
0x14b: {  	v46 =	vld [tilespmem:s22+$0xC70];
	[tilespmem:s22+$0xBD0] =	vst v3;
	v3 =	vmul.f32 v30, v31  }
0x14c: {  	v47 =	vld [tilespmem:s22+$0xC80];
	[tilespmem:s22+$0xBE0] =	vst v4  }
0x14d: {  	[tilespmem:s22+$0xBF0] =	vst v3;
	v3 =	vld [tilespmem:s22+$0xC60];
	s23 =	spop (v2sf);
	(v2sf) =	vpush v2, $0xF  }
0x14e: {  	v39 =	vld [tilespmem:s23+$0x8500]  }
0x14f: {  	v2 =	vld [tilespmem:s23+$0x8510]  }
0x150: {  	v40 =	vld [tilespmem:s23+$0x8520]  }
0x151: {  	v41 =	vld [tilespmem:s23+$0x8530]  }
0x152: {  	v42 =	vld [tilespmem:s23+$0x8540]  }
0x153: {  	v43 =	vld [tilespmem:s23+$0x8550];
	v7 =	vmul.f32 v39, v32  }
0x154: {  	v44 =	vld [tilespmem:s23+$0x8560];
	v2 =	vmul.f32 v2, v34  }
0x155: {  	v45 =	vld [tilespmem:s23+$0x8570];
	v6 =	vmul.f32 v40, v35;
	[tilespmem:s22+$0xC00] =	vst v7  }
0x156: {  	v49 =	vld [tilespmem:s22+$0xC90];
	[tilespmem:s22+$0xC10] =	vst v2;
	v2 =	vmul.f32 v41, v36  }
0x157: {  	v50 =	vld [tilespmem:s22+$0xCA0];
	v48 =	vmul.f32 v42, v37;
	[tilespmem:s22+$0xC20] =	vst v6  }
0x158: {  	v51 =	vld [tilespmem:s22+$0xCB0];
	[tilespmem:s22+$0xC30] =	vst v2;
	v2 =	vmul.f32 v43, v38  }
0x159: {  	v52 =	vld [tilespmem:s22+$0xCC0];
	v3 =	vmul.f32 v44, v3;
	[tilespmem:s22+$0xC40] =	vst v48  }
0x15a: {  	v61 =	vld [tilespmem:s22+$0xCF0];
	[tilespmem:s22+$0xC50] =	vst v2;
	v2 =	vmul.f32 v45, v46  }
0x15b: {  	[tilespmem:s22+$0xC60] =	vst v3;
	v3 =	vld [tilespmem:s22+$0xCD0]  }
0x15c: {  	[tilespmem:s22+$0xC70] =	vst v2;
	v2 =	vld [tilespmem:s22+$0xCE0];
	s23 =	spop (v2sf)  }
0x15d: {  	v53 =	vld [tilespmem:s23+$0x8500]  }
0x15e: {  	v54 =	vld [tilespmem:s23+$0x8510]  }
0x15f: {  	v55 =	vld [tilespmem:s23+$0x8520]  }
0x160: {  	v56 =	vld [tilespmem:s23+$0x8530]  }
0x161: {  	v57 =	vld [tilespmem:s23+$0x8540]  }
0x162: {  	v58 =	vld [tilespmem:s23+$0x8550];
	v5 =	vmul.f32 v53, v47  }
0x163: {  	v59 =	vld [tilespmem:s23+$0x8560];
	v7 =	vmul.f32 v54, v49  }
0x164: {  	v60 =	vld [tilespmem:s23+$0x8570];
	v4 =	vmul.f32 v55, v50;
	[tilespmem:s22+$0xC80] =	vst v5  }
0x165: {  	v62 =	vmul.f32 v56, v51;
	[tilespmem:s22+$0xC90] =	vst v7  }
0x166: {  	p0 =	sne.s32 s21, $0x7;
	v63 =	vmul.f32 v57, v52;
	[tilespmem:s22+$0xCA0] =	vst v4  }
.Ltmp2:
0x167: {  	v3 =	vmul.f32 v58, v3;
	[tilespmem:s22+$0xCB0] =	vst v62;
	(pc) =	sbr.rel @p0 .LBB2_7-.Ltmp2, $4  }
0x168: {  	v2 =	vmul.f32 v59, v2;
	[tilespmem:s22+$0xCC0] =	vst v63  }
0x169: {  	[tilespmem:s22+$0xCD0] =	vst v3;
	v3 =	vmul.f32 v60, v61  }
0x16a: {  	[tilespmem:s22+$0xCE0] =	vst v2  }
0x16b: {  	s21 =	sadd.s32 $0x1, s21;
	[tilespmem:s22+$0xCF0] =	vst v3  }
0x16c: {  	v2 =	vld [tilespmem:$0x100]  }
0x16d: {  	v3 =	vld [tilespmem:$0x110]  }
0x16e: {  	v4 =	vld [tilespmem:$0x120]  }
0x16f: {  	v5 =	vld [tilespmem:$0x130]  }
0x170: {  	v6 =	vld [tilespmem:$0x140]  }
0x171: {  	v63 =	vld [tilespmem:$0x170];
	[tilespmem:$0x400] =	vst v2  }
0x172: {  	v2 =	vld [tilespmem:$0x150];
	[tilespmem:$0x410] =	vst v3  }
0x173: {  	v3 =	vld [tilespmem:$0x160];
	[tilespmem:$0x420] =	vst v4  }
0x174: {  	[tilespmem:$0x430] =	vst v5  }
0x175: {  	[tilespmem:$0x440] =	vst v6  }
0x176: {  	s21 =	smin.u32 s20, $0x4D;
	[tilespmem:$0x470] =	vst v63  }
0x177: {  	s21 =	sadd.s32 s21, s11;
	[tilespmem:$0x450] =	vst v2  }
0x178: {  	s21 =	sshll.u32 s21, $0x6;
	[tilespmem:$0x460] =	vst v3  }
0x179: {  	[spmem:s3] =	stream.indirect.scatter.add.f32 [tilespmem:s29], [sflag:$0x5], $0x80, s10, s31, $0xb8;
	[tilespmem:$0x1F880] =	vst v63  }
0x17a: {  	s22 =	sadd.s32 s6, s21;
	s21 =	simm.s32 $0x0  }
0x17b: {  	[tilespmem:s21], [sflag:$0x1] =	stream.linear.gather [hbm4b:s22+s21], $0x180, $0x38;
	[tilespmem:$0x1F880] =	vst v63  }
0x17c: {  	_ =	swait.ge [sflag:s13], $0x4000  }
0x17d: {  	[sflag:s13] =	ssyncset.done $0x0  }
0x17e: {  	[sflag:s13] =	ssyncadd.s32 $0xFFFFC000  }
0x17f: {  	_ =	swait.ge [sflag:s14], $0x180  }
0x180: {  	[sflag:s14] =	ssyncset.done $0x0  }
0x181: {  	[sflag:s14] =	ssyncadd.s32 $0xFFFFFE80  }
0x182: {  	_ =	swait.ge [sflag:s15], $0x4000  }
0x183: {  	[sflag:s15] =	ssyncset.done $0x0  }
0x184: {  	[sflag:s15] =	ssyncadd.s32 $0xFFFFC000  }
0x185: {  	[tilespmem:s29], [sflag:$0x3] =	stream.indirect.gather [hbm4b:s1+s31], $0x80, s21, s31, $0xb8;
	[tilespmem:$0x1F880] =	vst v63  }
.LBB2_9:
0x186: {  	s22 =	sshll.u32 s21, $0x4  }
0x187: {  	v3 =	vld [tilespmem:s22+$0x300];
	_ =	sdelay $0x6  }
0x188: {  	s23 =	sshll.u32 s21, $0xB;
	v2 =	vld [tilespmem:s22+$0x280]  }
0x189: {  	s22 =	sand.u32 $0x3FFFF800, s23;
	[tilespmem:v3+s26+$0x0] =	vst.idx.add.f32.msk $0xffff, v1  }
0x18a: {  	v3 =	vld [tilespmem:s22+$0x4500]  }
0x18b: {  	v4 =	vld [tilespmem:s22+$0x4510]  }
0x18c: {  	v5 =	vld [tilespmem:s22+$0x4520]  }
0x18d: {  	v6 =	vld [tilespmem:s22+$0x4530]  }
0x18e: {  	v2 =	vshll.u32 v2, $0x9;
	v7 =	vld [tilespmem:s22+$0x4540]  }
0x18f: {  	v2 =	vshra.s32 v2, $0x2;
	v8 =	vld [tilespmem:s22+$0x4550]  }
0x190: {  	(v2sf) =	vpush v2, $0x0;
	v9 =	vld [tilespmem:s22+$0x4560]  }
0x191: {  	v34 =	vld [tilespmem:s22+$0x4570]  }
0x192: {  	v36 =	vld [tilespmem:s22+$0x4580]  }
0x193: {  	v37 =	vld [tilespmem:s22+$0x4590]  }
0x194: {  	v39 =	vld [tilespmem:s22+$0x45A0]  }
0x195: {  	v40 =	vld [tilespmem:s22+$0x45B0]  }
0x196: {  	v42 =	vld [tilespmem:s22+$0x45C0]  }
0x197: {  	v43 =	vld [tilespmem:s22+$0x45E0]  }
0x198: {  	v52 =	vld [tilespmem:s22+$0x45F0]  }
0x199: {  	v55 =	vld [tilespmem:s22+$0x4600]  }
0x19a: {  	v57 =	vld [tilespmem:s22+$0x4610]  }
0x19b: {  	v58 =	vld [tilespmem:s22+$0x4620]  }
0x19c: {  	v59 =	vld [tilespmem:s22+$0x4630]  }
0x19d: {  	v60 =	vld [tilespmem:s22+$0x4640]  }
0x19e: {  	v61 =	vld [tilespmem:s22+$0x4650]  }
0x19f: {  	v26 =	vld [tilespmem:s22+$0x4670];
	s23 =	spop (v2sf);
	(v2sf) =	vpush v2, $0x1  }
0x1a0: {  	v10 =	vld [tilespmem:s23+$0x8500]  }
0x1a1: {  	v11 =	vld [tilespmem:s23+$0x8510]  }
0x1a2: {  	v13 =	vld [tilespmem:s23+$0x8530]  }
0x1a3: {  	v12 =	vld [tilespmem:s23+$0x8520]  }
0x1a4: {  	v15 =	vld [tilespmem:s23+$0x8550]  }
0x1a5: {  	v14 =	vld [tilespmem:s23+$0x8540];
	v3 =	vmul.f32 v10, v3  }
0x1a6: {  	v33 =	vld [tilespmem:s23+$0x8570];
	v4 =	vmul.f32 v11, v4  }
0x1a7: {  	v16 =	vld [tilespmem:s23+$0x8560];
	v35 =	vmul.f32 v13, v6;
	[tilespmem:s22+$0x4500] =	vst v3  }
0x1a8: {  	v27 =	vld [tilespmem:s22+$0x4680];
	v3 =	vmul.f32 v12, v5;
	[tilespmem:s22+$0x4510] =	vst v4  }
0x1a9: {  	v29 =	vld [tilespmem:s22+$0x4690];
	v38 =	vmul.f32 v15, v8;
	[tilespmem:s22+$0x4530] =	vst v35  }
0x1aa: {  	v30 =	vld [tilespmem:s22+$0x46A0];
	[tilespmem:s22+$0x4520] =	vst v3;
	v3 =	vmul.f32 v14, v7  }
0x1ab: {  	v31 =	vld [tilespmem:s22+$0x46B0];
	v41 =	vmul.f32 v33, v34;
	[tilespmem:s22+$0x4550] =	vst v38  }
0x1ac: {  	v33 =	vld [tilespmem:s22+$0x46C0];
	[tilespmem:s22+$0x4540] =	vst v3;
	v3 =	vmul.f32 v16, v9  }
0x1ad: {  	v34 =	vld [tilespmem:s22+$0x46E0];
	[tilespmem:s22+$0x4570] =	vst v41  }
0x1ae: {  	[tilespmem:s22+$0x4560] =	vst v3;
	v3 =	vld [tilespmem:s22+$0x45D0];
	s23 =	spop (v2sf)  }
0x1af: {  	(v2sf) =	vpush v2, $0x2;
	v44 =	vld [tilespmem:s23+$0x8500]  }
0x1b0: {  	v45 =	vld [tilespmem:s23+$0x8510]  }
0x1b1: {  	v46 =	vld [tilespmem:s23+$0x8520]  }
0x1b2: {  	v50 =	vld [tilespmem:s23+$0x8560]  }
0x1b3: {  	v47 =	vld [tilespmem:s23+$0x8530]  }
0x1b4: {  	v48 =	vld [tilespmem:s23+$0x8540]  }
0x1b5: {  	v49 =	vld [tilespmem:s23+$0x8550];
	v5 =	vmul.f32 v44, v36  }
0x1b6: {  	v51 =	vld [tilespmem:s23+$0x8570];
	v6 =	vmul.f32 v45, v37  }
0x1b7: {  	v53 =	vmul.f32 v46, v39;
	v4 =	vmul.f32 v50, v43;
	v43 =	vld [tilespmem:s22+$0x46F0];
	[tilespmem:s22+$0x4580] =	vst v5  }
0x1b8: {  	v54 =	vmul.f32 v47, v40;
	v44 =	vld [tilespmem:s22+$0x4700];
	[tilespmem:s22+$0x4590] =	vst v6  }
0x1b9: {  	v56 =	vmul.f32 v48, v42;
	v46 =	vld [tilespmem:s22+$0x4710];
	[tilespmem:s22+$0x45A0] =	vst v53  }
0x1ba: {  	v3 =	vmul.f32 v49, v3;
	v47 =	vld [tilespmem:s22+$0x4720];
	[tilespmem:s22+$0x45B0] =	vst v54  }
0x1bb: {  	v48 =	vld [tilespmem:s22+$0x4730];
	[tilespmem:s22+$0x45C0] =	vst v56  }
0x1bc: {  	v49 =	vld [tilespmem:s22+$0x4740];
	[tilespmem:s22+$0x45D0] =	vst v3;
	v3 =	vmul.f32 v51, v52  }
0x1bd: {  	v50 =	vld [tilespmem:s22+$0x4750];
	[tilespmem:s22+$0x45E0] =	vst v4  }
0x1be: {  	[tilespmem:s22+$0x45F0] =	vst v3;
	v3 =	vld [tilespmem:s22+$0x4660];
	s23 =	spop (v2sf);
	(v2sf) =	vpush v2, $0x3  }
0x1bf: {  	v62 =	vld [tilespmem:s23+$0x8500]  }
0x1c0: {  	v63 =	vld [tilespmem:s23+$0x8510]  }
0x1c1: {  	v20 =	vld [tilespmem:s23+$0x8520]  }
0x1c2: {  	v21 =	vld [tilespmem:s23+$0x8530]  }
0x1c3: {  	v22 =	vld [tilespmem:s23+$0x8540]  }
0x1c4: {  	v23 =	vld [tilespmem:s23+$0x8550];
	v7 =	vmul.f32 v62, v55  }
0x1c5: {  	v24 =	vld [tilespmem:s23+$0x8560];
	v8 =	vmul.f32 v63, v57  }
0x1c6: {  	v25 =	vld [tilespmem:s23+$0x8570];
	v6 =	vmul.f32 v20, v58;
	[tilespmem:s22+$0x4600] =	vst v7  }
0x1c7: {  	v5 =	vmul.f32 v21, v59;
	v59 =	vld [tilespmem:s22+$0x4770];
	[tilespmem:s22+$0x4610] =	vst v8  }
0x1c8: {  	v28 =	vmul.f32 v22, v60;
	v60 =	vld [tilespmem:s22+$0x4780];
	[tilespmem:s22+$0x4620] =	vst v6  }
0x1c9: {  	v4 =	vmul.f32 v23, v61;
	v62 =	vld [tilespmem:s22+$0x4790];
	[tilespmem:s22+$0x4630] =	vst v5  }
0x1ca: {  	v3 =	vmul.f32 v24, v3;
	v63 =	vld [tilespmem:s22+$0x47A0];
	[tilespmem:s22+$0x4640] =	vst v28  }
0x1cb: {  	v32 =	vmul.f32 v25, v26;
	v20 =	vld [tilespmem:s22+$0x47B0];
	[tilespmem:s22+$0x4650] =	vst v4  }
0x1cc: {  	v22 =	vld [tilespmem:s22+$0x47C0];
	[tilespmem:s22+$0x4660] =	vst v3  }
0x1cd: {  	v3 =	vld [tilespmem:s22+$0x46D0];
	[tilespmem:s22+$0x4670] =	vst v32;
	s23 =	spop (v2sf);
	(v2sf) =	vpush v2, $0x4  }
0x1ce: {  	v35 =	vld [tilespmem:s23+$0x8500]  }
0x1cf: {  	v36 =	vld [tilespmem:s23+$0x8510]  }
0x1d0: {  	v37 =	vld [tilespmem:s23+$0x8520]  }
0x1d1: {  	v38 =	vld [tilespmem:s23+$0x8530]  }
0x1d2: {  	v39 =	vld [tilespmem:s23+$0x8540]  }
0x1d3: {  	v40 =	vld [tilespmem:s23+$0x8550];
	v7 =	vmul.f32 v35, v27  }
0x1d4: {  	v41 =	vld [tilespmem:s23+$0x8560];
	v8 =	vmul.f32 v36, v29  }
0x1d5: {  	v42 =	vld [tilespmem:s23+$0x8570];
	v5 =	vmul.f32 v37, v30;
	[tilespmem:s22+$0x4680] =	vst v7  }
0x1d6: {  	v23 =	vld [tilespmem:s22+$0x47E0];
	v6 =	vmul.f32 v38, v31;
	[tilespmem:s22+$0x4690] =	vst v8  }
0x1d7: {  	v32 =	vld [tilespmem:s22+$0x47F0];
	v45 =	vmul.f32 v39, v33;
	[tilespmem:s22+$0x46A0] =	vst v5  }
0x1d8: {  	v3 =	vmul.f32 v40, v3;
	v33 =	vld [tilespmem:s22+$0x4800];
	[tilespmem:s22+$0x46B0] =	vst v6  }
0x1d9: {  	v4 =	vmul.f32 v41, v34;
	v35 =	vld [tilespmem:s22+$0x4810];
	[tilespmem:s22+$0x46C0] =	vst v45  }
0x1da: {  	v36 =	vld [tilespmem:s22+$0x4820];
	[tilespmem:s22+$0x46D0] =	vst v3;
	v3 =	vmul.f32 v42, v43  }
0x1db: {  	v37 =	vld [tilespmem:s22+$0x4830];
	[tilespmem:s22+$0x46E0] =	vst v4  }
0x1dc: {  	[tilespmem:s22+$0x46F0] =	vst v3;
	v3 =	vld [tilespmem:s22+$0x4760];
	s23 =	spop (v2sf);
	(v2sf) =	vpush v2, $0x5  }
0x1dd: {  	v51 =	vld [tilespmem:s23+$0x8500]  }
0x1de: {  	v52 =	vld [tilespmem:s23+$0x8510]  }
0x1df: {  	v53 =	vld [tilespmem:s23+$0x8520]  }
0x1e0: {  	v54 =	vld [tilespmem:s23+$0x8530]  }
0x1e1: {  	v55 =	vld [tilespmem:s23+$0x8540]  }
0x1e2: {  	v56 =	vld [tilespmem:s23+$0x8550];
	v7 =	vmul.f32 v51, v44  }
0x1e3: {  	v57 =	vld [tilespmem:s23+$0x8560];
	v8 =	vmul.f32 v52, v46  }
0x1e4: {  	v58 =	vld [tilespmem:s23+$0x8570];
	v6 =	vmul.f32 v53, v47;
	[tilespmem:s22+$0x4700] =	vst v7  }
0x1e5: {  	v38 =	vld [tilespmem:s22+$0x4840];
	v5 =	vmul.f32 v54, v48;
	[tilespmem:s22+$0x4710] =	vst v8  }
0x1e6: {  	v39 =	vld [tilespmem:s22+$0x4850];
	v61 =	vmul.f32 v55, v49;
	[tilespmem:s22+$0x4720] =	vst v6  }
0x1e7: {  	v4 =	vmul.f32 v56, v50;
	v48 =	vld [tilespmem:s22+$0x4870];
	[tilespmem:s22+$0x4730] =	vst v5  }
0x1e8: {  	v3 =	vmul.f32 v57, v3;
	v49 =	vld [tilespmem:s22+$0x4880];
	[tilespmem:s22+$0x4740] =	vst v61  }
0x1e9: {  	v21 =	vmul.f32 v58, v59;
	v51 =	vld [tilespmem:s22+$0x4890];
	[tilespmem:s22+$0x4750] =	vst v4  }
0x1ea: {  	v52 =	vld [tilespmem:s22+$0x48A0];
	[tilespmem:s22+$0x4760] =	vst v3  }
0x1eb: {  	v3 =	vld [tilespmem:s22+$0x47D0];
	[tilespmem:s22+$0x4770] =	vst v21;
	s23 =	spop (v2sf);
	(v2sf) =	vpush v2, $0x6  }
0x1ec: {  	v24 =	vld [tilespmem:s23+$0x8500]  }
0x1ed: {  	v25 =	vld [tilespmem:s23+$0x8510]  }
0x1ee: {  	v26 =	vld [tilespmem:s23+$0x8520]  }
0x1ef: {  	v27 =	vld [tilespmem:s23+$0x8530]  }
0x1f0: {  	v28 =	vld [tilespmem:s23+$0x8540]  }
0x1f1: {  	v29 =	vld [tilespmem:s23+$0x8550];
	v7 =	vmul.f32 v24, v60  }
0x1f2: {  	v30 =	vld [tilespmem:s23+$0x8560];
	v8 =	vmul.f32 v25, v62  }
0x1f3: {  	v31 =	vld [tilespmem:s23+$0x8570];
	v5 =	vmul.f32 v26, v63;
	[tilespmem:s22+$0x4780] =	vst v7  }
0x1f4: {  	v53 =	vld [tilespmem:s22+$0x48B0];
	v6 =	vmul.f32 v27, v20;
	[tilespmem:s22+$0x4790] =	vst v8  }
0x1f5: {  	v55 =	vld [tilespmem:s22+$0x48C0];
	v34 =	vmul.f32 v28, v22;
	[tilespmem:s22+$0x47A0] =	vst v5  }
0x1f6: {  	v56 =	vld [tilespmem:s22+$0x48E0];
	v3 =	vmul.f32 v29, v3;
	[tilespmem:s22+$0x47B0] =	vst v6  }
0x1f7: {  	v21 =	vld [tilespmem:s22+$0x4900];
	v4 =	vmul.f32 v30, v23;
	[tilespmem:s22+$0x47C0] =	vst v34  }
0x1f8: {  	v20 =	vld [tilespmem:s22+$0x48F0];
	[tilespmem:s22+$0x47D0] =	vst v3;
	v3 =	vmul.f32 v31, v32  }
0x1f9: {  	v23 =	vld [tilespmem:s22+$0x4910];
	[tilespmem:s22+$0x47E0] =	vst v4  }
0x1fa: {  	[tilespmem:s22+$0x47F0] =	vst v3;
	v3 =	vld [tilespmem:s22+$0x4860];
	s23 =	spop (v2sf);
	(v2sf) =	vpush v2, $0x7  }
0x1fb: {  	v40 =	vld [tilespmem:s23+$0x8500]  }
0x1fc: {  	v41 =	vld [tilespmem:s23+$0x8510]  }
0x1fd: {  	v42 =	vld [tilespmem:s23+$0x8520]  }
0x1fe: {  	v43 =	vld [tilespmem:s23+$0x8530]  }
0x1ff: {  	v44 =	vld [tilespmem:s23+$0x8540]  }
0x200: {  	v45 =	vld [tilespmem:s23+$0x8550];
	v7 =	vmul.f32 v40, v33  }
0x201: {  	v46 =	vld [tilespmem:s23+$0x8560];
	v8 =	vmul.f32 v41, v35  }
0x202: {  	v47 =	vld [tilespmem:s23+$0x8570];
	v6 =	vmul.f32 v42, v36;
	[tilespmem:s22+$0x4800] =	vst v7  }
0x203: {  	v24 =	vld [tilespmem:s22+$0x4920];
	v5 =	vmul.f32 v43, v37;
	[tilespmem:s22+$0x4810] =	vst v8  }
0x204: {  	v25 =	vld [tilespmem:s22+$0x4930];
	v50 =	vmul.f32 v44, v38;
	[tilespmem:s22+$0x4820] =	vst v6  }
0x205: {  	v26 =	vld [tilespmem:s22+$0x4940];
	v4 =	vmul.f32 v45, v39;
	[tilespmem:s22+$0x4830] =	vst v5  }
0x206: {  	v27 =	vld [tilespmem:s22+$0x4950];
	v3 =	vmul.f32 v46, v3;
	[tilespmem:s22+$0x4840] =	vst v50  }
0x207: {  	v54 =	vmul.f32 v47, v48;
	v36 =	vld [tilespmem:s22+$0x4970];
	[tilespmem:s22+$0x4850] =	vst v4  }
0x208: {  	v37 =	vld [tilespmem:s22+$0x4980];
	[tilespmem:s22+$0x4860] =	vst v3  }
0x209: {  	v3 =	vld [tilespmem:s22+$0x48D0];
	[tilespmem:s22+$0x4870] =	vst v54;
	s23 =	spop (v2sf);
	(v2sf) =	vpush v2, $0x8  }
0x20a: {  	v57 =	vld [tilespmem:s23+$0x8500]  }
0x20b: {  	v58 =	vld [tilespmem:s23+$0x8510]  }
0x20c: {  	v59 =	vld [tilespmem:s23+$0x8520]  }
0x20d: {  	v60 =	vld [tilespmem:s23+$0x8530]  }
0x20e: {  	v61 =	vld [tilespmem:s23+$0x8540]  }
0x20f: {  	v62 =	vld [tilespmem:s23+$0x8550];
	v7 =	vmul.f32 v57, v49  }
0x210: {  	v63 =	vld [tilespmem:s23+$0x8560];
	v8 =	vmul.f32 v58, v51  }
0x211: {  	v19 =	vld [tilespmem:s23+$0x8570];
	v5 =	vmul.f32 v59, v52;
	[tilespmem:s22+$0x4880] =	vst v7  }
0x212: {  	v39 =	vld [tilespmem:s22+$0x4990];
	v6 =	vmul.f32 v60, v53;
	[tilespmem:s22+$0x4890] =	vst v8  }
0x213: {  	v40 =	vld [tilespmem:s22+$0x49A0];
	v22 =	vmul.f32 v61, v55;
	[tilespmem:s22+$0x48A0] =	vst v5  }
0x214: {  	v41 =	vld [tilespmem:s22+$0x49B0];
	v3 =	vmul.f32 v62, v3;
	[tilespmem:s22+$0x48B0] =	vst v6  }
0x215: {  	v43 =	vld [tilespmem:s22+$0x49C0];
	v4 =	vmul.f32 v63, v56;
	[tilespmem:s22+$0x48C0] =	vst v22  }
0x216: {  	v44 =	vld [tilespmem:s22+$0x49E0];
	[tilespmem:s22+$0x48D0] =	vst v3;
	v3 =	vmul.f32 v19, v20  }
0x217: {  	v54 =	vld [tilespmem:s22+$0x4A00];
	[tilespmem:s22+$0x48E0] =	vst v4  }
0x218: {  	[tilespmem:s22+$0x48F0] =	vst v3;
	v3 =	vld [tilespmem:s22+$0x4960];
	s23 =	spop (v2sf);
	(v2sf) =	vpush v2, $0x9  }
0x219: {  	v28 =	vld [tilespmem:s23+$0x8500]  }
0x21a: {  	v29 =	vld [tilespmem:s23+$0x8510]  }
0x21b: {  	v30 =	vld [tilespmem:s23+$0x8520]  }
0x21c: {  	v31 =	vld [tilespmem:s23+$0x8530]  }
0x21d: {  	v32 =	vld [tilespmem:s23+$0x8540]  }
0x21e: {  	v33 =	vld [tilespmem:s23+$0x8550];
	v7 =	vmul.f32 v28, v21  }
0x21f: {  	v34 =	vld [tilespmem:s23+$0x8560];
	v8 =	vmul.f32 v29, v23  }
0x220: {  	v35 =	vld [tilespmem:s23+$0x8570];
	v6 =	vmul.f32 v30, v24;
	[tilespmem:s22+$0x4900] =	vst v7  }
0x221: {  	v53 =	vld [tilespmem:s22+$0x49F0];
	v5 =	vmul.f32 v31, v25;
	[tilespmem:s22+$0x4910] =	vst v8  }
0x222: {  	v56 =	vld [tilespmem:s22+$0x4A10];
	v38 =	vmul.f32 v32, v26;
	[tilespmem:s22+$0x4920] =	vst v6  }
0x223: {  	v57 =	vld [tilespmem:s22+$0x4A20];
	v4 =	vmul.f32 v33, v27;
	[tilespmem:s22+$0x4930] =	vst v5  }
0x224: {  	v58 =	vld [tilespmem:s22+$0x4A30];
	v3 =	vmul.f32 v34, v3;
	[tilespmem:s22+$0x4940] =	vst v38  }
0x225: {  	v59 =	vld [tilespmem:s22+$0x4A40];
	v42 =	vmul.f32 v35, v36;
	[tilespmem:s22+$0x4950] =	vst v4  }
0x226: {  	v60 =	vld [tilespmem:s22+$0x4A50];
	[tilespmem:s22+$0x4960] =	vst v3  }
0x227: {  	v3 =	vld [tilespmem:s22+$0x49D0];
	[tilespmem:s22+$0x4970] =	vst v42;
	s23 =	spop (v2sf);
	(v2sf) =	vpush v2, $0xA  }
0x228: {  	v45 =	vld [tilespmem:s23+$0x8500]  }
0x229: {  	v46 =	vld [tilespmem:s23+$0x8510]  }
0x22a: {  	v47 =	vld [tilespmem:s23+$0x8520]  }
0x22b: {  	v48 =	vld [tilespmem:s23+$0x8530]  }
0x22c: {  	v49 =	vld [tilespmem:s23+$0x8540]  }
0x22d: {  	v50 =	vld [tilespmem:s23+$0x8550];
	v7 =	vmul.f32 v45, v37  }
0x22e: {  	v51 =	vld [tilespmem:s23+$0x8560];
	v8 =	vmul.f32 v46, v39  }
0x22f: {  	v52 =	vld [tilespmem:s23+$0x8570];
	v5 =	vmul.f32 v47, v40;
	[tilespmem:s22+$0x4980] =	vst v7  }
0x230: {  	v25 =	vld [tilespmem:s22+$0x4A70];
	v6 =	vmul.f32 v48, v41;
	[tilespmem:s22+$0x4990] =	vst v8  }
0x231: {  	v26 =	vld [tilespmem:s22+$0x4A80];
	v55 =	vmul.f32 v49, v43;
	[tilespmem:s22+$0x49A0] =	vst v5  }
0x232: {  	v28 =	vld [tilespmem:s22+$0x4A90];
	v3 =	vmul.f32 v50, v3;
	[tilespmem:s22+$0x49B0] =	vst v6  }
0x233: {  	v29 =	vld [tilespmem:s22+$0x4AA0];
	v4 =	vmul.f32 v51, v44;
	[tilespmem:s22+$0x49C0] =	vst v55  }
0x234: {  	v30 =	vld [tilespmem:s22+$0x4AB0];
	[tilespmem:s22+$0x49D0] =	vst v3;
	v3 =	vmul.f32 v52, v53  }
0x235: {  	v32 =	vld [tilespmem:s22+$0x4AC0];
	[tilespmem:s22+$0x49E0] =	vst v4  }
0x236: {  	[tilespmem:s22+$0x49F0] =	vst v3;
	v3 =	vld [tilespmem:s22+$0x4A60];
	s23 =	spop (v2sf);
	(v2sf) =	vpush v2, $0xB  }
0x237: {  	v61 =	vld [tilespmem:s23+$0x8500]  }
0x238: {  	v62 =	vld [tilespmem:s23+$0x8510]  }
0x239: {  	v63 =	vld [tilespmem:s23+$0x8520]  }
0x23a: {  	v20 =	vld [tilespmem:s23+$0x8530]  }
0x23b: {  	v21 =	vld [tilespmem:s23+$0x8540]  }
0x23c: {  	v22 =	vld [tilespmem:s23+$0x8550];
	v7 =	vmul.f32 v61, v54  }
0x23d: {  	v23 =	vld [tilespmem:s23+$0x8560];
	v8 =	vmul.f32 v62, v56  }
0x23e: {  	v24 =	vld [tilespmem:s23+$0x8570];
	v6 =	vmul.f32 v63, v57;
	[tilespmem:s22+$0x4A00] =	vst v7  }
0x23f: {  	v33 =	vld [tilespmem:s22+$0x4AE0];
	v5 =	vmul.f32 v20, v58;
	[tilespmem:s22+$0x4A10] =	vst v8  }
0x240: {  	v42 =	vld [tilespmem:s22+$0x4AF0];
	v27 =	vmul.f32 v21, v59;
	[tilespmem:s22+$0x4A20] =	vst v6  }
0x241: {  	v43 =	vld [tilespmem:s22+$0x4B00];
	v4 =	vmul.f32 v22, v60;
	[tilespmem:s22+$0x4A30] =	vst v5  }
0x242: {  	v45 =	vld [tilespmem:s22+$0x4B10];
	v3 =	vmul.f32 v23, v3;
	[tilespmem:s22+$0x4A40] =	vst v27  }
0x243: {  	v46 =	vld [tilespmem:s22+$0x4B20];
	v31 =	vmul.f32 v24, v25;
	[tilespmem:s22+$0x4A50] =	vst v4  }
0x244: {  	v47 =	vld [tilespmem:s22+$0x4B30];
	[tilespmem:s22+$0x4A60] =	vst v3  }
0x245: {  	v3 =	vld [tilespmem:s22+$0x4AD0];
	[tilespmem:s22+$0x4A70] =	vst v31;
	s23 =	spop (v2sf);
	(v2sf) =	vpush v2, $0xC  }
0x246: {  	v34 =	vld [tilespmem:s23+$0x8500]  }
0x247: {  	v35 =	vld [tilespmem:s23+$0x8510]  }
0x248: {  	v36 =	vld [tilespmem:s23+$0x8520]  }
0x249: {  	v37 =	vld [tilespmem:s23+$0x8530]  }
0x24a: {  	v38 =	vld [tilespmem:s23+$0x8540]  }
0x24b: {  	v39 =	vld [tilespmem:s23+$0x8550];
	v7 =	vmul.f32 v34, v26  }
0x24c: {  	v40 =	vld [tilespmem:s23+$0x8560];
	v8 =	vmul.f32 v35, v28  }
0x24d: {  	v41 =	vld [tilespmem:s23+$0x8570];
	v5 =	vmul.f32 v36, v29;
	[tilespmem:s22+$0x4A80] =	vst v7  }
0x24e: {  	v48 =	vld [tilespmem:s22+$0x4B40];
	v6 =	vmul.f32 v37, v30;
	[tilespmem:s22+$0x4A90] =	vst v8  }
0x24f: {  	v49 =	vld [tilespmem:s22+$0x4B50];
	v44 =	vmul.f32 v38, v32;
	[tilespmem:s22+$0x4AA0] =	vst v5  }
0x250: {  	v58 =	vld [tilespmem:s22+$0x4B70];
	v3 =	vmul.f32 v39, v3;
	[tilespmem:s22+$0x4AB0] =	vst v6  }
0x251: {  	v59 =	vld [tilespmem:s22+$0x4B80];
	v4 =	vmul.f32 v40, v33;
	[tilespmem:s22+$0x4AC0] =	vst v44  }
0x252: {  	v61 =	vld [tilespmem:s22+$0x4B90];
	[tilespmem:s22+$0x4AD0] =	vst v3;
	v3 =	vmul.f32 v41, v42  }
0x253: {  	v62 =	vld [tilespmem:s22+$0x4BA0];
	[tilespmem:s22+$0x4AE0] =	vst v4  }
0x254: {  	[tilespmem:s22+$0x4AF0] =	vst v3;
	v3 =	vld [tilespmem:s22+$0x4B60];
	s23 =	spop (v2sf);
	(v2sf) =	vpush v2, $0xD  }
0x255: {  	v50 =	vld [tilespmem:s23+$0x8500]  }
0x256: {  	v51 =	vld [tilespmem:s23+$0x8510]  }
0x257: {  	v52 =	vld [tilespmem:s23+$0x8520]  }
0x258: {  	v53 =	vld [tilespmem:s23+$0x8530]  }
0x259: {  	v54 =	vld [tilespmem:s23+$0x8540]  }
0x25a: {  	v55 =	vld [tilespmem:s23+$0x8550];
	v7 =	vmul.f32 v50, v43  }
0x25b: {  	v56 =	vld [tilespmem:s23+$0x8560];
	v8 =	vmul.f32 v51, v45  }
0x25c: {  	v57 =	vld [tilespmem:s23+$0x8570];
	v6 =	vmul.f32 v52, v46;
	[tilespmem:s22+$0x4B00] =	vst v7  }
0x25d: {  	v63 =	vld [tilespmem:s22+$0x4BB0];
	v5 =	vmul.f32 v53, v47;
	[tilespmem:s22+$0x4B10] =	vst v8  }
0x25e: {  	v21 =	vld [tilespmem:s22+$0x4BC0];
	v60 =	vmul.f32 v54, v48;
	[tilespmem:s22+$0x4B20] =	vst v6  }
0x25f: {  	v22 =	vld [tilespmem:s22+$0x4BE0];
	v4 =	vmul.f32 v55, v49;
	[tilespmem:s22+$0x4B30] =	vst v5  }
0x260: {  	v31 =	vld [tilespmem:s22+$0x4BF0];
	v3 =	vmul.f32 v56, v3;
	[tilespmem:s22+$0x4B40] =	vst v60  }
0x261: {  	v32 =	vld [tilespmem:s22+$0x4C00];
	v20 =	vmul.f32 v57, v58;
	[tilespmem:s22+$0x4B50] =	vst v4  }
0x262: {  	v34 =	vld [tilespmem:s22+$0x4C10];
	[tilespmem:s22+$0x4B60] =	vst v3  }
0x263: {  	v3 =	vld [tilespmem:s22+$0x4BD0];
	[tilespmem:s22+$0x4B70] =	vst v20;
	s23 =	spop (v2sf);
	(v2sf) =	vpush v2, $0xE  }
0x264: {  	v23 =	vld [tilespmem:s23+$0x8500]  }
0x265: {  	v24 =	vld [tilespmem:s23+$0x8510]  }
0x266: {  	v25 =	vld [tilespmem:s23+$0x8520]  }
0x267: {  	v26 =	vld [tilespmem:s23+$0x8530]  }
0x268: {  	v27 =	vld [tilespmem:s23+$0x8540]  }
0x269: {  	v28 =	vld [tilespmem:s23+$0x8550];
	v7 =	vmul.f32 v23, v59  }
0x26a: {  	v29 =	vld [tilespmem:s23+$0x8560];
	v8 =	vmul.f32 v24, v61  }
0x26b: {  	v30 =	vld [tilespmem:s23+$0x8570];
	v5 =	vmul.f32 v25, v62;
	[tilespmem:s22+$0x4B80] =	vst v7  }
0x26c: {  	v35 =	vld [tilespmem:s22+$0x4C20];
	v6 =	vmul.f32 v26, v63;
	[tilespmem:s22+$0x4B90] =	vst v8  }
0x26d: {  	v36 =	vld [tilespmem:s22+$0x4C30];
	v33 =	vmul.f32 v27, v21;
	[tilespmem:s22+$0x4BA0] =	vst v5  }
0x26e: {  	v37 =	vld [tilespmem:s22+$0x4C40];
	v3 =	vmul.f32 v28, v3;
	[tilespmem:s22+$0x4BB0] =	vst v6  }
0x26f: {  	v38 =	vld [tilespmem:s22+$0x4C50];
	v4 =	vmul.f32 v29, v22;
	[tilespmem:s22+$0x4BC0] =	vst v33  }
0x270: {  	v46 =	vld [tilespmem:s22+$0x4C70];
	[tilespmem:s22+$0x4BD0] =	vst v3;
	v3 =	vmul.f32 v30, v31  }
0x271: {  	v47 =	vld [tilespmem:s22+$0x4C80];
	[tilespmem:s22+$0x4BE0] =	vst v4  }
0x272: {  	[tilespmem:s22+$0x4BF0] =	vst v3;
	v3 =	vld [tilespmem:s22+$0x4C60];
	s23 =	spop (v2sf);
	(v2sf) =	vpush v2, $0xF  }
0x273: {  	v39 =	vld [tilespmem:s23+$0x8500]  }
0x274: {  	v2 =	vld [tilespmem:s23+$0x8510]  }
0x275: {  	v40 =	vld [tilespmem:s23+$0x8520]  }
0x276: {  	v41 =	vld [tilespmem:s23+$0x8530]  }
0x277: {  	v42 =	vld [tilespmem:s23+$0x8540]  }
0x278: {  	v43 =	vld [tilespmem:s23+$0x8550];
	v7 =	vmul.f32 v39, v32  }
0x279: {  	v44 =	vld [tilespmem:s23+$0x8560];
	v2 =	vmul.f32 v2, v34  }
0x27a: {  	v45 =	vld [tilespmem:s23+$0x8570];
	v6 =	vmul.f32 v40, v35;
	[tilespmem:s22+$0x4C00] =	vst v7  }
0x27b: {  	v49 =	vld [tilespmem:s22+$0x4C90];
	[tilespmem:s22+$0x4C10] =	vst v2;
	v2 =	vmul.f32 v41, v36  }
0x27c: {  	v50 =	vld [tilespmem:s22+$0x4CA0];
	v48 =	vmul.f32 v42, v37;
	[tilespmem:s22+$0x4C20] =	vst v6  }
0x27d: {  	v51 =	vld [tilespmem:s22+$0x4CB0];
	[tilespmem:s22+$0x4C30] =	vst v2;
	v2 =	vmul.f32 v43, v38  }
0x27e: {  	v52 =	vld [tilespmem:s22+$0x4CC0];
	v3 =	vmul.f32 v44, v3;
	[tilespmem:s22+$0x4C40] =	vst v48  }
0x27f: {  	v61 =	vld [tilespmem:s22+$0x4CF0];
	[tilespmem:s22+$0x4C50] =	vst v2;
	v2 =	vmul.f32 v45, v46  }
0x280: {  	[tilespmem:s22+$0x4C60] =	vst v3;
	v3 =	vld [tilespmem:s22+$0x4CD0]  }
0x281: {  	[tilespmem:s22+$0x4C70] =	vst v2;
	v2 =	vld [tilespmem:s22+$0x4CE0];
	s23 =	spop (v2sf)  }
0x282: {  	v53 =	vld [tilespmem:s23+$0x8500]  }
0x283: {  	v54 =	vld [tilespmem:s23+$0x8510]  }
0x284: {  	v55 =	vld [tilespmem:s23+$0x8520]  }
0x285: {  	v56 =	vld [tilespmem:s23+$0x8530]  }
0x286: {  	v57 =	vld [tilespmem:s23+$0x8540]  }
0x287: {  	v58 =	vld [tilespmem:s23+$0x8550];
	v5 =	vmul.f32 v53, v47  }
0x288: {  	v59 =	vld [tilespmem:s23+$0x8560];
	v7 =	vmul.f32 v54, v49  }
0x289: {  	v60 =	vld [tilespmem:s23+$0x8570];
	v4 =	vmul.f32 v55, v50;
	[tilespmem:s22+$0x4C80] =	vst v5  }
0x28a: {  	v62 =	vmul.f32 v56, v51;
	[tilespmem:s22+$0x4C90] =	vst v7  }
0x28b: {  	p0 =	sne.s32 s21, $0x7;
	v63 =	vmul.f32 v57, v52;
	[tilespmem:s22+$0x4CA0] =	vst v4  }
.Ltmp3:
0x28c: {  	v3 =	vmul.f32 v58, v3;
	[tilespmem:s22+$0x4CB0] =	vst v62;
	(pc) =	sbr.rel @p0 .LBB2_9-.Ltmp3, $4  }
0x28d: {  	v2 =	vmul.f32 v59, v2;
	[tilespmem:s22+$0x4CC0] =	vst v63  }
0x28e: {  	[tilespmem:s22+$0x4CD0] =	vst v3;
	v3 =	vmul.f32 v60, v61  }
0x28f: {  	[tilespmem:s22+$0x4CE0] =	vst v2  }
0x290: {  	s21 =	sadd.s32 $0x1, s21;
	[tilespmem:s22+$0x4CF0] =	vst v3  }
0x291: {  	v2 =	vld [tilespmem:$0x300]  }
0x292: {  	v3 =	vld [tilespmem:$0x310]  }
0x293: {  	v4 =	vld [tilespmem:$0x320]  }
0x294: {  	v5 =	vld [tilespmem:$0x330]  }
0x295: {  	v6 =	vld [tilespmem:$0x340]  }
0x296: {  	v63 =	vld [tilespmem:$0x370];
	[tilespmem:$0x480] =	vst v2  }
0x297: {  	v2 =	vld [tilespmem:$0x350];
	[tilespmem:$0x490] =	vst v3  }
0x298: {  	v3 =	vld [tilespmem:$0x360];
	[tilespmem:$0x4A0] =	vst v4  }
0x299: {  	[tilespmem:$0x4B0] =	vst v5  }
0x29a: {  	s19 =	sadd.s32 $0x1, s19;
	[tilespmem:$0x4C0] =	vst v6  }
0x29b: {  	s20 =	smin.u32 s20, $0x4C;
	p0 =	sne.s32 s19, $0x28;
	[tilespmem:$0x4F0] =	vst v63  }
.Ltmp4:
0x29c: {  	s20 =	sadd.s32 s20, s12;
	[tilespmem:$0x4D0] =	vst v2;
	(pc) =	sbr.rel @p0 .LBB2_6-.Ltmp4, $4  }
0x29d: {  	s20 =	sshll.u32 s20, $0x6;
	[tilespmem:$0x4E0] =	vst v3  }
0x29e: {  	[spmem:s3] =	stream.indirect.scatter.add.f32 [tilespmem:s2], [sflag:$0x6], $0x80, s16, s31, $0xb8;
	[tilespmem:$0x1F880] =	vst v63  }
0x29f: {  	s20 =	sadd.s32 s6, s20  }
0x2a0: {  	[tilespmem:s30], [sflag:$0x2] =	stream.linear.gather [hbm4b:s20+s4], $0x180, $0x38;
	[tilespmem:$0x1F880] =	vst v63  }
0x2a1: {  	_ =	swait.ge [sflag:s17], $0x4000  }
0x2a2: {  	[sflag:s17] =	ssyncset.done $0x0  }
0x2a3: {  	[sflag:s17] =	ssyncadd.s32 $0xFFFFC000  }
0x2a4: {  	_ =	swait.ge [sflag:s0], $0x4000  }
0x2a5: {  	[sflag:s0] =	ssyncset.done $0x0  }
0x2a6: {  	[sflag:s0] =	ssyncadd.s32 $0xFFFFC000  }
0x2a7: {  	_ =	swait.ge [sflag:s5], $0x180  }
0x2a8: {  	[sflag:s5] =	ssyncset.done $0x0  }
0x2a9: {  	[sflag:s5] =	ssyncadd.s32 $0xFFFFFE80  }
0x2aa: {  	[bflag:$0x0] =	sbarrier.arrive $0xFFFF  }
0x2ab: {  	[tilespmem:s29], [sflag:$0x7] =	stream.linear.gather [spmem:s7], $0x4000, $0x38;
	[tilespmem:$0x1F880] =	vst v63  }
0x2ac: {  	_ =	swait.ge [sflag:s28], $0x4000  }
0x2ad: {  	[sflag:s28] =	ssyncset.done $0x0  }
0x2ae: {  	s19 =	rddreg [dreg:$0xc];
	[sflag:s28] =	ssyncadd.s32 $0xFFFFC000  }
0x2af: {  	[hbm4b:s19+s4] =	stream.linear.scatter [tilespmem:s29], [sflag:$0x7], $0x4000, $0x38;
	[tilespmem:$0x1F880] =	vst v63  }
0x2b0: {  	_ =	swait.ge [sflag:s28], $0x4000  }
0x2b1: {  	[sflag:s28] =	ssyncset.done $0x0  }
0x2b2: {  	s21 =	rddreg [dreg:$0x11];
	[sflag:s28] =	ssyncadd.s32 $0xFFFFC000  }
0x2b3: {  	[tilespmem:s29], [sflag:$0x7] =	stream.linear.gather [spmem:s21], $0x4000, $0x38;
	[tilespmem:$0x1F880] =	vst v63  }
0x2b4: {  	_ =	swait.ge [sflag:s28], $0x4000  }
0x2b5: {  	[sflag:s28] =	ssyncset.done $0x0  }
0x2b6: {  	s22 =	rddreg [dreg:$0xd];
	[sflag:s28] =	ssyncadd.s32 $0xFFFFC000  }
0x2b7: {  	[hbm4b:s22+s4] =	stream.linear.scatter [tilespmem:s29], [sflag:$0x7], $0x4000, $0x38;
	[tilespmem:$0x1F880] =	vst v63  }
0x2b8: {  	_ =	swait.ge [sflag:s28], $0x4000  }
0x2b9: {  	[sflag:s28] =	ssyncset.done $0x0  }
0x2ba: {  	[sflag:s28] =	ssyncadd.s32 $0xFFFFC000  }
0x2bb: {  	[tilespmem:s29], [sflag:$0x7] =	stream.linear.gather [spmem:s24], $0x4000, $0x38;
	[tilespmem:$0x1F880] =	vst v63  }
0x2bc: {  	_ =	swait.ge [sflag:s28], $0x4000  }
0x2bd: {  	[sflag:s28] =	ssyncset.done $0x0  }
0x2be: {  	s23 =	rddreg [dreg:$0xe];
	[sflag:s28] =	ssyncadd.s32 $0xFFFFC000  }
0x2bf: {  	[hbm4b:s23+s4] =	stream.linear.scatter [tilespmem:s29], [sflag:$0x7], $0x4000, $0x38;
	[tilespmem:$0x1F880] =	vst v63  }
0x2c0: {  	_ =	swait.ge [sflag:s28], $0x4000  }
0x2c1: {  	[sflag:s28] =	ssyncset.done $0x0  }
0x2c2: {  	[sflag:s28] =	ssyncadd.s32 $0xFFFFC000  }
0x2c3: {  	[tilespmem:s29], [sflag:$0x7] =	stream.linear.gather [spmem:s25], $0x4000, $0x38;
	[tilespmem:$0x1F880] =	vst v63  }
0x2c4: {  	_ =	swait.ge [sflag:s28], $0x4000  }
0x2c5: {  	[sflag:s28] =	ssyncset.done $0x0  }
0x2c6: {  	s20 =	rddreg [dreg:$0xf];
	[sflag:s28] =	ssyncadd.s32 $0xFFFFC000  }
0x2c7: {  	[hbm4b:s20+s4] =	stream.linear.scatter [tilespmem:s29], [sflag:$0x7], $0x4000, $0x38;
	[tilespmem:$0x1F880] =	vst v63  }
0x2c8: {  	_ =	swait.ge [sflag:s28], $0x4000  }
0x2c9: {  	[sflag:s28] =	ssyncset.done $0x0  }
0x2ca: {  	[sflag:s28] =	ssyncadd.s32 $0xFFFFC000  }
0x2cb: {  	[tilespmem:s2], [sflag:$0x7] =	stream.linear.gather [spmem:s8], $0x3C00, $0x38;
	[tilespmem:$0x1F880] =	vst v63  }
0x2cc: {  	_ =	swait.ge [sflag:s28], $0x3C00  }
0x2cd: {  	[sflag:s28] =	ssyncset.done $0x0  }
0x2ce: {  	s21 =	rddreg [dreg:$0x7];
	[sflag:s28] =	ssyncadd.s32 $0xFFFFC400  }
0x2cf: {  	[hbm4b:s21+s4] =	stream.linear.scatter [tilespmem:s2], [sflag:$0x7], $0x3C00, $0x38;
	[tilespmem:$0x1F880] =	vst v63  }
0x2d0: {  	_ =	swait.ge [sflag:s28], $0x3C00  }
0x2d1: {  	[sflag:s28] =	ssyncset.done $0x0  }
0x2d2: {  	s22 =	rddreg [dreg:$0x8];
	[sflag:s28] =	ssyncadd.s32 $0xFFFFC400  }
0x2d3: {  	[hbm4b:s22+s31] =	stream.strided.scatter [tilespmem:s26], [sflag:$0x7], $0x2780, s10, s31, $0x38;
	[tilespmem:$0x1F880] =	vst v63  }
0x2d4: {  	_ =	swait.ge [sflag:s28], $0x2780  }
0x2d5: {  	s18 =	sadd.s32 $0x1, s18;
	s23 =	rddreg [dreg:$0x9]  }
0x2d6: {  	p0 =	sne.s32 s18, s23  }
.Ltmp5:
0x2d7: {  	_ = 	snop;
	(pc) =	sbr.rel @p0 .LBB2_1-.Ltmp5, $3  }
0x2d8: {  	_ =	sdelay $0x1  }
0x2d9: {  	[sflag:s28] =	ssyncset.done $0x0  }
0x2da: {  	[sflag:s28] =	ssyncadd.s32 $0xFFFFD880  }
0x2db: {  	_ =	sfence.sel $0x180000  }
0x2dc: {  	[bflag:$0x0] =	sbarrier.arrive $0xFFFF  }
0x2dd: {  	_ =	strace $0x90000047  }
0x2de: {  	s0 =	stileid.u32;
	[bflag:$0x2] =	sbarrier.arrive $0xFFFF  }
0x2df: {  	p0 =	sne.s32 s0, $0x0;
	s0 =	rddreg [dreg:$0x5]  }
0x2e0: {  	s0 =	sadd.s32 @!p0 $0x100000, s0  }
0x2e1: {  	[sflag:s0] =	ssyncadd.tile.s32 @!p0 $0x1;
	_ =	shalt  }
.Lfunc_end2:
_tile_overlayer_lowered:
.L_overlay_start_2:
0x2e2: {  	(tag) =	ssettag $0x2  }
0x2e3: {  	s0 =	rddreg [dreg:$0x0];
	s2 =	stileid.u32  }
0x2e4: {  	s1 =	rddreg [dreg:$0x1];
	p0 =	sne.s32 s2, $0x0  }
0x2e5: {  	s3 =	rddreg [dreg:$0x2];
	[bflag:$0x3] =	sbarrier.arrive $0xFFFF;
	s2 =	simm.s32 @!p0 $0x1C07  }
0x2e6: {  	[timem:s3], [sflag:s2] =	dma.local @!p0 [hbm:s0], s1  }
0x2e7: {  	s0 =	simm.s32 @!p0 $0x7  }
0x2e8: {  	_ =	swait.ge @!p0 [sflag:s0], s1  }
0x2e9: {  	s1 =	ssub.s32 @!p0 $0x0, s1;
	[sflag:s0] =	ssyncset.done @!p0 $0x0  }
0x2ea: {  	[sflag:s0] =	ssyncadd.s32 @!p0 s1  }
0x2eb: {  	[bflag:$0x3] =	sbarrier.arrive $0xFFFF  }
0x2ec: {  	_ =	shalt  }

</sc_bundles>
